<compile_context>
chip_gen: v7x
topology: tpu7x:2x2x1
jax: 0.10.2.dev20260603
libtpu: 0.0.44.dev20260713+nightly
codegen_flags: <defaults>
</compile_context>

<pallas_src>
import functools

import jax
import jax.numpy as jnp
from jax import lax
from jax.experimental import pallas as pl
from jax.experimental.pallas import tpu as pltpu
from jax.experimental.pallas import tpu_sc as plsc

_NC = 2
_NS = 16
_NW = _NC * _NS

_BN2 = 1000
_G = 64


def _mm_body(x_ref, w_ref, o_ref):
    o_ref[...] = jnp.dot(x_ref[...], w_ref[...],
                         preferred_element_type=jnp.float32)


def _first_matmul(x256, w1d):
    n2, d2 = x256.shape
    return pl.pallas_call(
        _mm_body,
        grid=(n2 // _BN2,),
        in_specs=[pl.BlockSpec((_BN2, d2), lambda i: (i, 0)),
                  pl.BlockSpec((d2, 128), lambda i: (0, 0))],
        out_specs=pl.BlockSpec((_BN2, 128), lambda i: (i, 0)),
        out_shape=jax.ShapeDtypeStruct((n2, 128), jnp.float32),
    )(x256, w1d)


def _fuse_body(y_ref, p_ref, ba_ref, wbd_ref, bb_ref, wnd_ref, o_ref):
    h = jnp.maximum(y_ref[...] + p_ref[0] + p_ref[1] + ba_ref[...], 0.0)
    t = jnp.dot(h, wbd_ref[...], preferred_element_type=jnp.float32)
    t = jnp.maximum(t + bb_ref[...], 0.0)
    o_ref[...] = jnp.dot(t, wnd_ref[...], preferred_element_type=jnp.float32)


def _fuse(y, p, ba2, wbd, bb2, wnd):
    n2 = y.shape[0]
    return pl.pallas_call(
        _fuse_body,
        grid=(n2 // _BN2,),
        in_specs=[pl.BlockSpec((_BN2, 128), lambda i: (i, 0)),
                  pl.BlockSpec((_NC, _BN2, 128), lambda i: (0, i, 0)),
                  pl.BlockSpec((1, 128), lambda i: (0, 0)),
                  pl.BlockSpec((128, 128), lambda i: (0, 0)),
                  pl.BlockSpec((1, 128), lambda i: (0, 0)),
                  pl.BlockSpec((128, 128), lambda i: (0, 0))],
        out_specs=pl.BlockSpec((_BN2, 128), lambda i: (i, 0)),
        out_shape=jax.ShapeDtypeStruct((n2, 128), jnp.float32),
    )(y, p, ba2, wbd, bb2, wnd)


def _final_body(y_ref, p_ref, ba_ref, wbd_ref, bb_ref, b_ref, wl_ref,
                bl_ref, o_ref, acc_ref):
    i = pl.program_id(0)

    @pl.when(i == 0)
    def _():
        acc_ref[...] = jnp.zeros_like(acc_ref)

    h = jnp.maximum(y_ref[...] + p_ref[0] + p_ref[1] + ba_ref[...], 0.0)
    z = jnp.dot(h, wbd_ref[...], preferred_element_type=jnp.float32)
    z = jnp.maximum(z + bb_ref[...], 0.0)
    ids_e = b_ref[0, 0]
    ids_o = b_ref[1, 0]
    seg = lax.broadcasted_iota(jnp.int32, (_G, _BN2), 0)
    oh_e = (seg == ids_e).astype(jnp.float32)
    oh_o = (seg == ids_o).astype(jnp.float32)
    acc_ref[...] += (
        jnp.dot(oh_e, z[:, :64], preferred_element_type=jnp.float32)
        + jnp.dot(oh_o, z[:, 64:], preferred_element_type=jnp.float32))

    @pl.when(i == pl.num_programs(0) - 1)
    def _():
        o_ref[...] = jnp.dot(acc_ref[...], wl_ref[...],
                             preferred_element_type=jnp.float32) + bl_ref[...]


def _final(y, p, ba2, wbd, bb2, batch4, wl, bl):
    n2 = y.shape[0]
    h = wl.shape[0]
    dout = wl.shape[1]
    return pl.pallas_call(
        _final_body,
        grid=(n2 // _BN2,),
        in_specs=[pl.BlockSpec((_BN2, 128), lambda i: (i, 0)),
                  pl.BlockSpec((_NC, _BN2, 128), lambda i: (0, i, 0)),
                  pl.BlockSpec((1, 128), lambda i: (0, 0)),
                  pl.BlockSpec((128, 128), lambda i: (0, 0)),
                  pl.BlockSpec((1, 128), lambda i: (0, 0)),
                  pl.BlockSpec((2, 1, 1, _BN2), lambda i: (0, i, 0, 0)),
                  pl.BlockSpec((h, dout), lambda i: (0, 0)),
                  pl.BlockSpec((1, dout), lambda i: (0, 0))],
        out_specs=pl.BlockSpec((_G, dout), lambda i: (0, 0)),
        out_shape=jax.ShapeDtypeStruct((_G, dout), jnp.float32),
        scratch_shapes=[pltpu.VMEM((_G, h), jnp.float32)],
    )(y, p, ba2, wbd, bb2, batch4, wl, bl)


_NB = 6
_AHEAD = 4


def _make_aggregate(n, h, c_total, k):
    rows_per_tile = n // _NS
    nfull = c_total // _NW
    nextra = c_total - nfull * _NW
    zfull = rows_per_tile // k
    zrem = rows_per_tile - zfull * k
    mesh = plsc.VectorSubcoreMesh(core_axis_name="c", subcore_axis_name="s")
    assert nfull % _NB == 0 and nextra <= _NW

    @functools.partial(
        pl.kernel,
        out_type=jax.ShapeDtypeStruct((_NC, n, h), jnp.float32),
        mesh=mesh,
        compiler_params=pltpu.CompilerParams(use_tc_tiling_on_sc=False),
        scratch_types=[
            pltpu.VMEM((nfull, k), jnp.int32),
            pltpu.VMEM((nfull, k), jnp.int32),
            pltpu.VMEM((1, k), jnp.int32),
            pltpu.VMEM((1, k), jnp.int32),
            pltpu.VMEM((_NB, k, h), jnp.float32),
            pltpu.VMEM((k, h), jnp.float32),
            pltpu.VMEM((k, h), jnp.float32),
            pltpu.VMEM_SHARED((n, h), jnp.float32),
            [pltpu.SemaphoreType.DMA] * _NB,
            [pltpu.SemaphoreType.DMA] * _NB,
            pltpu.SemaphoreType.DMA,
        ],
    )
    def agg(y_hbm, ei_hbm, out_hbm, sidx, didx, sidx_x, didx_x, rows, zbuf,
            lrows, accum, gsems, ssems, lsem):
        cid = lax.axis_index("c")
        sid = lax.axis_index("s")
        wid = sid * _NC + cid
        rowbase = wid * nfull
        pltpu.sync_copy(ei_hbm.at[0, pl.ds(rowbase, nfull)], sidx)
        pltpu.sync_copy(ei_hbm.at[1, pl.ds(rowbase, nfull)], didx)

        @pl.when(wid < nextra)
        def _():
            pltpu.sync_copy(ei_hbm.at[0, pl.ds(_NW * nfull + wid, 1)], sidx_x)
            pltpu.sync_copy(ei_hbm.at[1, pl.ds(_NW * nfull + wid, 1)], didx_x)

        for b in range(_AHEAD):
            pltpu.async_copy(y_hbm.at[sidx.at[b]], rows.at[b], gsems[b])

        @pl.when(wid < nextra)
        def _():
            pltpu.async_copy(y_hbm.at[sidx_x.at[0]], lrows, lsem)

        def zbody(r, carry):
            for c4 in range(h // 16):
                zbuf[r, pl.ds(c4 * 16, 16)] = jnp.zeros((16,), jnp.float32)
            return carry
        lax.fori_loop(0, k, zbody, 0)
        base = sid * rows_per_tile
        for zi in range(zfull):
            pltpu.sync_copy(zbuf, accum.at[pl.ds(base + zi * k, k)])
        if zrem:
            pltpu.sync_copy(zbuf.at[pl.ds(0, zrem)],
                            accum.at[pl.ds(base + zfull * k, zrem)])
        plsc.subcore_barrier()


        def body(t, carry):
            for b in range(_NB):
                j = t * _NB + b
                pltpu.make_async_copy(y_hbm.at[sidx.at[j]], rows.at[b],
                                      gsems[b]).wait()
                pltpu.async_copy(rows.at[b], accum.at[didx.at[j]], ssems[b],
                                 add=True)
                f = j + _AHEAD
                bf = (b + _AHEAD) % _NB

                @pl.when(f < nfull)
                def _():
                    @pl.when(j >= _NB - _AHEAD)
                    def _():
                        pltpu.make_async_copy(
                            rows.at[bf], accum.at[didx.at[j - (_NB - _AHEAD)]],
                            ssems[bf]).wait()
                    pltpu.async_copy(y_hbm.at[sidx.at[f]], rows.at[bf],
                                     gsems[bf])
            return carry
        lax.fori_loop(0, nfull // _NB, body, 0)
        for b in range(_NB):
            pltpu.make_async_copy(rows.at[b],
                                  accum.at[didx.at[nfull - _NB + b]],
                                  ssems[b]).wait()

        @pl.when(wid < nextra)
        def _():
            pltpu.make_async_copy(y_hbm.at[sidx_x.at[0]], lrows, lsem).wait()
            pltpu.sync_copy(lrows, accum.at[didx_x.at[0]], add=True)
        plsc.subcore_barrier()

        wchunk = (n // _NS) & ~7
        wbase = sid * wchunk
        pltpu.sync_copy(accum.at[pl.ds(wbase, wchunk)],
                        out_hbm.at[cid, pl.ds(wbase, wchunk)])
        rem = n - _NS * wchunk
        if rem:
            @pl.when(sid == _NS - 1)
            def _():
                pltpu.sync_copy(accum.at[pl.ds(_NS * wchunk, rem)],
                                out_hbm.at[cid, pl.ds(_NS * wchunk, rem)])

    return agg


def _blockdiag2(w):
    zw = jnp.zeros_like(w)
    return jnp.concatenate(
        [jnp.concatenate([w, zw], axis=1),
         jnp.concatenate([zw, w], axis=1)], axis=0)


def kernel(x, edge_index, batch, W1a, b1a, W1b, b1b, W2a, b2a, W2b, b2b,
           W3a, b3a, W3b, b3b, Wl, bl):
    n, d = x.shape
    h = W1a.shape[1]
    e = edge_index.shape[1]
    n2 = n // 2

    k = 128
    c_total = e // k

    ei3 = edge_index.reshape(2, c_total, k)
    x256 = x.reshape(n2, 2 * d)
    batch4 = jnp.stack([batch[0::2], batch[1::2]], 0).reshape(
        2, n2 // _BN2, 1, _BN2)

    w1d = _blockdiag2(W1a)
    w1bd, w2ad, w2bd, w3ad, w3bd = map(
        _blockdiag2, (W1b, W2a, W2b, W3a, W3b))
    dup = lambda b: jnp.concatenate([b, b]).reshape(1, 2 * h)
    b1a2, b1b2, b2a2, b2b2, b3a2, b3b2 = map(
        dup, (b1a, b1b, b2a, b2b, b3a, b3b))
    bl2 = bl.reshape(1, -1)

    agg = _make_aggregate(n, h, c_total, k)

    def agg128(y128):
        p = agg(y128.reshape(n, h), ei3)
        return p.reshape(_NC, n2, 128)

    y1 = _first_matmul(x256, w1d)
    p1 = agg128(y1)
    y2 = _fuse(y1, p1, b1a2, w1bd, b1b2, w2ad)
    p2 = agg128(y2)
    y3 = _fuse(y2, p2, b2a2, w2bd, b2b2, w3ad)
    p3 = agg128(y3)
    return _final(y3, p3, b3a2, w3bd, b3b2, batch4, Wl, bl2)

# --- scband reference (transcript-rebuilt; emitter-appended) ---
"""Pipeline reference for scband-ginv2-18786186952917 (READ-ONLY COPY).

The authoritative reference and input builder live on the scoring server;
editing this copy changes nothing except your own understanding.
"""

import jax, jax.numpy as jnp
import numpy as np

N = 10000
E = 320000
D_IN = 128
H = 64
D_OUT = 128
G = 64


def setup_inputs(seed: int = 0) -> dict:
    key = jax.random.key(seed)
    ks = jax.random.split(key, 20)
    x = jax.random.normal(ks[0], (N, D_IN), dtype=jnp.float32)
    edge_index = jax.random.randint(ks[1], (2, E), 0, N)
    batch = jnp.sort(jax.random.randint(ks[2], (N,), 0, G))
    s_in = 1.0 / np.sqrt(D_IN)
    s_h = 1.0 / np.sqrt(H)
    W1a = jax.random.normal(ks[3], (D_IN, H), dtype=jnp.float32) * s_in
    b1a = jnp.zeros((H,), dtype=jnp.float32)
    W1b = jax.random.normal(ks[4], (H, H), dtype=jnp.float32) * s_h
    b1b = jnp.zeros((H,), dtype=jnp.float32)
    W2a = jax.random.normal(ks[5], (H, H), dtype=jnp.float32) * s_h
    b2a = jnp.zeros((H,), dtype=jnp.float32)
    W2b = jax.random.normal(ks[6], (H, H), dtype=jnp.float32) * s_h
    b2b = jnp.zeros((H,), dtype=jnp.float32)
    W3a = jax.random.normal(ks[7], (H, H), dtype=jnp.float32) * s_h
    b3a = jnp.zeros((H,), dtype=jnp.float32)
    W3b = jax.random.normal(ks[8], (H, H), dtype=jnp.float32) * s_h
    b3b = jnp.zeros((H,), dtype=jnp.float32)
    Wl = jax.random.normal(ks[9], (H, D_OUT), dtype=jnp.float32) * s_h
    bl = jnp.zeros((D_OUT,), dtype=jnp.float32)
    return {"x": x, "edge_index": edge_index, "batch": batch,
            "W1a": W1a, "b1a": b1a, "W1b": W1b, "b1b": b1b,
            "W2a": W2a, "b2a": b2a, "W2b": W2b, "b2b": b2b,
            "W3a": W3a, "b3a": b3a, "W3b": W3b, "b3b": b3b,
            "Wl": Wl, "bl": bl}


def _gin_conv(x, src, dst, Wa, ba, Wb, bb):
    # GINConv (eps=0): h = MLP((1+eps)*x + sum_{j in N(i)} x_j)
    aggr = jnp.zeros_like(x).at[dst].add(x[src])
    h = (x + aggr) @ Wa + ba
    h = jax.nn.relu(h)
    h = h @ Wb + bb
    return h


def reference(x, edge_index, batch, W1a, b1a, W1b, b1b, W2a, b2a, W2b, b2b, W3a, b3a, W3b, b3b, Wl, bl):
    src = edge_index[0]
    dst = edge_index[1]
    h = jax.nn.relu(_gin_conv(x, src, dst, W1a, b1a, W1b, b1b))
    h = jax.nn.relu(_gin_conv(h, src, dst, W2a, b2a, W2b, b2b))
    h = jax.nn.relu(_gin_conv(h, src, dst, W3a, b3a, W3b, b3b))
    pooled = jax.ops.segment_sum(h, batch, num_segments=G)
    out = pooled @ Wl + bl
    return out

if __name__ == "__main__":
    import jax
    _d = setup_inputs()
    print(jax.jit(kernel)(*tuple(_d.values())))

</pallas_src>

<mosaic_0001>
#map = affine_map<(d0, d1) -> (0, 0)>
#map1 = affine_map<(d0, d1) -> (0, 0, 0)>
module attributes {stable_mosaic.version = 14 : i64} {
  func.func @agg(%arg0: i32, %arg1: i32, %arg2: memref<10000x64xf32, #tpu.memory_space<hbm>>, %arg3: memref<2x2500x128xi32, #tpu.memory_space<hbm>>, %arg4: memref<2x10000x64xf32, #tpu.memory_space<hbm>>, %arg5: memref<78x128xi32, #tpu.memory_space<vmem>>, %arg6: memref<78x128xi32, #tpu.memory_space<vmem>>, %arg7: memref<1x128xi32, #tpu.memory_space<vmem>>, %arg8: memref<1x128xi32, #tpu.memory_space<vmem>>, %arg9: memref<6x128x64xf32, #tpu.memory_space<vmem>>, %arg10: memref<128x64xf32, #tpu.memory_space<vmem>>, %arg11: memref<128x64xf32, #tpu.memory_space<vmem>>, %arg12: memref<10000x64xf32, #tpu.memory_space<vmem_shared>>, %arg13: memref<!tpu.dma_semaphore, #tpu.memory_space<semaphore_mem>>, %arg14: memref<!tpu.dma_semaphore, #tpu.memory_space<semaphore_mem>>, %arg15: memref<!tpu.dma_semaphore, #tpu.memory_space<semaphore_mem>>, %arg16: memref<!tpu.dma_semaphore, #tpu.memory_space<semaphore_mem>>, %arg17: memref<!tpu.dma_semaphore, #tpu.memory_space<semaphore_mem>>, %arg18: memref<!tpu.dma_semaphore, #tpu.memory_space<semaphore_mem>>, %arg19: memref<!tpu.dma_semaphore, #tpu.memory_space<semaphore_mem>>, %arg20: memref<!tpu.dma_semaphore, #tpu.memory_space<semaphore_mem>>, %arg21: memref<!tpu.dma_semaphore, #tpu.memory_space<semaphore_mem>>, %arg22: memref<!tpu.dma_semaphore, #tpu.memory_space<semaphore_mem>>, %arg23: memref<!tpu.dma_semaphore, #tpu.memory_space<semaphore_mem>>, %arg24: memref<!tpu.dma_semaphore, #tpu.memory_space<semaphore_mem>>, %arg25: memref<!tpu.dma_semaphore, #tpu.memory_space<semaphore_mem>>) attributes {dimension_semantics = [#tpu.dimension_semantics<core_parallel>, #tpu.dimension_semantics<subcore_parallel>], iteration_bounds = array<i64: 2, 16>, scalar_prefetch = 0 : i64, scratch_operands = 21 : i64, tpu.core_type = #tpu.core_type<sc_vector_subcore>, window_params = [{transform_indices = #map}, {transform_indices = #map1}, {transform_indices = #map1}]} {
    %mul3A = arith.constant 2 : i32
    %mul3A_0 = arith.muli %arg1, %mul3A : i32
    %add3A = arith.addi %mul3A_0, %arg0 : i32
    %mul3A_1 = arith.constant 78 : i32
    %mul3A_2 = arith.muli %add3A, %mul3A_1 : i32
    %run_scoped3A = arith.constant 0 : i32
    "tpu.region"() ({
      %run_scoped3A_164 = tpu.sem_alloc : memref<!tpu.dma_semaphore, #tpu.memory_space<semaphore_mem>>
      %dma_start3A_165 = arith.constant 0 : i32
      %dma_start3A_166 = tpu.memref_slice %arg3[%run_scoped3A, %mul3A_2, %dma_start3A_165] : memref<2x2500x128xi32, #tpu.memory_space<hbm>> -> memref<1x78x128xi32, #tpu.memory_space<hbm>>
      %dma_start3A_167 = tpu.memref_squeeze %dma_start3A_166 : memref<1x78x128xi32, #tpu.memory_space<hbm>> -> memref<78x128xi32, #tpu.memory_space<hbm>>
      %dma_start3A_168 = arith.constant 0 : i32
      %dma_start3A_169 = tpu.memref_slice %arg3[%run_scoped3A, %mul3A_2, %dma_start3A_168] : memref<2x2500x128xi32, #tpu.memory_space<hbm>> -> memref<1x78x128xi32, #tpu.memory_space<hbm>>
      %dma_start3A_170 = tpu.memref_squeeze %dma_start3A_169 : memref<1x78x128xi32, #tpu.memory_space<hbm>> -> memref<78x128xi32, #tpu.memory_space<hbm>>
      tpu.enqueue_dma source(%dma_start3A_170 : memref<78x128xi32, #tpu.memory_space<hbm>>) target(%arg5 : memref<78x128xi32, #tpu.memory_space<vmem>>) target_semaphore(%run_scoped3A_164 : memref<!tpu.dma_semaphore, #tpu.memory_space<semaphore_mem>>)
      %dma_wait3A_171 = arith.constant 0 : i32
      %dma_wait3A_172 = tpu.memref_slice %arg3[%run_scoped3A, %mul3A_2, %dma_wait3A_171] : memref<2x2500x128xi32, #tpu.memory_space<hbm>> -> memref<1x78x128xi32, #tpu.memory_space<hbm>>
      %dma_wait3A_173 = tpu.memref_squeeze %dma_wait3A_172 : memref<1x78x128xi32, #tpu.memory_space<hbm>> -> memref<78x128xi32, #tpu.memory_space<hbm>>
      %dma_wait3A_174 = arith.constant 0 : i32
      %dma_wait3A_175 = tpu.memref_slice %arg3[%run_scoped3A, %mul3A_2, %dma_wait3A_174] : memref<2x2500x128xi32, #tpu.memory_space<hbm>> -> memref<1x78x128xi32, #tpu.memory_space<hbm>>
      %dma_wait3A_176 = tpu.memref_squeeze %dma_wait3A_175 : memref<1x78x128xi32, #tpu.memory_space<hbm>> -> memref<78x128xi32, #tpu.memory_space<hbm>>
      tpu.wait_dma2 semaphore(%run_scoped3A_164 : memref<!tpu.dma_semaphore, #tpu.memory_space<semaphore_mem>>) src(%dma_wait3A_176 : memref<78x128xi32, #tpu.memory_space<hbm>>) dst(%arg5 : memref<78x128xi32, #tpu.memory_space<vmem>>)
      tpu.yield
    }) : () -> ()
    %run_scoped3A_3 = arith.constant 1 : i32
    "tpu.region"() ({
      %run_scoped3A_164 = tpu.sem_alloc : memref<!tpu.dma_semaphore, #tpu.memory_space<semaphore_mem>>
      %dma_start3A_165 = arith.constant 0 : i32
      %dma_start3A_166 = tpu.memref_slice %arg3[%run_scoped3A_3, %mul3A_2, %dma_start3A_165] : memref<2x2500x128xi32, #tpu.memory_space<hbm>> -> memref<1x78x128xi32, #tpu.memory_space<hbm>>
      %dma_start3A_167 = tpu.memref_squeeze %dma_start3A_166 : memref<1x78x128xi32, #tpu.memory_space<hbm>> -> memref<78x128xi32, #tpu.memory_space<hbm>>
      %dma_start3A_168 = arith.constant 0 : i32
      %dma_start3A_169 = tpu.memref_slice %arg3[%run_scoped3A_3, %mul3A_2, %dma_start3A_168] : memref<2x2500x128xi32, #tpu.memory_space<hbm>> -> memref<1x78x128xi32, #tpu.memory_space<hbm>>
      %dma_start3A_170 = tpu.memref_squeeze %dma_start3A_169 : memref<1x78x128xi32, #tpu.memory_space<hbm>> -> memref<78x128xi32, #tpu.memory_space<hbm>>
      tpu.enqueue_dma source(%dma_start3A_170 : memref<78x128xi32, #tpu.memory_space<hbm>>) target(%arg6 : memref<78x128xi32, #tpu.memory_space<vmem>>) target_semaphore(%run_scoped3A_164 : memref<!tpu.dma_semaphore, #tpu.memory_space<semaphore_mem>>)
      %dma_wait3A_171 = arith.constant 0 : i32
      %dma_wait3A_172 = tpu.memref_slice %arg3[%run_scoped3A_3, %mul3A_2, %dma_wait3A_171] : memref<2x2500x128xi32, #tpu.memory_space<hbm>> -> memref<1x78x128xi32, #tpu.memory_space<hbm>>
      %dma_wait3A_173 = tpu.memref_squeeze %dma_wait3A_172 : memref<1x78x128xi32, #tpu.memory_space<hbm>> -> memref<78x128xi32, #tpu.memory_space<hbm>>
      %dma_wait3A_174 = arith.constant 0 : i32
      %dma_wait3A_175 = tpu.memref_slice %arg3[%run_scoped3A_3, %mul3A_2, %dma_wait3A_174] : memref<2x2500x128xi32, #tpu.memory_space<hbm>> -> memref<1x78x128xi32, #tpu.memory_space<hbm>>
      %dma_wait3A_176 = tpu.memref_squeeze %dma_wait3A_175 : memref<1x78x128xi32, #tpu.memory_space<hbm>> -> memref<78x128xi32, #tpu.memory_space<hbm>>
      tpu.wait_dma2 semaphore(%run_scoped3A_164 : memref<!tpu.dma_semaphore, #tpu.memory_space<semaphore_mem>>) src(%dma_wait3A_176 : memref<78x128xi32, #tpu.memory_space<hbm>>) dst(%arg6 : memref<78x128xi32, #tpu.memory_space<vmem>>)
      tpu.yield
    }) : () -> ()
    %lt3A = arith.constant 4 : i32
    %lt3A_4 = arith.cmpi slt, %add3A, %lt3A : i32
    %convert_element_type3A = arith.extui %lt3A_4 : i1 to i32
    %cond3A = arith.constant 0 : i32
    %cond3A_5 = arith.cmpi ne, %convert_element_type3A, %cond3A : i32
    scf.if %cond3A_5 {
      %add3A_164 = arith.constant 2496 : i32
      %add3A_165 = arith.addi %add3A_164, %add3A : i32
      %run_scoped3A_166 = arith.constant 0 : i32
      "tpu.region"() ({
        %run_scoped3A_170 = tpu.sem_alloc : memref<!tpu.dma_semaphore, #tpu.memory_space<semaphore_mem>>
        %dma_start3A_171 = arith.constant 0 : i32
        %dma_start3A_172 = tpu.memref_slice %arg3[%run_scoped3A_166, %add3A_165, %dma_start3A_171] : memref<2x2500x128xi32, #tpu.memory_space<hbm>> -> memref<1x1x128xi32, #tpu.memory_space<hbm>>
        %dma_start3A_173 = tpu.memref_squeeze %dma_start3A_172 : memref<1x1x128xi32, #tpu.memory_space<hbm>> -> memref<1x128xi32, #tpu.memory_space<hbm>>
        %dma_start3A_174 = arith.constant 0 : i32
        %dma_start3A_175 = tpu.memref_slice %arg3[%run_scoped3A_166, %add3A_165, %dma_start3A_174] : memref<2x2500x128xi32, #tpu.memory_space<hbm>> -> memref<1x1x128xi32, #tpu.memory_space<hbm>>
        %dma_start3A_176 = tpu.memref_squeeze %dma_start3A_175 : memref<1x1x128xi32, #tpu.memory_space<hbm>> -> memref<1x128xi32, #tpu.memory_space<hbm>>
        tpu.enqueue_dma source(%dma_start3A_176 : memref<1x128xi32, #tpu.memory_space<hbm>>) target(%arg7 : memref<1x128xi32, #tpu.memory_space<vmem>>) target_semaphore(%run_scoped3A_170 : memref<!tpu.dma_semaphore, #tpu.memory_space<semaphore_mem>>)
        %dma_wait3A_177 = arith.constant 0 : i32
        %dma_wait3A_178 = tpu.memref_slice %arg3[%run_scoped3A_166, %add3A_165, %dma_wait3A_177] : memref<2x2500x128xi32, #tpu.memory_space<hbm>> -> memref<1x1x128xi32, #tpu.memory_space<hbm>>
        %dma_wait3A_179 = tpu.memref_squeeze %dma_wait3A_178 : memref<1x1x128xi32, #tpu.memory_space<hbm>> -> memref<1x128xi32, #tpu.memory_space<hbm>>
        %dma_wait3A_180 = arith.constant 0 : i32
        %dma_wait3A_181 = tpu.memref_slice %arg3[%run_scoped3A_166, %add3A_165, %dma_wait3A_180] : memref<2x2500x128xi32, #tpu.memory_space<hbm>> -> memref<1x1x128xi32, #tpu.memory_space<hbm>>
        %dma_wait3A_182 = tpu.memref_squeeze %dma_wait3A_181 : memref<1x1x128xi32, #tpu.memory_space<hbm>> -> memref<1x128xi32, #tpu.memory_space<hbm>>
        tpu.wait_dma2 semaphore(%run_scoped3A_170 : memref<!tpu.dma_semaphore, #tpu.memory_space<semaphore_mem>>) src(%dma_wait3A_182 : memref<1x128xi32, #tpu.memory_space<hbm>>) dst(%arg7 : memref<1x128xi32, #tpu.memory_space<vmem>>)
        tpu.yield
      }) : () -> ()
      %add3A_167 = arith.constant 2496 : i32
      %add3A_168 = arith.addi %add3A_167, %add3A : i32
      %run_scoped3A_169 = arith.constant 1 : i32
      "tpu.region"() ({
        %run_scoped3A_170 = tpu.sem_alloc : memref<!tpu.dma_semaphore, #tpu.memory_space<semaphore_mem>>
        %dma_start3A_171 = arith.constant 0 : i32
        %dma_start3A_172 = tpu.memref_slice %arg3[%run_scoped3A_169, %add3A_168, %dma_start3A_171] : memref<2x2500x128xi32, #tpu.memory_space<hbm>> -> memref<1x1x128xi32, #tpu.memory_space<hbm>>
        %dma_start3A_173 = tpu.memref_squeeze %dma_start3A_172 : memref<1x1x128xi32, #tpu.memory_space<hbm>> -> memref<1x128xi32, #tpu.memory_space<hbm>>
        %dma_start3A_174 = arith.constant 0 : i32
        %dma_start3A_175 = tpu.memref_slice %arg3[%run_scoped3A_169, %add3A_168, %dma_start3A_174] : memref<2x2500x128xi32, #tpu.memory_space<hbm>> -> memref<1x1x128xi32, #tpu.memory_space<hbm>>
        %dma_start3A_176 = tpu.memref_squeeze %dma_start3A_175 : memref<1x1x128xi32, #tpu.memory_space<hbm>> -> memref<1x128xi32, #tpu.memory_space<hbm>>
        tpu.enqueue_dma source(%dma_start3A_176 : memref<1x128xi32, #tpu.memory_space<hbm>>) target(%arg8 : memref<1x128xi32, #tpu.memory_space<vmem>>) target_semaphore(%run_scoped3A_170 : memref<!tpu.dma_semaphore, #tpu.memory_space<semaphore_mem>>)
        %dma_wait3A_177 = arith.constant 0 : i32
        %dma_wait3A_178 = tpu.memref_slice %arg3[%run_scoped3A_169, %add3A_168, %dma_wait3A_177] : memref<2x2500x128xi32, #tpu.memory_space<hbm>> -> memref<1x1x128xi32, #tpu.memory_space<hbm>>
        %dma_wait3A_179 = tpu.memref_squeeze %dma_wait3A_178 : memref<1x1x128xi32, #tpu.memory_space<hbm>> -> memref<1x128xi32, #tpu.memory_space<hbm>>
        %dma_wait3A_180 = arith.constant 0 : i32
        %dma_wait3A_181 = tpu.memref_slice %arg3[%run_scoped3A_169, %add3A_168, %dma_wait3A_180] : memref<2x2500x128xi32, #tpu.memory_space<hbm>> -> memref<1x1x128xi32, #tpu.memory_space<hbm>>
        %dma_wait3A_182 = tpu.memref_squeeze %dma_wait3A_181 : memref<1x1x128xi32, #tpu.memory_space<hbm>> -> memref<1x128xi32, #tpu.memory_space<hbm>>
        tpu.wait_dma2 semaphore(%run_scoped3A_170 : memref<!tpu.dma_semaphore, #tpu.memory_space<semaphore_mem>>) src(%dma_wait3A_182 : memref<1x128xi32, #tpu.memory_space<hbm>>) dst(%arg8 : memref<1x128xi32, #tpu.memory_space<vmem>>)
        tpu.yield
      }) : () -> ()
    } else {
    }
    %dma_start3A = arith.constant 0 : i32
    %dma_start3A_6 = arith.constant 0 : i32
    %dma_start3A_7 = arith.constant 0 : i32
    %dma_start3A_8 = arith.constant 0 : i32
    %dma_start3A_9 = tpu.memref_slice %arg9[%dma_start3A_6, %dma_start3A_7, %dma_start3A_8] : memref<6x128x64xf32, #tpu.memory_space<vmem>> -> memref<1x128x64xf32, #tpu.memory_space<vmem>>
    %dma_start3A_10 = tpu.memref_squeeze %dma_start3A_9 : memref<1x128x64xf32, #tpu.memory_space<vmem>> -> memref<128x64xf32, #tpu.memory_space<vmem>>
    %dma_start3A_11 = arith.constant 0 : i32
    %dma_start3A_12 = tpu.memref_slice %arg5[%dma_start3A, %dma_start3A_11] : memref<78x128xi32, #tpu.memory_space<vmem>> -> memref<1x128xi32, #tpu.memory_space<vmem>>
    %dma_start3A_13 = tpu.memref_squeeze %dma_start3A_12 : memref<1x128xi32, #tpu.memory_space<vmem>> -> memref<128xi32, #tpu.memory_space<vmem>>
    %dma_start3A_14 = arith.constant 0 : i32
    %dma_start3A_15 = arith.constant 0 : i32
    %dma_start3A_16 = tpu.memref_slice %arg2[%dma_start3A_14, %dma_start3A_15] : memref<10000x64xf32, #tpu.memory_space<hbm>> -> memref<10000x64xf32, #tpu.memory_space<hbm>>
    tpu.enqueue_indirect_dma source(%dma_start3A_16 : memref<10000x64xf32, #tpu.memory_space<hbm>>) target(%dma_start3A_10 : memref<128x64xf32, #tpu.memory_space<vmem>>) offsets(%dma_start3A_13 : memref<128xi32, #tpu.memory_space<vmem>>) semaphore(%arg13 : memref<!tpu.dma_semaphore, #tpu.memory_space<semaphore_mem>>)
    %dma_start3A_17 = arith.constant 1 : i32
    %dma_start3A_18 = arith.constant 1 : i32
    %dma_start3A_19 = arith.constant 0 : i32
    %dma_start3A_20 = arith.constant 0 : i32
    %dma_start3A_21 = tpu.memref_slice %arg9[%dma_start3A_18, %dma_start3A_19, %dma_start3A_20] : memref<6x128x64xf32, #tpu.memory_space<vmem>> -> memref<1x128x64xf32, #tpu.memory_space<vmem>>
    %dma_start3A_22 = tpu.memref_squeeze %dma_start3A_21 : memref<1x128x64xf32, #tpu.memory_space<vmem>> -> memref<128x64xf32, #tpu.memory_space<vmem>>
    %dma_start3A_23 = arith.constant 0 : i32
    %dma_start3A_24 = tpu.memref_slice %arg5[%dma_start3A_17, %dma_start3A_23] : memref<78x128xi32, #tpu.memory_space<vmem>> -> memref<1x128xi32, #tpu.memory_space<vmem>>
    %dma_start3A_25 = tpu.memref_squeeze %dma_start3A_24 : memref<1x128xi32, #tpu.memory_space<vmem>> -> memref<128xi32, #tpu.memory_space<vmem>>
    %dma_start3A_26 = arith.constant 0 : i32
    %dma_start3A_27 = arith.constant 0 : i32
    %dma_start3A_28 = tpu.memref_slice %arg2[%dma_start3A_26, %dma_start3A_27] : memref<10000x64xf32, #tpu.memory_space<hbm>> -> memref<10000x64xf32, #tpu.memory_space<hbm>>
    tpu.enqueue_indirect_dma source(%dma_start3A_28 : memref<10000x64xf32, #tpu.memory_space<hbm>>) target(%dma_start3A_22 : memref<128x64xf32, #tpu.memory_space<vmem>>) offsets(%dma_start3A_25 : memref<128xi32, #tpu.memory_space<vmem>>) semaphore(%arg14 : memref<!tpu.dma_semaphore, #tpu.memory_space<semaphore_mem>>)
    %dma_start3A_29 = arith.constant 2 : i32
    %dma_start3A_30 = arith.constant 2 : i32
    %dma_start3A_31 = arith.constant 0 : i32
    %dma_start3A_32 = arith.constant 0 : i32
    %dma_start3A_33 = tpu.memref_slice %arg9[%dma_start3A_30, %dma_start3A_31, %dma_start3A_32] : memref<6x128x64xf32, #tpu.memory_space<vmem>> -> memref<1x128x64xf32, #tpu.memory_space<vmem>>
    %dma_start3A_34 = tpu.memref_squeeze %dma_start3A_33 : memref<1x128x64xf32, #tpu.memory_space<vmem>> -> memref<128x64xf32, #tpu.memory_space<vmem>>
    %dma_start3A_35 = arith.constant 0 : i32
    %dma_start3A_36 = tpu.memref_slice %arg5[%dma_start3A_29, %dma_start3A_35] : memref<78x128xi32, #tpu.memory_space<vmem>> -> memref<1x128xi32, #tpu.memory_space<vmem>>
    %dma_start3A_37 = tpu.memref_squeeze %dma_start3A_36 : memref<1x128xi32, #tpu.memory_space<vmem>> -> memref<128xi32, #tpu.memory_space<vmem>>
    %dma_start3A_38 = arith.constant 0 : i32
    %dma_start3A_39 = arith.constant 0 : i32
    %dma_start3A_40 = tpu.memref_slice %arg2[%dma_start3A_38, %dma_start3A_39] : memref<10000x64xf32, #tpu.memory_space<hbm>> -> memref<10000x64xf32, #tpu.memory_space<hbm>>
    tpu.enqueue_indirect_dma source(%dma_start3A_40 : memref<10000x64xf32, #tpu.memory_space<hbm>>) target(%dma_start3A_34 : memref<128x64xf32, #tpu.memory_space<vmem>>) offsets(%dma_start3A_37 : memref<128xi32, #tpu.memory_space<vmem>>) semaphore(%arg15 : memref<!tpu.dma_semaphore, #tpu.memory_space<semaphore_mem>>)
    %dma_start3A_41 = arith.constant 3 : i32
    %dma_start3A_42 = arith.constant 3 : i32
    %dma_start3A_43 = arith.constant 0 : i32
    %dma_start3A_44 = arith.constant 0 : i32
    %dma_start3A_45 = tpu.memref_slice %arg9[%dma_start3A_42, %dma_start3A_43, %dma_start3A_44] : memref<6x128x64xf32, #tpu.memory_space<vmem>> -> memref<1x128x64xf32, #tpu.memory_space<vmem>>
    %dma_start3A_46 = tpu.memref_squeeze %dma_start3A_45 : memref<1x128x64xf32, #tpu.memory_space<vmem>> -> memref<128x64xf32, #tpu.memory_space<vmem>>
    %dma_start3A_47 = arith.constant 0 : i32
    %dma_start3A_48 = tpu.memref_slice %arg5[%dma_start3A_41, %dma_start3A_47] : memref<78x128xi32, #tpu.memory_space<vmem>> -> memref<1x128xi32, #tpu.memory_space<vmem>>
    %dma_start3A_49 = tpu.memref_squeeze %dma_start3A_48 : memref<1x128xi32, #tpu.memory_space<vmem>> -> memref<128xi32, #tpu.memory_space<vmem>>
    %dma_start3A_50 = arith.constant 0 : i32
    %dma_start3A_51 = arith.constant 0 : i32
    %dma_start3A_52 = tpu.memref_slice %arg2[%dma_start3A_50, %dma_start3A_51] : memref<10000x64xf32, #tpu.memory_space<hbm>> -> memref<10000x64xf32, #tpu.memory_space<hbm>>
    tpu.enqueue_indirect_dma source(%dma_start3A_52 : memref<10000x64xf32, #tpu.memory_space<hbm>>) target(%dma_start3A_46 : memref<128x64xf32, #tpu.memory_space<vmem>>) offsets(%dma_start3A_49 : memref<128xi32, #tpu.memory_space<vmem>>) semaphore(%arg16 : memref<!tpu.dma_semaphore, #tpu.memory_space<semaphore_mem>>)
    %lt3A_53 = arith.constant 4 : i32
    %lt3A_54 = arith.cmpi slt, %add3A, %lt3A_53 : i32
    %convert_element_type3A_55 = arith.extui %lt3A_54 : i1 to i32
    %cond3A_56 = arith.constant 0 : i32
    %cond3A_57 = arith.cmpi ne, %convert_element_type3A_55, %cond3A_56 : i32
    scf.if %cond3A_57 {
      %dma_start3A_164 = arith.constant 0 : i32
      %dma_start3A_165 = arith.constant 0 : i32
      %dma_start3A_166 = tpu.memref_slice %arg7[%dma_start3A_164, %dma_start3A_165] : memref<1x128xi32, #tpu.memory_space<vmem>> -> memref<1x128xi32, #tpu.memory_space<vmem>>
      %dma_start3A_167 = tpu.memref_squeeze %dma_start3A_166 : memref<1x128xi32, #tpu.memory_space<vmem>> -> memref<128xi32, #tpu.memory_space<vmem>>
      %dma_start3A_168 = arith.constant 0 : i32
      %dma_start3A_169 = arith.constant 0 : i32
      %dma_start3A_170 = tpu.memref_slice %arg2[%dma_start3A_168, %dma_start3A_169] : memref<10000x64xf32, #tpu.memory_space<hbm>> -> memref<10000x64xf32, #tpu.memory_space<hbm>>
      tpu.enqueue_indirect_dma source(%dma_start3A_170 : memref<10000x64xf32, #tpu.memory_space<hbm>>) target(%arg11 : memref<128x64xf32, #tpu.memory_space<vmem>>) offsets(%dma_start3A_167 : memref<128xi32, #tpu.memory_space<vmem>>) semaphore(%arg25 : memref<!tpu.dma_semaphore, #tpu.memory_space<semaphore_mem>>)
    } else {
    }
    %scan3A = arith.constant 0 : i32
    %scan3A_58 = arith.constant 0 : i32
    %scan3A_59 = arith.constant 128 : i32
    %scan3A_60 = arith.addi %scan3A_58, %scan3A_59 : i32
    %scan3A_61 = arith.constant 1 : i32
    scf.for %scan3A_164 = %scan3A_58 to %scan3A_60 step %scan3A_61  : i32 {
      %broadcast_in_dim3A = arith.constant 0.000000e+00 : f32
      %broadcast_in_dim3A_165 = vector.broadcast %broadcast_in_dim3A : f32 to vector<16xf32>
      %swap3A = arith.index_cast %scan3A_164 : i32 to index
      %swap3A_166 = arith.constant 0 : index
      %swap3A_167 = tpu.vector_load %arg10[%swap3A, %swap3A_166] {strides = array<i32>} : memref<128x64xf32, #tpu.memory_space<vmem>>, vector<1x16xf32>,
      %swap3A_168 = vector.shape_cast %swap3A_167 : vector<1x16xf32> to vector<16xf32>
      %swap3A_169 = vector.shape_cast %broadcast_in_dim3A_165 : vector<16xf32> to vector<1x16xf32>
      tpu.vector_store %arg10[%swap3A, %swap3A_166], %swap3A_169 {strides = array<i32>} : memref<128x64xf32, #tpu.memory_space<vmem>>, vector<1x16xf32>,
      %broadcast_in_dim3A_170 = arith.constant 0.000000e+00 : f32
      %broadcast_in_dim3A_171 = vector.broadcast %broadcast_in_dim3A_170 : f32 to vector<16xf32>
      %swap3A_172 = arith.index_cast %scan3A_164 : i32 to index
      %swap3A_173 = arith.constant 16 : index
      %swap3A_174 = tpu.vector_load %arg10[%swap3A_172, %swap3A_173] {strides = array<i32>} : memref<128x64xf32, #tpu.memory_space<vmem>>, vector<1x16xf32>,
      %swap3A_175 = vector.shape_cast %swap3A_174 : vector<1x16xf32> to vector<16xf32>
      %swap3A_176 = vector.shape_cast %broadcast_in_dim3A_171 : vector<16xf32> to vector<1x16xf32>
      tpu.vector_store %arg10[%swap3A_172, %swap3A_173], %swap3A_176 {strides = array<i32>} : memref<128x64xf32, #tpu.memory_space<vmem>>, vector<1x16xf32>,
      %broadcast_in_dim3A_177 = arith.constant 0.000000e+00 : f32
      %broadcast_in_dim3A_178 = vector.broadcast %broadcast_in_dim3A_177 : f32 to vector<16xf32>
      %swap3A_179 = arith.index_cast %scan3A_164 : i32 to index
      %swap3A_180 = arith.constant 32 : index
      %swap3A_181 = tpu.vector_load %arg10[%swap3A_179, %swap3A_180] {strides = array<i32>} : memref<128x64xf32, #tpu.memory_space<vmem>>, vector<1x16xf32>,
      %swap3A_182 = vector.shape_cast %swap3A_181 : vector<1x16xf32> to vector<16xf32>
      %swap3A_183 = vector.shape_cast %broadcast_in_dim3A_178 : vector<16xf32> to vector<1x16xf32>
      tpu.vector_store %arg10[%swap3A_179, %swap3A_180], %swap3A_183 {strides = array<i32>} : memref<128x64xf32, #tpu.memory_space<vmem>>, vector<1x16xf32>,
      %broadcast_in_dim3A_184 = arith.constant 0.000000e+00 : f32
      %broadcast_in_dim3A_185 = vector.broadcast %broadcast_in_dim3A_184 : f32 to vector<16xf32>
      %swap3A_186 = arith.index_cast %scan3A_164 : i32 to index
      %swap3A_187 = arith.constant 48 : index
      %swap3A_188 = tpu.vector_load %arg10[%swap3A_186, %swap3A_187] {strides = array<i32>} : memref<128x64xf32, #tpu.memory_space<vmem>>, vector<1x16xf32>,
      %swap3A_189 = vector.shape_cast %swap3A_188 : vector<1x16xf32> to vector<16xf32>
      %swap3A_190 = vector.shape_cast %broadcast_in_dim3A_185 : vector<16xf32> to vector<1x16xf32>
      tpu.vector_store %arg10[%swap3A_186, %swap3A_187], %swap3A_190 {strides = array<i32>} : memref<128x64xf32, #tpu.memory_space<vmem>>, vector<1x16xf32>,
    }
    %scan3A_62 = arith.constant 128 : i32
    %mul3A_63 = arith.constant 625 : i32
    %mul3A_64 = arith.muli %arg1, %mul3A_63 : i32
    %add3A_65 = arith.constant 0 : i32
    %add3A_66 = arith.addi %mul3A_64, %add3A_65 : i32
    "tpu.region"() ({
      %run_scoped3A_164 = tpu.sem_alloc : memref<!tpu.dma_semaphore, #tpu.memory_space<semaphore_mem>>
      %dma_start3A_165 = arith.constant 0 : i32
      %dma_start3A_166 = tpu.memref_slice %arg12[%add3A_66, %dma_start3A_165] : memref<10000x64xf32, #tpu.memory_space<vmem_shared>> -> memref<128x64xf32, #tpu.memory_space<vmem_shared>>
      %dma_start3A_167 = arith.constant 0 : i32
      %dma_start3A_168 = tpu.memref_slice %arg12[%add3A_66, %dma_start3A_167] : memref<10000x64xf32, #tpu.memory_space<vmem_shared>> -> memref<128x64xf32, #tpu.memory_space<vmem_shared>>
      tpu.enqueue_dma source(%arg10 : memref<128x64xf32, #tpu.memory_space<vmem>>) target(%dma_start3A_168 : memref<128x64xf32, #tpu.memory_space<vmem_shared>>) target_semaphore(%run_scoped3A_164 : memref<!tpu.dma_semaphore, #tpu.memory_space<semaphore_mem>>)
      %dma_wait3A_169 = arith.constant 0 : i32
      %dma_wait3A_170 = tpu.memref_slice %arg12[%add3A_66, %dma_wait3A_169] : memref<10000x64xf32, #tpu.memory_space<vmem_shared>> -> memref<128x64xf32, #tpu.memory_space<vmem_shared>>
      %dma_wait3A_171 = arith.constant 0 : i32
      %dma_wait3A_172 = tpu.memref_slice %arg12[%add3A_66, %dma_wait3A_171] : memref<10000x64xf32, #tpu.memory_space<vmem_shared>> -> memref<128x64xf32, #tpu.memory_space<vmem_shared>>
      tpu.wait_dma2 semaphore(%run_scoped3A_164 : memref<!tpu.dma_semaphore, #tpu.memory_space<semaphore_mem>>) src(%arg10 : memref<128x64xf32, #tpu.memory_space<vmem>>) dst(%dma_wait3A_172 : memref<128x64xf32, #tpu.memory_space<vmem_shared>>)
      tpu.yield
    }) : () -> ()
    %add3A_67 = arith.constant 128 : i32
    %add3A_68 = arith.addi %mul3A_64, %add3A_67 : i32
    "tpu.region"() ({
      %run_scoped3A_164 = tpu.sem_alloc : memref<!tpu.dma_semaphore, #tpu.memory_space<semaphore_mem>>
      %dma_start3A_165 = arith.constant 0 : i32
      %dma_start3A_166 = tpu.memref_slice %arg12[%add3A_68, %dma_start3A_165] : memref<10000x64xf32, #tpu.memory_space<vmem_shared>> -> memref<128x64xf32, #tpu.memory_space<vmem_shared>>
      %dma_start3A_167 = arith.constant 0 : i32
      %dma_start3A_168 = tpu.memref_slice %arg12[%add3A_68, %dma_start3A_167] : memref<10000x64xf32, #tpu.memory_space<vmem_shared>> -> memref<128x64xf32, #tpu.memory_space<vmem_shared>>
      tpu.enqueue_dma source(%arg10 : memref<128x64xf32, #tpu.memory_space<vmem>>) target(%dma_start3A_168 : memref<128x64xf32, #tpu.memory_space<vmem_shared>>) target_semaphore(%run_scoped3A_164 : memref<!tpu.dma_semaphore, #tpu.memory_space<semaphore_mem>>)
      %dma_wait3A_169 = arith.constant 0 : i32
      %dma_wait3A_170 = tpu.memref_slice %arg12[%add3A_68, %dma_wait3A_169] : memref<10000x64xf32, #tpu.memory_space<vmem_shared>> -> memref<128x64xf32, #tpu.memory_space<vmem_shared>>
      %dma_wait3A_171 = arith.constant 0 : i32
      %dma_wait3A_172 = tpu.memref_slice %arg12[%add3A_68, %dma_wait3A_171] : memref<10000x64xf32, #tpu.memory_space<vmem_shared>> -> memref<128x64xf32, #tpu.memory_space<vmem_shared>>
      tpu.wait_dma2 semaphore(%run_scoped3A_164 : memref<!tpu.dma_semaphore, #tpu.memory_space<semaphore_mem>>) src(%arg10 : memref<128x64xf32, #tpu.memory_space<vmem>>) dst(%dma_wait3A_172 : memref<128x64xf32, #tpu.memory_space<vmem_shared>>)
      tpu.yield
    }) : () -> ()
    %add3A_69 = arith.constant 256 : i32
    %add3A_70 = arith.addi %mul3A_64, %add3A_69 : i32
    "tpu.region"() ({
      %run_scoped3A_164 = tpu.sem_alloc : memref<!tpu.dma_semaphore, #tpu.memory_space<semaphore_mem>>
      %dma_start3A_165 = arith.constant 0 : i32
      %dma_start3A_166 = tpu.memref_slice %arg12[%add3A_70, %dma_start3A_165] : memref<10000x64xf32, #tpu.memory_space<vmem_shared>> -> memref<128x64xf32, #tpu.memory_space<vmem_shared>>
      %dma_start3A_167 = arith.constant 0 : i32
      %dma_start3A_168 = tpu.memref_slice %arg12[%add3A_70, %dma_start3A_167] : memref<10000x64xf32, #tpu.memory_space<vmem_shared>> -> memref<128x64xf32, #tpu.memory_space<vmem_shared>>
      tpu.enqueue_dma source(%arg10 : memref<128x64xf32, #tpu.memory_space<vmem>>) target(%dma_start3A_168 : memref<128x64xf32, #tpu.memory_space<vmem_shared>>) target_semaphore(%run_scoped3A_164 : memref<!tpu.dma_semaphore, #tpu.memory_space<semaphore_mem>>)
      %dma_wait3A_169 = arith.constant 0 : i32
      %dma_wait3A_170 = tpu.memref_slice %arg12[%add3A_70, %dma_wait3A_169] : memref<10000x64xf32, #tpu.memory_space<vmem_shared>> -> memref<128x64xf32, #tpu.memory_space<vmem_shared>>
      %dma_wait3A_171 = arith.constant 0 : i32
      %dma_wait3A_172 = tpu.memref_slice %arg12[%add3A_70, %dma_wait3A_171] : memref<10000x64xf32, #tpu.memory_space<vmem_shared>> -> memref<128x64xf32, #tpu.memory_space<vmem_shared>>
      tpu.wait_dma2 semaphore(%run_scoped3A_164 : memref<!tpu.dma_semaphore, #tpu.memory_space<semaphore_mem>>) src(%arg10 : memref<128x64xf32, #tpu.memory_space<vmem>>) dst(%dma_wait3A_172 : memref<128x64xf32, #tpu.memory_space<vmem_shared>>)
      tpu.yield
    }) : () -> ()
    %add3A_71 = arith.constant 384 : i32
    %add3A_72 = arith.addi %mul3A_64, %add3A_71 : i32
    "tpu.region"() ({
      %run_scoped3A_164 = tpu.sem_alloc : memref<!tpu.dma_semaphore, #tpu.memory_space<semaphore_mem>>
      %dma_start3A_165 = arith.constant 0 : i32
      %dma_start3A_166 = tpu.memref_slice %arg12[%add3A_72, %dma_start3A_165] : memref<10000x64xf32, #tpu.memory_space<vmem_shared>> -> memref<128x64xf32, #tpu.memory_space<vmem_shared>>
      %dma_start3A_167 = arith.constant 0 : i32
      %dma_start3A_168 = tpu.memref_slice %arg12[%add3A_72, %dma_start3A_167] : memref<10000x64xf32, #tpu.memory_space<vmem_shared>> -> memref<128x64xf32, #tpu.memory_space<vmem_shared>>
      tpu.enqueue_dma source(%arg10 : memref<128x64xf32, #tpu.memory_space<vmem>>) target(%dma_start3A_168 : memref<128x64xf32, #tpu.memory_space<vmem_shared>>) target_semaphore(%run_scoped3A_164 : memref<!tpu.dma_semaphore, #tpu.memory_space<semaphore_mem>>)
      %dma_wait3A_169 = arith.constant 0 : i32
      %dma_wait3A_170 = tpu.memref_slice %arg12[%add3A_72, %dma_wait3A_169] : memref<10000x64xf32, #tpu.memory_space<vmem_shared>> -> memref<128x64xf32, #tpu.memory_space<vmem_shared>>
      %dma_wait3A_171 = arith.constant 0 : i32
      %dma_wait3A_172 = tpu.memref_slice %arg12[%add3A_72, %dma_wait3A_171] : memref<10000x64xf32, #tpu.memory_space<vmem_shared>> -> memref<128x64xf32, #tpu.memory_space<vmem_shared>>
      tpu.wait_dma2 semaphore(%run_scoped3A_164 : memref<!tpu.dma_semaphore, #tpu.memory_space<semaphore_mem>>) src(%arg10 : memref<128x64xf32, #tpu.memory_space<vmem>>) dst(%dma_wait3A_172 : memref<128x64xf32, #tpu.memory_space<vmem_shared>>)
      tpu.yield
    }) : () -> ()
    %add3A_73 = arith.constant 512 : i32
    %add3A_74 = arith.addi %mul3A_64, %add3A_73 : i32
    "tpu.region"() ({
      %run_scoped3A_164 = tpu.sem_alloc : memref<!tpu.dma_semaphore, #tpu.memory_space<semaphore_mem>>
      %dma_start3A_165 = arith.constant 0 : i32
      %dma_start3A_166 = arith.constant 0 : i32
      %dma_start3A_167 = tpu.memref_slice %arg10[%dma_start3A_165, %dma_start3A_166] : memref<128x64xf32, #tpu.memory_space<vmem>> -> memref<113x64xf32, #tpu.memory_space<vmem>>
      %dma_start3A_168 = arith.constant 0 : i32
      %dma_start3A_169 = tpu.memref_slice %arg12[%add3A_74, %dma_start3A_168] : memref<10000x64xf32, #tpu.memory_space<vmem_shared>> -> memref<113x64xf32, #tpu.memory_space<vmem_shared>>
      %dma_start3A_170 = arith.constant 0 : i32
      %dma_start3A_171 = tpu.memref_slice %arg12[%add3A_74, %dma_start3A_170] : memref<10000x64xf32, #tpu.memory_space<vmem_shared>> -> memref<113x64xf32, #tpu.memory_space<vmem_shared>>
      %dma_start3A_172 = arith.constant 0 : i32
      %dma_start3A_173 = arith.constant 0 : i32
      %dma_start3A_174 = tpu.memref_slice %arg10[%dma_start3A_172, %dma_start3A_173] : memref<128x64xf32, #tpu.memory_space<vmem>> -> memref<113x64xf32, #tpu.memory_space<vmem>>
      tpu.enqueue_dma source(%dma_start3A_174 : memref<113x64xf32, #tpu.memory_space<vmem>>) target(%dma_start3A_171 : memref<113x64xf32, #tpu.memory_space<vmem_shared>>) target_semaphore(%run_scoped3A_164 : memref<!tpu.dma_semaphore, #tpu.memory_space<semaphore_mem>>)
      %dma_wait3A_175 = arith.constant 0 : i32
      %dma_wait3A_176 = arith.constant 0 : i32
      %dma_wait3A_177 = tpu.memref_slice %arg10[%dma_wait3A_175, %dma_wait3A_176] : memref<128x64xf32, #tpu.memory_space<vmem>> -> memref<113x64xf32, #tpu.memory_space<vmem>>
      %dma_wait3A_178 = arith.constant 0 : i32
      %dma_wait3A_179 = tpu.memref_slice %arg12[%add3A_74, %dma_wait3A_178] : memref<10000x64xf32, #tpu.memory_space<vmem_shared>> -> memref<113x64xf32, #tpu.memory_space<vmem_shared>>
      %dma_wait3A_180 = arith.constant 0 : i32
      %dma_wait3A_181 = tpu.memref_slice %arg12[%add3A_74, %dma_wait3A_180] : memref<10000x64xf32, #tpu.memory_space<vmem_shared>> -> memref<113x64xf32, #tpu.memory_space<vmem_shared>>
      %dma_wait3A_182 = arith.constant 0 : i32
      %dma_wait3A_183 = arith.constant 0 : i32
      %dma_wait3A_184 = tpu.memref_slice %arg10[%dma_wait3A_182, %dma_wait3A_183] : memref<128x64xf32, #tpu.memory_space<vmem>> -> memref<113x64xf32, #tpu.memory_space<vmem>>
      tpu.wait_dma2 semaphore(%run_scoped3A_164 : memref<!tpu.dma_semaphore, #tpu.memory_space<semaphore_mem>>) src(%dma_wait3A_184 : memref<113x64xf32, #tpu.memory_space<vmem>>) dst(%dma_wait3A_181 : memref<113x64xf32, #tpu.memory_space<vmem_shared>>)
      tpu.yield
    }) : () -> ()
    %barrier3A = arith.constant 0 : index
    tpu.barrier barrier_id(%barrier3A)
    %scan3A_75 = arith.constant 0 : i32
    %scan3A_76 = arith.constant 0 : i32
    %scan3A_77 = arith.constant 13 : i32
    %scan3A_78 = arith.addi %scan3A_76, %scan3A_77 : i32
    %scan3A_79 = arith.constant 1 : i32
    scf.for %scan3A_164 = %scan3A_76 to %scan3A_78 step %scan3A_79  : i32 {
      %mul3A_165 = arith.constant 6 : i32
      %mul3A_166 = arith.muli %scan3A_164, %mul3A_165 : i32
      %add3A_167 = arith.constant 0 : i32
      %add3A_168 = arith.addi %mul3A_166, %add3A_167 : i32
      %dma_wait3A_169 = arith.constant 0 : i32
      %dma_wait3A_170 = arith.constant 0 : i32
      %dma_wait3A_171 = arith.constant 0 : i32
      %dma_wait3A_172 = tpu.memref_slice %arg9[%dma_wait3A_169, %dma_wait3A_170, %dma_wait3A_171] : memref<6x128x64xf32, #tpu.memory_space<vmem>> -> memref<1x128x64xf32, #tpu.memory_space<vmem>>
      %dma_wait3A_173 = tpu.memref_squeeze %dma_wait3A_172 : memref<1x128x64xf32, #tpu.memory_space<vmem>> -> memref<128x64xf32, #tpu.memory_space<vmem>>
      %dma_wait3A_174 = arith.constant 0 : i32
      %dma_wait3A_175 = tpu.memref_slice %arg5[%add3A_168, %dma_wait3A_174] : memref<78x128xi32, #tpu.memory_space<vmem>> -> memref<1x128xi32, #tpu.memory_space<vmem>>
      %dma_wait3A_176 = tpu.memref_squeeze %dma_wait3A_175 : memref<1x128xi32, #tpu.memory_space<vmem>> -> memref<128xi32, #tpu.memory_space<vmem>>
      %dma_wait3A_177 = arith.constant 0 : i32
      %dma_wait3A_178 = arith.constant 0 : i32
      %dma_wait3A_179 = tpu.memref_slice %arg2[%dma_wait3A_177, %dma_wait3A_178] : memref<10000x64xf32, #tpu.memory_space<hbm>> -> memref<10000x64xf32, #tpu.memory_space<hbm>>
      tpu.wait_indirect_dma semaphore(%arg13 : memref<!tpu.dma_semaphore, #tpu.memory_space<semaphore_mem>>) src(%dma_wait3A_179 : memref<10000x64xf32, #tpu.memory_space<hbm>>) dst(%dma_wait3A_173 : memref<128x64xf32, #tpu.memory_space<vmem>>)
      %dma_start3A_180 = arith.constant 0 : i32
      %dma_start3A_181 = arith.constant 0 : i32
      %dma_start3A_182 = arith.constant 0 : i32
      %dma_start3A_183 = tpu.memref_slice %arg9[%dma_start3A_180, %dma_start3A_181, %dma_start3A_182] : memref<6x128x64xf32, #tpu.memory_space<vmem>> -> memref<1x128x64xf32, #tpu.memory_space<vmem>>
      %dma_start3A_184 = tpu.memref_squeeze %dma_start3A_183 : memref<1x128x64xf32, #tpu.memory_space<vmem>> -> memref<128x64xf32, #tpu.memory_space<vmem>>
      %dma_start3A_185 = arith.constant 0 : i32
      %dma_start3A_186 = tpu.memref_slice %arg6[%add3A_168, %dma_start3A_185] : memref<78x128xi32, #tpu.memory_space<vmem>> -> memref<1x128xi32, #tpu.memory_space<vmem>>
      %dma_start3A_187 = tpu.memref_squeeze %dma_start3A_186 : memref<1x128xi32, #tpu.memory_space<vmem>> -> memref<128xi32, #tpu.memory_space<vmem>>
      %dma_start3A_188 = arith.constant 0 : i32
      %dma_start3A_189 = arith.constant 0 : i32
      %dma_start3A_190 = tpu.memref_slice %arg12[%dma_start3A_188, %dma_start3A_189] : memref<10000x64xf32, #tpu.memory_space<vmem_shared>> -> memref<10000x64xf32, #tpu.memory_space<vmem_shared>>
      tpu.enqueue_indirect_dma source(%dma_start3A_184 : memref<128x64xf32, #tpu.memory_space<vmem>>) target(%dma_start3A_190 : memref<10000x64xf32, #tpu.memory_space<vmem_shared>>) offsets(%dma_start3A_187 : memref<128xi32, #tpu.memory_space<vmem>>) semaphore(%arg19 : memref<!tpu.dma_semaphore, #tpu.memory_space<semaphore_mem>>) {add = true}
      %add3A_191 = arith.constant 4 : i32
      %add3A_192 = arith.addi %add3A_168, %add3A_191 : i32
      %lt3A_193 = arith.constant 78 : i32
      %lt3A_194 = arith.cmpi slt, %add3A_192, %lt3A_193 : i32
      %convert_element_type3A_195 = arith.extui %lt3A_194 : i1 to i32
      %cond3A_196 = arith.constant 0 : i32
      %cond3A_197 = arith.cmpi ne, %convert_element_type3A_195, %cond3A_196 : i32
      scf.if %cond3A_197 {
        %ge3A = arith.constant 2 : i32
        %ge3A_363 = arith.cmpi sge, %add3A_168, %ge3A : i32
        %convert_element_type3A_364 = arith.extui %ge3A_363 : i1 to i32
        %cond3A_365 = arith.constant 0 : i32
        %cond3A_366 = arith.cmpi ne, %convert_element_type3A_364, %cond3A_365 : i32
        scf.if %cond3A_366 {
          %sub3A = arith.constant 2 : i32
          %sub3A_378 = arith.subi %add3A_168, %sub3A : i32
          %dma_wait3A_379 = arith.constant 4 : i32
          %dma_wait3A_380 = arith.constant 0 : i32
          %dma_wait3A_381 = arith.constant 0 : i32
          %dma_wait3A_382 = tpu.memref_slice %arg9[%dma_wait3A_379, %dma_wait3A_380, %dma_wait3A_381] : memref<6x128x64xf32, #tpu.memory_space<vmem>> -> memref<1x128x64xf32, #tpu.memory_space<vmem>>
          %dma_wait3A_383 = tpu.memref_squeeze %dma_wait3A_382 : memref<1x128x64xf32, #tpu.memory_space<vmem>> -> memref<128x64xf32, #tpu.memory_space<vmem>>
          %dma_wait3A_384 = arith.constant 0 : i32
          %dma_wait3A_385 = tpu.memref_slice %arg6[%sub3A_378, %dma_wait3A_384] : memref<78x128xi32, #tpu.memory_space<vmem>> -> memref<1x128xi32, #tpu.memory_space<vmem>>
          %dma_wait3A_386 = tpu.memref_squeeze %dma_wait3A_385 : memref<1x128xi32, #tpu.memory_space<vmem>> -> memref<128xi32, #tpu.memory_space<vmem>>
          %dma_wait3A_387 = arith.constant 0 : i32
          %dma_wait3A_388 = arith.constant 0 : i32
          %dma_wait3A_389 = tpu.memref_slice %arg12[%dma_wait3A_387, %dma_wait3A_388] : memref<10000x64xf32, #tpu.memory_space<vmem_shared>> -> memref<10000x64xf32, #tpu.memory_space<vmem_shared>>
          tpu.wait_indirect_dma semaphore(%arg23 : memref<!tpu.dma_semaphore, #tpu.memory_space<semaphore_mem>>) src(%dma_wait3A_383 : memref<128x64xf32, #tpu.memory_space<vmem>>) dst(%dma_wait3A_389 : memref<10000x64xf32, #tpu.memory_space<vmem_shared>>)
        } else {
        }
        %dma_start3A_367 = arith.constant 4 : i32
        %dma_start3A_368 = arith.constant 0 : i32
        %dma_start3A_369 = arith.constant 0 : i32
        %dma_start3A_370 = tpu.memref_slice %arg9[%dma_start3A_367, %dma_start3A_368, %dma_start3A_369] : memref<6x128x64xf32, #tpu.memory_space<vmem>> -> memref<1x128x64xf32, #tpu.memory_space<vmem>>
        %dma_start3A_371 = tpu.memref_squeeze %dma_start3A_370 : memref<1x128x64xf32, #tpu.memory_space<vmem>> -> memref<128x64xf32, #tpu.memory_space<vmem>>
        %dma_start3A_372 = arith.constant 0 : i32
        %dma_start3A_373 = tpu.memref_slice %arg5[%add3A_192, %dma_start3A_372] : memref<78x128xi32, #tpu.memory_space<vmem>> -> memref<1x128xi32, #tpu.memory_space<vmem>>
        %dma_start3A_374 = tpu.memref_squeeze %dma_start3A_373 : memref<1x128xi32, #tpu.memory_space<vmem>> -> memref<128xi32, #tpu.memory_space<vmem>>
        %dma_start3A_375 = arith.constant 0 : i32
        %dma_start3A_376 = arith.constant 0 : i32
        %dma_start3A_377 = tpu.memref_slice %arg2[%dma_start3A_375, %dma_start3A_376] : memref<10000x64xf32, #tpu.memory_space<hbm>> -> memref<10000x64xf32, #tpu.memory_space<hbm>>
        tpu.enqueue_indirect_dma source(%dma_start3A_377 : memref<10000x64xf32, #tpu.memory_space<hbm>>) target(%dma_start3A_371 : memref<128x64xf32, #tpu.memory_space<vmem>>) offsets(%dma_start3A_374 : memref<128xi32, #tpu.memory_space<vmem>>) semaphore(%arg17 : memref<!tpu.dma_semaphore, #tpu.memory_space<semaphore_mem>>)
      } else {
      }
      %mul3A_198 = arith.constant 6 : i32
      %mul3A_199 = arith.muli %scan3A_164, %mul3A_198 : i32
      %add3A_200 = arith.constant 1 : i32
      %add3A_201 = arith.addi %mul3A_199, %add3A_200 : i32
      %dma_wait3A_202 = arith.constant 1 : i32
      %dma_wait3A_203 = arith.constant 0 : i32
      %dma_wait3A_204 = arith.constant 0 : i32
      %dma_wait3A_205 = tpu.memref_slice %arg9[%dma_wait3A_202, %dma_wait3A_203, %dma_wait3A_204] : memref<6x128x64xf32, #tpu.memory_space<vmem>> -> memref<1x128x64xf32, #tpu.memory_space<vmem>>
      %dma_wait3A_206 = tpu.memref_squeeze %dma_wait3A_205 : memref<1x128x64xf32, #tpu.memory_space<vmem>> -> memref<128x64xf32, #tpu.memory_space<vmem>>
      %dma_wait3A_207 = arith.constant 0 : i32
      %dma_wait3A_208 = tpu.memref_slice %arg5[%add3A_201, %dma_wait3A_207] : memref<78x128xi32, #tpu.memory_space<vmem>> -> memref<1x128xi32, #tpu.memory_space<vmem>>
      %dma_wait3A_209 = tpu.memref_squeeze %dma_wait3A_208 : memref<1x128xi32, #tpu.memory_space<vmem>> -> memref<128xi32, #tpu.memory_space<vmem>>
      %dma_wait3A_210 = arith.constant 0 : i32
      %dma_wait3A_211 = arith.constant 0 : i32
      %dma_wait3A_212 = tpu.memref_slice %arg2[%dma_wait3A_210, %dma_wait3A_211] : memref<10000x64xf32, #tpu.memory_space<hbm>> -> memref<10000x64xf32, #tpu.memory_space<hbm>>
      tpu.wait_indirect_dma semaphore(%arg14 : memref<!tpu.dma_semaphore, #tpu.memory_space<semaphore_mem>>) src(%dma_wait3A_212 : memref<10000x64xf32, #tpu.memory_space<hbm>>) dst(%dma_wait3A_206 : memref<128x64xf32, #tpu.memory_space<vmem>>)
      %dma_start3A_213 = arith.constant 1 : i32
      %dma_start3A_214 = arith.constant 0 : i32
      %dma_start3A_215 = arith.constant 0 : i32
      %dma_start3A_216 = tpu.memref_slice %arg9[%dma_start3A_213, %dma_start3A_214, %dma_start3A_215] : memref<6x128x64xf32, #tpu.memory_space<vmem>> -> memref<1x128x64xf32, #tpu.memory_space<vmem>>
      %dma_start3A_217 = tpu.memref_squeeze %dma_start3A_216 : memref<1x128x64xf32, #tpu.memory_space<vmem>> -> memref<128x64xf32, #tpu.memory_space<vmem>>
      %dma_start3A_218 = arith.constant 0 : i32
      %dma_start3A_219 = tpu.memref_slice %arg6[%add3A_201, %dma_start3A_218] : memref<78x128xi32, #tpu.memory_space<vmem>> -> memref<1x128xi32, #tpu.memory_space<vmem>>
      %dma_start3A_220 = tpu.memref_squeeze %dma_start3A_219 : memref<1x128xi32, #tpu.memory_space<vmem>> -> memref<128xi32, #tpu.memory_space<vmem>>
      %dma_start3A_221 = arith.constant 0 : i32
      %dma_start3A_222 = arith.constant 0 : i32
      %dma_start3A_223 = tpu.memref_slice %arg12[%dma_start3A_221, %dma_start3A_222] : memref<10000x64xf32, #tpu.memory_space<vmem_shared>> -> memref<10000x64xf32, #tpu.memory_space<vmem_shared>>
      tpu.enqueue_indirect_dma source(%dma_start3A_217 : memref<128x64xf32, #tpu.memory_space<vmem>>) target(%dma_start3A_223 : memref<10000x64xf32, #tpu.memory_space<vmem_shared>>) offsets(%dma_start3A_220 : memref<128xi32, #tpu.memory_space<vmem>>) semaphore(%arg20 : memref<!tpu.dma_semaphore, #tpu.memory_space<semaphore_mem>>) {add = true}
      %add3A_224 = arith.constant 4 : i32
      %add3A_225 = arith.addi %add3A_201, %add3A_224 : i32
      %lt3A_226 = arith.constant 78 : i32
      %lt3A_227 = arith.cmpi slt, %add3A_225, %lt3A_226 : i32
      %convert_element_type3A_228 = arith.extui %lt3A_227 : i1 to i32
      %cond3A_229 = arith.constant 0 : i32
      %cond3A_230 = arith.cmpi ne, %convert_element_type3A_228, %cond3A_229 : i32
      scf.if %cond3A_230 {
        %ge3A = arith.constant 2 : i32
        %ge3A_363 = arith.cmpi sge, %add3A_201, %ge3A : i32
        %convert_element_type3A_364 = arith.extui %ge3A_363 : i1 to i32
        %cond3A_365 = arith.constant 0 : i32
        %cond3A_366 = arith.cmpi ne, %convert_element_type3A_364, %cond3A_365 : i32
        scf.if %cond3A_366 {
          %sub3A = arith.constant 2 : i32
          %sub3A_378 = arith.subi %add3A_201, %sub3A : i32
          %dma_wait3A_379 = arith.constant 5 : i32
          %dma_wait3A_380 = arith.constant 0 : i32
          %dma_wait3A_381 = arith.constant 0 : i32
          %dma_wait3A_382 = tpu.memref_slice %arg9[%dma_wait3A_379, %dma_wait3A_380, %dma_wait3A_381] : memref<6x128x64xf32, #tpu.memory_space<vmem>> -> memref<1x128x64xf32, #tpu.memory_space<vmem>>
          %dma_wait3A_383 = tpu.memref_squeeze %dma_wait3A_382 : memref<1x128x64xf32, #tpu.memory_space<vmem>> -> memref<128x64xf32, #tpu.memory_space<vmem>>
          %dma_wait3A_384 = arith.constant 0 : i32
          %dma_wait3A_385 = tpu.memref_slice %arg6[%sub3A_378, %dma_wait3A_384] : memref<78x128xi32, #tpu.memory_space<vmem>> -> memref<1x128xi32, #tpu.memory_space<vmem>>
          %dma_wait3A_386 = tpu.memref_squeeze %dma_wait3A_385 : memref<1x128xi32, #tpu.memory_space<vmem>> -> memref<128xi32, #tpu.memory_space<vmem>>
          %dma_wait3A_387 = arith.constant 0 : i32
          %dma_wait3A_388 = arith.constant 0 : i32
          %dma_wait3A_389 = tpu.memref_slice %arg12[%dma_wait3A_387, %dma_wait3A_388] : memref<10000x64xf32, #tpu.memory_space<vmem_shared>> -> memref<10000x64xf32, #tpu.memory_space<vmem_shared>>
          tpu.wait_indirect_dma semaphore(%arg24 : memref<!tpu.dma_semaphore, #tpu.memory_space<semaphore_mem>>) src(%dma_wait3A_383 : memref<128x64xf32, #tpu.memory_space<vmem>>) dst(%dma_wait3A_389 : memref<10000x64xf32, #tpu.memory_space<vmem_shared>>)
        } else {
        }
        %dma_start3A_367 = arith.constant 5 : i32
        %dma_start3A_368 = arith.constant 0 : i32
        %dma_start3A_369 = arith.constant 0 : i32
        %dma_start3A_370 = tpu.memref_slice %arg9[%dma_start3A_367, %dma_start3A_368, %dma_start3A_369] : memref<6x128x64xf32, #tpu.memory_space<vmem>> -> memref<1x128x64xf32, #tpu.memory_space<vmem>>
        %dma_start3A_371 = tpu.memref_squeeze %dma_start3A_370 : memref<1x128x64xf32, #tpu.memory_space<vmem>> -> memref<128x64xf32, #tpu.memory_space<vmem>>
        %dma_start3A_372 = arith.constant 0 : i32
        %dma_start3A_373 = tpu.memref_slice %arg5[%add3A_225, %dma_start3A_372] : memref<78x128xi32, #tpu.memory_space<vmem>> -> memref<1x128xi32, #tpu.memory_space<vmem>>
        %dma_start3A_374 = tpu.memref_squeeze %dma_start3A_373 : memref<1x128xi32, #tpu.memory_space<vmem>> -> memref<128xi32, #tpu.memory_space<vmem>>
        %dma_start3A_375 = arith.constant 0 : i32
        %dma_start3A_376 = arith.constant 0 : i32
        %dma_start3A_377 = tpu.memref_slice %arg2[%dma_start3A_375, %dma_start3A_376] : memref<10000x64xf32, #tpu.memory_space<hbm>> -> memref<10000x64xf32, #tpu.memory_space<hbm>>
        tpu.enqueue_indirect_dma source(%dma_start3A_377 : memref<10000x64xf32, #tpu.memory_space<hbm>>) target(%dma_start3A_371 : memref<128x64xf32, #tpu.memory_space<vmem>>) offsets(%dma_start3A_374 : memref<128xi32, #tpu.memory_space<vmem>>) semaphore(%arg18 : memref<!tpu.dma_semaphore, #tpu.memory_space<semaphore_mem>>)
      } else {
      }
      %mul3A_231 = arith.constant 6 : i32
      %mul3A_232 = arith.muli %scan3A_164, %mul3A_231 : i32
      %add3A_233 = arith.constant 2 : i32
      %add3A_234 = arith.addi %mul3A_232, %add3A_233 : i32
      %dma_wait3A_235 = arith.constant 2 : i32
      %dma_wait3A_236 = arith.constant 0 : i32
      %dma_wait3A_237 = arith.constant 0 : i32
      %dma_wait3A_238 = tpu.memref_slice %arg9[%dma_wait3A_235, %dma_wait3A_236, %dma_wait3A_237] : memref<6x128x64xf32, #tpu.memory_space<vmem>> -> memref<1x128x64xf32, #tpu.memory_space<vmem>>
      %dma_wait3A_239 = tpu.memref_squeeze %dma_wait3A_238 : memref<1x128x64xf32, #tpu.memory_space<vmem>> -> memref<128x64xf32, #tpu.memory_space<vmem>>
      %dma_wait3A_240 = arith.constant 0 : i32
      %dma_wait3A_241 = tpu.memref_slice %arg5[%add3A_234, %dma_wait3A_240] : memref<78x128xi32, #tpu.memory_space<vmem>> -> memref<1x128xi32, #tpu.memory_space<vmem>>
      %dma_wait3A_242 = tpu.memref_squeeze %dma_wait3A_241 : memref<1x128xi32, #tpu.memory_space<vmem>> -> memref<128xi32, #tpu.memory_space<vmem>>
      %dma_wait3A_243 = arith.constant 0 : i32
      %dma_wait3A_244 = arith.constant 0 : i32
      %dma_wait3A_245 = tpu.memref_slice %arg2[%dma_wait3A_243, %dma_wait3A_244] : memref<10000x64xf32, #tpu.memory_space<hbm>> -> memref<10000x64xf32, #tpu.memory_space<hbm>>
      tpu.wait_indirect_dma semaphore(%arg15 : memref<!tpu.dma_semaphore, #tpu.memory_space<semaphore_mem>>) src(%dma_wait3A_245 : memref<10000x64xf32, #tpu.memory_space<hbm>>) dst(%dma_wait3A_239 : memref<128x64xf32, #tpu.memory_space<vmem>>)
      %dma_start3A_246 = arith.constant 2 : i32
      %dma_start3A_247 = arith.constant 0 : i32
      %dma_start3A_248 = arith.constant 0 : i32
      %dma_start3A_249 = tpu.memref_slice %arg9[%dma_start3A_246, %dma_start3A_247, %dma_start3A_248] : memref<6x128x64xf32, #tpu.memory_space<vmem>> -> memref<1x128x64xf32, #tpu.memory_space<vmem>>
      %dma_start3A_250 = tpu.memref_squeeze %dma_start3A_249 : memref<1x128x64xf32, #tpu.memory_space<vmem>> -> memref<128x64xf32, #tpu.memory_space<vmem>>
      %dma_start3A_251 = arith.constant 0 : i32
      %dma_start3A_252 = tpu.memref_slice %arg6[%add3A_234, %dma_start3A_251] : memref<78x128xi32, #tpu.memory_space<vmem>> -> memref<1x128xi32, #tpu.memory_space<vmem>>
      %dma_start3A_253 = tpu.memref_squeeze %dma_start3A_252 : memref<1x128xi32, #tpu.memory_space<vmem>> -> memref<128xi32, #tpu.memory_space<vmem>>
      %dma_start3A_254 = arith.constant 0 : i32
      %dma_start3A_255 = arith.constant 0 : i32
      %dma_start3A_256 = tpu.memref_slice %arg12[%dma_start3A_254, %dma_start3A_255] : memref<10000x64xf32, #tpu.memory_space<vmem_shared>> -> memref<10000x64xf32, #tpu.memory_space<vmem_shared>>
      tpu.enqueue_indirect_dma source(%dma_start3A_250 : memref<128x64xf32, #tpu.memory_space<vmem>>) target(%dma_start3A_256 : memref<10000x64xf32, #tpu.memory_space<vmem_shared>>) offsets(%dma_start3A_253 : memref<128xi32, #tpu.memory_space<vmem>>) semaphore(%arg21 : memref<!tpu.dma_semaphore, #tpu.memory_space<semaphore_mem>>) {add = true}
      %add3A_257 = arith.constant 4 : i32
      %add3A_258 = arith.addi %add3A_234, %add3A_257 : i32
      %lt3A_259 = arith.constant 78 : i32
      %lt3A_260 = arith.cmpi slt, %add3A_258, %lt3A_259 : i32
      %convert_element_type3A_261 = arith.extui %lt3A_260 : i1 to i32
      %cond3A_262 = arith.constant 0 : i32
      %cond3A_263 = arith.cmpi ne, %convert_element_type3A_261, %cond3A_262 : i32
      scf.if %cond3A_263 {
        %ge3A = arith.constant 2 : i32
        %ge3A_363 = arith.cmpi sge, %add3A_234, %ge3A : i32
        %convert_element_type3A_364 = arith.extui %ge3A_363 : i1 to i32
        %cond3A_365 = arith.constant 0 : i32
        %cond3A_366 = arith.cmpi ne, %convert_element_type3A_364, %cond3A_365 : i32
        scf.if %cond3A_366 {
          %sub3A = arith.constant 2 : i32
          %sub3A_378 = arith.subi %add3A_234, %sub3A : i32
          %dma_wait3A_379 = arith.constant 0 : i32
          %dma_wait3A_380 = arith.constant 0 : i32
          %dma_wait3A_381 = arith.constant 0 : i32
          %dma_wait3A_382 = tpu.memref_slice %arg9[%dma_wait3A_379, %dma_wait3A_380, %dma_wait3A_381] : memref<6x128x64xf32, #tpu.memory_space<vmem>> -> memref<1x128x64xf32, #tpu.memory_space<vmem>>
          %dma_wait3A_383 = tpu.memref_squeeze %dma_wait3A_382 : memref<1x128x64xf32, #tpu.memory_space<vmem>> -> memref<128x64xf32, #tpu.memory_space<vmem>>
          %dma_wait3A_384 = arith.constant 0 : i32
          %dma_wait3A_385 = tpu.memref_slice %arg6[%sub3A_378, %dma_wait3A_384] : memref<78x128xi32, #tpu.memory_space<vmem>> -> memref<1x128xi32, #tpu.memory_space<vmem>>
          %dma_wait3A_386 = tpu.memref_squeeze %dma_wait3A_385 : memref<1x128xi32, #tpu.memory_space<vmem>> -> memref<128xi32, #tpu.memory_space<vmem>>
          %dma_wait3A_387 = arith.constant 0 : i32
          %dma_wait3A_388 = arith.constant 0 : i32
          %dma_wait3A_389 = tpu.memref_slice %arg12[%dma_wait3A_387, %dma_wait3A_388] : memref<10000x64xf32, #tpu.memory_space<vmem_shared>> -> memref<10000x64xf32, #tpu.memory_space<vmem_shared>>
          tpu.wait_indirect_dma semaphore(%arg19 : memref<!tpu.dma_semaphore, #tpu.memory_space<semaphore_mem>>) src(%dma_wait3A_383 : memref<128x64xf32, #tpu.memory_space<vmem>>) dst(%dma_wait3A_389 : memref<10000x64xf32, #tpu.memory_space<vmem_shared>>)
        } else {
        }
        %dma_start3A_367 = arith.constant 0 : i32
        %dma_start3A_368 = arith.constant 0 : i32
        %dma_start3A_369 = arith.constant 0 : i32
        %dma_start3A_370 = tpu.memref_slice %arg9[%dma_start3A_367, %dma_start3A_368, %dma_start3A_369] : memref<6x128x64xf32, #tpu.memory_space<vmem>> -> memref<1x128x64xf32, #tpu.memory_space<vmem>>
        %dma_start3A_371 = tpu.memref_squeeze %dma_start3A_370 : memref<1x128x64xf32, #tpu.memory_space<vmem>> -> memref<128x64xf32, #tpu.memory_space<vmem>>
        %dma_start3A_372 = arith.constant 0 : i32
        %dma_start3A_373 = tpu.memref_slice %arg5[%add3A_258, %dma_start3A_372] : memref<78x128xi32, #tpu.memory_space<vmem>> -> memref<1x128xi32, #tpu.memory_space<vmem>>
        %dma_start3A_374 = tpu.memref_squeeze %dma_start3A_373 : memref<1x128xi32, #tpu.memory_space<vmem>> -> memref<128xi32, #tpu.memory_space<vmem>>
        %dma_start3A_375 = arith.constant 0 : i32
        %dma_start3A_376 = arith.constant 0 : i32
        %dma_start3A_377 = tpu.memref_slice %arg2[%dma_start3A_375, %dma_start3A_376] : memref<10000x64xf32, #tpu.memory_space<hbm>> -> memref<10000x64xf32, #tpu.memory_space<hbm>>
        tpu.enqueue_indirect_dma source(%dma_start3A_377 : memref<10000x64xf32, #tpu.memory_space<hbm>>) target(%dma_start3A_371 : memref<128x64xf32, #tpu.memory_space<vmem>>) offsets(%dma_start3A_374 : memref<128xi32, #tpu.memory_space<vmem>>) semaphore(%arg13 : memref<!tpu.dma_semaphore, #tpu.memory_space<semaphore_mem>>)
      } else {
      }
      %mul3A_264 = arith.constant 6 : i32
      %mul3A_265 = arith.muli %scan3A_164, %mul3A_264 : i32
      %add3A_266 = arith.constant 3 : i32
      %add3A_267 = arith.addi %mul3A_265, %add3A_266 : i32
      %dma_wait3A_268 = arith.constant 3 : i32
      %dma_wait3A_269 = arith.constant 0 : i32
      %dma_wait3A_270 = arith.constant 0 : i32
      %dma_wait3A_271 = tpu.memref_slice %arg9[%dma_wait3A_268, %dma_wait3A_269, %dma_wait3A_270] : memref<6x128x64xf32, #tpu.memory_space<vmem>> -> memref<1x128x64xf32, #tpu.memory_space<vmem>>
      %dma_wait3A_272 = tpu.memref_squeeze %dma_wait3A_271 : memref<1x128x64xf32, #tpu.memory_space<vmem>> -> memref<128x64xf32, #tpu.memory_space<vmem>>
      %dma_wait3A_273 = arith.constant 0 : i32
      %dma_wait3A_274 = tpu.memref_slice %arg5[%add3A_267, %dma_wait3A_273] : memref<78x128xi32, #tpu.memory_space<vmem>> -> memref<1x128xi32, #tpu.memory_space<vmem>>
      %dma_wait3A_275 = tpu.memref_squeeze %dma_wait3A_274 : memref<1x128xi32, #tpu.memory_space<vmem>> -> memref<128xi32, #tpu.memory_space<vmem>>
      %dma_wait3A_276 = arith.constant 0 : i32
      %dma_wait3A_277 = arith.constant 0 : i32
      %dma_wait3A_278 = tpu.memref_slice %arg2[%dma_wait3A_276, %dma_wait3A_277] : memref<10000x64xf32, #tpu.memory_space<hbm>> -> memref<10000x64xf32, #tpu.memory_space<hbm>>
      tpu.wait_indirect_dma semaphore(%arg16 : memref<!tpu.dma_semaphore, #tpu.memory_space<semaphore_mem>>) src(%dma_wait3A_278 : memref<10000x64xf32, #tpu.memory_space<hbm>>) dst(%dma_wait3A_272 : memref<128x64xf32, #tpu.memory_space<vmem>>)
      %dma_start3A_279 = arith.constant 3 : i32
      %dma_start3A_280 = arith.constant 0 : i32
      %dma_start3A_281 = arith.constant 0 : i32
      %dma_start3A_282 = tpu.memref_slice %arg9[%dma_start3A_279, %dma_start3A_280, %dma_start3A_281] : memref<6x128x64xf32, #tpu.memory_space<vmem>> -> memref<1x128x64xf32, #tpu.memory_space<vmem>>
      %dma_start3A_283 = tpu.memref_squeeze %dma_start3A_282 : memref<1x128x64xf32, #tpu.memory_space<vmem>> -> memref<128x64xf32, #tpu.memory_space<vmem>>
      %dma_start3A_284 = arith.constant 0 : i32
      %dma_start3A_285 = tpu.memref_slice %arg6[%add3A_267, %dma_start3A_284] : memref<78x128xi32, #tpu.memory_space<vmem>> -> memref<1x128xi32, #tpu.memory_space<vmem>>
      %dma_start3A_286 = tpu.memref_squeeze %dma_start3A_285 : memref<1x128xi32, #tpu.memory_space<vmem>> -> memref<128xi32, #tpu.memory_space<vmem>>
      %dma_start3A_287 = arith.constant 0 : i32
      %dma_start3A_288 = arith.constant 0 : i32
      %dma_start3A_289 = tpu.memref_slice %arg12[%dma_start3A_287, %dma_start3A_288] : memref<10000x64xf32, #tpu.memory_space<vmem_shared>> -> memref<10000x64xf32, #tpu.memory_space<vmem_shared>>
      tpu.enqueue_indirect_dma source(%dma_start3A_283 : memref<128x64xf32, #tpu.memory_space<vmem>>) target(%dma_start3A_289 : memref<10000x64xf32, #tpu.memory_space<vmem_shared>>) offsets(%dma_start3A_286 : memref<128xi32, #tpu.memory_space<vmem>>) semaphore(%arg22 : memref<!tpu.dma_semaphore, #tpu.memory_space<semaphore_mem>>) {add = true}
      %add3A_290 = arith.constant 4 : i32
      %add3A_291 = arith.addi %add3A_267, %add3A_290 : i32
      %lt3A_292 = arith.constant 78 : i32
      %lt3A_293 = arith.cmpi slt, %add3A_291, %lt3A_292 : i32
      %convert_element_type3A_294 = arith.extui %lt3A_293 : i1 to i32
      %cond3A_295 = arith.constant 0 : i32
      %cond3A_296 = arith.cmpi ne, %convert_element_type3A_294, %cond3A_295 : i32
      scf.if %cond3A_296 {
        %ge3A = arith.constant 2 : i32
        %ge3A_363 = arith.cmpi sge, %add3A_267, %ge3A : i32
        %convert_element_type3A_364 = arith.extui %ge3A_363 : i1 to i32
        %cond3A_365 = arith.constant 0 : i32
        %cond3A_366 = arith.cmpi ne, %convert_element_type3A_364, %cond3A_365 : i32
        scf.if %cond3A_366 {
          %sub3A = arith.constant 2 : i32
          %sub3A_378 = arith.subi %add3A_267, %sub3A : i32
          %dma_wait3A_379 = arith.constant 1 : i32
          %dma_wait3A_380 = arith.constant 0 : i32
          %dma_wait3A_381 = arith.constant 0 : i32
          %dma_wait3A_382 = tpu.memref_slice %arg9[%dma_wait3A_379, %dma_wait3A_380, %dma_wait3A_381] : memref<6x128x64xf32, #tpu.memory_space<vmem>> -> memref<1x128x64xf32, #tpu.memory_space<vmem>>
          %dma_wait3A_383 = tpu.memref_squeeze %dma_wait3A_382 : memref<1x128x64xf32, #tpu.memory_space<vmem>> -> memref<128x64xf32, #tpu.memory_space<vmem>>
          %dma_wait3A_384 = arith.constant 0 : i32
          %dma_wait3A_385 = tpu.memref_slice %arg6[%sub3A_378, %dma_wait3A_384] : memref<78x128xi32, #tpu.memory_space<vmem>> -> memref<1x128xi32, #tpu.memory_space<vmem>>
          %dma_wait3A_386 = tpu.memref_squeeze %dma_wait3A_385 : memref<1x128xi32, #tpu.memory_space<vmem>> -> memref<128xi32, #tpu.memory_space<vmem>>
          %dma_wait3A_387 = arith.constant 0 : i32
          %dma_wait3A_388 = arith.constant 0 : i32
          %dma_wait3A_389 = tpu.memref_slice %arg12[%dma_wait3A_387, %dma_wait3A_388] : memref<10000x64xf32, #tpu.memory_space<vmem_shared>> -> memref<10000x64xf32, #tpu.memory_space<vmem_shared>>
          tpu.wait_indirect_dma semaphore(%arg20 : memref<!tpu.dma_semaphore, #tpu.memory_space<semaphore_mem>>) src(%dma_wait3A_383 : memref<128x64xf32, #tpu.memory_space<vmem>>) dst(%dma_wait3A_389 : memref<10000x64xf32, #tpu.memory_space<vmem_shared>>)
        } else {
        }
        %dma_start3A_367 = arith.constant 1 : i32
        %dma_start3A_368 = arith.constant 0 : i32
        %dma_start3A_369 = arith.constant 0 : i32
        %dma_start3A_370 = tpu.memref_slice %arg9[%dma_start3A_367, %dma_start3A_368, %dma_start3A_369] : memref<6x128x64xf32, #tpu.memory_space<vmem>> -> memref<1x128x64xf32, #tpu.memory_space<vmem>>
        %dma_start3A_371 = tpu.memref_squeeze %dma_start3A_370 : memref<1x128x64xf32, #tpu.memory_space<vmem>> -> memref<128x64xf32, #tpu.memory_space<vmem>>
        %dma_start3A_372 = arith.constant 0 : i32
        %dma_start3A_373 = tpu.memref_slice %arg5[%add3A_291, %dma_start3A_372] : memref<78x128xi32, #tpu.memory_space<vmem>> -> memref<1x128xi32, #tpu.memory_space<vmem>>
        %dma_start3A_374 = tpu.memref_squeeze %dma_start3A_373 : memref<1x128xi32, #tpu.memory_space<vmem>> -> memref<128xi32, #tpu.memory_space<vmem>>
        %dma_start3A_375 = arith.constant 0 : i32
        %dma_start3A_376 = arith.constant 0 : i32
        %dma_start3A_377 = tpu.memref_slice %arg2[%dma_start3A_375, %dma_start3A_376] : memref<10000x64xf32, #tpu.memory_space<hbm>> -> memref<10000x64xf32, #tpu.memory_space<hbm>>
        tpu.enqueue_indirect_dma source(%dma_start3A_377 : memref<10000x64xf32, #tpu.memory_space<hbm>>) target(%dma_start3A_371 : memref<128x64xf32, #tpu.memory_space<vmem>>) offsets(%dma_start3A_374 : memref<128xi32, #tpu.memory_space<vmem>>) semaphore(%arg14 : memref<!tpu.dma_semaphore, #tpu.memory_space<semaphore_mem>>)
      } else {
      }
      %mul3A_297 = arith.constant 6 : i32
      %mul3A_298 = arith.muli %scan3A_164, %mul3A_297 : i32
      %add3A_299 = arith.constant 4 : i32
      %add3A_300 = arith.addi %mul3A_298, %add3A_299 : i32
      %dma_wait3A_301 = arith.constant 4 : i32
      %dma_wait3A_302 = arith.constant 0 : i32
      %dma_wait3A_303 = arith.constant 0 : i32
      %dma_wait3A_304 = tpu.memref_slice %arg9[%dma_wait3A_301, %dma_wait3A_302, %dma_wait3A_303] : memref<6x128x64xf32, #tpu.memory_space<vmem>> -> memref<1x128x64xf32, #tpu.memory_space<vmem>>
      %dma_wait3A_305 = tpu.memref_squeeze %dma_wait3A_304 : memref<1x128x64xf32, #tpu.memory_space<vmem>> -> memref<128x64xf32, #tpu.memory_space<vmem>>
      %dma_wait3A_306 = arith.constant 0 : i32
      %dma_wait3A_307 = tpu.memref_slice %arg5[%add3A_300, %dma_wait3A_306] : memref<78x128xi32, #tpu.memory_space<vmem>> -> memref<1x128xi32, #tpu.memory_space<vmem>>
      %dma_wait3A_308 = tpu.memref_squeeze %dma_wait3A_307 : memref<1x128xi32, #tpu.memory_space<vmem>> -> memref<128xi32, #tpu.memory_space<vmem>>
      %dma_wait3A_309 = arith.constant 0 : i32
      %dma_wait3A_310 = arith.constant 0 : i32
      %dma_wait3A_311 = tpu.memref_slice %arg2[%dma_wait3A_309, %dma_wait3A_310] : memref<10000x64xf32, #tpu.memory_space<hbm>> -> memref<10000x64xf32, #tpu.memory_space<hbm>>
      tpu.wait_indirect_dma semaphore(%arg17 : memref<!tpu.dma_semaphore, #tpu.memory_space<semaphore_mem>>) src(%dma_wait3A_311 : memref<10000x64xf32, #tpu.memory_space<hbm>>) dst(%dma_wait3A_305 : memref<128x64xf32, #tpu.memory_space<vmem>>)
      %dma_start3A_312 = arith.constant 4 : i32
      %dma_start3A_313 = arith.constant 0 : i32
      %dma_start3A_314 = arith.constant 0 : i32
      %dma_start3A_315 = tpu.memref_slice %arg9[%dma_start3A_312, %dma_start3A_313, %dma_start3A_314] : memref<6x128x64xf32, #tpu.memory_space<vmem>> -> memref<1x128x64xf32, #tpu.memory_space<vmem>>
      %dma_start3A_316 = tpu.memref_squeeze %dma_start3A_315 : memref<1x128x64xf32, #tpu.memory_space<vmem>> -> memref<128x64xf32, #tpu.memory_space<vmem>>
      %dma_start3A_317 = arith.constant 0 : i32
      %dma_start3A_318 = tpu.memref_slice %arg6[%add3A_300, %dma_start3A_317] : memref<78x128xi32, #tpu.memory_space<vmem>> -> memref<1x128xi32, #tpu.memory_space<vmem>>
      %dma_start3A_319 = tpu.memref_squeeze %dma_start3A_318 : memref<1x128xi32, #tpu.memory_space<vmem>> -> memref<128xi32, #tpu.memory_space<vmem>>
      %dma_start3A_320 = arith.constant 0 : i32
      %dma_start3A_321 = arith.constant 0 : i32
      %dma_start3A_322 = tpu.memref_slice %arg12[%dma_start3A_320, %dma_start3A_321] : memref<10000x64xf32, #tpu.memory_space<vmem_shared>> -> memref<10000x64xf32, #tpu.memory_space<vmem_shared>>
      tpu.enqueue_indirect_dma source(%dma_start3A_316 : memref<128x64xf32, #tpu.memory_space<vmem>>) target(%dma_start3A_322 : memref<10000x64xf32, #tpu.memory_space<vmem_shared>>) offsets(%dma_start3A_319 : memref<128xi32, #tpu.memory_space<vmem>>) semaphore(%arg23 : memref<!tpu.dma_semaphore, #tpu.memory_space<semaphore_mem>>) {add = true}
      %add3A_323 = arith.constant 4 : i32
      %add3A_324 = arith.addi %add3A_300, %add3A_323 : i32
      %lt3A_325 = arith.constant 78 : i32
      %lt3A_326 = arith.cmpi slt, %add3A_324, %lt3A_325 : i32
      %convert_element_type3A_327 = arith.extui %lt3A_326 : i1 to i32
      %cond3A_328 = arith.constant 0 : i32
      %cond3A_329 = arith.cmpi ne, %convert_element_type3A_327, %cond3A_328 : i32
      scf.if %cond3A_329 {
        %ge3A = arith.constant 2 : i32
        %ge3A_363 = arith.cmpi sge, %add3A_300, %ge3A : i32
        %convert_element_type3A_364 = arith.extui %ge3A_363 : i1 to i32
        %cond3A_365 = arith.constant 0 : i32
        %cond3A_366 = arith.cmpi ne, %convert_element_type3A_364, %cond3A_365 : i32
        scf.if %cond3A_366 {
          %sub3A = arith.constant 2 : i32
          %sub3A_378 = arith.subi %add3A_300, %sub3A : i32
          %dma_wait3A_379 = arith.constant 2 : i32
          %dma_wait3A_380 = arith.constant 0 : i32
          %dma_wait3A_381 = arith.constant 0 : i32
          %dma_wait3A_382 = tpu.memref_slice %arg9[%dma_wait3A_379, %dma_wait3A_380, %dma_wait3A_381] : memref<6x128x64xf32, #tpu.memory_space<vmem>> -> memref<1x128x64xf32, #tpu.memory_space<vmem>>
          %dma_wait3A_383 = tpu.memref_squeeze %dma_wait3A_382 : memref<1x128x64xf32, #tpu.memory_space<vmem>> -> memref<128x64xf32, #tpu.memory_space<vmem>>
          %dma_wait3A_384 = arith.constant 0 : i32
          %dma_wait3A_385 = tpu.memref_slice %arg6[%sub3A_378, %dma_wait3A_384] : memref<78x128xi32, #tpu.memory_space<vmem>> -> memref<1x128xi32, #tpu.memory_space<vmem>>
          %dma_wait3A_386 = tpu.memref_squeeze %dma_wait3A_385 : memref<1x128xi32, #tpu.memory_space<vmem>> -> memref<128xi32, #tpu.memory_space<vmem>>
          %dma_wait3A_387 = arith.constant 0 : i32
          %dma_wait3A_388 = arith.constant 0 : i32
          %dma_wait3A_389 = tpu.memref_slice %arg12[%dma_wait3A_387, %dma_wait3A_388] : memref<10000x64xf32, #tpu.memory_space<vmem_shared>> -> memref<10000x64xf32, #tpu.memory_space<vmem_shared>>
          tpu.wait_indirect_dma semaphore(%arg21 : memref<!tpu.dma_semaphore, #tpu.memory_space<semaphore_mem>>) src(%dma_wait3A_383 : memref<128x64xf32, #tpu.memory_space<vmem>>) dst(%dma_wait3A_389 : memref<10000x64xf32, #tpu.memory_space<vmem_shared>>)
        } else {
        }
        %dma_start3A_367 = arith.constant 2 : i32
        %dma_start3A_368 = arith.constant 0 : i32
        %dma_start3A_369 = arith.constant 0 : i32
        %dma_start3A_370 = tpu.memref_slice %arg9[%dma_start3A_367, %dma_start3A_368, %dma_start3A_369] : memref<6x128x64xf32, #tpu.memory_space<vmem>> -> memref<1x128x64xf32, #tpu.memory_space<vmem>>
        %dma_start3A_371 = tpu.memref_squeeze %dma_start3A_370 : memref<1x128x64xf32, #tpu.memory_space<vmem>> -> memref<128x64xf32, #tpu.memory_space<vmem>>
        %dma_start3A_372 = arith.constant 0 : i32
        %dma_start3A_373 = tpu.memref_slice %arg5[%add3A_324, %dma_start3A_372] : memref<78x128xi32, #tpu.memory_space<vmem>> -> memref<1x128xi32, #tpu.memory_space<vmem>>
        %dma_start3A_374 = tpu.memref_squeeze %dma_start3A_373 : memref<1x128xi32, #tpu.memory_space<vmem>> -> memref<128xi32, #tpu.memory_space<vmem>>
        %dma_start3A_375 = arith.constant 0 : i32
        %dma_start3A_376 = arith.constant 0 : i32
        %dma_start3A_377 = tpu.memref_slice %arg2[%dma_start3A_375, %dma_start3A_376] : memref<10000x64xf32, #tpu.memory_space<hbm>> -> memref<10000x64xf32, #tpu.memory_space<hbm>>
        tpu.enqueue_indirect_dma source(%dma_start3A_377 : memref<10000x64xf32, #tpu.memory_space<hbm>>) target(%dma_start3A_371 : memref<128x64xf32, #tpu.memory_space<vmem>>) offsets(%dma_start3A_374 : memref<128xi32, #tpu.memory_space<vmem>>) semaphore(%arg15 : memref<!tpu.dma_semaphore, #tpu.memory_space<semaphore_mem>>)
      } else {
      }
      %mul3A_330 = arith.constant 6 : i32
      %mul3A_331 = arith.muli %scan3A_164, %mul3A_330 : i32
      %add3A_332 = arith.constant 5 : i32
      %add3A_333 = arith.addi %mul3A_331, %add3A_332 : i32
      %dma_wait3A_334 = arith.constant 5 : i32
      %dma_wait3A_335 = arith.constant 0 : i32
      %dma_wait3A_336 = arith.constant 0 : i32
      %dma_wait3A_337 = tpu.memref_slice %arg9[%dma_wait3A_334, %dma_wait3A_335, %dma_wait3A_336] : memref<6x128x64xf32, #tpu.memory_space<vmem>> -> memref<1x128x64xf32, #tpu.memory_space<vmem>>
      %dma_wait3A_338 = tpu.memref_squeeze %dma_wait3A_337 : memref<1x128x64xf32, #tpu.memory_space<vmem>> -> memref<128x64xf32, #tpu.memory_space<vmem>>
      %dma_wait3A_339 = arith.constant 0 : i32
      %dma_wait3A_340 = tpu.memref_slice %arg5[%add3A_333, %dma_wait3A_339] : memref<78x128xi32, #tpu.memory_space<vmem>> -> memref<1x128xi32, #tpu.memory_space<vmem>>
      %dma_wait3A_341 = tpu.memref_squeeze %dma_wait3A_340 : memref<1x128xi32, #tpu.memory_space<vmem>> -> memref<128xi32, #tpu.memory_space<vmem>>
      %dma_wait3A_342 = arith.constant 0 : i32
      %dma_wait3A_343 = arith.constant 0 : i32
      %dma_wait3A_344 = tpu.memref_slice %arg2[%dma_wait3A_342, %dma_wait3A_343] : memref<10000x64xf32, #tpu.memory_space<hbm>> -> memref<10000x64xf32, #tpu.memory_space<hbm>>
      tpu.wait_indirect_dma semaphore(%arg18 : memref<!tpu.dma_semaphore, #tpu.memory_space<semaphore_mem>>) src(%dma_wait3A_344 : memref<10000x64xf32, #tpu.memory_space<hbm>>) dst(%dma_wait3A_338 : memref<128x64xf32, #tpu.memory_space<vmem>>)
      %dma_start3A_345 = arith.constant 5 : i32
      %dma_start3A_346 = arith.constant 0 : i32
      %dma_start3A_347 = arith.constant 0 : i32
      %dma_start3A_348 = tpu.memref_slice %arg9[%dma_start3A_345, %dma_start3A_346, %dma_start3A_347] : memref<6x128x64xf32, #tpu.memory_space<vmem>> -> memref<1x128x64xf32, #tpu.memory_space<vmem>>
      %dma_start3A_349 = tpu.memref_squeeze %dma_start3A_348 : memref<1x128x64xf32, #tpu.memory_space<vmem>> -> memref<128x64xf32, #tpu.memory_space<vmem>>
      %dma_start3A_350 = arith.constant 0 : i32
      %dma_start3A_351 = tpu.memref_slice %arg6[%add3A_333, %dma_start3A_350] : memref<78x128xi32, #tpu.memory_space<vmem>> -> memref<1x128xi32, #tpu.memory_space<vmem>>
      %dma_start3A_352 = tpu.memref_squeeze %dma_start3A_351 : memref<1x128xi32, #tpu.memory_space<vmem>> -> memref<128xi32, #tpu.memory_space<vmem>>
      %dma_start3A_353 = arith.constant 0 : i32
      %dma_start3A_354 = arith.constant 0 : i32
      %dma_start3A_355 = tpu.memref_slice %arg12[%dma_start3A_353, %dma_start3A_354] : memref<10000x64xf32, #tpu.memory_space<vmem_shared>> -> memref<10000x64xf32, #tpu.memory_space<vmem_shared>>
      tpu.enqueue_indirect_dma source(%dma_start3A_349 : memref<128x64xf32, #tpu.memory_space<vmem>>) target(%dma_start3A_355 : memref<10000x64xf32, #tpu.memory_space<vmem_shared>>) offsets(%dma_start3A_352 : memref<128xi32, #tpu.memory_space<vmem>>) semaphore(%arg24 : memref<!tpu.dma_semaphore, #tpu.memory_space<semaphore_mem>>) {add = true}
      %add3A_356 = arith.constant 4 : i32
      %add3A_357 = arith.addi %add3A_333, %add3A_356 : i32
      %lt3A_358 = arith.constant 78 : i32
      %lt3A_359 = arith.cmpi slt, %add3A_357, %lt3A_358 : i32
      %convert_element_type3A_360 = arith.extui %lt3A_359 : i1 to i32
      %cond3A_361 = arith.constant 0 : i32
      %cond3A_362 = arith.cmpi ne, %convert_element_type3A_360, %cond3A_361 : i32
      scf.if %cond3A_362 {
        %ge3A = arith.constant 2 : i32
        %ge3A_363 = arith.cmpi sge, %add3A_333, %ge3A : i32
        %convert_element_type3A_364 = arith.extui %ge3A_363 : i1 to i32
        %cond3A_365 = arith.constant 0 : i32
        %cond3A_366 = arith.cmpi ne, %convert_element_type3A_364, %cond3A_365 : i32
        scf.if %cond3A_366 {
          %sub3A = arith.constant 2 : i32
          %sub3A_378 = arith.subi %add3A_333, %sub3A : i32
          %dma_wait3A_379 = arith.constant 3 : i32
          %dma_wait3A_380 = arith.constant 0 : i32
          %dma_wait3A_381 = arith.constant 0 : i32
          %dma_wait3A_382 = tpu.memref_slice %arg9[%dma_wait3A_379, %dma_wait3A_380, %dma_wait3A_381] : memref<6x128x64xf32, #tpu.memory_space<vmem>> -> memref<1x128x64xf32, #tpu.memory_space<vmem>>
          %dma_wait3A_383 = tpu.memref_squeeze %dma_wait3A_382 : memref<1x128x64xf32, #tpu.memory_space<vmem>> -> memref<128x64xf32, #tpu.memory_space<vmem>>
          %dma_wait3A_384 = arith.constant 0 : i32
          %dma_wait3A_385 = tpu.memref_slice %arg6[%sub3A_378, %dma_wait3A_384] : memref<78x128xi32, #tpu.memory_space<vmem>> -> memref<1x128xi32, #tpu.memory_space<vmem>>
          %dma_wait3A_386 = tpu.memref_squeeze %dma_wait3A_385 : memref<1x128xi32, #tpu.memory_space<vmem>> -> memref<128xi32, #tpu.memory_space<vmem>>
          %dma_wait3A_387 = arith.constant 0 : i32
          %dma_wait3A_388 = arith.constant 0 : i32
          %dma_wait3A_389 = tpu.memref_slice %arg12[%dma_wait3A_387, %dma_wait3A_388] : memref<10000x64xf32, #tpu.memory_space<vmem_shared>> -> memref<10000x64xf32, #tpu.memory_space<vmem_shared>>
          tpu.wait_indirect_dma semaphore(%arg22 : memref<!tpu.dma_semaphore, #tpu.memory_space<semaphore_mem>>) src(%dma_wait3A_383 : memref<128x64xf32, #tpu.memory_space<vmem>>) dst(%dma_wait3A_389 : memref<10000x64xf32, #tpu.memory_space<vmem_shared>>)
        } else {
        }
        %dma_start3A_367 = arith.constant 3 : i32
        %dma_start3A_368 = arith.constant 0 : i32
        %dma_start3A_369 = arith.constant 0 : i32
        %dma_start3A_370 = tpu.memref_slice %arg9[%dma_start3A_367, %dma_start3A_368, %dma_start3A_369] : memref<6x128x64xf32, #tpu.memory_space<vmem>> -> memref<1x128x64xf32, #tpu.memory_space<vmem>>
        %dma_start3A_371 = tpu.memref_squeeze %dma_start3A_370 : memref<1x128x64xf32, #tpu.memory_space<vmem>> -> memref<128x64xf32, #tpu.memory_space<vmem>>
        %dma_start3A_372 = arith.constant 0 : i32
        %dma_start3A_373 = tpu.memref_slice %arg5[%add3A_357, %dma_start3A_372] : memref<78x128xi32, #tpu.memory_space<vmem>> -> memref<1x128xi32, #tpu.memory_space<vmem>>
        %dma_start3A_374 = tpu.memref_squeeze %dma_start3A_373 : memref<1x128xi32, #tpu.memory_space<vmem>> -> memref<128xi32, #tpu.memory_space<vmem>>
        %dma_start3A_375 = arith.constant 0 : i32
        %dma_start3A_376 = arith.constant 0 : i32
        %dma_start3A_377 = tpu.memref_slice %arg2[%dma_start3A_375, %dma_start3A_376] : memref<10000x64xf32, #tpu.memory_space<hbm>> -> memref<10000x64xf32, #tpu.memory_space<hbm>>
        tpu.enqueue_indirect_dma source(%dma_start3A_377 : memref<10000x64xf32, #tpu.memory_space<hbm>>) target(%dma_start3A_371 : memref<128x64xf32, #tpu.memory_space<vmem>>) offsets(%dma_start3A_374 : memref<128xi32, #tpu.memory_space<vmem>>) semaphore(%arg16 : memref<!tpu.dma_semaphore, #tpu.memory_space<semaphore_mem>>)
      } else {
      }
    }
    %scan3A_80 = arith.constant 13 : i32
    %dma_wait3A = arith.constant 0 : i32
    %dma_wait3A_81 = arith.constant 72 : i32
    %dma_wait3A_82 = arith.constant 0 : i32
    %dma_wait3A_83 = arith.constant 0 : i32
    %dma_wait3A_84 = tpu.memref_slice %arg9[%dma_wait3A, %dma_wait3A_82, %dma_wait3A_83] : memref<6x128x64xf32, #tpu.memory_space<vmem>> -> memref<1x128x64xf32, #tpu.memory_space<vmem>>
    %dma_wait3A_85 = tpu.memref_squeeze %dma_wait3A_84 : memref<1x128x64xf32, #tpu.memory_space<vmem>> -> memref<128x64xf32, #tpu.memory_space<vmem>>
    %dma_wait3A_86 = arith.constant 0 : i32
    %dma_wait3A_87 = tpu.memref_slice %arg6[%dma_wait3A_81, %dma_wait3A_86] : memref<78x128xi32, #tpu.memory_space<vmem>> -> memref<1x128xi32, #tpu.memory_space<vmem>>
    %dma_wait3A_88 = tpu.memref_squeeze %dma_wait3A_87 : memref<1x128xi32, #tpu.memory_space<vmem>> -> memref<128xi32, #tpu.memory_space<vmem>>
    %dma_wait3A_89 = arith.constant 0 : i32
    %dma_wait3A_90 = arith.constant 0 : i32
    %dma_wait3A_91 = tpu.memref_slice %arg12[%dma_wait3A_89, %dma_wait3A_90] : memref<10000x64xf32, #tpu.memory_space<vmem_shared>> -> memref<10000x64xf32, #tpu.memory_space<vmem_shared>>
    tpu.wait_indirect_dma semaphore(%arg19 : memref<!tpu.dma_semaphore, #tpu.memory_space<semaphore_mem>>) src(%dma_wait3A_85 : memref<128x64xf32, #tpu.memory_space<vmem>>) dst(%dma_wait3A_91 : memref<10000x64xf32, #tpu.memory_space<vmem_shared>>)
    %dma_wait3A_92 = arith.constant 1 : i32
    %dma_wait3A_93 = arith.constant 73 : i32
    %dma_wait3A_94 = arith.constant 0 : i32
    %dma_wait3A_95 = arith.constant 0 : i32
    %dma_wait3A_96 = tpu.memref_slice %arg9[%dma_wait3A_92, %dma_wait3A_94, %dma_wait3A_95] : memref<6x128x64xf32, #tpu.memory_space<vmem>> -> memref<1x128x64xf32, #tpu.memory_space<vmem>>
    %dma_wait3A_97 = tpu.memref_squeeze %dma_wait3A_96 : memref<1x128x64xf32, #tpu.memory_space<vmem>> -> memref<128x64xf32, #tpu.memory_space<vmem>>
    %dma_wait3A_98 = arith.constant 0 : i32
    %dma_wait3A_99 = tpu.memref_slice %arg6[%dma_wait3A_93, %dma_wait3A_98] : memref<78x128xi32, #tpu.memory_space<vmem>> -> memref<1x128xi32, #tpu.memory_space<vmem>>
    %dma_wait3A_100 = tpu.memref_squeeze %dma_wait3A_99 : memref<1x128xi32, #tpu.memory_space<vmem>> -> memref<128xi32, #tpu.memory_space<vmem>>
    %dma_wait3A_101 = arith.constant 0 : i32
    %dma_wait3A_102 = arith.constant 0 : i32
    %dma_wait3A_103 = tpu.memref_slice %arg12[%dma_wait3A_101, %dma_wait3A_102] : memref<10000x64xf32, #tpu.memory_space<vmem_shared>> -> memref<10000x64xf32, #tpu.memory_space<vmem_shared>>
    tpu.wait_indirect_dma semaphore(%arg20 : memref<!tpu.dma_semaphore, #tpu.memory_space<semaphore_mem>>) src(%dma_wait3A_97 : memref<128x64xf32, #tpu.memory_space<vmem>>) dst(%dma_wait3A_103 : memref<10000x64xf32, #tpu.memory_space<vmem_shared>>)
    %dma_wait3A_104 = arith.constant 2 : i32
    %dma_wait3A_105 = arith.constant 74 : i32
    %dma_wait3A_106 = arith.constant 0 : i32
    %dma_wait3A_107 = arith.constant 0 : i32
    %dma_wait3A_108 = tpu.memref_slice %arg9[%dma_wait3A_104, %dma_wait3A_106, %dma_wait3A_107] : memref<6x128x64xf32, #tpu.memory_space<vmem>> -> memref<1x128x64xf32, #tpu.memory_space<vmem>>
    %dma_wait3A_109 = tpu.memref_squeeze %dma_wait3A_108 : memref<1x128x64xf32, #tpu.memory_space<vmem>> -> memref<128x64xf32, #tpu.memory_space<vmem>>
    %dma_wait3A_110 = arith.constant 0 : i32
    %dma_wait3A_111 = tpu.memref_slice %arg6[%dma_wait3A_105, %dma_wait3A_110] : memref<78x128xi32, #tpu.memory_space<vmem>> -> memref<1x128xi32, #tpu.memory_space<vmem>>
    %dma_wait3A_112 = tpu.memref_squeeze %dma_wait3A_111 : memref<1x128xi32, #tpu.memory_space<vmem>> -> memref<128xi32, #tpu.memory_space<vmem>>
    %dma_wait3A_113 = arith.constant 0 : i32
    %dma_wait3A_114 = arith.constant 0 : i32
    %dma_wait3A_115 = tpu.memref_slice %arg12[%dma_wait3A_113, %dma_wait3A_114] : memref<10000x64xf32, #tpu.memory_space<vmem_shared>> -> memref<10000x64xf32, #tpu.memory_space<vmem_shared>>
    tpu.wait_indirect_dma semaphore(%arg21 : memref<!tpu.dma_semaphore, #tpu.memory_space<semaphore_mem>>) src(%dma_wait3A_109 : memref<128x64xf32, #tpu.memory_space<vmem>>) dst(%dma_wait3A_115 : memref<10000x64xf32, #tpu.memory_space<vmem_shared>>)
    %dma_wait3A_116 = arith.constant 3 : i32
    %dma_wait3A_117 = arith.constant 75 : i32
    %dma_wait3A_118 = arith.constant 0 : i32
    %dma_wait3A_119 = arith.constant 0 : i32
    %dma_wait3A_120 = tpu.memref_slice %arg9[%dma_wait3A_116, %dma_wait3A_118, %dma_wait3A_119] : memref<6x128x64xf32, #tpu.memory_space<vmem>> -> memref<1x128x64xf32, #tpu.memory_space<vmem>>
    %dma_wait3A_121 = tpu.memref_squeeze %dma_wait3A_120 : memref<1x128x64xf32, #tpu.memory_space<vmem>> -> memref<128x64xf32, #tpu.memory_space<vmem>>
    %dma_wait3A_122 = arith.constant 0 : i32
    %dma_wait3A_123 = tpu.memref_slice %arg6[%dma_wait3A_117, %dma_wait3A_122] : memref<78x128xi32, #tpu.memory_space<vmem>> -> memref<1x128xi32, #tpu.memory_space<vmem>>
    %dma_wait3A_124 = tpu.memref_squeeze %dma_wait3A_123 : memref<1x128xi32, #tpu.memory_space<vmem>> -> memref<128xi32, #tpu.memory_space<vmem>>
    %dma_wait3A_125 = arith.constant 0 : i32
    %dma_wait3A_126 = arith.constant 0 : i32
    %dma_wait3A_127 = tpu.memref_slice %arg12[%dma_wait3A_125, %dma_wait3A_126] : memref<10000x64xf32, #tpu.memory_space<vmem_shared>> -> memref<10000x64xf32, #tpu.memory_space<vmem_shared>>
    tpu.wait_indirect_dma semaphore(%arg22 : memref<!tpu.dma_semaphore, #tpu.memory_space<semaphore_mem>>) src(%dma_wait3A_121 : memref<128x64xf32, #tpu.memory_space<vmem>>) dst(%dma_wait3A_127 : memref<10000x64xf32, #tpu.memory_space<vmem_shared>>)
    %dma_wait3A_128 = arith.constant 4 : i32
    %dma_wait3A_129 = arith.constant 76 : i32
    %dma_wait3A_130 = arith.constant 0 : i32
    %dma_wait3A_131 = arith.constant 0 : i32
    %dma_wait3A_132 = tpu.memref_slice %arg9[%dma_wait3A_128, %dma_wait3A_130, %dma_wait3A_131] : memref<6x128x64xf32, #tpu.memory_space<vmem>> -> memref<1x128x64xf32, #tpu.memory_space<vmem>>
    %dma_wait3A_133 = tpu.memref_squeeze %dma_wait3A_132 : memref<1x128x64xf32, #tpu.memory_space<vmem>> -> memref<128x64xf32, #tpu.memory_space<vmem>>
    %dma_wait3A_134 = arith.constant 0 : i32
    %dma_wait3A_135 = tpu.memref_slice %arg6[%dma_wait3A_129, %dma_wait3A_134] : memref<78x128xi32, #tpu.memory_space<vmem>> -> memref<1x128xi32, #tpu.memory_space<vmem>>
    %dma_wait3A_136 = tpu.memref_squeeze %dma_wait3A_135 : memref<1x128xi32, #tpu.memory_space<vmem>> -> memref<128xi32, #tpu.memory_space<vmem>>
    %dma_wait3A_137 = arith.constant 0 : i32
    %dma_wait3A_138 = arith.constant 0 : i32
    %dma_wait3A_139 = tpu.memref_slice %arg12[%dma_wait3A_137, %dma_wait3A_138] : memref<10000x64xf32, #tpu.memory_space<vmem_shared>> -> memref<10000x64xf32, #tpu.memory_space<vmem_shared>>
    tpu.wait_indirect_dma semaphore(%arg23 : memref<!tpu.dma_semaphore, #tpu.memory_space<semaphore_mem>>) src(%dma_wait3A_133 : memref<128x64xf32, #tpu.memory_space<vmem>>) dst(%dma_wait3A_139 : memref<10000x64xf32, #tpu.memory_space<vmem_shared>>)
    %dma_wait3A_140 = arith.constant 5 : i32
    %dma_wait3A_141 = arith.constant 77 : i32
    %dma_wait3A_142 = arith.constant 0 : i32
    %dma_wait3A_143 = arith.constant 0 : i32
    %dma_wait3A_144 = tpu.memref_slice %arg9[%dma_wait3A_140, %dma_wait3A_142, %dma_wait3A_143] : memref<6x128x64xf32, #tpu.memory_space<vmem>> -> memref<1x128x64xf32, #tpu.memory_space<vmem>>
    %dma_wait3A_145 = tpu.memref_squeeze %dma_wait3A_144 : memref<1x128x64xf32, #tpu.memory_space<vmem>> -> memref<128x64xf32, #tpu.memory_space<vmem>>
    %dma_wait3A_146 = arith.constant 0 : i32
    %dma_wait3A_147 = tpu.memref_slice %arg6[%dma_wait3A_141, %dma_wait3A_146] : memref<78x128xi32, #tpu.memory_space<vmem>> -> memref<1x128xi32, #tpu.memory_space<vmem>>
    %dma_wait3A_148 = tpu.memref_squeeze %dma_wait3A_147 : memref<1x128xi32, #tpu.memory_space<vmem>> -> memref<128xi32, #tpu.memory_space<vmem>>
    %dma_wait3A_149 = arith.constant 0 : i32
    %dma_wait3A_150 = arith.constant 0 : i32
    %dma_wait3A_151 = tpu.memref_slice %arg12[%dma_wait3A_149, %dma_wait3A_150] : memref<10000x64xf32, #tpu.memory_space<vmem_shared>> -> memref<10000x64xf32, #tpu.memory_space<vmem_shared>>
    tpu.wait_indirect_dma semaphore(%arg24 : memref<!tpu.dma_semaphore, #tpu.memory_space<semaphore_mem>>) src(%dma_wait3A_145 : memref<128x64xf32, #tpu.memory_space<vmem>>) dst(%dma_wait3A_151 : memref<10000x64xf32, #tpu.memory_space<vmem_shared>>)
    %lt3A_152 = arith.constant 4 : i32
    %lt3A_153 = arith.cmpi slt, %add3A, %lt3A_152 : i32
    %convert_element_type3A_154 = arith.extui %lt3A_153 : i1 to i32
    %cond3A_155 = arith.constant 0 : i32
    %cond3A_156 = arith.cmpi ne, %convert_element_type3A_154, %cond3A_155 : i32
    scf.if %cond3A_156 {
      %dma_wait3A_164 = arith.constant 0 : i32
      %dma_wait3A_165 = arith.constant 0 : i32
      %dma_wait3A_166 = tpu.memref_slice %arg7[%dma_wait3A_164, %dma_wait3A_165] : memref<1x128xi32, #tpu.memory_space<vmem>> -> memref<1x128xi32, #tpu.memory_space<vmem>>
      %dma_wait3A_167 = tpu.memref_squeeze %dma_wait3A_166 : memref<1x128xi32, #tpu.memory_space<vmem>> -> memref<128xi32, #tpu.memory_space<vmem>>
      %dma_wait3A_168 = arith.constant 0 : i32
      %dma_wait3A_169 = arith.constant 0 : i32
      %dma_wait3A_170 = tpu.memref_slice %arg2[%dma_wait3A_168, %dma_wait3A_169] : memref<10000x64xf32, #tpu.memory_space<hbm>> -> memref<10000x64xf32, #tpu.memory_space<hbm>>
      tpu.wait_indirect_dma semaphore(%arg25 : memref<!tpu.dma_semaphore, #tpu.memory_space<semaphore_mem>>) src(%dma_wait3A_170 : memref<10000x64xf32, #tpu.memory_space<hbm>>) dst(%arg11 : memref<128x64xf32, #tpu.memory_space<vmem>>)
      %run_scoped3A_171 = arith.constant 0 : i32
      "tpu.region"() ({
        %run_scoped3A_172 = tpu.sem_alloc : memref<!tpu.dma_semaphore, #tpu.memory_space<semaphore_mem>>
        %dma_start3A_173 = arith.constant 0 : i32
        %dma_start3A_174 = tpu.memref_slice %arg8[%run_scoped3A_171, %dma_start3A_173] : memref<1x128xi32, #tpu.memory_space<vmem>> -> memref<1x128xi32, #tpu.memory_space<vmem>>
        %dma_start3A_175 = tpu.memref_squeeze %dma_start3A_174 : memref<1x128xi32, #tpu.memory_space<vmem>> -> memref<128xi32, #tpu.memory_space<vmem>>
        %dma_start3A_176 = arith.constant 0 : i32
        %dma_start3A_177 = arith.constant 0 : i32
        %dma_start3A_178 = tpu.memref_slice %arg12[%dma_start3A_176, %dma_start3A_177] : memref<10000x64xf32, #tpu.memory_space<vmem_shared>> -> memref<10000x64xf32, #tpu.memory_space<vmem_shared>>
        tpu.enqueue_indirect_dma source(%arg11 : memref<128x64xf32, #tpu.memory_space<vmem>>) target(%dma_start3A_178 : memref<10000x64xf32, #tpu.memory_space<vmem_shared>>) offsets(%dma_start3A_175 : memref<128xi32, #tpu.memory_space<vmem>>) semaphore(%run_scoped3A_172 : memref<!tpu.dma_semaphore, #tpu.memory_space<semaphore_mem>>) {add = true}
        %dma_wait3A_179 = arith.constant 0 : i32
        %dma_wait3A_180 = tpu.memref_slice %arg8[%run_scoped3A_171, %dma_wait3A_179] : memref<1x128xi32, #tpu.memory_space<vmem>> -> memref<1x128xi32, #tpu.memory_space<vmem>>
        %dma_wait3A_181 = tpu.memref_squeeze %dma_wait3A_180 : memref<1x128xi32, #tpu.memory_space<vmem>> -> memref<128xi32, #tpu.memory_space<vmem>>
        %dma_wait3A_182 = arith.constant 0 : i32
        %dma_wait3A_183 = arith.constant 0 : i32
        %dma_wait3A_184 = tpu.memref_slice %arg12[%dma_wait3A_182, %dma_wait3A_183] : memref<10000x64xf32, #tpu.memory_space<vmem_shared>> -> memref<10000x64xf32, #tpu.memory_space<vmem_shared>>
        tpu.wait_indirect_dma semaphore(%run_scoped3A_172 : memref<!tpu.dma_semaphore, #tpu.memory_space<semaphore_mem>>) src(%arg11 : memref<128x64xf32, #tpu.memory_space<vmem>>) dst(%dma_wait3A_184 : memref<10000x64xf32, #tpu.memory_space<vmem_shared>>)
        tpu.yield
      }) : () -> ()
    } else {
    }
    %barrier3A_157 = arith.constant 0 : index
    tpu.barrier barrier_id(%barrier3A_157)
    %mul3A_158 = arith.constant 624 : i32
    %mul3A_159 = arith.muli %arg1, %mul3A_158 : i32
    "tpu.region"() ({
      %run_scoped3A_164 = tpu.sem_alloc : memref<!tpu.dma_semaphore, #tpu.memory_space<semaphore_mem>>
      %dma_start3A_165 = arith.constant 0 : i32
      %dma_start3A_166 = tpu.memref_slice %arg4[%arg0, %mul3A_159, %dma_start3A_165] : memref<2x10000x64xf32, #tpu.memory_space<hbm>> -> memref<1x624x64xf32, #tpu.memory_space<hbm>>
      %dma_start3A_167 = tpu.memref_squeeze %dma_start3A_166 : memref<1x624x64xf32, #tpu.memory_space<hbm>> -> memref<624x64xf32, #tpu.memory_space<hbm>>
      %dma_start3A_168 = arith.constant 0 : i32
      %dma_start3A_169 = tpu.memref_slice %arg12[%mul3A_159, %dma_start3A_168] : memref<10000x64xf32, #tpu.memory_space<vmem_shared>> -> memref<624x64xf32, #tpu.memory_space<vmem_shared>>
      tpu.enqueue_dma source(%dma_start3A_169 : memref<624x64xf32, #tpu.memory_space<vmem_shared>>) target(%dma_start3A_167 : memref<624x64xf32, #tpu.memory_space<hbm>>) target_semaphore(%run_scoped3A_164 : memref<!tpu.dma_semaphore, #tpu.memory_space<semaphore_mem>>)
      %dma_wait3A_170 = arith.constant 0 : i32
      %dma_wait3A_171 = tpu.memref_slice %arg4[%arg0, %mul3A_159, %dma_wait3A_170] : memref<2x10000x64xf32, #tpu.memory_space<hbm>> -> memref<1x624x64xf32, #tpu.memory_space<hbm>>
      %dma_wait3A_172 = tpu.memref_squeeze %dma_wait3A_171 : memref<1x624x64xf32, #tpu.memory_space<hbm>> -> memref<624x64xf32, #tpu.memory_space<hbm>>
      %dma_wait3A_173 = arith.constant 0 : i32
      %dma_wait3A_174 = tpu.memref_slice %arg12[%mul3A_159, %dma_wait3A_173] : memref<10000x64xf32, #tpu.memory_space<vmem_shared>> -> memref<624x64xf32, #tpu.memory_space<vmem_shared>>
      tpu.wait_dma2 semaphore(%run_scoped3A_164 : memref<!tpu.dma_semaphore, #tpu.memory_space<semaphore_mem>>) src(%dma_wait3A_174 : memref<624x64xf32, #tpu.memory_space<vmem_shared>>) dst(%dma_wait3A_172 : memref<624x64xf32, #tpu.memory_space<hbm>>)
      tpu.yield
    }) : () -> ()
    %eq3A = arith.constant 15 : i32
    %eq3A_160 = arith.cmpi eq, %arg1, %eq3A : i32
    %convert_element_type3A_161 = arith.extui %eq3A_160 : i1 to i32
    %cond3A_162 = arith.constant 0 : i32
    %cond3A_163 = arith.cmpi ne, %convert_element_type3A_161, %cond3A_162 : i32
    scf.if %cond3A_163 {
      "tpu.region"() ({
        %run_scoped3A_164 = tpu.sem_alloc : memref<!tpu.dma_semaphore, #tpu.memory_space<semaphore_mem>>
        %dma_start3A_165 = arith.constant 9984 : i32
        %dma_start3A_166 = arith.constant 0 : i32
        %dma_start3A_167 = tpu.memref_slice %arg4[%arg0, %dma_start3A_165, %dma_start3A_166] : memref<2x10000x64xf32, #tpu.memory_space<hbm>> -> memref<1x16x64xf32, #tpu.memory_space<hbm>>
        %dma_start3A_168 = tpu.memref_squeeze %dma_start3A_167 : memref<1x16x64xf32, #tpu.memory_space<hbm>> -> memref<16x64xf32, #tpu.memory_space<hbm>>
        %dma_start3A_169 = arith.constant 9984 : i32
        %dma_start3A_170 = arith.constant 0 : i32
        %dma_start3A_171 = tpu.memref_slice %arg12[%dma_start3A_169, %dma_start3A_170] : memref<10000x64xf32, #tpu.memory_space<vmem_shared>> -> memref<16x64xf32, #tpu.memory_space<vmem_shared>>
        tpu.enqueue_dma source(%dma_start3A_171 : memref<16x64xf32, #tpu.memory_space<vmem_shared>>) target(%dma_start3A_168 : memref<16x64xf32, #tpu.memory_space<hbm>>) target_semaphore(%run_scoped3A_164 : memref<!tpu.dma_semaphore, #tpu.memory_space<semaphore_mem>>)
        %dma_wait3A_172 = arith.constant 9984 : i32
        %dma_wait3A_173 = arith.constant 0 : i32
        %dma_wait3A_174 = tpu.memref_slice %arg4[%arg0, %dma_wait3A_172, %dma_wait3A_173] : memref<2x10000x64xf32, #tpu.memory_space<hbm>> -> memref<1x16x64xf32, #tpu.memory_space<hbm>>
        %dma_wait3A_175 = tpu.memref_squeeze %dma_wait3A_174 : memref<1x16x64xf32, #tpu.memory_space<hbm>> -> memref<16x64xf32, #tpu.memory_space<hbm>>
        %dma_wait3A_176 = arith.constant 9984 : i32
        %dma_wait3A_177 = arith.constant 0 : i32
        %dma_wait3A_178 = tpu.memref_slice %arg12[%dma_wait3A_176, %dma_wait3A_177] : memref<10000x64xf32, #tpu.memory_space<vmem_shared>> -> memref<16x64xf32, #tpu.memory_space<vmem_shared>>
        tpu.wait_dma2 semaphore(%run_scoped3A_164 : memref<!tpu.dma_semaphore, #tpu.memory_space<semaphore_mem>>) src(%dma_wait3A_178 : memref<16x64xf32, #tpu.memory_space<vmem_shared>>) dst(%dma_wait3A_175 : memref<16x64xf32, #tpu.memory_space<hbm>>)
        tpu.yield
      }) : () -> ()
    } else {
    }
    return
  }
}

#map = affine_map<(d0, d1) -> (0, 0)>
#map1 = affine_map<(d0, d1) -> (0, 0, 0)>
module attributes {stable_mosaic.version = 14 : i64} {
  func.func @agg(%arg0: i32, %arg1: i32, %arg2: memref<10000x64xf32, #tpu.memory_space<hbm>>, %arg3: memref<2x2500x128xi32, #tpu.memory_space<hbm>>, %arg4: memref<2x10000x64xf32, #tpu.memory_space<hbm>>, %arg5: memref<78x128xi32, #tpu.memory_space<vmem>>, %arg6: memref<78x128xi32, #tpu.memory_space<vmem>>, %arg7: memref<1x128xi32, #tpu.memory_space<vmem>>, %arg8: memref<1x128xi32, #tpu.memory_space<vmem>>, %arg9: memref<6x128x64xf32, #tpu.memory_space<vmem>>, %arg10: memref<128x64xf32, #tpu.memory_space<vmem>>, %arg11: memref<128x64xf32, #tpu.memory_space<vmem>>, %arg12: memref<10000x64xf32, #tpu.memory_space<vmem_shared>>, %arg13: memref<!tpu.dma_semaphore, #tpu.memory_space<semaphore_mem>>, %arg14: memref<!tpu.dma_semaphore, #tpu.memory_space<semaphore_mem>>, %arg15: memref<!tpu.dma_semaphore, #tpu.memory_space<semaphore_mem>>, %arg16: memref<!tpu.dma_semaphore, #tpu.memory_space<semaphore_mem>>, %arg17: memref<!tpu.dma_semaphore, #tpu.memory_space<semaphore_mem>>, %arg18: memref<!tpu.dma_semaphore, #tpu.memory_space<semaphore_mem>>, %arg19: memref<!tpu.dma_semaphore, #tpu.memory_space<semaphore_mem>>, %arg20: memref<!tpu.dma_semaphore, #tpu.memory_space<semaphore_mem>>, %arg21: memref<!tpu.dma_semaphore, #tpu.memory_space<semaphore_mem>>, %arg22: memref<!tpu.dma_semaphore, #tpu.memory_space<semaphore_mem>>, %arg23: memref<!tpu.dma_semaphore, #tpu.memory_space<semaphore_mem>>, %arg24: memref<!tpu.dma_semaphore, #tpu.memory_space<semaphore_mem>>, %arg25: memref<!tpu.dma_semaphore, #tpu.memory_space<semaphore_mem>>) attributes {dimension_semantics = [#tpu.dimension_semantics<core_parallel>, #tpu.dimension_semantics<subcore_parallel>], iteration_bounds = array<i64: 2, 16>, scalar_prefetch = 0 : i64, scratch_operands = 21 : i64, tpu.core_type = #tpu.core_type<sc_vector_subcore>, window_params = [{transform_indices = #map}, {transform_indices = #map1}, {transform_indices = #map1}]} {
    %mul3A = arith.constant 2 : i32
    %mul3A_0 = arith.muli %arg1, %mul3A : i32
    %add3A = arith.addi %mul3A_0, %arg0 : i32
    %mul3A_1 = arith.constant 78 : i32
    %mul3A_2 = arith.muli %add3A, %mul3A_1 : i32
    %run_scoped3A = arith.constant 0 : i32
    "tpu.region"() ({
      %run_scoped3A_164 = tpu.sem_alloc : memref<!tpu.dma_semaphore, #tpu.memory_space<semaphore_mem>>
      %dma_start3A_165 = arith.constant 0 : i32
      %dma_start3A_166 = tpu.memref_slice %arg3[%run_scoped3A, %mul3A_2, %dma_start3A_165] : memref<2x2500x128xi32, #tpu.memory_space<hbm>> -> memref<1x78x128xi32, #tpu.memory_space<hbm>>
      %dma_start3A_167 = tpu.memref_squeeze %dma_start3A_166 : memref<1x78x128xi32, #tpu.memory_space<hbm>> -> memref<78x128xi32, #tpu.memory_space<hbm>>
      %dma_start3A_168 = arith.constant 0 : i32
      %dma_start3A_169 = tpu.memref_slice %arg3[%run_scoped3A, %mul3A_2, %dma_start3A_168] : memref<2x2500x128xi32, #tpu.memory_space<hbm>> -> memref<1x78x128xi32, #tpu.memory_space<hbm>>
      %dma_start3A_170 = tpu.memref_squeeze %dma_start3A_169 : memref<1x78x128xi32, #tpu.memory_space<hbm>> -> memref<78x128xi32, #tpu.memory_space<hbm>>
      tpu.enqueue_dma source(%dma_start3A_170 : memref<78x128xi32, #tpu.memory_space<hbm>>) target(%arg5 : memref<78x128xi32, #tpu.memory_space<vmem>>) target_semaphore(%run_scoped3A_164 : memref<!tpu.dma_semaphore, #tpu.memory_space<semaphore_mem>>)
      %dma_wait3A_171 = arith.constant 0 : i32
      %dma_wait3A_172 = tpu.memref_slice %arg3[%run_scoped3A, %mul3A_2, %dma_wait3A_171] : memref<2x2500x128xi32, #tpu.memory_space<hbm>> -> memref<1x78x128xi32, #tpu.memory_space<hbm>>
      %dma_wait3A_173 = tpu.memref_squeeze %dma_wait3A_172 : memref<1x78x128xi32, #tpu.memory_space<hbm>> -> memref<78x128xi32, #tpu.memory_space<hbm>>
      %dma_wait3A_174 = arith.constant 0 : i32
      %dma_wait3A_175 = tpu.memref_slice %arg3[%run_scoped3A, %mul3A_2, %dma_wait3A_174] : memref<2x2500x128xi32, #tpu.memory_space<hbm>> -> memref<1x78x128xi32, #tpu.memory_space<hbm>>
      %dma_wait3A_176 = tpu.memref_squeeze %dma_wait3A_175 : memref<1x78x128xi32, #tpu.memory_space<hbm>> -> memref<78x128xi32, #tpu.memory_space<hbm>>
      tpu.wait_dma2 semaphore(%run_scoped3A_164 : memref<!tpu.dma_semaphore, #tpu.memory_space<semaphore_mem>>) src(%dma_wait3A_176 : memref<78x128xi32, #tpu.memory_space<hbm>>) dst(%arg5 : memref<78x128xi32, #tpu.memory_space<vmem>>)
      tpu.yield
    }) : () -> ()
    %run_scoped3A_3 = arith.constant 1 : i32
    "tpu.region"() ({
      %run_scoped3A_164 = tpu.sem_alloc : memref<!tpu.dma_semaphore, #tpu.memory_space<semaphore_mem>>
      %dma_start3A_165 = arith.constant 0 : i32
      %dma_start3A_166 = tpu.memref_slice %arg3[%run_scoped3A_3, %mul3A_2, %dma_start3A_165] : memref<2x2500x128xi32, #tpu.memory_space<hbm>> -> memref<1x78x128xi32, #tpu.memory_space<hbm>>
      %dma_start3A_167 = tpu.memref_squeeze %dma_start3A_166 : memref<1x78x128xi32, #tpu.memory_space<hbm>> -> memref<78x128xi32, #tpu.memory_space<hbm>>
      %dma_start3A_168 = arith.constant 0 : i32
      %dma_start3A_169 = tpu.memref_slice %arg3[%run_scoped3A_3, %mul3A_2, %dma_start3A_168] : memref<2x2500x128xi32, #tpu.memory_space<hbm>> -> memref<1x78x128xi32, #tpu.memory_space<hbm>>
      %dma_start3A_170 = tpu.memref_squeeze %dma_start3A_169 : memref<1x78x128xi32, #tpu.memory_space<hbm>> -> memref<78x128xi32, #tpu.memory_space<hbm>>
      tpu.enqueue_dma source(%dma_start3A_170 : memref<78x128xi32, #tpu.memory_space<hbm>>) target(%arg6 : memref<78x128xi32, #tpu.memory_space<vmem>>) target_semaphore(%run_scoped3A_164 : memref<!tpu.dma_semaphore, #tpu.memory_space<semaphore_mem>>)
      %dma_wait3A_171 = arith.constant 0 : i32
      %dma_wait3A_172 = tpu.memref_slice %arg3[%run_scoped3A_3, %mul3A_2, %dma_wait3A_171] : memref<2x2500x128xi32, #tpu.memory_space<hbm>> -> memref<1x78x128xi32, #tpu.memory_space<hbm>>
      %dma_wait3A_173 = tpu.memref_squeeze %dma_wait3A_172 : memref<1x78x128xi32, #tpu.memory_space<hbm>> -> memref<78x128xi32, #tpu.memory_space<hbm>>
      %dma_wait3A_174 = arith.constant 0 : i32
      %dma_wait3A_175 = tpu.memref_slice %arg3[%run_scoped3A_3, %mul3A_2, %dma_wait3A_174] : memref<2x2500x128xi32, #tpu.memory_space<hbm>> -> memref<1x78x128xi32, #tpu.memory_space<hbm>>
      %dma_wait3A_176 = tpu.memref_squeeze %dma_wait3A_175 : memref<1x78x128xi32, #tpu.memory_space<hbm>> -> memref<78x128xi32, #tpu.memory_space<hbm>>
      tpu.wait_dma2 semaphore(%run_scoped3A_164 : memref<!tpu.dma_semaphore, #tpu.memory_space<semaphore_mem>>) src(%dma_wait3A_176 : memref<78x128xi32, #tpu.memory_space<hbm>>) dst(%arg6 : memref<78x128xi32, #tpu.memory_space<vmem>>)
      tpu.yield
    }) : () -> ()
    %lt3A = arith.constant 4 : i32
    %lt3A_4 = arith.cmpi slt, %add3A, %lt3A : i32
    %convert_element_type3A = arith.extui %lt3A_4 : i1 to i32
    %cond3A = arith.constant 0 : i32
    %cond3A_5 = arith.cmpi ne, %convert_element_type3A, %cond3A : i32
    scf.if %cond3A_5 {
      %add3A_164 = arith.constant 2496 : i32
      %add3A_165 = arith.addi %add3A_164, %add3A : i32
      %run_scoped3A_166 = arith.constant 0 : i32
      "tpu.region"() ({
        %run_scoped3A_170 = tpu.sem_alloc : memref<!tpu.dma_semaphore, #tpu.memory_space<semaphore_mem>>
        %dma_start3A_171 = arith.constant 0 : i32
        %dma_start3A_172 = tpu.memref_slice %arg3[%run_scoped3A_166, %add3A_165, %dma_start3A_171] : memref<2x2500x128xi32, #tpu.memory_space<hbm>> -> memref<1x1x128xi32, #tpu.memory_space<hbm>>
        %dma_start3A_173 = tpu.memref_squeeze %dma_start3A_172 : memref<1x1x128xi32, #tpu.memory_space<hbm>> -> memref<1x128xi32, #tpu.memory_space<hbm>>
        %dma_start3A_174 = arith.constant 0 : i32
        %dma_start3A_175 = tpu.memref_slice %arg3[%run_scoped3A_166, %add3A_165, %dma_start3A_174] : memref<2x2500x128xi32, #tpu.memory_space<hbm>> -> memref<1x1x128xi32, #tpu.memory_space<hbm>>
        %dma_start3A_176 = tpu.memref_squeeze %dma_start3A_175 : memref<1x1x128xi32, #tpu.memory_space<hbm>> -> memref<1x128xi32, #tpu.memory_space<hbm>>
        tpu.enqueue_dma source(%dma_start3A_176 : memref<1x128xi32, #tpu.memory_space<hbm>>) target(%arg7 : memref<1x128xi32, #tpu.memory_space<vmem>>) target_semaphore(%run_scoped3A_170 : memref<!tpu.dma_semaphore, #tpu.memory_space<semaphore_mem>>)
        %dma_wait3A_177 = arith.constant 0 : i32
        %dma_wait3A_178 = tpu.memref_slice %arg3[%run_scoped3A_166, %add3A_165, %dma_wait3A_177] : memref<2x2500x128xi32, #tpu.memory_space<hbm>> -> memref<1x1x128xi32, #tpu.memory_space<hbm>>
        %dma_wait3A_179 = tpu.memref_squeeze %dma_wait3A_178 : memref<1x1x128xi32, #tpu.memory_space<hbm>> -> memref<1x128xi32, #tpu.memory_space<hbm>>
        %dma_wait3A_180 = arith.constant 0 : i32
        %dma_wait3A_181 = tpu.memref_slice %arg3[%run_scoped3A_166, %add3A_165, %dma_wait3A_180] : memref<2x2500x128xi32, #tpu.memory_space<hbm>> -> memref<1x1x128xi32, #tpu.memory_space<hbm>>
        %dma_wait3A_182 = tpu.memref_squeeze %dma_wait3A_181 : memref<1x1x128xi32, #tpu.memory_space<hbm>> -> memref<1x128xi32, #tpu.memory_space<hbm>>
        tpu.wait_dma2 semaphore(%run_scoped3A_170 : memref<!tpu.dma_semaphore, #tpu.memory_space<semaphore_mem>>) src(%dma_wait3A_182 : memref<1x128xi32, #tpu.memory_space<hbm>>) dst(%arg7 : memref<1x128xi32, #tpu.memory_space<vmem>>)
        tpu.yield
      }) : () -> ()
      %add3A_167 = arith.constant 2496 : i32
      %add3A_168 = arith.addi %add3A_167, %add3A : i32
      %run_scoped3A_169 = arith.constant 1 : i32
      "tpu.region"() ({
        %run_scoped3A_170 = tpu.sem_alloc : memref<!tpu.dma_semaphore, #tpu.memory_space<semaphore_mem>>
        %dma_start3A_171 = arith.constant 0 : i32
        %dma_start3A_172 = tpu.memref_slice %arg3[%run_scoped3A_169, %add3A_168, %dma_start3A_171] : memref<2x2500x128xi32, #tpu.memory_space<hbm>> -> memref<1x1x128xi32, #tpu.memory_space<hbm>>
        %dma_start3A_173 = tpu.memref_squeeze %dma_start3A_172 : memref<1x1x128xi32, #tpu.memory_space<hbm>> -> memref<1x128xi32, #tpu.memory_space<hbm>>
        %dma_start3A_174 = arith.constant 0 : i32
        %dma_start3A_175 = tpu.memref_slice %arg3[%run_scoped3A_169, %add3A_168, %dma_start3A_174] : memref<2x2500x128xi32, #tpu.memory_space<hbm>> -> memref<1x1x128xi32, #tpu.memory_space<hbm>>
        %dma_start3A_176 = tpu.memref_squeeze %dma_start3A_175 : memref<1x1x128xi32, #tpu.memory_space<hbm>> -> memref<1x128xi32, #tpu.memory_space<hbm>>
        tpu.enqueue_dma source(%dma_start3A_176 : memref<1x128xi32, #tpu.memory_space<hbm>>) target(%arg8 : memref<1x128xi32, #tpu.memory_space<vmem>>) target_semaphore(%run_scoped3A_170 : memref<!tpu.dma_semaphore, #tpu.memory_space<semaphore_mem>>)
        %dma_wait3A_177 = arith.constant 0 : i32
        %dma_wait3A_178 = tpu.memref_slice %arg3[%run_scoped3A_169, %add3A_168, %dma_wait3A_177] : memref<2x2500x128xi32, #tpu.memory_space<hbm>> -> memref<1x1x128xi32, #tpu.memory_space<hbm>>
        %dma_wait3A_179 = tpu.memref_squeeze %dma_wait3A_178 : memref<1x1x128xi32, #tpu.memory_space<hbm>> -> memref<1x128xi32, #tpu.memory_space<hbm>>
        %dma_wait3A_180 = arith.constant 0 : i32
        %dma_wait3A_181 = tpu.memref_slice %arg3[%run_scoped3A_169, %add3A_168, %dma_wait3A_180] : memref<2x2500x128xi32, #tpu.memory_space<hbm>> -> memref<1x1x128xi32, #tpu.memory_space<hbm>>
        %dma_wait3A_182 = tpu.memref_squeeze %dma_wait3A_181 : memref<1x1x128xi32, #tpu.memory_space<hbm>> -> memref<1x128xi32, #tpu.memory_space<hbm>>
        tpu.wait_dma2 semaphore(%run_scoped3A_170 : memref<!tpu.dma_semaphore, #tpu.memory_space<semaphore_mem>>) src(%dma_wait3A_182 : memref<1x128xi32, #tpu.memory_space<hbm>>) dst(%arg8 : memref<1x128xi32, #tpu.memory_space<vmem>>)
        tpu.yield
      }) : () -> ()
    } else {
    }
    %dma_start3A = arith.constant 0 : i32
    %dma_start3A_6 = arith.constant 0 : i32
    %dma_start3A_7 = arith.constant 0 : i32
    %dma_start3A_8 = arith.constant 0 : i32
    %dma_start3A_9 = tpu.memref_slice %arg9[%dma_start3A_6, %dma_start3A_7, %dma_start3A_8] : memref<6x128x64xf32, #tpu.memory_space<vmem>> -> memref<1x128x64xf32, #tpu.memory_space<vmem>>
    %dma_start3A_10 = tpu.memref_squeeze %dma_start3A_9 : memref<1x128x64xf32, #tpu.memory_space<vmem>> -> memref<128x64xf32, #tpu.memory_space<vmem>>
    %dma_start3A_11 = arith.constant 0 : i32
    %dma_start3A_12 = tpu.memref_slice %arg5[%dma_start3A, %dma_start3A_11] : memref<78x128xi32, #tpu.memory_space<vmem>> -> memref<1x128xi32, #tpu.memory_space<vmem>>
    %dma_start3A_13 = tpu.memref_squeeze %dma_start3A_12 : memref<1x128xi32, #tpu.memory_space<vmem>> -> memref<128xi32, #tpu.memory_space<vmem>>
    %dma_start3A_14 = arith.constant 0 : i32
    %dma_start3A_15 = arith.constant 0 : i32
    %dma_start3A_16 = tpu.memref_slice %arg2[%dma_start3A_14, %dma_start3A_15] : memref<10000x64xf32, #tpu.memory_space<hbm>> -> memref<10000x64xf32, #tpu.memory_space<hbm>>
    tpu.enqueue_indirect_dma source(%dma_start3A_16 : memref<10000x64xf32, #tpu.memory_space<hbm>>) target(%dma_start3A_10 : memref<128x64xf32, #tpu.memory_space<vmem>>) offsets(%dma_start3A_13 : memref<128xi32, #tpu.memory_space<vmem>>) semaphore(%arg13 : memref<!tpu.dma_semaphore, #tpu.memory_space<semaphore_mem>>)
    %dma_start3A_17 = arith.constant 1 : i32
    %dma_start3A_18 = arith.constant 1 : i32
    %dma_start3A_19 = arith.constant 0 : i32
    %dma_start3A_20 = arith.constant 0 : i32
    %dma_start3A_21 = tpu.memref_slice %arg9[%dma_start3A_18, %dma_start3A_19, %dma_start3A_20] : memref<6x128x64xf32, #tpu.memory_space<vmem>> -> memref<1x128x64xf32, #tpu.memory_space<vmem>>
    %dma_start3A_22 = tpu.memref_squeeze %dma_start3A_21 : memref<1x128x64xf32, #tpu.memory_space<vmem>> -> memref<128x64xf32, #tpu.memory_space<vmem>>
    %dma_start3A_23 = arith.constant 0 : i32
    %dma_start3A_24 = tpu.memref_slice %arg5[%dma_start3A_17, %dma_start3A_23] : memref<78x128xi32, #tpu.memory_space<vmem>> -> memref<1x128xi32, #tpu.memory_space<vmem>>
    %dma_start3A_25 = tpu.memref_squeeze %dma_start3A_24 : memref<1x128xi32, #tpu.memory_space<vmem>> -> memref<128xi32, #tpu.memory_space<vmem>>
    %dma_start3A_26 = arith.constant 0 : i32
    %dma_start3A_27 = arith.constant 0 : i32
    %dma_start3A_28 = tpu.memref_slice %arg2[%dma_start3A_26, %dma_start3A_27] : memref<10000x64xf32, #tpu.memory_space<hbm>> -> memref<10000x64xf32, #tpu.memory_space<hbm>>
    tpu.enqueue_indirect_dma source(%dma_start3A_28 : memref<10000x64xf32, #tpu.memory_space<hbm>>) target(%dma_start3A_22 : memref<128x64xf32, #tpu.memory_space<vmem>>) offsets(%dma_start3A_25 : memref<128xi32, #tpu.memory_space<vmem>>) semaphore(%arg14 : memref<!tpu.dma_semaphore, #tpu.memory_space<semaphore_mem>>)
    %dma_start3A_29 = arith.constant 2 : i32
    %dma_start3A_30 = arith.constant 2 : i32
    %dma_start3A_31 = arith.constant 0 : i32
    %dma_start3A_32 = arith.constant 0 : i32
    %dma_start3A_33 = tpu.memref_slice %arg9[%dma_start3A_30, %dma_start3A_31, %dma_start3A_32] : memref<6x128x64xf32, #tpu.memory_space<vmem>> -> memref<1x128x64xf32, #tpu.memory_space<vmem>>
    %dma_start3A_34 = tpu.memref_squeeze %dma_start3A_33 : memref<1x128x64xf32, #tpu.memory_space<vmem>> -> memref<128x64xf32, #tpu.memory_space<vmem>>
    %dma_start3A_35 = arith.constant 0 : i32
    %dma_start3A_36 = tpu.memref_slice %arg5[%dma_start3A_29, %dma_start3A_35] : memref<78x128xi32, #tpu.memory_space<vmem>> -> memref<1x128xi32, #tpu.memory_space<vmem>>
    %dma_start3A_37 = tpu.memref_squeeze %dma_start3A_36 : memref<1x128xi32, #tpu.memory_space<vmem>> -> memref<128xi32, #tpu.memory_space<vmem>>
    %dma_start3A_38 = arith.constant 0 : i32
    %dma_start3A_39 = arith.constant 0 : i32
    %dma_start3A_40 = tpu.memref_slice %arg2[%dma_start3A_38, %dma_start3A_39] : memref<10000x64xf32, #tpu.memory_space<hbm>> -> memref<10000x64xf32, #tpu.memory_space<hbm>>
    tpu.enqueue_indirect_dma source(%dma_start3A_40 : memref<10000x64xf32, #tpu.memory_space<hbm>>) target(%dma_start3A_34 : memref<128x64xf32, #tpu.memory_space<vmem>>) offsets(%dma_start3A_37 : memref<128xi32, #tpu.memory_space<vmem>>) semaphore(%arg15 : memref<!tpu.dma_semaphore, #tpu.memory_space<semaphore_mem>>)
    %dma_start3A_41 = arith.constant 3 : i32
    %dma_start3A_42 = arith.constant 3 : i32
    %dma_start3A_43 = arith.constant 0 : i32
    %dma_start3A_44 = arith.constant 0 : i32
    %dma_start3A_45 = tpu.memref_slice %arg9[%dma_start3A_42, %dma_start3A_43, %dma_start3A_44] : memref<6x128x64xf32, #tpu.memory_space<vmem>> -> memref<1x128x64xf32, #tpu.memory_space<vmem>>
    %dma_start3A_46 = tpu.memref_squeeze %dma_start3A_45 : memref<1x128x64xf32, #tpu.memory_space<vmem>> -> memref<128x64xf32, #tpu.memory_space<vmem>>
    %dma_start3A_47 = arith.constant 0 : i32
    %dma_start3A_48 = tpu.memref_slice %arg5[%dma_start3A_41, %dma_start3A_47] : memref<78x128xi32, #tpu.memory_space<vmem>> -> memref<1x128xi32, #tpu.memory_space<vmem>>
    %dma_start3A_49 = tpu.memref_squeeze %dma_start3A_48 : memref<1x128xi32, #tpu.memory_space<vmem>> -> memref<128xi32, #tpu.memory_space<vmem>>
    %dma_start3A_50 = arith.constant 0 : i32
    %dma_start3A_51 = arith.constant 0 : i32
    %dma_start3A_52 = tpu.memref_slice %arg2[%dma_start3A_50, %dma_start3A_51] : memref<10000x64xf32, #tpu.memory_space<hbm>> -> memref<10000x64xf32, #tpu.memory_space<hbm>>
    tpu.enqueue_indirect_dma source(%dma_start3A_52 : memref<10000x64xf32, #tpu.memory_space<hbm>>) target(%dma_start3A_46 : memref<128x64xf32, #tpu.memory_space<vmem>>) offsets(%dma_start3A_49 : memref<128xi32, #tpu.memory_space<vmem>>) semaphore(%arg16 : memref<!tpu.dma_semaphore, #tpu.memory_space<semaphore_mem>>)
    %lt3A_53 = arith.constant 4 : i32
    %lt3A_54 = arith.cmpi slt, %add3A, %lt3A_53 : i32
    %convert_element_type3A_55 = arith.extui %lt3A_54 : i1 to i32
    %cond3A_56 = arith.constant 0 : i32
    %cond3A_57 = arith.cmpi ne, %convert_element_type3A_55, %cond3A_56 : i32
    scf.if %cond3A_57 {
      %dma_start3A_164 = arith.constant 0 : i32
      %dma_start3A_165 = arith.constant 0 : i32
      %dma_start3A_166 = tpu.memref_slice %arg7[%dma_start3A_164, %dma_start3A_165] : memref<1x128xi32, #tpu.memory_space<vmem>> -> memref<1x128xi32, #tpu.memory_space<vmem>>
      %dma_start3A_167 = tpu.memref_squeeze %dma_start3A_166 : memref<1x128xi32, #tpu.memory_space<vmem>> -> memref<128xi32, #tpu.memory_space<vmem>>
      %dma_start3A_168 = arith.constant 0 : i32
      %dma_start3A_169 = arith.constant 0 : i32
      %dma_start3A_170 = tpu.memref_slice %arg2[%dma_start3A_168, %dma_start3A_169] : memref<10000x64xf32, #tpu.memory_space<hbm>> -> memref<10000x64xf32, #tpu.memory_space<hbm>>
      tpu.enqueue_indirect_dma source(%dma_start3A_170 : memref<10000x64xf32, #tpu.memory_space<hbm>>) target(%arg11 : memref<128x64xf32, #tpu.memory_space<vmem>>) offsets(%dma_start3A_167 : memref<128xi32, #tpu.memory_space<vmem>>) semaphore(%arg25 : memref<!tpu.dma_semaphore, #tpu.memory_space<semaphore_mem>>)
    } else {
    }
    %scan3A = arith.constant 0 : i32
    %scan3A_58 = arith.constant 0 : i32
    %scan3A_59 = arith.constant 128 : i32
    %scan3A_60 = arith.addi %scan3A_58, %scan3A_59 : i32
    %scan3A_61 = arith.constant 1 : i32
    scf.for %scan3A_164 = %scan3A_58 to %scan3A_60 step %scan3A_61  : i32 {
      %broadcast_in_dim3A = arith.constant 0.000000e+00 : f32
      %broadcast_in_dim3A_165 = vector.broadcast %broadcast_in_dim3A : f32 to vector<16xf32>
      %swap3A = arith.index_cast %scan3A_164 : i32 to index
      %swap3A_166 = arith.constant 0 : index
      %swap3A_167 = tpu.vector_load %arg10[%swap3A, %swap3A_166] {strides = array<i32>} : memref<128x64xf32, #tpu.memory_space<vmem>>, vector<1x16xf32>,
      %swap3A_168 = vector.shape_cast %swap3A_167 : vector<1x16xf32> to vector<16xf32>
      %swap3A_169 = vector.shape_cast %broadcast_in_dim3A_165 : vector<16xf32> to vector<1x16xf32>
      tpu.vector_store %arg10[%swap3A, %swap3A_166], %swap3A_169 {strides = array<i32>} : memref<128x64xf32, #tpu.memory_space<vmem>>, vector<1x16xf32>,
      %broadcast_in_dim3A_170 = arith.constant 0.000000e+00 : f32
      %broadcast_in_dim3A_171 = vector.broadcast %broadcast_in_dim3A_170 : f32 to vector<16xf32>
      %swap3A_172 = arith.index_cast %scan3A_164 : i32 to index
      %swap3A_173 = arith.constant 16 : index
      %swap3A_174 = tpu.vector_load %arg10[%swap3A_172, %swap3A_173] {strides = array<i32>} : memref<128x64xf32, #tpu.memory_space<vmem>>, vector<1x16xf32>,
      %swap3A_175 = vector.shape_cast %swap3A_174 : vector<1x16xf32> to vector<16xf32>
      %swap3A_176 = vector.shape_cast %broadcast_in_dim3A_171 : vector<16xf32> to vector<1x16xf32>
      tpu.vector_store %arg10[%swap3A_172, %swap3A_173], %swap3A_176 {strides = array<i32>} : memref<128x64xf32, #tpu.memory_space<vmem>>, vector<1x16xf32>,
      %broadcast_in_dim3A_177 = arith.constant 0.000000e+00 : f32
      %broadcast_in_dim3A_178 = vector.broadcast %broadcast_in_dim3A_177 : f32 to vector<16xf32>
      %swap3A_179 = arith.index_cast %scan3A_164 : i32 to index
      %swap3A_180 = arith.constant 32 : index
      %swap3A_181 = tpu.vector_load %arg10[%swap3A_179, %swap3A_180] {strides = array<i32>} : memref<128x64xf32, #tpu.memory_space<vmem>>, vector<1x16xf32>,
      %swap3A_182 = vector.shape_cast %swap3A_181 : vector<1x16xf32> to vector<16xf32>
      %swap3A_183 = vector.shape_cast %broadcast_in_dim3A_178 : vector<16xf32> to vector<1x16xf32>
      tpu.vector_store %arg10[%swap3A_179, %swap3A_180], %swap3A_183 {strides = array<i32>} : memref<128x64xf32, #tpu.memory_space<vmem>>, vector<1x16xf32>,
      %broadcast_in_dim3A_184 = arith.constant 0.000000e+00 : f32
      %broadcast_in_dim3A_185 = vector.broadcast %broadcast_in_dim3A_184 : f32 to vector<16xf32>
      %swap3A_186 = arith.index_cast %scan3A_164 : i32 to index
      %swap3A_187 = arith.constant 48 : index
      %swap3A_188 = tpu.vector_load %arg10[%swap3A_186, %swap3A_187] {strides = array<i32>} : memref<128x64xf32, #tpu.memory_space<vmem>>, vector<1x16xf32>,
      %swap3A_189 = vector.shape_cast %swap3A_188 : vector<1x16xf32> to vector<16xf32>
      %swap3A_190 = vector.shape_cast %broadcast_in_dim3A_185 : vector<16xf32> to vector<1x16xf32>
      tpu.vector_store %arg10[%swap3A_186, %swap3A_187], %swap3A_190 {strides = array<i32>} : memref<128x64xf32, #tpu.memory_space<vmem>>, vector<1x16xf32>,
    }
    %scan3A_62 = arith.constant 128 : i32
    %mul3A_63 = arith.constant 625 : i32
    %mul3A_64 = arith.muli %arg1, %mul3A_63 : i32
    %add3A_65 = arith.constant 0 : i32
    %add3A_66 = arith.addi %mul3A_64, %add3A_65 : i32
    "tpu.region"() ({
      %run_scoped3A_164 = tpu.sem_alloc : memref<!tpu.dma_semaphore, #tpu.memory_space<semaphore_mem>>
      %dma_start3A_165 = arith.constant 0 : i32
      %dma_start3A_166 = tpu.memref_slice %arg12[%add3A_66, %dma_start3A_165] : memref<10000x64xf32, #tpu.memory_space<vmem_shared>> -> memref<128x64xf32, #tpu.memory_space<vmem_shared>>
      %dma_start3A_167 = arith.constant 0 : i32
      %dma_start3A_168 = tpu.memref_slice %arg12[%add3A_66, %dma_start3A_167] : memref<10000x64xf32, #tpu.memory_space<vmem_shared>> -> memref<128x64xf32, #tpu.memory_space<vmem_shared>>
      tpu.enqueue_dma source(%arg10 : memref<128x64xf32, #tpu.memory_space<vmem>>) target(%dma_start3A_168 : memref<128x64xf32, #tpu.memory_space<vmem_shared>>) target_semaphore(%run_scoped3A_164 : memref<!tpu.dma_semaphore, #tpu.memory_space<semaphore_mem>>)
      %dma_wait3A_169 = arith.constant 0 : i32
      %dma_wait3A_170 = tpu.memref_slice %arg12[%add3A_66, %dma_wait3A_169] : memref<10000x64xf32, #tpu.memory_space<vmem_shared>> -> memref<128x64xf32, #tpu.memory_space<vmem_shared>>
      %dma_wait3A_171 = arith.constant 0 : i32
      %dma_wait3A_172 = tpu.memref_slice %arg12[%add3A_66, %dma_wait3A_171] : memref<10000x64xf32, #tpu.memory_space<vmem_shared>> -> memref<128x64xf32, #tpu.memory_space<vmem_shared>>
      tpu.wait_dma2 semaphore(%run_scoped3A_164 : memref<!tpu.dma_semaphore, #tpu.memory_space<semaphore_mem>>) src(%arg10 : memref<128x64xf32, #tpu.memory_space<vmem>>) dst(%dma_wait3A_172 : memref<128x64xf32, #tpu.memory_space<vmem_shared>>)
      tpu.yield
    }) : () -> ()
    %add3A_67 = arith.constant 128 : i32
    %add3A_68 = arith.addi %mul3A_64, %add3A_67 : i32
    "tpu.region"() ({
      %run_scoped3A_164 = tpu.sem_alloc : memref<!tpu.dma_semaphore, #tpu.memory_space<semaphore_mem>>
      %dma_start3A_165 = arith.constant 0 : i32
      %dma_start3A_166 = tpu.memref_slice %arg12[%add3A_68, %dma_start3A_165] : memref<10000x64xf32, #tpu.memory_space<vmem_shared>> -> memref<128x64xf32, #tpu.memory_space<vmem_shared>>
      %dma_start3A_167 = arith.constant 0 : i32
      %dma_start3A_168 = tpu.memref_slice %arg12[%add3A_68, %dma_start3A_167] : memref<10000x64xf32, #tpu.memory_space<vmem_shared>> -> memref<128x64xf32, #tpu.memory_space<vmem_shared>>
      tpu.enqueue_dma source(%arg10 : memref<128x64xf32, #tpu.memory_space<vmem>>) target(%dma_start3A_168 : memref<128x64xf32, #tpu.memory_space<vmem_shared>>) target_semaphore(%run_scoped3A_164 : memref<!tpu.dma_semaphore, #tpu.memory_space<semaphore_mem>>)
      %dma_wait3A_169 = arith.constant 0 : i32
      %dma_wait3A_170 = tpu.memref_slice %arg12[%add3A_68, %dma_wait3A_169] : memref<10000x64xf32, #tpu.memory_space<vmem_shared>> -> memref<128x64xf32, #tpu.memory_space<vmem_shared>>
      %dma_wait3A_171 = arith.constant 0 : i32
      %dma_wait3A_172 = tpu.memref_slice %arg12[%add3A_68, %dma_wait3A_171] : memref<10000x64xf32, #tpu.memory_space<vmem_shared>> -> memref<128x64xf32, #tpu.memory_space<vmem_shared>>
      tpu.wait_dma2 semaphore(%run_scoped3A_164 : memref<!tpu.dma_semaphore, #tpu.memory_space<semaphore_mem>>) src(%arg10 : memref<128x64xf32, #tpu.memory_space<vmem>>) dst(%dma_wait3A_172 : memref<128x64xf32, #tpu.memory_space<vmem_shared>>)
      tpu.yield
    }) : () -> ()
    %add3A_69 = arith.constant 256 : i32
    %add3A_70 = arith.addi %mul3A_64, %add3A_69 : i32
    "tpu.region"() ({
      %run_scoped3A_164 = tpu.sem_alloc : memref<!tpu.dma_semaphore, #tpu.memory_space<semaphore_mem>>
      %dma_start3A_165 = arith.constant 0 : i32
      %dma_start3A_166 = tpu.memref_slice %arg12[%add3A_70, %dma_start3A_165] : memref<10000x64xf32, #tpu.memory_space<vmem_shared>> -> memref<128x64xf32, #tpu.memory_space<vmem_shared>>
      %dma_start3A_167 = arith.constant 0 : i32
      %dma_start3A_168 = tpu.memref_slice %arg12[%add3A_70, %dma_start3A_167] : memref<10000x64xf32, #tpu.memory_space<vmem_shared>> -> memref<128x64xf32, #tpu.memory_space<vmem_shared>>
      tpu.enqueue_dma source(%arg10 : memref<128x64xf32, #tpu.memory_space<vmem>>) target(%dma_start3A_168 : memref<128x64xf32, #tpu.memory_space<vmem_shared>>) target_semaphore(%run_scoped3A_164 : memref<!tpu.dma_semaphore, #tpu.memory_space<semaphore_mem>>)
      %dma_wait3A_169 = arith.constant 0 : i32
      %dma_wait3A_170 = tpu.memref_slice %arg12[%add3A_70, %dma_wait3A_169] : memref<10000x64xf32, #tpu.memory_space<vmem_shared>> -> memref<128x64xf32, #tpu.memory_space<vmem_shared>>
      %dma_wait3A_171 = arith.constant 0 : i32
      %dma_wait3A_172 = tpu.memref_slice %arg12[%add3A_70, %dma_wait3A_171] : memref<10000x64xf32, #tpu.memory_space<vmem_shared>> -> memref<128x64xf32, #tpu.memory_space<vmem_shared>>
      tpu.wait_dma2 semaphore(%run_scoped3A_164 : memref<!tpu.dma_semaphore, #tpu.memory_space<semaphore_mem>>) src(%arg10 : memref<128x64xf32, #tpu.memory_space<vmem>>) dst(%dma_wait3A_172 : memref<128x64xf32, #tpu.memory_space<vmem_shared>>)
      tpu.yield
    }) : () -> ()
    %add3A_71 = arith.constant 384 : i32
    %add3A_72 = arith.addi %mul3A_64, %add3A_71 : i32
    "tpu.region"() ({
      %run_scoped3A_164 = tpu.sem_alloc : memref<!tpu.dma_semaphore, #tpu.memory_space<semaphore_mem>>
      %dma_start3A_165 = arith.constant 0 : i32
      %dma_start3A_166 = tpu.memref_slice %arg12[%add3A_72, %dma_start3A_165] : memref<10000x64xf32, #tpu.memory_space<vmem_shared>> -> memref<128x64xf32, #tpu.memory_space<vmem_shared>>
      %dma_start3A_167 = arith.constant 0 : i32
      %dma_start3A_168 = tpu.memref_slice %arg12[%add3A_72, %dma_start3A_167] : memref<10000x64xf32, #tpu.memory_space<vmem_shared>> -> memref<128x64xf32, #tpu.memory_space<vmem_shared>>
      tpu.enqueue_dma source(%arg10 : memref<128x64xf32, #tpu.memory_space<vmem>>) target(%dma_start3A_168 : memref<128x64xf32, #tpu.memory_space<vmem_shared>>) target_semaphore(%run_scoped3A_164 : memref<!tpu.dma_semaphore, #tpu.memory_space<semaphore_mem>>)
      %dma_wait3A_169 = arith.constant 0 : i32
      %dma_wait3A_170 = tpu.memref_slice %arg12[%add3A_72, %dma_wait3A_169] : memref<10000x64xf32, #tpu.memory_space<vmem_shared>> -> memref<128x64xf32, #tpu.memory_space<vmem_shared>>
      %dma_wait3A_171 = arith.constant 0 : i32
      %dma_wait3A_172 = tpu.memref_slice %arg12[%add3A_72, %dma_wait3A_171] : memref<10000x64xf32, #tpu.memory_space<vmem_shared>> -> memref<128x64xf32, #tpu.memory_space<vmem_shared>>
      tpu.wait_dma2 semaphore(%run_scoped3A_164 : memref<!tpu.dma_semaphore, #tpu.memory_space<semaphore_mem>>) src(%arg10 : memref<128x64xf32, #tpu.memory_space<vmem>>) dst(%dma_wait3A_172 : memref<128x64xf32, #tpu.memory_space<vmem_shared>>)
      tpu.yield
    }) : () -> ()
    %add3A_73 = arith.constant 512 : i32
    %add3A_74 = arith.addi %mul3A_64, %add3A_73 : i32
    "tpu.region"() ({
      %run_scoped3A_164 = tpu.sem_alloc : memref<!tpu.dma_semaphore, #tpu.memory_space<semaphore_mem>>
      %dma_start3A_165 = arith.constant 0 : i32
      %dma_start3A_166 = arith.constant 0 : i32
      %dma_start3A_167 = tpu.memref_slice %arg10[%dma_start3A_165, %dma_start3A_166] : memref<128x64xf32, #tpu.memory_space<vmem>> -> memref<113x64xf32, #tpu.memory_space<vmem>>
      %dma_start3A_168 = arith.constant 0 : i32
      %dma_start3A_169 = tpu.memref_slice %arg12[%add3A_74, %dma_start3A_168] : memref<10000x64xf32, #tpu.memory_space<vmem_shared>> -> memref<113x64xf32, #tpu.memory_space<vmem_shared>>
      %dma_start3A_170 = arith.constant 0 : i32
      %dma_start3A_171 = tpu.memref_slice %arg12[%add3A_74, %dma_start3A_170] : memref<10000x64xf32, #tpu.memory_space<vmem_shared>> -> memref<113x64xf32, #tpu.memory_space<vmem_shared>>
      %dma_start3A_172 = arith.constant 0 : i32
      %dma_start3A_173 = arith.constant 0 : i32
      %dma_start3A_174 = tpu.memref_slice %arg10[%dma_start3A_172, %dma_start3A_173] : memref<128x64xf32, #tpu.memory_space<vmem>> -> memref<113x64xf32, #tpu.memory_space<vmem>>
      tpu.enqueue_dma source(%dma_start3A_174 : memref<113x64xf32, #tpu.memory_space<vmem>>) target(%dma_start3A_171 : memref<113x64xf32, #tpu.memory_space<vmem_shared>>) target_semaphore(%run_scoped3A_164 : memref<!tpu.dma_semaphore, #tpu.memory_space<semaphore_mem>>)
      %dma_wait3A_175 = arith.constant 0 : i32
      %dma_wait3A_176 = arith.constant 0 : i32
      %dma_wait3A_177 = tpu.memref_slice %arg10[%dma_wait3A_175, %dma_wait3A_176] : memref<128x64xf32, #tpu.memory_space<vmem>> -> memref<113x64xf32, #tpu.memory_space<vmem>>
      %dma_wait3A_178 = arith.constant 0 : i32
      %dma_wait3A_179 = tpu.memref_slice %arg12[%add3A_74, %dma_wait3A_178] : memref<10000x64xf32, #tpu.memory_space<vmem_shared>> -> memref<113x64xf32, #tpu.memory_space<vmem_shared>>
      %dma_wait3A_180 = arith.constant 0 : i32
      %dma_wait3A_181 = tpu.memref_slice %arg12[%add3A_74, %dma_wait3A_180] : memref<10000x64xf32, #tpu.memory_space<vmem_shared>> -> memref<113x64xf32, #tpu.memory_space<vmem_shared>>
      %dma_wait3A_182 = arith.constant 0 : i32
      %dma_wait3A_183 = arith.constant 0 : i32
      %dma_wait3A_184 = tpu.memref_slice %arg10[%dma_wait3A_182, %dma_wait3A_183] : memref<128x64xf32, #tpu.memory_space<vmem>> -> memref<113x64xf32, #tpu.memory_space<vmem>>
      tpu.wait_dma2 semaphore(%run_scoped3A_164 : memref<!tpu.dma_semaphore, #tpu.memory_space<semaphore_mem>>) src(%dma_wait3A_184 : memref<113x64xf32, #tpu.memory_space<vmem>>) dst(%dma_wait3A_181 : memref<113x64xf32, #tpu.memory_space<vmem_shared>>)
      tpu.yield
    }) : () -> ()
    %barrier3A = arith.constant 0 : index
    tpu.barrier barrier_id(%barrier3A)
    %scan3A_75 = arith.constant 0 : i32
    %scan3A_76 = arith.constant 0 : i32
    %scan3A_77 = arith.constant 13 : i32
    %scan3A_78 = arith.addi %scan3A_76, %scan3A_77 : i32
    %scan3A_79 = arith.constant 1 : i32
    scf.for %scan3A_164 = %scan3A_76 to %scan3A_78 step %scan3A_79  : i32 {
      %mul3A_165 = arith.constant 6 : i32
      %mul3A_166 = arith.muli %scan3A_164, %mul3A_165 : i32
      %add3A_167 = arith.constant 0 : i32
      %add3A_168 = arith.addi %mul3A_166, %add3A_167 : i32
      %dma_wait3A_169 = arith.constant 0 : i32
      %dma_wait3A_170 = arith.constant 0 : i32
      %dma_wait3A_171 = arith.constant 0 : i32
      %dma_wait3A_172 = tpu.memref_slice %arg9[%dma_wait3A_169, %dma_wait3A_170, %dma_wait3A_171] : memref<6x128x64xf32, #tpu.memory_space<vmem>> -> memref<1x128x64xf32, #tpu.memory_space<vmem>>
      %dma_wait3A_173 = tpu.memref_squeeze %dma_wait3A_172 : memref<1x128x64xf32, #tpu.memory_space<vmem>> -> memref<128x64xf32, #tpu.memory_space<vmem>>
      %dma_wait3A_174 = arith.constant 0 : i32
      %dma_wait3A_175 = tpu.memref_slice %arg5[%add3A_168, %dma_wait3A_174] : memref<78x128xi32, #tpu.memory_space<vmem>> -> memref<1x128xi32, #tpu.memory_space<vmem>>
      %dma_wait3A_176 = tpu.memref_squeeze %dma_wait3A_175 : memref<1x128xi32, #tpu.memory_space<vmem>> -> memref<128xi32, #tpu.memory_space<vmem>>
      %dma_wait3A_177 = arith.constant 0 : i32
      %dma_wait3A_178 = arith.constant 0 : i32
      %dma_wait3A_179 = tpu.memref_slice %arg2[%dma_wait3A_177, %dma_wait3A_178] : memref<10000x64xf32, #tpu.memory_space<hbm>> -> memref<10000x64xf32, #tpu.memory_space<hbm>>
      tpu.wait_indirect_dma semaphore(%arg13 : memref<!tpu.dma_semaphore, #tpu.memory_space<semaphore_mem>>) src(%dma_wait3A_179 : memref<10000x64xf32, #tpu.memory_space<hbm>>) dst(%dma_wait3A_173 : memref<128x64xf32, #tpu.memory_space<vmem>>)
      %dma_start3A_180 = arith.constant 0 : i32
      %dma_start3A_181 = arith.constant 0 : i32
      %dma_start3A_182 = arith.constant 0 : i32
      %dma_start3A_183 = tpu.memref_slice %arg9[%dma_start3A_180, %dma_start3A_181, %dma_start3A_182] : memref<6x128x64xf32, #tpu.memory_space<vmem>> -> memref<1x128x64xf32, #tpu.memory_space<vmem>>
      %dma_start3A_184 = tpu.memref_squeeze %dma_start3A_183 : memref<1x128x64xf32, #tpu.memory_space<vmem>> -> memref<128x64xf32, #tpu.memory_space<vmem>>
      %dma_start3A_185 = arith.constant 0 : i32
      %dma_start3A_186 = tpu.memref_slice %arg6[%add3A_168, %dma_start3A_185] : memref<78x128xi32, #tpu.memory_space<vmem>> -> memref<1x128xi32, #tpu.memory_space<vmem>>
      %dma_start3A_187 = tpu.memref_squeeze %dma_start3A_186 : memref<1x128xi32, #tpu.memory_space<vmem>> -> memref<128xi32, #tpu.memory_space<vmem>>
      %dma_start3A_188 = arith.constant 0 : i32
      %dma_start3A_189 = arith.constant 0 : i32
      %dma_start3A_190 = tpu.memref_slice %arg12[%dma_start3A_188, %dma_start3A_189] : memref<10000x64xf32, #tpu.memory_space<vmem_shared>> -> memref<10000x64xf32, #tpu.memory_space<vmem_shared>>
      tpu.enqueue_indirect_dma source(%dma_start3A_184 : memref<128x64xf32, #tpu.memory_space<vmem>>) target(%dma_start3A_190 : memref<10000x64xf32, #tpu.memory_space<vmem_shared>>) offsets(%dma_start3A_187 : memref<128xi32, #tpu.memory_space<vmem>>) semaphore(%arg19 : memref<!tpu.dma_semaphore, #tpu.memory_space<semaphore_mem>>) {add = true}
      %add3A_191 = arith.constant 4 : i32
      %add3A_192 = arith.addi %add3A_168, %add3A_191 : i32
      %lt3A_193 = arith.constant 78 : i32
      %lt3A_194 = arith.cmpi slt, %add3A_192, %lt3A_193 : i32
      %convert_element_type3A_195 = arith.extui %lt3A_194 : i1 to i32
      %cond3A_196 = arith.constant 0 : i32
      %cond3A_197 = arith.cmpi ne, %convert_element_type3A_195, %cond3A_196 : i32
      scf.if %cond3A_197 {
        %ge3A = arith.constant 2 : i32
        %ge3A_363 = arith.cmpi sge, %add3A_168, %ge3A : i32
        %convert_element_type3A_364 = arith.extui %ge3A_363 : i1 to i32
        %cond3A_365 = arith.constant 0 : i32
        %cond3A_366 = arith.cmpi ne, %convert_element_type3A_364, %cond3A_365 : i32
        scf.if %cond3A_366 {
          %sub3A = arith.constant 2 : i32
          %sub3A_378 = arith.subi %add3A_168, %sub3A : i32
          %dma_wait3A_379 = arith.constant 4 : i32
          %dma_wait3A_380 = arith.constant 0 : i32
          %dma_wait3A_381 = arith.constant 0 : i32
          %dma_wait3A_382 = tpu.memref_slice %arg9[%dma_wait3A_379, %dma_wait3A_380, %dma_wait3A_381] : memref<6x128x64xf32, #tpu.memory_space<vmem>> -> memref<1x128x64xf32, #tpu.memory_space<vmem>>
          %dma_wait3A_383 = tpu.memref_squeeze %dma_wait3A_382 : memref<1x128x64xf32, #tpu.memory_space<vmem>> -> memref<128x64xf32, #tpu.memory_space<vmem>>
          %dma_wait3A_384 = arith.constant 0 : i32
          %dma_wait3A_385 = tpu.memref_slice %arg6[%sub3A_378, %dma_wait3A_384] : memref<78x128xi32, #tpu.memory_space<vmem>> -> memref<1x128xi32, #tpu.memory_space<vmem>>
          %dma_wait3A_386 = tpu.memref_squeeze %dma_wait3A_385 : memref<1x128xi32, #tpu.memory_space<vmem>> -> memref<128xi32, #tpu.memory_space<vmem>>
          %dma_wait3A_387 = arith.constant 0 : i32
          %dma_wait3A_388 = arith.constant 0 : i32
          %dma_wait3A_389 = tpu.memref_slice %arg12[%dma_wait3A_387, %dma_wait3A_388] : memref<10000x64xf32, #tpu.memory_space<vmem_shared>> -> memref<10000x64xf32, #tpu.memory_space<vmem_shared>>
          tpu.wait_indirect_dma semaphore(%arg23 : memref<!tpu.dma_semaphore, #tpu.memory_space<semaphore_mem>>) src(%dma_wait3A_383 : memref<128x64xf32, #tpu.memory_space<vmem>>) dst(%dma_wait3A_389 : memref<10000x64xf32, #tpu.memory_space<vmem_shared>>)
        } else {
        }
        %dma_start3A_367 = arith.constant 4 : i32
        %dma_start3A_368 = arith.constant 0 : i32
        %dma_start3A_369 = arith.constant 0 : i32
        %dma_start3A_370 = tpu.memref_slice %arg9[%dma_start3A_367, %dma_start3A_368, %dma_start3A_369] : memref<6x128x64xf32, #tpu.memory_space<vmem>> -> memref<1x128x64xf32, #tpu.memory_space<vmem>>
        %dma_start3A_371 = tpu.memref_squeeze %dma_start3A_370 : memref<1x128x64xf32, #tpu.memory_space<vmem>> -> memref<128x64xf32, #tpu.memory_space<vmem>>
        %dma_start3A_372 = arith.constant 0 : i32
        %dma_start3A_373 = tpu.memref_slice %arg5[%add3A_192, %dma_start3A_372] : memref<78x128xi32, #tpu.memory_space<vmem>> -> memref<1x128xi32, #tpu.memory_space<vmem>>
        %dma_start3A_374 = tpu.memref_squeeze %dma_start3A_373 : memref<1x128xi32, #tpu.memory_space<vmem>> -> memref<128xi32, #tpu.memory_space<vmem>>
        %dma_start3A_375 = arith.constant 0 : i32
        %dma_start3A_376 = arith.constant 0 : i32
        %dma_start3A_377 = tpu.memref_slice %arg2[%dma_start3A_375, %dma_start3A_376] : memref<10000x64xf32, #tpu.memory_space<hbm>> -> memref<10000x64xf32, #tpu.memory_space<hbm>>
        tpu.enqueue_indirect_dma source(%dma_start3A_377 : memref<10000x64xf32, #tpu.memory_space<hbm>>) target(%dma_start3A_371 : memref<128x64xf32, #tpu.memory_space<vmem>>) offsets(%dma_start3A_374 : memref<128xi32, #tpu.memory_space<vmem>>) semaphore(%arg17 : memref<!tpu.dma_semaphore, #tpu.memory_space<semaphore_mem>>)
      } else {
      }
      %mul3A_198 = arith.constant 6 : i32
      %mul3A_199 = arith.muli %scan3A_164, %mul3A_198 : i32
      %add3A_200 = arith.constant 1 : i32
      %add3A_201 = arith.addi %mul3A_199, %add3A_200 : i32
      %dma_wait3A_202 = arith.constant 1 : i32
      %dma_wait3A_203 = arith.constant 0 : i32
      %dma_wait3A_204 = arith.constant 0 : i32
      %dma_wait3A_205 = tpu.memref_slice %arg9[%dma_wait3A_202, %dma_wait3A_203, %dma_wait3A_204] : memref<6x128x64xf32, #tpu.memory_space<vmem>> -> memref<1x128x64xf32, #tpu.memory_space<vmem>>
      %dma_wait3A_206 = tpu.memref_squeeze %dma_wait3A_205 : memref<1x128x64xf32, #tpu.memory_space<vmem>> -> memref<128x64xf32, #tpu.memory_space<vmem>>
      %dma_wait3A_207 = arith.constant 0 : i32
      %dma_wait3A_208 = tpu.memref_slice %arg5[%add3A_201, %dma_wait3A_207] : memref<78x128xi32, #tpu.memory_space<vmem>> -> memref<1x128xi32, #tpu.memory_space<vmem>>
      %dma_wait3A_209 = tpu.memref_squeeze %dma_wait3A_208 : memref<1x128xi32, #tpu.memory_space<vmem>> -> memref<128xi32, #tpu.memory_space<vmem>>
      %dma_wait3A_210 = arith.constant 0 : i32
      %dma_wait3A_211 = arith.constant 0 : i32
      %dma_wait3A_212 = tpu.memref_slice %arg2[%dma_wait3A_210, %dma_wait3A_211] : memref<10000x64xf32, #tpu.memory_space<hbm>> -> memref<10000x64xf32, #tpu.memory_space<hbm>>
      tpu.wait_indirect_dma semaphore(%arg14 : memref<!tpu.dma_semaphore, #tpu.memory_space<semaphore_mem>>) src(%dma_wait3A_212 : memref<10000x64xf32, #tpu.memory_space<hbm>>) dst(%dma_wait3A_206 : memref<128x64xf32, #tpu.memory_space<vmem>>)
      %dma_start3A_213 = arith.constant 1 : i32
      %dma_start3A_214 = arith.constant 0 : i32
      %dma_start3A_215 = arith.constant 0 : i32
      %dma_start3A_216 = tpu.memref_slice %arg9[%dma_start3A_213, %dma_start3A_214, %dma_start3A_215] : memref<6x128x64xf32, #tpu.memory_space<vmem>> -> memref<1x128x64xf32, #tpu.memory_space<vmem>>
      %dma_start3A_217 = tpu.memref_squeeze %dma_start3A_216 : memref<1x128x64xf32, #tpu.memory_space<vmem>> -> memref<128x64xf32, #tpu.memory_space<vmem>>
      %dma_start3A_218 = arith.constant 0 : i32
      %dma_start3A_219 = tpu.memref_slice %arg6[%add3A_201, %dma_start3A_218] : memref<78x128xi32, #tpu.memory_space<vmem>> -> memref<1x128xi32, #tpu.memory_space<vmem>>
      %dma_start3A_220 = tpu.memref_squeeze %dma_start3A_219 : memref<1x128xi32, #tpu.memory_space<vmem>> -> memref<128xi32, #tpu.memory_space<vmem>>
      %dma_start3A_221 = arith.constant 0 : i32
      %dma_start3A_222 = arith.constant 0 : i32
      %dma_start3A_223 = tpu.memref_slice %arg12[%dma_start3A_221, %dma_start3A_222] : memref<10000x64xf32, #tpu.memory_space<vmem_shared>> -> memref<10000x64xf32, #tpu.memory_space<vmem_shared>>
      tpu.enqueue_indirect_dma source(%dma_start3A_217 : memref<128x64xf32, #tpu.memory_space<vmem>>) target(%dma_start3A_223 : memref<10000x64xf32, #tpu.memory_space<vmem_shared>>) offsets(%dma_start3A_220 : memref<128xi32, #tpu.memory_space<vmem>>) semaphore(%arg20 : memref<!tpu.dma_semaphore, #tpu.memory_space<semaphore_mem>>) {add = true}
      %add3A_224 = arith.constant 4 : i32
      %add3A_225 = arith.addi %add3A_201, %add3A_224 : i32
      %lt3A_226 = arith.constant 78 : i32
      %lt3A_227 = arith.cmpi slt, %add3A_225, %lt3A_226 : i32
      %convert_element_type3A_228 = arith.extui %lt3A_227 : i1 to i32
      %cond3A_229 = arith.constant 0 : i32
      %cond3A_230 = arith.cmpi ne, %convert_element_type3A_228, %cond3A_229 : i32
      scf.if %cond3A_230 {
        %ge3A = arith.constant 2 : i32
        %ge3A_363 = arith.cmpi sge, %add3A_201, %ge3A : i32
        %convert_element_type3A_364 = arith.extui %ge3A_363 : i1 to i32
        %cond3A_365 = arith.constant 0 : i32
        %cond3A_366 = arith.cmpi ne, %convert_element_type3A_364, %cond3A_365 : i32
        scf.if %cond3A_366 {
          %sub3A = arith.constant 2 : i32
          %sub3A_378 = arith.subi %add3A_201, %sub3A : i32
          %dma_wait3A_379 = arith.constant 5 : i32
          %dma_wait3A_380 = arith.constant 0 : i32
          %dma_wait3A_381 = arith.constant 0 : i32
          %dma_wait3A_382 = tpu.memref_slice %arg9[%dma_wait3A_379, %dma_wait3A_380, %dma_wait3A_381] : memref<6x128x64xf32, #tpu.memory_space<vmem>> -> memref<1x128x64xf32, #tpu.memory_space<vmem>>
          %dma_wait3A_383 = tpu.memref_squeeze %dma_wait3A_382 : memref<1x128x64xf32, #tpu.memory_space<vmem>> -> memref<128x64xf32, #tpu.memory_space<vmem>>
          %dma_wait3A_384 = arith.constant 0 : i32
          %dma_wait3A_385 = tpu.memref_slice %arg6[%sub3A_378, %dma_wait3A_384] : memref<78x128xi32, #tpu.memory_space<vmem>> -> memref<1x128xi32, #tpu.memory_space<vmem>>
          %dma_wait3A_386 = tpu.memref_squeeze %dma_wait3A_385 : memref<1x128xi32, #tpu.memory_space<vmem>> -> memref<128xi32, #tpu.memory_space<vmem>>
          %dma_wait3A_387 = arith.constant 0 : i32
          %dma_wait3A_388 = arith.constant 0 : i32
          %dma_wait3A_389 = tpu.memref_slice %arg12[%dma_wait3A_387, %dma_wait3A_388] : memref<10000x64xf32, #tpu.memory_space<vmem_shared>> -> memref<10000x64xf32, #tpu.memory_space<vmem_shared>>
          tpu.wait_indirect_dma semaphore(%arg24 : memref<!tpu.dma_semaphore, #tpu.memory_space<semaphore_mem>>) src(%dma_wait3A_383 : memref<128x64xf32, #tpu.memory_space<vmem>>) dst(%dma_wait3A_389 : memref<10000x64xf32, #tpu.memory_space<vmem_shared>>)
        } else {
        }
        %dma_start3A_367 = arith.constant 5 : i32
        %dma_start3A_368 = arith.constant 0 : i32
        %dma_start3A_369 = arith.constant 0 : i32
        %dma_start3A_370 = tpu.memref_slice %arg9[%dma_start3A_367, %dma_start3A_368, %dma_start3A_369] : memref<6x128x64xf32, #tpu.memory_space<vmem>> -> memref<1x128x64xf32, #tpu.memory_space<vmem>>
        %dma_start3A_371 = tpu.memref_squeeze %dma_start3A_370 : memref<1x128x64xf32, #tpu.memory_space<vmem>> -> memref<128x64xf32, #tpu.memory_space<vmem>>
        %dma_start3A_372 = arith.constant 0 : i32
        %dma_start3A_373 = tpu.memref_slice %arg5[%add3A_225, %dma_start3A_372] : memref<78x128xi32, #tpu.memory_space<vmem>> -> memref<1x128xi32, #tpu.memory_space<vmem>>
        %dma_start3A_374 = tpu.memref_squeeze %dma_start3A_373 : memref<1x128xi32, #tpu.memory_space<vmem>> -> memref<128xi32, #tpu.memory_space<vmem>>
        %dma_start3A_375 = arith.constant 0 : i32
        %dma_start3A_376 = arith.constant 0 : i32
        %dma_start3A_377 = tpu.memref_slice %arg2[%dma_start3A_375, %dma_start3A_376] : memref<10000x64xf32, #tpu.memory_space<hbm>> -> memref<10000x64xf32, #tpu.memory_space<hbm>>
        tpu.enqueue_indirect_dma source(%dma_start3A_377 : memref<10000x64xf32, #tpu.memory_space<hbm>>) target(%dma_start3A_371 : memref<128x64xf32, #tpu.memory_space<vmem>>) offsets(%dma_start3A_374 : memref<128xi32, #tpu.memory_space<vmem>>) semaphore(%arg18 : memref<!tpu.dma_semaphore, #tpu.memory_space<semaphore_mem>>)
      } else {
      }
      %mul3A_231 = arith.constant 6 : i32
      %mul3A_232 = arith.muli %scan3A_164, %mul3A_231 : i32
      %add3A_233 = arith.constant 2 : i32
      %add3A_234 = arith.addi %mul3A_232, %add3A_233 : i32
      %dma_wait3A_235 = arith.constant 2 : i32
      %dma_wait3A_236 = arith.constant 0 : i32
      %dma_wait3A_237 = arith.constant 0 : i32
      %dma_wait3A_238 = tpu.memref_slice %arg9[%dma_wait3A_235, %dma_wait3A_236, %dma_wait3A_237] : memref<6x128x64xf32, #tpu.memory_space<vmem>> -> memref<1x128x64xf32, #tpu.memory_space<vmem>>
      %dma_wait3A_239 = tpu.memref_squeeze %dma_wait3A_238 : memref<1x128x64xf32, #tpu.memory_space<vmem>> -> memref<128x64xf32, #tpu.memory_space<vmem>>
      %dma_wait3A_240 = arith.constant 0 : i32
      %dma_wait3A_241 = tpu.memref_slice %arg5[%add3A_234, %dma_wait3A_240] : memref<78x128xi32, #tpu.memory_space<vmem>> -> memref<1x128xi32, #tpu.memory_space<vmem>>
      %dma_wait3A_242 = tpu.memref_squeeze %dma_wait3A_241 : memref<1x128xi32, #tpu.memory_space<vmem>> -> memref<128xi32, #tpu.memory_space<vmem>>
      %dma_wait3A_243 = arith.constant 0 : i32
      %dma_wait3A_244 = arith.constant 0 : i32
      %dma_wait3A_245 = tpu.memref_slice %arg2[%dma_wait3A_243, %dma_wait3A_244] : memref<10000x64xf32, #tpu.memory_space<hbm>> -> memref<10000x64xf32, #tpu.memory_space<hbm>>
      tpu.wait_indirect_dma semaphore(%arg15 : memref<!tpu.dma_semaphore, #tpu.memory_space<semaphore_mem>>) src(%dma_wait3A_245 : memref<10000x64xf32, #tpu.memory_space<hbm>>) dst(%dma_wait3A_239 : memref<128x64xf32, #tpu.memory_space<vmem>>)
      %dma_start3A_246 = arith.constant 2 : i32
      %dma_start3A_247 = arith.constant 0 : i32
      %dma_start3A_248 = arith.constant 0 : i32
      %dma_start3A_249 = tpu.memref_slice %arg9[%dma_start3A_246, %dma_start3A_247, %dma_start3A_248] : memref<6x128x64xf32, #tpu.memory_space<vmem>> -> memref<1x128x64xf32, #tpu.memory_space<vmem>>
      %dma_start3A_250 = tpu.memref_squeeze %dma_start3A_249 : memref<1x128x64xf32, #tpu.memory_space<vmem>> -> memref<128x64xf32, #tpu.memory_space<vmem>>
      %dma_start3A_251 = arith.constant 0 : i32
      %dma_start3A_252 = tpu.memref_slice %arg6[%add3A_234, %dma_start3A_251] : memref<78x128xi32, #tpu.memory_space<vmem>> -> memref<1x128xi32, #tpu.memory_space<vmem>>
      %dma_start3A_253 = tpu.memref_squeeze %dma_start3A_252 : memref<1x128xi32, #tpu.memory_space<vmem>> -> memref<128xi32, #tpu.memory_space<vmem>>
      %dma_start3A_254 = arith.constant 0 : i32
      %dma_start3A_255 = arith.constant 0 : i32
      %dma_start3A_256 = tpu.memref_slice %arg12[%dma_start3A_254, %dma_start3A_255] : memref<10000x64xf32, #tpu.memory_space<vmem_shared>> -> memref<10000x64xf32, #tpu.memory_space<vmem_shared>>
      tpu.enqueue_indirect_dma source(%dma_start3A_250 : memref<128x64xf32, #tpu.memory_space<vmem>>) target(%dma_start3A_256 : memref<10000x64xf32, #tpu.memory_space<vmem_shared>>) offsets(%dma_start3A_253 : memref<128xi32, #tpu.memory_space<vmem>>) semaphore(%arg21 : memref<!tpu.dma_semaphore, #tpu.memory_space<semaphore_mem>>) {add = true}
      %add3A_257 = arith.constant 4 : i32
      %add3A_258 = arith.addi %add3A_234, %add3A_257 : i32
      %lt3A_259 = arith.constant 78 : i32
      %lt3A_260 = arith.cmpi slt, %add3A_258, %lt3A_259 : i32
      %convert_element_type3A_261 = arith.extui %lt3A_260 : i1 to i32
      %cond3A_262 = arith.constant 0 : i32
      %cond3A_263 = arith.cmpi ne, %convert_element_type3A_261, %cond3A_262 : i32
      scf.if %cond3A_263 {
        %ge3A = arith.constant 2 : i32
        %ge3A_363 = arith.cmpi sge, %add3A_234, %ge3A : i32
        %convert_element_type3A_364 = arith.extui %ge3A_363 : i1 to i32
        %cond3A_365 = arith.constant 0 : i32
        %cond3A_366 = arith.cmpi ne, %convert_element_type3A_364, %cond3A_365 : i32
        scf.if %cond3A_366 {
          %sub3A = arith.constant 2 : i32
          %sub3A_378 = arith.subi %add3A_234, %sub3A : i32
          %dma_wait3A_379 = arith.constant 0 : i32
          %dma_wait3A_380 = arith.constant 0 : i32
          %dma_wait3A_381 = arith.constant 0 : i32
          %dma_wait3A_382 = tpu.memref_slice %arg9[%dma_wait3A_379, %dma_wait3A_380, %dma_wait3A_381] : memref<6x128x64xf32, #tpu.memory_space<vmem>> -> memref<1x128x64xf32, #tpu.memory_space<vmem>>
          %dma_wait3A_383 = tpu.memref_squeeze %dma_wait3A_382 : memref<1x128x64xf32, #tpu.memory_space<vmem>> -> memref<128x64xf32, #tpu.memory_space<vmem>>
          %dma_wait3A_384 = arith.constant 0 : i32
          %dma_wait3A_385 = tpu.memref_slice %arg6[%sub3A_378, %dma_wait3A_384] : memref<78x128xi32, #tpu.memory_space<vmem>> -> memref<1x128xi32, #tpu.memory_space<vmem>>
          %dma_wait3A_386 = tpu.memref_squeeze %dma_wait3A_385 : memref<1x128xi32, #tpu.memory_space<vmem>> -> memref<128xi32, #tpu.memory_space<vmem>>
          %dma_wait3A_387 = arith.constant 0 : i32
          %dma_wait3A_388 = arith.constant 0 : i32
          %dma_wait3A_389 = tpu.memref_slice %arg12[%dma_wait3A_387, %dma_wait3A_388] : memref<10000x64xf32, #tpu.memory_space<vmem_shared>> -> memref<10000x64xf32, #tpu.memory_space<vmem_shared>>
          tpu.wait_indirect_dma semaphore(%arg19 : memref<!tpu.dma_semaphore, #tpu.memory_space<semaphore_mem>>) src(%dma_wait3A_383 : memref<128x64xf32, #tpu.memory_space<vmem>>) dst(%dma_wait3A_389 : memref<10000x64xf32, #tpu.memory_space<vmem_shared>>)
        } else {
        }
        %dma_start3A_367 = arith.constant 0 : i32
        %dma_start3A_368 = arith.constant 0 : i32
        %dma_start3A_369 = arith.constant 0 : i32
        %dma_start3A_370 = tpu.memref_slice %arg9[%dma_start3A_367, %dma_start3A_368, %dma_start3A_369] : memref<6x128x64xf32, #tpu.memory_space<vmem>> -> memref<1x128x64xf32, #tpu.memory_space<vmem>>
        %dma_start3A_371 = tpu.memref_squeeze %dma_start3A_370 : memref<1x128x64xf32, #tpu.memory_space<vmem>> -> memref<128x64xf32, #tpu.memory_space<vmem>>
        %dma_start3A_372 = arith.constant 0 : i32
        %dma_start3A_373 = tpu.memref_slice %arg5[%add3A_258, %dma_start3A_372] : memref<78x128xi32, #tpu.memory_space<vmem>> -> memref<1x128xi32, #tpu.memory_space<vmem>>
        %dma_start3A_374 = tpu.memref_squeeze %dma_start3A_373 : memref<1x128xi32, #tpu.memory_space<vmem>> -> memref<128xi32, #tpu.memory_space<vmem>>
        %dma_start3A_375 = arith.constant 0 : i32
        %dma_start3A_376 = arith.constant 0 : i32
        %dma_start3A_377 = tpu.memref_slice %arg2[%dma_start3A_375, %dma_start3A_376] : memref<10000x64xf32, #tpu.memory_space<hbm>> -> memref<10000x64xf32, #tpu.memory_space<hbm>>
        tpu.enqueue_indirect_dma source(%dma_start3A_377 : memref<10000x64xf32, #tpu.memory_space<hbm>>) target(%dma_start3A_371 : memref<128x64xf32, #tpu.memory_space<vmem>>) offsets(%dma_start3A_374 : memref<128xi32, #tpu.memory_space<vmem>>) semaphore(%arg13 : memref<!tpu.dma_semaphore, #tpu.memory_space<semaphore_mem>>)
      } else {
      }
      %mul3A_264 = arith.constant 6 : i32
      %mul3A_265 = arith.muli %scan3A_164, %mul3A_264 : i32
      %add3A_266 = arith.constant 3 : i32
      %add3A_267 = arith.addi %mul3A_265, %add3A_266 : i32
      %dma_wait3A_268 = arith.constant 3 : i32
      %dma_wait3A_269 = arith.constant 0 : i32
      %dma_wait3A_270 = arith.constant 0 : i32
      %dma_wait3A_271 = tpu.memref_slice %arg9[%dma_wait3A_268, %dma_wait3A_269, %dma_wait3A_270] : memref<6x128x64xf32, #tpu.memory_space<vmem>> -> memref<1x128x64xf32, #tpu.memory_space<vmem>>
      %dma_wait3A_272 = tpu.memref_squeeze %dma_wait3A_271 : memref<1x128x64xf32, #tpu.memory_space<vmem>> -> memref<128x64xf32, #tpu.memory_space<vmem>>
      %dma_wait3A_273 = arith.constant 0 : i32
      %dma_wait3A_274 = tpu.memref_slice %arg5[%add3A_267, %dma_wait3A_273] : memref<78x128xi32, #tpu.memory_space<vmem>> -> memref<1x128xi32, #tpu.memory_space<vmem>>
      %dma_wait3A_275 = tpu.memref_squeeze %dma_wait3A_274 : memref<1x128xi32, #tpu.memory_space<vmem>> -> memref<128xi32, #tpu.memory_space<vmem>>
      %dma_wait3A_276 = arith.constant 0 : i32
      %dma_wait3A_277 = arith.constant 0 : i32
      %dma_wait3A_278 = tpu.memref_slice %arg2[%dma_wait3A_276, %dma_wait3A_277] : memref<10000x64xf32, #tpu.memory_space<hbm>> -> memref<10000x64xf32, #tpu.memory_space<hbm>>
      tpu.wait_indirect_dma semaphore(%arg16 : memref<!tpu.dma_semaphore, #tpu.memory_space<semaphore_mem>>) src(%dma_wait3A_278 : memref<10000x64xf32, #tpu.memory_space<hbm>>) dst(%dma_wait3A_272 : memref<128x64xf32, #tpu.memory_space<vmem>>)
      %dma_start3A_279 = arith.constant 3 : i32
      %dma_start3A_280 = arith.constant 0 : i32
      %dma_start3A_281 = arith.constant 0 : i32
      %dma_start3A_282 = tpu.memref_slice %arg9[%dma_start3A_279, %dma_start3A_280, %dma_start3A_281] : memref<6x128x64xf32, #tpu.memory_space<vmem>> -> memref<1x128x64xf32, #tpu.memory_space<vmem>>
      %dma_start3A_283 = tpu.memref_squeeze %dma_start3A_282 : memref<1x128x64xf32, #tpu.memory_space<vmem>> -> memref<128x64xf32, #tpu.memory_space<vmem>>
      %dma_start3A_284 = arith.constant 0 : i32
      %dma_start3A_285 = tpu.memref_slice %arg6[%add3A_267, %dma_start3A_284] : memref<78x128xi32, #tpu.memory_space<vmem>> -> memref<1x128xi32, #tpu.memory_space<vmem>>
      %dma_start3A_286 = tpu.memref_squeeze %dma_start3A_285 : memref<1x128xi32, #tpu.memory_space<vmem>> -> memref<128xi32, #tpu.memory_space<vmem>>
      %dma_start3A_287 = arith.constant 0 : i32
      %dma_start3A_288 = arith.constant 0 : i32
      %dma_start3A_289 = tpu.memref_slice %arg12[%dma_start3A_287, %dma_start3A_288] : memref<10000x64xf32, #tpu.memory_space<vmem_shared>> -> memref<10000x64xf32, #tpu.memory_space<vmem_shared>>
      tpu.enqueue_indirect_dma source(%dma_start3A_283 : memref<128x64xf32, #tpu.memory_space<vmem>>) target(%dma_start3A_289 : memref<10000x64xf32, #tpu.memory_space<vmem_shared>>) offsets(%dma_start3A_286 : memref<128xi32, #tpu.memory_space<vmem>>) semaphore(%arg22 : memref<!tpu.dma_semaphore, #tpu.memory_space<semaphore_mem>>) {add = true}
      %add3A_290 = arith.constant 4 : i32
      %add3A_291 = arith.addi %add3A_267, %add3A_290 : i32
      %lt3A_292 = arith.constant 78 : i32
      %lt3A_293 = arith.cmpi slt, %add3A_291, %lt3A_292 : i32
      %convert_element_type3A_294 = arith.extui %lt3A_293 : i1 to i32
      %cond3A_295 = arith.constant 0 : i32
      %cond3A_296 = arith.cmpi ne, %convert_element_type3A_294, %cond3A_295 : i32
      scf.if %cond3A_296 {
        %ge3A = arith.constant 2 : i32
        %ge3A_363 = arith.cmpi sge, %add3A_267, %ge3A : i32
        %convert_element_type3A_364 = arith.extui %ge3A_363 : i1 to i32
        %cond3A_365 = arith.constant 0 : i32
        %cond3A_366 = arith.cmpi ne, %convert_element_type3A_364, %cond3A_365 : i32
        scf.if %cond3A_366 {
          %sub3A = arith.constant 2 : i32
          %sub3A_378 = arith.subi %add3A_267, %sub3A : i32
          %dma_wait3A_379 = arith.constant 1 : i32
          %dma_wait3A_380 = arith.constant 0 : i32
          %dma_wait3A_381 = arith.constant 0 : i32
          %dma_wait3A_382 = tpu.memref_slice %arg9[%dma_wait3A_379, %dma_wait3A_380, %dma_wait3A_381] : memref<6x128x64xf32, #tpu.memory_space<vmem>> -> memref<1x128x64xf32, #tpu.memory_space<vmem>>
          %dma_wait3A_383 = tpu.memref_squeeze %dma_wait3A_382 : memref<1x128x64xf32, #tpu.memory_space<vmem>> -> memref<128x64xf32, #tpu.memory_space<vmem>>
          %dma_wait3A_384 = arith.constant 0 : i32
          %dma_wait3A_385 = tpu.memref_slice %arg6[%sub3A_378, %dma_wait3A_384] : memref<78x128xi32, #tpu.memory_space<vmem>> -> memref<1x128xi32, #tpu.memory_space<vmem>>
          %dma_wait3A_386 = tpu.memref_squeeze %dma_wait3A_385 : memref<1x128xi32, #tpu.memory_space<vmem>> -> memref<128xi32, #tpu.memory_space<vmem>>
          %dma_wait3A_387 = arith.constant 0 : i32
          %dma_wait3A_388 = arith.constant 0 : i32
          %dma_wait3A_389 = tpu.memref_slice %arg12[%dma_wait3A_387, %dma_wait3A_388] : memref<10000x64xf32, #tpu.memory_space<vmem_shared>> -> memref<10000x64xf32, #tpu.memory_space<vmem_shared>>
          tpu.wait_indirect_dma semaphore(%arg20 : memref<!tpu.dma_semaphore, #tpu.memory_space<semaphore_mem>>) src(%dma_wait3A_383 : memref<128x64xf32, #tpu.memory_space<vmem>>) dst(%dma_wait3A_389 : memref<10000x64xf32, #tpu.memory_space<vmem_shared>>)
        } else {
        }
        %dma_start3A_367 = arith.constant 1 : i32
        %dma_start3A_368 = arith.constant 0 : i32
        %dma_start3A_369 = arith.constant 0 : i32
        %dma_start3A_370 = tpu.memref_slice %arg9[%dma_start3A_367, %dma_start3A_368, %dma_start3A_369] : memref<6x128x64xf32, #tpu.memory_space<vmem>> -> memref<1x128x64xf32, #tpu.memory_space<vmem>>
        %dma_start3A_371 = tpu.memref_squeeze %dma_start3A_370 : memref<1x128x64xf32, #tpu.memory_space<vmem>> -> memref<128x64xf32, #tpu.memory_space<vmem>>
        %dma_start3A_372 = arith.constant 0 : i32
        %dma_start3A_373 = tpu.memref_slice %arg5[%add3A_291, %dma_start3A_372] : memref<78x128xi32, #tpu.memory_space<vmem>> -> memref<1x128xi32, #tpu.memory_space<vmem>>
        %dma_start3A_374 = tpu.memref_squeeze %dma_start3A_373 : memref<1x128xi32, #tpu.memory_space<vmem>> -> memref<128xi32, #tpu.memory_space<vmem>>
        %dma_start3A_375 = arith.constant 0 : i32
        %dma_start3A_376 = arith.constant 0 : i32
        %dma_start3A_377 = tpu.memref_slice %arg2[%dma_start3A_375, %dma_start3A_376] : memref<10000x64xf32, #tpu.memory_space<hbm>> -> memref<10000x64xf32, #tpu.memory_space<hbm>>
        tpu.enqueue_indirect_dma source(%dma_start3A_377 : memref<10000x64xf32, #tpu.memory_space<hbm>>) target(%dma_start3A_371 : memref<128x64xf32, #tpu.memory_space<vmem>>) offsets(%dma_start3A_374 : memref<128xi32, #tpu.memory_space<vmem>>) semaphore(%arg14 : memref<!tpu.dma_semaphore, #tpu.memory_space<semaphore_mem>>)
      } else {
      }
      %mul3A_297 = arith.constant 6 : i32
      %mul3A_298 = arith.muli %scan3A_164, %mul3A_297 : i32
      %add3A_299 = arith.constant 4 : i32
      %add3A_300 = arith.addi %mul3A_298, %add3A_299 : i32
      %dma_wait3A_301 = arith.constant 4 : i32
      %dma_wait3A_302 = arith.constant 0 : i32
      %dma_wait3A_303 = arith.constant 0 : i32
      %dma_wait3A_304 = tpu.memref_slice %arg9[%dma_wait3A_301, %dma_wait3A_302, %dma_wait3A_303] : memref<6x128x64xf32, #tpu.memory_space<vmem>> -> memref<1x128x64xf32, #tpu.memory_space<vmem>>
      %dma_wait3A_305 = tpu.memref_squeeze %dma_wait3A_304 : memref<1x128x64xf32, #tpu.memory_space<vmem>> -> memref<128x64xf32, #tpu.memory_space<vmem>>
      %dma_wait3A_306 = arith.constant 0 : i32
      %dma_wait3A_307 = tpu.memref_slice %arg5[%add3A_300, %dma_wait3A_306] : memref<78x128xi32, #tpu.memory_space<vmem>> -> memref<1x128xi32, #tpu.memory_space<vmem>>
      %dma_wait3A_308 = tpu.memref_squeeze %dma_wait3A_307 : memref<1x128xi32, #tpu.memory_space<vmem>> -> memref<128xi32, #tpu.memory_space<vmem>>
      %dma_wait3A_309 = arith.constant 0 : i32
      %dma_wait3A_310 = arith.constant 0 : i32
      %dma_wait3A_311 = tpu.memref_slice %arg2[%dma_wait3A_309, %dma_wait3A_310] : memref<10000x64xf32, #tpu.memory_space<hbm>> -> memref<10000x64xf32, #tpu.memory_space<hbm>>
      tpu.wait_indirect_dma semaphore(%arg17 : memref<!tpu.dma_semaphore, #tpu.memory_space<semaphore_mem>>) src(%dma_wait3A_311 : memref<10000x64xf32, #tpu.memory_space<hbm>>) dst(%dma_wait3A_305 : memref<128x64xf32, #tpu.memory_space<vmem>>)
      %dma_start3A_312 = arith.constant 4 : i32
      %dma_start3A_313 = arith.constant 0 : i32
      %dma_start3A_314 = arith.constant 0 : i32
      %dma_start3A_315 = tpu.memref_slice %arg9[%dma_start3A_312, %dma_start3A_313, %dma_start3A_314] : memref<6x128x64xf32, #tpu.memory_space<vmem>> -> memref<1x128x64xf32, #tpu.memory_space<vmem>>
      %dma_start3A_316 = tpu.memref_squeeze %dma_start3A_315 : memref<1x128x64xf32, #tpu.memory_space<vmem>> -> memref<128x64xf32, #tpu.memory_space<vmem>>
      %dma_start3A_317 = arith.constant 0 : i32
      %dma_start3A_318 = tpu.memref_slice %arg6[%add3A_300, %dma_start3A_317] : memref<78x128xi32, #tpu.memory_space<vmem>> -> memref<1x128xi32, #tpu.memory_space<vmem>>
      %dma_start3A_319 = tpu.memref_squeeze %dma_start3A_318 : memref<1x128xi32, #tpu.memory_space<vmem>> -> memref<128xi32, #tpu.memory_space<vmem>>
      %dma_start3A_320 = arith.constant 0 : i32
      %dma_start3A_321 = arith.constant 0 : i32
      %dma_start3A_322 = tpu.memref_slice %arg12[%dma_start3A_320, %dma_start3A_321] : memref<10000x64xf32, #tpu.memory_space<vmem_shared>> -> memref<10000x64xf32, #tpu.memory_space<vmem_shared>>
      tpu.enqueue_indirect_dma source(%dma_start3A_316 : memref<128x64xf32, #tpu.memory_space<vmem>>) target(%dma_start3A_322 : memref<10000x64xf32, #tpu.memory_space<vmem_shared>>) offsets(%dma_start3A_319 : memref<128xi32, #tpu.memory_space<vmem>>) semaphore(%arg23 : memref<!tpu.dma_semaphore, #tpu.memory_space<semaphore_mem>>) {add = true}
      %add3A_323 = arith.constant 4 : i32
      %add3A_324 = arith.addi %add3A_300, %add3A_323 : i32
      %lt3A_325 = arith.constant 78 : i32
      %lt3A_326 = arith.cmpi slt, %add3A_324, %lt3A_325 : i32
      %convert_element_type3A_327 = arith.extui %lt3A_326 : i1 to i32
      %cond3A_328 = arith.constant 0 : i32
      %cond3A_329 = arith.cmpi ne, %convert_element_type3A_327, %cond3A_328 : i32
      scf.if %cond3A_329 {
        %ge3A = arith.constant 2 : i32
        %ge3A_363 = arith.cmpi sge, %add3A_300, %ge3A : i32
        %convert_element_type3A_364 = arith.extui %ge3A_363 : i1 to i32
        %cond3A_365 = arith.constant 0 : i32
        %cond3A_366 = arith.cmpi ne, %convert_element_type3A_364, %cond3A_365 : i32
        scf.if %cond3A_366 {
          %sub3A = arith.constant 2 : i32
          %sub3A_378 = arith.subi %add3A_300, %sub3A : i32
          %dma_wait3A_379 = arith.constant 2 : i32
          %dma_wait3A_380 = arith.constant 0 : i32
          %dma_wait3A_381 = arith.constant 0 : i32
          %dma_wait3A_382 = tpu.memref_slice %arg9[%dma_wait3A_379, %dma_wait3A_380, %dma_wait3A_381] : memref<6x128x64xf32, #tpu.memory_space<vmem>> -> memref<1x128x64xf32, #tpu.memory_space<vmem>>
          %dma_wait3A_383 = tpu.memref_squeeze %dma_wait3A_382 : memref<1x128x64xf32, #tpu.memory_space<vmem>> -> memref<128x64xf32, #tpu.memory_space<vmem>>
          %dma_wait3A_384 = arith.constant 0 : i32
          %dma_wait3A_385 = tpu.memref_slice %arg6[%sub3A_378, %dma_wait3A_384] : memref<78x128xi32, #tpu.memory_space<vmem>> -> memref<1x128xi32, #tpu.memory_space<vmem>>
          %dma_wait3A_386 = tpu.memref_squeeze %dma_wait3A_385 : memref<1x128xi32, #tpu.memory_space<vmem>> -> memref<128xi32, #tpu.memory_space<vmem>>
          %dma_wait3A_387 = arith.constant 0 : i32
          %dma_wait3A_388 = arith.constant 0 : i32
          %dma_wait3A_389 = tpu.memref_slice %arg12[%dma_wait3A_387, %dma_wait3A_388] : memref<10000x64xf32, #tpu.memory_space<vmem_shared>> -> memref<10000x64xf32, #tpu.memory_space<vmem_shared>>
          tpu.wait_indirect_dma semaphore(%arg21 : memref<!tpu.dma_semaphore, #tpu.memory_space<semaphore_mem>>) src(%dma_wait3A_383 : memref<128x64xf32, #tpu.memory_space<vmem>>) dst(%dma_wait3A_389 : memref<10000x64xf32, #tpu.memory_space<vmem_shared>>)
        } else {
        }
        %dma_start3A_367 = arith.constant 2 : i32
        %dma_start3A_368 = arith.constant 0 : i32
        %dma_start3A_369 = arith.constant 0 : i32
        %dma_start3A_370 = tpu.memref_slice %arg9[%dma_start3A_367, %dma_start3A_368, %dma_start3A_369] : memref<6x128x64xf32, #tpu.memory_space<vmem>> -> memref<1x128x64xf32, #tpu.memory_space<vmem>>
        %dma_start3A_371 = tpu.memref_squeeze %dma_start3A_370 : memref<1x128x64xf32, #tpu.memory_space<vmem>> -> memref<128x64xf32, #tpu.memory_space<vmem>>
        %dma_start3A_372 = arith.constant 0 : i32
        %dma_start3A_373 = tpu.memref_slice %arg5[%add3A_324, %dma_start3A_372] : memref<78x128xi32, #tpu.memory_space<vmem>> -> memref<1x128xi32, #tpu.memory_space<vmem>>
        %dma_start3A_374 = tpu.memref_squeeze %dma_start3A_373 : memref<1x128xi32, #tpu.memory_space<vmem>> -> memref<128xi32, #tpu.memory_space<vmem>>
        %dma_start3A_375 = arith.constant 0 : i32
        %dma_start3A_376 = arith.constant 0 : i32
        %dma_start3A_377 = tpu.memref_slice %arg2[%dma_start3A_375, %dma_start3A_376] : memref<10000x64xf32, #tpu.memory_space<hbm>> -> memref<10000x64xf32, #tpu.memory_space<hbm>>
        tpu.enqueue_indirect_dma source(%dma_start3A_377 : memref<10000x64xf32, #tpu.memory_space<hbm>>) target(%dma_start3A_371 : memref<128x64xf32, #tpu.memory_space<vmem>>) offsets(%dma_start3A_374 : memref<128xi32, #tpu.memory_space<vmem>>) semaphore(%arg15 : memref<!tpu.dma_semaphore, #tpu.memory_space<semaphore_mem>>)
      } else {
      }
      %mul3A_330 = arith.constant 6 : i32
      %mul3A_331 = arith.muli %scan3A_164, %mul3A_330 : i32
      %add3A_332 = arith.constant 5 : i32
      %add3A_333 = arith.addi %mul3A_331, %add3A_332 : i32
      %dma_wait3A_334 = arith.constant 5 : i32
      %dma_wait3A_335 = arith.constant 0 : i32
      %dma_wait3A_336 = arith.constant 0 : i32
      %dma_wait3A_337 = tpu.memref_slice %arg9[%dma_wait3A_334, %dma_wait3A_335, %dma_wait3A_336] : memref<6x128x64xf32, #tpu.memory_space<vmem>> -> memref<1x128x64xf32, #tpu.memory_space<vmem>>
      %dma_wait3A_338 = tpu.memref_squeeze %dma_wait3A_337 : memref<1x128x64xf32, #tpu.memory_space<vmem>> -> memref<128x64xf32, #tpu.memory_space<vmem>>
      %dma_wait3A_339 = arith.constant 0 : i32
      %dma_wait3A_340 = tpu.memref_slice %arg5[%add3A_333, %dma_wait3A_339] : memref<78x128xi32, #tpu.memory_space<vmem>> -> memref<1x128xi32, #tpu.memory_space<vmem>>
      %dma_wait3A_341 = tpu.memref_squeeze %dma_wait3A_340 : memref<1x128xi32, #tpu.memory_space<vmem>> -> memref<128xi32, #tpu.memory_space<vmem>>
      %dma_wait3A_342 = arith.constant 0 : i32
      %dma_wait3A_343 = arith.constant 0 : i32
      %dma_wait3A_344 = tpu.memref_slice %arg2[%dma_wait3A_342, %dma_wait3A_343] : memref<10000x64xf32, #tpu.memory_space<hbm>> -> memref<10000x64xf32, #tpu.memory_space<hbm>>
      tpu.wait_indirect_dma semaphore(%arg18 : memref<!tpu.dma_semaphore, #tpu.memory_space<semaphore_mem>>) src(%dma_wait3A_344 : memref<10000x64xf32, #tpu.memory_space<hbm>>) dst(%dma_wait3A_338 : memref<128x64xf32, #tpu.memory_space<vmem>>)
      %dma_start3A_345 = arith.constant 5 : i32
      %dma_start3A_346 = arith.constant 0 : i32
      %dma_start3A_347 = arith.constant 0 : i32
      %dma_start3A_348 = tpu.memref_slice %arg9[%dma_start3A_345, %dma_start3A_346, %dma_start3A_347] : memref<6x128x64xf32, #tpu.memory_space<vmem>> -> memref<1x128x64xf32, #tpu.memory_space<vmem>>
      %dma_start3A_349 = tpu.memref_squeeze %dma_start3A_348 : memref<1x128x64xf32, #tpu.memory_space<vmem>> -> memref<128x64xf32, #tpu.memory_space<vmem>>
      %dma_start3A_350 = arith.constant 0 : i32
      %dma_start3A_351 = tpu.memref_slice %arg6[%add3A_333, %dma_start3A_350] : memref<78x128xi32, #tpu.memory_space<vmem>> -> memref<1x128xi32, #tpu.memory_space<vmem>>
      %dma_start3A_352 = tpu.memref_squeeze %dma_start3A_351 : memref<1x128xi32, #tpu.memory_space<vmem>> -> memref<128xi32, #tpu.memory_space<vmem>>
      %dma_start3A_353 = arith.constant 0 : i32
      %dma_start3A_354 = arith.constant 0 : i32
      %dma_start3A_355 = tpu.memref_slice %arg12[%dma_start3A_353, %dma_start3A_354] : memref<10000x64xf32, #tpu.memory_space<vmem_shared>> -> memref<10000x64xf32, #tpu.memory_space<vmem_shared>>
      tpu.enqueue_indirect_dma source(%dma_start3A_349 : memref<128x64xf32, #tpu.memory_space<vmem>>) target(%dma_start3A_355 : memref<10000x64xf32, #tpu.memory_space<vmem_shared>>) offsets(%dma_start3A_352 : memref<128xi32, #tpu.memory_space<vmem>>) semaphore(%arg24 : memref<!tpu.dma_semaphore, #tpu.memory_space<semaphore_mem>>) {add = true}
      %add3A_356 = arith.constant 4 : i32
      %add3A_357 = arith.addi %add3A_333, %add3A_356 : i32
      %lt3A_358 = arith.constant 78 : i32
      %lt3A_359 = arith.cmpi slt, %add3A_357, %lt3A_358 : i32
      %convert_element_type3A_360 = arith.extui %lt3A_359 : i1 to i32
      %cond3A_361 = arith.constant 0 : i32
      %cond3A_362 = arith.cmpi ne, %convert_element_type3A_360, %cond3A_361 : i32
      scf.if %cond3A_362 {
        %ge3A = arith.constant 2 : i32
        %ge3A_363 = arith.cmpi sge, %add3A_333, %ge3A : i32
        %convert_element_type3A_364 = arith.extui %ge3A_363 : i1 to i32
        %cond3A_365 = arith.constant 0 : i32
        %cond3A_366 = arith.cmpi ne, %convert_element_type3A_364, %cond3A_365 : i32
        scf.if %cond3A_366 {
          %sub3A = arith.constant 2 : i32
          %sub3A_378 = arith.subi %add3A_333, %sub3A : i32
          %dma_wait3A_379 = arith.constant 3 : i32
          %dma_wait3A_380 = arith.constant 0 : i32
          %dma_wait3A_381 = arith.constant 0 : i32
          %dma_wait3A_382 = tpu.memref_slice %arg9[%dma_wait3A_379, %dma_wait3A_380, %dma_wait3A_381] : memref<6x128x64xf32, #tpu.memory_space<vmem>> -> memref<1x128x64xf32, #tpu.memory_space<vmem>>
          %dma_wait3A_383 = tpu.memref_squeeze %dma_wait3A_382 : memref<1x128x64xf32, #tpu.memory_space<vmem>> -> memref<128x64xf32, #tpu.memory_space<vmem>>
          %dma_wait3A_384 = arith.constant 0 : i32
          %dma_wait3A_385 = tpu.memref_slice %arg6[%sub3A_378, %dma_wait3A_384] : memref<78x128xi32, #tpu.memory_space<vmem>> -> memref<1x128xi32, #tpu.memory_space<vmem>>
          %dma_wait3A_386 = tpu.memref_squeeze %dma_wait3A_385 : memref<1x128xi32, #tpu.memory_space<vmem>> -> memref<128xi32, #tpu.memory_space<vmem>>
          %dma_wait3A_387 = arith.constant 0 : i32
          %dma_wait3A_388 = arith.constant 0 : i32
          %dma_wait3A_389 = tpu.memref_slice %arg12[%dma_wait3A_387, %dma_wait3A_388] : memref<10000x64xf32, #tpu.memory_space<vmem_shared>> -> memref<10000x64xf32, #tpu.memory_space<vmem_shared>>
          tpu.wait_indirect_dma semaphore(%arg22 : memref<!tpu.dma_semaphore, #tpu.memory_space<semaphore_mem>>) src(%dma_wait3A_383 : memref<128x64xf32, #tpu.memory_space<vmem>>) dst(%dma_wait3A_389 : memref<10000x64xf32, #tpu.memory_space<vmem_shared>>)
        } else {
        }
        %dma_start3A_367 = arith.constant 3 : i32
        %dma_start3A_368 = arith.constant 0 : i32
        %dma_start3A_369 = arith.constant 0 : i32
        %dma_start3A_370 = tpu.memref_slice %arg9[%dma_start3A_367, %dma_start3A_368, %dma_start3A_369] : memref<6x128x64xf32, #tpu.memory_space<vmem>> -> memref<1x128x64xf32, #tpu.memory_space<vmem>>
        %dma_start3A_371 = tpu.memref_squeeze %dma_start3A_370 : memref<1x128x64xf32, #tpu.memory_space<vmem>> -> memref<128x64xf32, #tpu.memory_space<vmem>>
        %dma_start3A_372 = arith.constant 0 : i32
        %dma_start3A_373 = tpu.memref_slice %arg5[%add3A_357, %dma_start3A_372] : memref<78x128xi32, #tpu.memory_space<vmem>> -> memref<1x128xi32, #tpu.memory_space<vmem>>
        %dma_start3A_374 = tpu.memref_squeeze %dma_start3A_373 : memref<1x128xi32, #tpu.memory_space<vmem>> -> memref<128xi32, #tpu.memory_space<vmem>>
        %dma_start3A_375 = arith.constant 0 : i32
        %dma_start3A_376 = arith.constant 0 : i32
        %dma_start3A_377 = tpu.memref_slice %arg2[%dma_start3A_375, %dma_start3A_376] : memref<10000x64xf32, #tpu.memory_space<hbm>> -> memref<10000x64xf32, #tpu.memory_space<hbm>>
        tpu.enqueue_indirect_dma source(%dma_start3A_377 : memref<10000x64xf32, #tpu.memory_space<hbm>>) target(%dma_start3A_371 : memref<128x64xf32, #tpu.memory_space<vmem>>) offsets(%dma_start3A_374 : memref<128xi32, #tpu.memory_space<vmem>>) semaphore(%arg16 : memref<!tpu.dma_semaphore, #tpu.memory_space<semaphore_mem>>)
      } else {
      }
    }
    %scan3A_80 = arith.constant 13 : i32
    %dma_wait3A = arith.constant 0 : i32
    %dma_wait3A_81 = arith.constant 72 : i32
    %dma_wait3A_82 = arith.constant 0 : i32
    %dma_wait3A_83 = arith.constant 0 : i32
    %dma_wait3A_84 = tpu.memref_slice %arg9[%dma_wait3A, %dma_wait3A_82, %dma_wait3A_83] : memref<6x128x64xf32, #tpu.memory_space<vmem>> -> memref<1x128x64xf32, #tpu.memory_space<vmem>>
    %dma_wait3A_85 = tpu.memref_squeeze %dma_wait3A_84 : memref<1x128x64xf32, #tpu.memory_space<vmem>> -> memref<128x64xf32, #tpu.memory_space<vmem>>
    %dma_wait3A_86 = arith.constant 0 : i32
    %dma_wait3A_87 = tpu.memref_slice %arg6[%dma_wait3A_81, %dma_wait3A_86] : memref<78x128xi32, #tpu.memory_space<vmem>> -> memref<1x128xi32, #tpu.memory_space<vmem>>
    %dma_wait3A_88 = tpu.memref_squeeze %dma_wait3A_87 : memref<1x128xi32, #tpu.memory_space<vmem>> -> memref<128xi32, #tpu.memory_space<vmem>>
    %dma_wait3A_89 = arith.constant 0 : i32
    %dma_wait3A_90 = arith.constant 0 : i32
    %dma_wait3A_91 = tpu.memref_slice %arg12[%dma_wait3A_89, %dma_wait3A_90] : memref<10000x64xf32, #tpu.memory_space<vmem_shared>> -> memref<10000x64xf32, #tpu.memory_space<vmem_shared>>
    tpu.wait_indirect_dma semaphore(%arg19 : memref<!tpu.dma_semaphore, #tpu.memory_space<semaphore_mem>>) src(%dma_wait3A_85 : memref<128x64xf32, #tpu.memory_space<vmem>>) dst(%dma_wait3A_91 : memref<10000x64xf32, #tpu.memory_space<vmem_shared>>)
    %dma_wait3A_92 = arith.constant 1 : i32
    %dma_wait3A_93 = arith.constant 73 : i32
    %dma_wait3A_94 = arith.constant 0 : i32
    %dma_wait3A_95 = arith.constant 0 : i32
    %dma_wait3A_96 = tpu.memref_slice %arg9[%dma_wait3A_92, %dma_wait3A_94, %dma_wait3A_95] : memref<6x128x64xf32, #tpu.memory_space<vmem>> -> memref<1x128x64xf32, #tpu.memory_space<vmem>>
    %dma_wait3A_97 = tpu.memref_squeeze %dma_wait3A_96 : memref<1x128x64xf32, #tpu.memory_space<vmem>> -> memref<128x64xf32, #tpu.memory_space<vmem>>
    %dma_wait3A_98 = arith.constant 0 : i32
    %dma_wait3A_99 = tpu.memref_slice %arg6[%dma_wait3A_93, %dma_wait3A_98] : memref<78x128xi32, #tpu.memory_space<vmem>> -> memref<1x128xi32, #tpu.memory_space<vmem>>
    %dma_wait3A_100 = tpu.memref_squeeze %dma_wait3A_99 : memref<1x128xi32, #tpu.memory_space<vmem>> -> memref<128xi32, #tpu.memory_space<vmem>>
    %dma_wait3A_101 = arith.constant 0 : i32
    %dma_wait3A_102 = arith.constant 0 : i32
    %dma_wait3A_103 = tpu.memref_slice %arg12[%dma_wait3A_101, %dma_wait3A_102] : memref<10000x64xf32, #tpu.memory_space<vmem_shared>> -> memref<10000x64xf32, #tpu.memory_space<vmem_shared>>
    tpu.wait_indirect_dma semaphore(%arg20 : memref<!tpu.dma_semaphore, #tpu.memory_space<semaphore_mem>>) src(%dma_wait3A_97 : memref<128x64xf32, #tpu.memory_space<vmem>>) dst(%dma_wait3A_103 : memref<10000x64xf32, #tpu.memory_space<vmem_shared>>)
    %dma_wait3A_104 = arith.constant 2 : i32
    %dma_wait3A_105 = arith.constant 74 : i32
    %dma_wait3A_106 = arith.constant 0 : i32
    %dma_wait3A_107 = arith.constant 0 : i32
    %dma_wait3A_108 = tpu.memref_slice %arg9[%dma_wait3A_104, %dma_wait3A_106, %dma_wait3A_107] : memref<6x128x64xf32, #tpu.memory_space<vmem>> -> memref<1x128x64xf32, #tpu.memory_space<vmem>>
    %dma_wait3A_109 = tpu.memref_squeeze %dma_wait3A_108 : memref<1x128x64xf32, #tpu.memory_space<vmem>> -> memref<128x64xf32, #tpu.memory_space<vmem>>
    %dma_wait3A_110 = arith.constant 0 : i32
    %dma_wait3A_111 = tpu.memref_slice %arg6[%dma_wait3A_105, %dma_wait3A_110] : memref<78x128xi32, #tpu.memory_space<vmem>> -> memref<1x128xi32, #tpu.memory_space<vmem>>
    %dma_wait3A_112 = tpu.memref_squeeze %dma_wait3A_111 : memref<1x128xi32, #tpu.memory_space<vmem>> -> memref<128xi32, #tpu.memory_space<vmem>>
    %dma_wait3A_113 = arith.constant 0 : i32
    %dma_wait3A_114 = arith.constant 0 : i32
    %dma_wait3A_115 = tpu.memref_slice %arg12[%dma_wait3A_113, %dma_wait3A_114] : memref<10000x64xf32, #tpu.memory_space<vmem_shared>> -> memref<10000x64xf32, #tpu.memory_space<vmem_shared>>
    tpu.wait_indirect_dma semaphore(%arg21 : memref<!tpu.dma_semaphore, #tpu.memory_space<semaphore_mem>>) src(%dma_wait3A_109 : memref<128x64xf32, #tpu.memory_space<vmem>>) dst(%dma_wait3A_115 : memref<10000x64xf32, #tpu.memory_space<vmem_shared>>)
    %dma_wait3A_116 = arith.constant 3 : i32
    %dma_wait3A_117 = arith.constant 75 : i32
    %dma_wait3A_118 = arith.constant 0 : i32
    %dma_wait3A_119 = arith.constant 0 : i32
    %dma_wait3A_120 = tpu.memref_slice %arg9[%dma_wait3A_116, %dma_wait3A_118, %dma_wait3A_119] : memref<6x128x64xf32, #tpu.memory_space<vmem>> -> memref<1x128x64xf32, #tpu.memory_space<vmem>>
    %dma_wait3A_121 = tpu.memref_squeeze %dma_wait3A_120 : memref<1x128x64xf32, #tpu.memory_space<vmem>> -> memref<128x64xf32, #tpu.memory_space<vmem>>
    %dma_wait3A_122 = arith.constant 0 : i32
    %dma_wait3A_123 = tpu.memref_slice %arg6[%dma_wait3A_117, %dma_wait3A_122] : memref<78x128xi32, #tpu.memory_space<vmem>> -> memref<1x128xi32, #tpu.memory_space<vmem>>
    %dma_wait3A_124 = tpu.memref_squeeze %dma_wait3A_123 : memref<1x128xi32, #tpu.memory_space<vmem>> -> memref<128xi32, #tpu.memory_space<vmem>>
    %dma_wait3A_125 = arith.constant 0 : i32
    %dma_wait3A_126 = arith.constant 0 : i32
    %dma_wait3A_127 = tpu.memref_slice %arg12[%dma_wait3A_125, %dma_wait3A_126] : memref<10000x64xf32, #tpu.memory_space<vmem_shared>> -> memref<10000x64xf32, #tpu.memory_space<vmem_shared>>
    tpu.wait_indirect_dma semaphore(%arg22 : memref<!tpu.dma_semaphore, #tpu.memory_space<semaphore_mem>>) src(%dma_wait3A_121 : memref<128x64xf32, #tpu.memory_space<vmem>>) dst(%dma_wait3A_127 : memref<10000x64xf32, #tpu.memory_space<vmem_shared>>)
    %dma_wait3A_128 = arith.constant 4 : i32
    %dma_wait3A_129 = arith.constant 76 : i32
    %dma_wait3A_130 = arith.constant 0 : i32
    %dma_wait3A_131 = arith.constant 0 : i32
    %dma_wait3A_132 = tpu.memref_slice %arg9[%dma_wait3A_128, %dma_wait3A_130, %dma_wait3A_131] : memref<6x128x64xf32, #tpu.memory_space<vmem>> -> memref<1x128x64xf32, #tpu.memory_space<vmem>>
    %dma_wait3A_133 = tpu.memref_squeeze %dma_wait3A_132 : memref<1x128x64xf32, #tpu.memory_space<vmem>> -> memref<128x64xf32, #tpu.memory_space<vmem>>
    %dma_wait3A_134 = arith.constant 0 : i32
    %dma_wait3A_135 = tpu.memref_slice %arg6[%dma_wait3A_129, %dma_wait3A_134] : memref<78x128xi32, #tpu.memory_space<vmem>> -> memref<1x128xi32, #tpu.memory_space<vmem>>
    %dma_wait3A_136 = tpu.memref_squeeze %dma_wait3A_135 : memref<1x128xi32, #tpu.memory_space<vmem>> -> memref<128xi32, #tpu.memory_space<vmem>>
    %dma_wait3A_137 = arith.constant 0 : i32
    %dma_wait3A_138 = arith.constant 0 : i32
    %dma_wait3A_139 = tpu.memref_slice %arg12[%dma_wait3A_137, %dma_wait3A_138] : memref<10000x64xf32, #tpu.memory_space<vmem_shared>> -> memref<10000x64xf32, #tpu.memory_space<vmem_shared>>
    tpu.wait_indirect_dma semaphore(%arg23 : memref<!tpu.dma_semaphore, #tpu.memory_space<semaphore_mem>>) src(%dma_wait3A_133 : memref<128x64xf32, #tpu.memory_space<vmem>>) dst(%dma_wait3A_139 : memref<10000x64xf32, #tpu.memory_space<vmem_shared>>)
    %dma_wait3A_140 = arith.constant 5 : i32
    %dma_wait3A_141 = arith.constant 77 : i32
    %dma_wait3A_142 = arith.constant 0 : i32
    %dma_wait3A_143 = arith.constant 0 : i32
    %dma_wait3A_144 = tpu.memref_slice %arg9[%dma_wait3A_140, %dma_wait3A_142, %dma_wait3A_143] : memref<6x128x64xf32, #tpu.memory_space<vmem>> -> memref<1x128x64xf32, #tpu.memory_space<vmem>>
    %dma_wait3A_145 = tpu.memref_squeeze %dma_wait3A_144 : memref<1x128x64xf32, #tpu.memory_space<vmem>> -> memref<128x64xf32, #tpu.memory_space<vmem>>
    %dma_wait3A_146 = arith.constant 0 : i32
    %dma_wait3A_147 = tpu.memref_slice %arg6[%dma_wait3A_141, %dma_wait3A_146] : memref<78x128xi32, #tpu.memory_space<vmem>> -> memref<1x128xi32, #tpu.memory_space<vmem>>
    %dma_wait3A_148 = tpu.memref_squeeze %dma_wait3A_147 : memref<1x128xi32, #tpu.memory_space<vmem>> -> memref<128xi32, #tpu.memory_space<vmem>>
    %dma_wait3A_149 = arith.constant 0 : i32
    %dma_wait3A_150 = arith.constant 0 : i32
    %dma_wait3A_151 = tpu.memref_slice %arg12[%dma_wait3A_149, %dma_wait3A_150] : memref<10000x64xf32, #tpu.memory_space<vmem_shared>> -> memref<10000x64xf32, #tpu.memory_space<vmem_shared>>
    tpu.wait_indirect_dma semaphore(%arg24 : memref<!tpu.dma_semaphore, #tpu.memory_space<semaphore_mem>>) src(%dma_wait3A_145 : memref<128x64xf32, #tpu.memory_space<vmem>>) dst(%dma_wait3A_151 : memref<10000x64xf32, #tpu.memory_space<vmem_shared>>)
    %lt3A_152 = arith.constant 4 : i32
    %lt3A_153 = arith.cmpi slt, %add3A, %lt3A_152 : i32
    %convert_element_type3A_154 = arith.extui %lt3A_153 : i1 to i32
    %cond3A_155 = arith.constant 0 : i32
    %cond3A_156 = arith.cmpi ne, %convert_element_type3A_154, %cond3A_155 : i32
    scf.if %cond3A_156 {
      %dma_wait3A_164 = arith.constant 0 : i32
      %dma_wait3A_165 = arith.constant 0 : i32
      %dma_wait3A_166 = tpu.memref_slice %arg7[%dma_wait3A_164, %dma_wait3A_165] : memref<1x128xi32, #tpu.memory_space<vmem>> -> memref<1x128xi32, #tpu.memory_space<vmem>>
      %dma_wait3A_167 = tpu.memref_squeeze %dma_wait3A_166 : memref<1x128xi32, #tpu.memory_space<vmem>> -> memref<128xi32, #tpu.memory_space<vmem>>
      %dma_wait3A_168 = arith.constant 0 : i32
      %dma_wait3A_169 = arith.constant 0 : i32
      %dma_wait3A_170 = tpu.memref_slice %arg2[%dma_wait3A_168, %dma_wait3A_169] : memref<10000x64xf32, #tpu.memory_space<hbm>> -> memref<10000x64xf32, #tpu.memory_space<hbm>>
      tpu.wait_indirect_dma semaphore(%arg25 : memref<!tpu.dma_semaphore, #tpu.memory_space<semaphore_mem>>) src(%dma_wait3A_170 : memref<10000x64xf32, #tpu.memory_space<hbm>>) dst(%arg11 : memref<128x64xf32, #tpu.memory_space<vmem>>)
      %run_scoped3A_171 = arith.constant 0 : i32
      "tpu.region"() ({
        %run_scoped3A_172 = tpu.sem_alloc : memref<!tpu.dma_semaphore, #tpu.memory_space<semaphore_mem>>
        %dma_start3A_173 = arith.constant 0 : i32
        %dma_start3A_174 = tpu.memref_slice %arg8[%run_scoped3A_171, %dma_start3A_173] : memref<1x128xi32, #tpu.memory_space<vmem>> -> memref<1x128xi32, #tpu.memory_space<vmem>>
        %dma_start3A_175 = tpu.memref_squeeze %dma_start3A_174 : memref<1x128xi32, #tpu.memory_space<vmem>> -> memref<128xi32, #tpu.memory_space<vmem>>
        %dma_start3A_176 = arith.constant 0 : i32
        %dma_start3A_177 = arith.constant 0 : i32
        %dma_start3A_178 = tpu.memref_slice %arg12[%dma_start3A_176, %dma_start3A_177] : memref<10000x64xf32, #tpu.memory_space<vmem_shared>> -> memref<10000x64xf32, #tpu.memory_space<vmem_shared>>
        tpu.enqueue_indirect_dma source(%arg11 : memref<128x64xf32, #tpu.memory_space<vmem>>) target(%dma_start3A_178 : memref<10000x64xf32, #tpu.memory_space<vmem_shared>>) offsets(%dma_start3A_175 : memref<128xi32, #tpu.memory_space<vmem>>) semaphore(%run_scoped3A_172 : memref<!tpu.dma_semaphore, #tpu.memory_space<semaphore_mem>>) {add = true}
        %dma_wait3A_179 = arith.constant 0 : i32
        %dma_wait3A_180 = tpu.memref_slice %arg8[%run_scoped3A_171, %dma_wait3A_179] : memref<1x128xi32, #tpu.memory_space<vmem>> -> memref<1x128xi32, #tpu.memory_space<vmem>>
        %dma_wait3A_181 = tpu.memref_squeeze %dma_wait3A_180 : memref<1x128xi32, #tpu.memory_space<vmem>> -> memref<128xi32, #tpu.memory_space<vmem>>
        %dma_wait3A_182 = arith.constant 0 : i32
        %dma_wait3A_183 = arith.constant 0 : i32
        %dma_wait3A_184 = tpu.memref_slice %arg12[%dma_wait3A_182, %dma_wait3A_183] : memref<10000x64xf32, #tpu.memory_space<vmem_shared>> -> memref<10000x64xf32, #tpu.memory_space<vmem_shared>>
        tpu.wait_indirect_dma semaphore(%run_scoped3A_172 : memref<!tpu.dma_semaphore, #tpu.memory_space<semaphore_mem>>) src(%arg11 : memref<128x64xf32, #tpu.memory_space<vmem>>) dst(%dma_wait3A_184 : memref<10000x64xf32, #tpu.memory_space<vmem_shared>>)
        tpu.yield
      }) : () -> ()
    } else {
    }
    %barrier3A_157 = arith.constant 0 : index
    tpu.barrier barrier_id(%barrier3A_157)
    %mul3A_158 = arith.constant 624 : i32
    %mul3A_159 = arith.muli %arg1, %mul3A_158 : i32
    "tpu.region"() ({
      %run_scoped3A_164 = tpu.sem_alloc : memref<!tpu.dma_semaphore, #tpu.memory_space<semaphore_mem>>
      %dma_start3A_165 = arith.constant 0 : i32
      %dma_start3A_166 = tpu.memref_slice %arg4[%arg0, %mul3A_159, %dma_start3A_165] : memref<2x10000x64xf32, #tpu.memory_space<hbm>> -> memref<1x624x64xf32, #tpu.memory_space<hbm>>
      %dma_start3A_167 = tpu.memref_squeeze %dma_start3A_166 : memref<1x624x64xf32, #tpu.memory_space<hbm>> -> memref<624x64xf32, #tpu.memory_space<hbm>>
      %dma_start3A_168 = arith.constant 0 : i32
      %dma_start3A_169 = tpu.memref_slice %arg12[%mul3A_159, %dma_start3A_168] : memref<10000x64xf32, #tpu.memory_space<vmem_shared>> -> memref<624x64xf32, #tpu.memory_space<vmem_shared>>
      tpu.enqueue_dma source(%dma_start3A_169 : memref<624x64xf32, #tpu.memory_space<vmem_shared>>) target(%dma_start3A_167 : memref<624x64xf32, #tpu.memory_space<hbm>>) target_semaphore(%run_scoped3A_164 : memref<!tpu.dma_semaphore, #tpu.memory_space<semaphore_mem>>)
      %dma_wait3A_170 = arith.constant 0 : i32
      %dma_wait3A_171 = tpu.memref_slice %arg4[%arg0, %mul3A_159, %dma_wait3A_170] : memref<2x10000x64xf32, #tpu.memory_space<hbm>> -> memref<1x624x64xf32, #tpu.memory_space<hbm>>
      %dma_wait3A_172 = tpu.memref_squeeze %dma_wait3A_171 : memref<1x624x64xf32, #tpu.memory_space<hbm>> -> memref<624x64xf32, #tpu.memory_space<hbm>>
      %dma_wait3A_173 = arith.constant 0 : i32
      %dma_wait3A_174 = tpu.memref_slice %arg12[%mul3A_159, %dma_wait3A_173] : memref<10000x64xf32, #tpu.memory_space<vmem_shared>> -> memref<624x64xf32, #tpu.memory_space<vmem_shared>>
      tpu.wait_dma2 semaphore(%run_scoped3A_164 : memref<!tpu.dma_semaphore, #tpu.memory_space<semaphore_mem>>) src(%dma_wait3A_174 : memref<624x64xf32, #tpu.memory_space<vmem_shared>>) dst(%dma_wait3A_172 : memref<624x64xf32, #tpu.memory_space<hbm>>)
      tpu.yield
    }) : () -> ()
    %eq3A = arith.constant 15 : i32
    %eq3A_160 = arith.cmpi eq, %arg1, %eq3A : i32
    %convert_element_type3A_161 = arith.extui %eq3A_160 : i1 to i32
    %cond3A_162 = arith.constant 0 : i32
    %cond3A_163 = arith.cmpi ne, %convert_element_type3A_161, %cond3A_162 : i32
    scf.if %cond3A_163 {
      "tpu.region"() ({
        %run_scoped3A_164 = tpu.sem_alloc : memref<!tpu.dma_semaphore, #tpu.memory_space<semaphore_mem>>
        %dma_start3A_165 = arith.constant 9984 : i32
        %dma_start3A_166 = arith.constant 0 : i32
        %dma_start3A_167 = tpu.memref_slice %arg4[%arg0, %dma_start3A_165, %dma_start3A_166] : memref<2x10000x64xf32, #tpu.memory_space<hbm>> -> memref<1x16x64xf32, #tpu.memory_space<hbm>>
        %dma_start3A_168 = tpu.memref_squeeze %dma_start3A_167 : memref<1x16x64xf32, #tpu.memory_space<hbm>> -> memref<16x64xf32, #tpu.memory_space<hbm>>
        %dma_start3A_169 = arith.constant 9984 : i32
        %dma_start3A_170 = arith.constant 0 : i32
        %dma_start3A_171 = tpu.memref_slice %arg12[%dma_start3A_169, %dma_start3A_170] : memref<10000x64xf32, #tpu.memory_space<vmem_shared>> -> memref<16x64xf32, #tpu.memory_space<vmem_shared>>
        tpu.enqueue_dma source(%dma_start3A_171 : memref<16x64xf32, #tpu.memory_space<vmem_shared>>) target(%dma_start3A_168 : memref<16x64xf32, #tpu.memory_space<hbm>>) target_semaphore(%run_scoped3A_164 : memref<!tpu.dma_semaphore, #tpu.memory_space<semaphore_mem>>)
        %dma_wait3A_172 = arith.constant 9984 : i32
        %dma_wait3A_173 = arith.constant 0 : i32
        %dma_wait3A_174 = tpu.memref_slice %arg4[%arg0, %dma_wait3A_172, %dma_wait3A_173] : memref<2x10000x64xf32, #tpu.memory_space<hbm>> -> memref<1x16x64xf32, #tpu.memory_space<hbm>>
        %dma_wait3A_175 = tpu.memref_squeeze %dma_wait3A_174 : memref<1x16x64xf32, #tpu.memory_space<hbm>> -> memref<16x64xf32, #tpu.memory_space<hbm>>
        %dma_wait3A_176 = arith.constant 9984 : i32
        %dma_wait3A_177 = arith.constant 0 : i32
        %dma_wait3A_178 = tpu.memref_slice %arg12[%dma_wait3A_176, %dma_wait3A_177] : memref<10000x64xf32, #tpu.memory_space<vmem_shared>> -> memref<16x64xf32, #tpu.memory_space<vmem_shared>>
        tpu.wait_dma2 semaphore(%run_scoped3A_164 : memref<!tpu.dma_semaphore, #tpu.memory_space<semaphore_mem>>) src(%dma_wait3A_178 : memref<16x64xf32, #tpu.memory_space<vmem_shared>>) dst(%dma_wait3A_175 : memref<16x64xf32, #tpu.memory_space<hbm>>)
        tpu.yield
      }) : () -> ()
    } else {
    }
    return
  }
}

#map = affine_map<(d0, d1) -> (0, 0)>
#map1 = affine_map<(d0, d1) -> (0, 0, 0)>
module attributes {stable_mosaic.version = 14 : i64} {
  func.func @agg(%arg0: i32, %arg1: i32, %arg2: memref<10000x64xf32, #tpu.memory_space<hbm>>, %arg3: memref<2x2500x128xi32, #tpu.memory_space<hbm>>, %arg4: memref<2x10000x64xf32, #tpu.memory_space<hbm>>, %arg5: memref<78x128xi32, #tpu.memory_space<vmem>>, %arg6: memref<78x128xi32, #tpu.memory_space<vmem>>, %arg7: memref<1x128xi32, #tpu.memory_space<vmem>>, %arg8: memref<1x128xi32, #tpu.memory_space<vmem>>, %arg9: memref<6x128x64xf32, #tpu.memory_space<vmem>>, %arg10: memref<128x64xf32, #tpu.memory_space<vmem>>, %arg11: memref<128x64xf32, #tpu.memory_space<vmem>>, %arg12: memref<10000x64xf32, #tpu.memory_space<vmem_shared>>, %arg13: memref<!tpu.dma_semaphore, #tpu.memory_space<semaphore_mem>>, %arg14: memref<!tpu.dma_semaphore, #tpu.memory_space<semaphore_mem>>, %arg15: memref<!tpu.dma_semaphore, #tpu.memory_space<semaphore_mem>>, %arg16: memref<!tpu.dma_semaphore, #tpu.memory_space<semaphore_mem>>, %arg17: memref<!tpu.dma_semaphore, #tpu.memory_space<semaphore_mem>>, %arg18: memref<!tpu.dma_semaphore, #tpu.memory_space<semaphore_mem>>, %arg19: memref<!tpu.dma_semaphore, #tpu.memory_space<semaphore_mem>>, %arg20: memref<!tpu.dma_semaphore, #tpu.memory_space<semaphore_mem>>, %arg21: memref<!tpu.dma_semaphore, #tpu.memory_space<semaphore_mem>>, %arg22: memref<!tpu.dma_semaphore, #tpu.memory_space<semaphore_mem>>, %arg23: memref<!tpu.dma_semaphore, #tpu.memory_space<semaphore_mem>>, %arg24: memref<!tpu.dma_semaphore, #tpu.memory_space<semaphore_mem>>, %arg25: memref<!tpu.dma_semaphore, #tpu.memory_space<semaphore_mem>>) attributes {dimension_semantics = [#tpu.dimension_semantics<core_parallel>, #tpu.dimension_semantics<subcore_parallel>], iteration_bounds = array<i64: 2, 16>, scalar_prefetch = 0 : i64, scratch_operands = 21 : i64, tpu.core_type = #tpu.core_type<sc_vector_subcore>, window_params = [{transform_indices = #map}, {transform_indices = #map1}, {transform_indices = #map1}]} {
    %mul3A = arith.constant 2 : i32
    %mul3A_0 = arith.muli %arg1, %mul3A : i32
    %add3A = arith.addi %mul3A_0, %arg0 : i32
    %mul3A_1 = arith.constant 78 : i32
    %mul3A_2 = arith.muli %add3A, %mul3A_1 : i32
    %run_scoped3A = arith.constant 0 : i32
    "tpu.region"() ({
      %run_scoped3A_164 = tpu.sem_alloc : memref<!tpu.dma_semaphore, #tpu.memory_space<semaphore_mem>>
      %dma_start3A_165 = arith.constant 0 : i32
      %dma_start3A_166 = tpu.memref_slice %arg3[%run_scoped3A, %mul3A_2, %dma_start3A_165] : memref<2x2500x128xi32, #tpu.memory_space<hbm>> -> memref<1x78x128xi32, #tpu.memory_space<hbm>>
      %dma_start3A_167 = tpu.memref_squeeze %dma_start3A_166 : memref<1x78x128xi32, #tpu.memory_space<hbm>> -> memref<78x128xi32, #tpu.memory_space<hbm>>
      %dma_start3A_168 = arith.constant 0 : i32
      %dma_start3A_169 = tpu.memref_slice %arg3[%run_scoped3A, %mul3A_2, %dma_start3A_168] : memref<2x2500x128xi32, #tpu.memory_space<hbm>> -> memref<1x78x128xi32, #tpu.memory_space<hbm>>
      %dma_start3A_170 = tpu.memref_squeeze %dma_start3A_169 : memref<1x78x128xi32, #tpu.memory_space<hbm>> -> memref<78x128xi32, #tpu.memory_space<hbm>>
      tpu.enqueue_dma source(%dma_start3A_170 : memref<78x128xi32, #tpu.memory_space<hbm>>) target(%arg5 : memref<78x128xi32, #tpu.memory_space<vmem>>) target_semaphore(%run_scoped3A_164 : memref<!tpu.dma_semaphore, #tpu.memory_space<semaphore_mem>>)
      %dma_wait3A_171 = arith.constant 0 : i32
      %dma_wait3A_172 = tpu.memref_slice %arg3[%run_scoped3A, %mul3A_2, %dma_wait3A_171] : memref<2x2500x128xi32, #tpu.memory_space<hbm>> -> memref<1x78x128xi32, #tpu.memory_space<hbm>>
      %dma_wait3A_173 = tpu.memref_squeeze %dma_wait3A_172 : memref<1x78x128xi32, #tpu.memory_space<hbm>> -> memref<78x128xi32, #tpu.memory_space<hbm>>
      %dma_wait3A_174 = arith.constant 0 : i32
      %dma_wait3A_175 = tpu.memref_slice %arg3[%run_scoped3A, %mul3A_2, %dma_wait3A_174] : memref<2x2500x128xi32, #tpu.memory_space<hbm>> -> memref<1x78x128xi32, #tpu.memory_space<hbm>>
      %dma_wait3A_176 = tpu.memref_squeeze %dma_wait3A_175 : memref<1x78x128xi32, #tpu.memory_space<hbm>> -> memref<78x128xi32, #tpu.memory_space<hbm>>
      tpu.wait_dma2 semaphore(%run_scoped3A_164 : memref<!tpu.dma_semaphore, #tpu.memory_space<semaphore_mem>>) src(%dma_wait3A_176 : memref<78x128xi32, #tpu.memory_space<hbm>>) dst(%arg5 : memref<78x128xi32, #tpu.memory_space<vmem>>)
      tpu.yield
    }) : () -> ()
    %run_scoped3A_3 = arith.constant 1 : i32
    "tpu.region"() ({
      %run_scoped3A_164 = tpu.sem_alloc : memref<!tpu.dma_semaphore, #tpu.memory_space<semaphore_mem>>
      %dma_start3A_165 = arith.constant 0 : i32
      %dma_start3A_166 = tpu.memref_slice %arg3[%run_scoped3A_3, %mul3A_2, %dma_start3A_165] : memref<2x2500x128xi32, #tpu.memory_space<hbm>> -> memref<1x78x128xi32, #tpu.memory_space<hbm>>
      %dma_start3A_167 = tpu.memref_squeeze %dma_start3A_166 : memref<1x78x128xi32, #tpu.memory_space<hbm>> -> memref<78x128xi32, #tpu.memory_space<hbm>>
      %dma_start3A_168 = arith.constant 0 : i32
      %dma_start3A_169 = tpu.memref_slice %arg3[%run_scoped3A_3, %mul3A_2, %dma_start3A_168] : memref<2x2500x128xi32, #tpu.memory_space<hbm>> -> memref<1x78x128xi32, #tpu.memory_space<hbm>>
      %dma_start3A_170 = tpu.memref_squeeze %dma_start3A_169 : memref<1x78x128xi32, #tpu.memory_space<hbm>> -> memref<78x128xi32, #tpu.memory_space<hbm>>
      tpu.enqueue_dma source(%dma_start3A_170 : memref<78x128xi32, #tpu.memory_space<hbm>>) target(%arg6 : memref<78x128xi32, #tpu.memory_space<vmem>>) target_semaphore(%run_scoped3A_164 : memref<!tpu.dma_semaphore, #tpu.memory_space<semaphore_mem>>)
      %dma_wait3A_171 = arith.constant 0 : i32
      %dma_wait3A_172 = tpu.memref_slice %arg3[%run_scoped3A_3, %mul3A_2, %dma_wait3A_171] : memref<2x2500x128xi32, #tpu.memory_space<hbm>> -> memref<1x78x128xi32, #tpu.memory_space<hbm>>
      %dma_wait3A_173 = tpu.memref_squeeze %dma_wait3A_172 : memref<1x78x128xi32, #tpu.memory_space<hbm>> -> memref<78x128xi32, #tpu.memory_space<hbm>>
      %dma_wait3A_174 = arith.constant 0 : i32
      %dma_wait3A_175 = tpu.memref_slice %arg3[%run_scoped3A_3, %mul3A_2, %dma_wait3A_174] : memref<2x2500x128xi32, #tpu.memory_space<hbm>> -> memref<1x78x128xi32, #tpu.memory_space<hbm>>
      %dma_wait3A_176 = tpu.memref_squeeze %dma_wait3A_175 : memref<1x78x128xi32, #tpu.memory_space<hbm>> -> memref<78x128xi32, #tpu.memory_space<hbm>>
      tpu.wait_dma2 semaphore(%run_scoped3A_164 : memref<!tpu.dma_semaphore, #tpu.memory_space<semaphore_mem>>) src(%dma_wait3A_176 : memref<78x128xi32, #tpu.memory_space<hbm>>) dst(%arg6 : memref<78x128xi32, #tpu.memory_space<vmem>>)
      tpu.yield
    }) : () -> ()
    %lt3A = arith.constant 4 : i32
    %lt3A_4 = arith.cmpi slt, %add3A, %lt3A : i32
    %convert_element_type3A = arith.extui %lt3A_4 : i1 to i32
    %cond3A = arith.constant 0 : i32
    %cond3A_5 = arith.cmpi ne, %convert_element_type3A, %cond3A : i32
    scf.if %cond3A_5 {
      %add3A_164 = arith.constant 2496 : i32
      %add3A_165 = arith.addi %add3A_164, %add3A : i32
      %run_scoped3A_166 = arith.constant 0 : i32
      "tpu.region"() ({
        %run_scoped3A_170 = tpu.sem_alloc : memref<!tpu.dma_semaphore, #tpu.memory_space<semaphore_mem>>
        %dma_start3A_171 = arith.constant 0 : i32
        %dma_start3A_172 = tpu.memref_slice %arg3[%run_scoped3A_166, %add3A_165, %dma_start3A_171] : memref<2x2500x128xi32, #tpu.memory_space<hbm>> -> memref<1x1x128xi32, #tpu.memory_space<hbm>>
        %dma_start3A_173 = tpu.memref_squeeze %dma_start3A_172 : memref<1x1x128xi32, #tpu.memory_space<hbm>> -> memref<1x128xi32, #tpu.memory_space<hbm>>
        %dma_start3A_174 = arith.constant 0 : i32
        %dma_start3A_175 = tpu.memref_slice %arg3[%run_scoped3A_166, %add3A_165, %dma_start3A_174] : memref<2x2500x128xi32, #tpu.memory_space<hbm>> -> memref<1x1x128xi32, #tpu.memory_space<hbm>>
        %dma_start3A_176 = tpu.memref_squeeze %dma_start3A_175 : memref<1x1x128xi32, #tpu.memory_space<hbm>> -> memref<1x128xi32, #tpu.memory_space<hbm>>
        tpu.enqueue_dma source(%dma_start3A_176 : memref<1x128xi32, #tpu.memory_space<hbm>>) target(%arg7 : memref<1x128xi32, #tpu.memory_space<vmem>>) target_semaphore(%run_scoped3A_170 : memref<!tpu.dma_semaphore, #tpu.memory_space<semaphore_mem>>)
        %dma_wait3A_177 = arith.constant 0 : i32
        %dma_wait3A_178 = tpu.memref_slice %arg3[%run_scoped3A_166, %add3A_165, %dma_wait3A_177] : memref<2x2500x128xi32, #tpu.memory_space<hbm>> -> memref<1x1x128xi32, #tpu.memory_space<hbm>>
        %dma_wait3A_179 = tpu.memref_squeeze %dma_wait3A_178 : memref<1x1x128xi32, #tpu.memory_space<hbm>> -> memref<1x128xi32, #tpu.memory_space<hbm>>
        %dma_wait3A_180 = arith.constant 0 : i32
        %dma_wait3A_181 = tpu.memref_slice %arg3[%run_scoped3A_166, %add3A_165, %dma_wait3A_180] : memref<2x2500x128xi32, #tpu.memory_space<hbm>> -> memref<1x1x128xi32, #tpu.memory_space<hbm>>
        %dma_wait3A_182 = tpu.memref_squeeze %dma_wait3A_181 : memref<1x1x128xi32, #tpu.memory_space<hbm>> -> memref<1x128xi32, #tpu.memory_space<hbm>>
        tpu.wait_dma2 semaphore(%run_scoped3A_170 : memref<!tpu.dma_semaphore, #tpu.memory_space<semaphore_mem>>) src(%dma_wait3A_182 : memref<1x128xi32, #tpu.memory_space<hbm>>) dst(%arg7 : memref<1x128xi32, #tpu.memory_space<vmem>>)
        tpu.yield
      }) : () -> ()
      %add3A_167 = arith.constant 2496 : i32
      %add3A_168 = arith.addi %add3A_167, %add3A : i32
      %run_scoped3A_169 = arith.constant 1 : i32
      "tpu.region"() ({
        %run_scoped3A_170 = tpu.sem_alloc : memref<!tpu.dma_semaphore, #tpu.memory_space<semaphore_mem>>
        %dma_start3A_171 = arith.constant 0 : i32
        %dma_start3A_172 = tpu.memref_slice %arg3[%run_scoped3A_169, %add3A_168, %dma_start3A_171] : memref<2x2500x128xi32, #tpu.memory_space<hbm>> -> memref<1x1x128xi32, #tpu.memory_space<hbm>>
        %dma_start3A_173 = tpu.memref_squeeze %dma_start3A_172 : memref<1x1x128xi32, #tpu.memory_space<hbm>> -> memref<1x128xi32, #tpu.memory_space<hbm>>
        %dma_start3A_174 = arith.constant 0 : i32
        %dma_start3A_175 = tpu.memref_slice %arg3[%run_scoped3A_169, %add3A_168, %dma_start3A_174] : memref<2x2500x128xi32, #tpu.memory_space<hbm>> -> memref<1x1x128xi32, #tpu.memory_space<hbm>>
        %dma_start3A_176 = tpu.memref_squeeze %dma_start3A_175 : memref<1x1x128xi32, #tpu.memory_space<hbm>> -> memref<1x128xi32, #tpu.memory_space<hbm>>
        tpu.enqueue_dma source(%dma_start3A_176 : memref<1x128xi32, #tpu.memory_space<hbm>>) target(%arg8 : memref<1x128xi32, #tpu.memory_space<vmem>>) target_semaphore(%run_scoped3A_170 : memref<!tpu.dma_semaphore, #tpu.memory_space<semaphore_mem>>)
        %dma_wait3A_177 = arith.constant 0 : i32
        %dma_wait3A_178 = tpu.memref_slice %arg3[%run_scoped3A_169, %add3A_168, %dma_wait3A_177] : memref<2x2500x128xi32, #tpu.memory_space<hbm>> -> memref<1x1x128xi32, #tpu.memory_space<hbm>>
        %dma_wait3A_179 = tpu.memref_squeeze %dma_wait3A_178 : memref<1x1x128xi32, #tpu.memory_space<hbm>> -> memref<1x128xi32, #tpu.memory_space<hbm>>
        %dma_wait3A_180 = arith.constant 0 : i32
        %dma_wait3A_181 = tpu.memref_slice %arg3[%run_scoped3A_169, %add3A_168, %dma_wait3A_180] : memref<2x2500x128xi32, #tpu.memory_space<hbm>> -> memref<1x1x128xi32, #tpu.memory_space<hbm>>
        %dma_wait3A_182 = tpu.memref_squeeze %dma_wait3A_181 : memref<1x1x128xi32, #tpu.memory_space<hbm>> -> memref<1x128xi32, #tpu.memory_space<hbm>>
        tpu.wait_dma2 semaphore(%run_scoped3A_170 : memref<!tpu.dma_semaphore, #tpu.memory_space<semaphore_mem>>) src(%dma_wait3A_182 : memref<1x128xi32, #tpu.memory_space<hbm>>) dst(%arg8 : memref<1x128xi32, #tpu.memory_space<vmem>>)
        tpu.yield
      }) : () -> ()
    } else {
    }
    %dma_start3A = arith.constant 0 : i32
    %dma_start3A_6 = arith.constant 0 : i32
    %dma_start3A_7 = arith.constant 0 : i32
    %dma_start3A_8 = arith.constant 0 : i32
    %dma_start3A_9 = tpu.memref_slice %arg9[%dma_start3A_6, %dma_start3A_7, %dma_start3A_8] : memref<6x128x64xf32, #tpu.memory_space<vmem>> -> memref<1x128x64xf32, #tpu.memory_space<vmem>>
    %dma_start3A_10 = tpu.memref_squeeze %dma_start3A_9 : memref<1x128x64xf32, #tpu.memory_space<vmem>> -> memref<128x64xf32, #tpu.memory_space<vmem>>
    %dma_start3A_11 = arith.constant 0 : i32
    %dma_start3A_12 = tpu.memref_slice %arg5[%dma_start3A, %dma_start3A_11] : memref<78x128xi32, #tpu.memory_space<vmem>> -> memref<1x128xi32, #tpu.memory_space<vmem>>
    %dma_start3A_13 = tpu.memref_squeeze %dma_start3A_12 : memref<1x128xi32, #tpu.memory_space<vmem>> -> memref<128xi32, #tpu.memory_space<vmem>>
    %dma_start3A_14 = arith.constant 0 : i32
    %dma_start3A_15 = arith.constant 0 : i32
    %dma_start3A_16 = tpu.memref_slice %arg2[%dma_start3A_14, %dma_start3A_15] : memref<10000x64xf32, #tpu.memory_space<hbm>> -> memref<10000x64xf32, #tpu.memory_space<hbm>>
    tpu.enqueue_indirect_dma source(%dma_start3A_16 : memref<10000x64xf32, #tpu.memory_space<hbm>>) target(%dma_start3A_10 : memref<128x64xf32, #tpu.memory_space<vmem>>) offsets(%dma_start3A_13 : memref<128xi32, #tpu.memory_space<vmem>>) semaphore(%arg13 : memref<!tpu.dma_semaphore, #tpu.memory_space<semaphore_mem>>)
    %dma_start3A_17 = arith.constant 1 : i32
    %dma_start3A_18 = arith.constant 1 : i32
    %dma_start3A_19 = arith.constant 0 : i32
    %dma_start3A_20 = arith.constant 0 : i32
    %dma_start3A_21 = tpu.memref_slice %arg9[%dma_start3A_18, %dma_start3A_19, %dma_start3A_20] : memref<6x128x64xf32, #tpu.memory_space<vmem>> -> memref<1x128x64xf32, #tpu.memory_space<vmem>>
    %dma_start3A_22 = tpu.memref_squeeze %dma_start3A_21 : memref<1x128x64xf32, #tpu.memory_space<vmem>> -> memref<128x64xf32, #tpu.memory_space<vmem>>
    %dma_start3A_23 = arith.constant 0 : i32
    %dma_start3A_24 = tpu.memref_slice %arg5[%dma_start3A_17, %dma_start3A_23] : memref<78x128xi32, #tpu.memory_space<vmem>> -> memref<1x128xi32, #tpu.memory_space<vmem>>
    %dma_start3A_25 = tpu.memref_squeeze %dma_start3A_24 : memref<1x128xi32, #tpu.memory_space<vmem>> -> memref<128xi32, #tpu.memory_space<vmem>>
    %dma_start3A_26 = arith.constant 0 : i32
    %dma_start3A_27 = arith.constant 0 : i32
    %dma_start3A_28 = tpu.memref_slice %arg2[%dma_start3A_26, %dma_start3A_27] : memref<10000x64xf32, #tpu.memory_space<hbm>> -> memref<10000x64xf32, #tpu.memory_space<hbm>>
    tpu.enqueue_indirect_dma source(%dma_start3A_28 : memref<10000x64xf32, #tpu.memory_space<hbm>>) target(%dma_start3A_22 : memref<128x64xf32, #tpu.memory_space<vmem>>) offsets(%dma_start3A_25 : memref<128xi32, #tpu.memory_space<vmem>>) semaphore(%arg14 : memref<!tpu.dma_semaphore, #tpu.memory_space<semaphore_mem>>)
    %dma_start3A_29 = arith.constant 2 : i32
    %dma_start3A_30 = arith.constant 2 : i32
    %dma_start3A_31 = arith.constant 0 : i32
    %dma_start3A_32 = arith.constant 0 : i32
    %dma_start3A_33 = tpu.memref_slice %arg9[%dma_start3A_30, %dma_start3A_31, %dma_start3A_32] : memref<6x128x64xf32, #tpu.memory_space<vmem>> -> memref<1x128x64xf32, #tpu.memory_space<vmem>>
    %dma_start3A_34 = tpu.memref_squeeze %dma_start3A_33 : memref<1x128x64xf32, #tpu.memory_space<vmem>> -> memref<128x64xf32, #tpu.memory_space<vmem>>
    %dma_start3A_35 = arith.constant 0 : i32
    %dma_start3A_36 = tpu.memref_slice %arg5[%dma_start3A_29, %dma_start3A_35] : memref<78x128xi32, #tpu.memory_space<vmem>> -> memref<1x128xi32, #tpu.memory_space<vmem>>
    %dma_start3A_37 = tpu.memref_squeeze %dma_start3A_36 : memref<1x128xi32, #tpu.memory_space<vmem>> -> memref<128xi32, #tpu.memory_space<vmem>>
    %dma_start3A_38 = arith.constant 0 : i32
    %dma_start3A_39 = arith.constant 0 : i32
    %dma_start3A_40 = tpu.memref_slice %arg2[%dma_start3A_38, %dma_start3A_39] : memref<10000x64xf32, #tpu.memory_space<hbm>> -> memref<10000x64xf32, #tpu.memory_space<hbm>>
    tpu.enqueue_indirect_dma source(%dma_start3A_40 : memref<10000x64xf32, #tpu.memory_space<hbm>>) target(%dma_start3A_34 : memref<128x64xf32, #tpu.memory_space<vmem>>) offsets(%dma_start3A_37 : memref<128xi32, #tpu.memory_space<vmem>>) semaphore(%arg15 : memref<!tpu.dma_semaphore, #tpu.memory_space<semaphore_mem>>)
    %dma_start3A_41 = arith.constant 3 : i32
    %dma_start3A_42 = arith.constant 3 : i32
    %dma_start3A_43 = arith.constant 0 : i32
    %dma_start3A_44 = arith.constant 0 : i32
    %dma_start3A_45 = tpu.memref_slice %arg9[%dma_start3A_42, %dma_start3A_43, %dma_start3A_44] : memref<6x128x64xf32, #tpu.memory_space<vmem>> -> memref<1x128x64xf32, #tpu.memory_space<vmem>>
    %dma_start3A_46 = tpu.memref_squeeze %dma_start3A_45 : memref<1x128x64xf32, #tpu.memory_space<vmem>> -> memref<128x64xf32, #tpu.memory_space<vmem>>
    %dma_start3A_47 = arith.constant 0 : i32
    %dma_start3A_48 = tpu.memref_slice %arg5[%dma_start3A_41, %dma_start3A_47] : memref<78x128xi32, #tpu.memory_space<vmem>> -> memref<1x128xi32, #tpu.memory_space<vmem>>
    %dma_start3A_49 = tpu.memref_squeeze %dma_start3A_48 : memref<1x128xi32, #tpu.memory_space<vmem>> -> memref<128xi32, #tpu.memory_space<vmem>>
    %dma_start3A_50 = arith.constant 0 : i32
    %dma_start3A_51 = arith.constant 0 : i32
    %dma_start3A_52 = tpu.memref_slice %arg2[%dma_start3A_50, %dma_start3A_51] : memref<10000x64xf32, #tpu.memory_space<hbm>> -> memref<10000x64xf32, #tpu.memory_space<hbm>>
    tpu.enqueue_indirect_dma source(%dma_start3A_52 : memref<10000x64xf32, #tpu.memory_space<hbm>>) target(%dma_start3A_46 : memref<128x64xf32, #tpu.memory_space<vmem>>) offsets(%dma_start3A_49 : memref<128xi32, #tpu.memory_space<vmem>>) semaphore(%arg16 : memref<!tpu.dma_semaphore, #tpu.memory_space<semaphore_mem>>)
    %lt3A_53 = arith.constant 4 : i32
    %lt3A_54 = arith.cmpi slt, %add3A, %lt3A_53 : i32
    %convert_element_type3A_55 = arith.extui %lt3A_54 : i1 to i32
    %cond3A_56 = arith.constant 0 : i32
    %cond3A_57 = arith.cmpi ne, %convert_element_type3A_55, %cond3A_56 : i32
    scf.if %cond3A_57 {
      %dma_start3A_164 = arith.constant 0 : i32
      %dma_start3A_165 = arith.constant 0 : i32
      %dma_start3A_166 = tpu.memref_slice %arg7[%dma_start3A_164, %dma_start3A_165] : memref<1x128xi32, #tpu.memory_space<vmem>> -> memref<1x128xi32, #tpu.memory_space<vmem>>
      %dma_start3A_167 = tpu.memref_squeeze %dma_start3A_166 : memref<1x128xi32, #tpu.memory_space<vmem>> -> memref<128xi32, #tpu.memory_space<vmem>>
      %dma_start3A_168 = arith.constant 0 : i32
      %dma_start3A_169 = arith.constant 0 : i32
      %dma_start3A_170 = tpu.memref_slice %arg2[%dma_start3A_168, %dma_start3A_169] : memref<10000x64xf32, #tpu.memory_space<hbm>> -> memref<10000x64xf32, #tpu.memory_space<hbm>>
      tpu.enqueue_indirect_dma source(%dma_start3A_170 : memref<10000x64xf32, #tpu.memory_space<hbm>>) target(%arg11 : memref<128x64xf32, #tpu.memory_space<vmem>>) offsets(%dma_start3A_167 : memref<128xi32, #tpu.memory_space<vmem>>) semaphore(%arg25 : memref<!tpu.dma_semaphore, #tpu.memory_space<semaphore_mem>>)
    } else {
    }
    %scan3A = arith.constant 0 : i32
    %scan3A_58 = arith.constant 0 : i32
    %scan3A_59 = arith.constant 128 : i32
    %scan3A_60 = arith.addi %scan3A_58, %scan3A_59 : i32
    %scan3A_61 = arith.constant 1 : i32
    scf.for %scan3A_164 = %scan3A_58 to %scan3A_60 step %scan3A_61  : i32 {
      %broadcast_in_dim3A = arith.constant 0.000000e+00 : f32
      %broadcast_in_dim3A_165 = vector.broadcast %broadcast_in_dim3A : f32 to vector<16xf32>
      %swap3A = arith.index_cast %scan3A_164 : i32 to index
      %swap3A_166 = arith.constant 0 : index
      %swap3A_167 = tpu.vector_load %arg10[%swap3A, %swap3A_166] {strides = array<i32>} : memref<128x64xf32, #tpu.memory_space<vmem>>, vector<1x16xf32>,
      %swap3A_168 = vector.shape_cast %swap3A_167 : vector<1x16xf32> to vector<16xf32>
      %swap3A_169 = vector.shape_cast %broadcast_in_dim3A_165 : vector<16xf32> to vector<1x16xf32>
      tpu.vector_store %arg10[%swap3A, %swap3A_166], %swap3A_169 {strides = array<i32>} : memref<128x64xf32, #tpu.memory_space<vmem>>, vector<1x16xf32>,
      %broadcast_in_dim3A_170 = arith.constant 0.000000e+00 : f32
      %broadcast_in_dim3A_171 = vector.broadcast %broadcast_in_dim3A_170 : f32 to vector<16xf32>
      %swap3A_172 = arith.index_cast %scan3A_164 : i32 to index
      %swap3A_173 = arith.constant 16 : index
      %swap3A_174 = tpu.vector_load %arg10[%swap3A_172, %swap3A_173] {strides = array<i32>} : memref<128x64xf32, #tpu.memory_space<vmem>>, vector<1x16xf32>,
      %swap3A_175 = vector.shape_cast %swap3A_174 : vector<1x16xf32> to vector<16xf32>
      %swap3A_176 = vector.shape_cast %broadcast_in_dim3A_171 : vector<16xf32> to vector<1x16xf32>
      tpu.vector_store %arg10[%swap3A_172, %swap3A_173], %swap3A_176 {strides = array<i32>} : memref<128x64xf32, #tpu.memory_space<vmem>>, vector<1x16xf32>,
      %broadcast_in_dim3A_177 = arith.constant 0.000000e+00 : f32
      %broadcast_in_dim3A_178 = vector.broadcast %broadcast_in_dim3A_177 : f32 to vector<16xf32>
      %swap3A_179 = arith.index_cast %scan3A_164 : i32 to index
      %swap3A_180 = arith.constant 32 : index
      %swap3A_181 = tpu.vector_load %arg10[%swap3A_179, %swap3A_180] {strides = array<i32>} : memref<128x64xf32, #tpu.memory_space<vmem>>, vector<1x16xf32>,
      %swap3A_182 = vector.shape_cast %swap3A_181 : vector<1x16xf32> to vector<16xf32>
      %swap3A_183 = vector.shape_cast %broadcast_in_dim3A_178 : vector<16xf32> to vector<1x16xf32>
      tpu.vector_store %arg10[%swap3A_179, %swap3A_180], %swap3A_183 {strides = array<i32>} : memref<128x64xf32, #tpu.memory_space<vmem>>, vector<1x16xf32>,
      %broadcast_in_dim3A_184 = arith.constant 0.000000e+00 : f32
      %broadcast_in_dim3A_185 = vector.broadcast %broadcast_in_dim3A_184 : f32 to vector<16xf32>
      %swap3A_186 = arith.index_cast %scan3A_164 : i32 to index
      %swap3A_187 = arith.constant 48 : index
      %swap3A_188 = tpu.vector_load %arg10[%swap3A_186, %swap3A_187] {strides = array<i32>} : memref<128x64xf32, #tpu.memory_space<vmem>>, vector<1x16xf32>,
      %swap3A_189 = vector.shape_cast %swap3A_188 : vector<1x16xf32> to vector<16xf32>
      %swap3A_190 = vector.shape_cast %broadcast_in_dim3A_185 : vector<16xf32> to vector<1x16xf32>
      tpu.vector_store %arg10[%swap3A_186, %swap3A_187], %swap3A_190 {strides = array<i32>} : memref<128x64xf32, #tpu.memory_space<vmem>>, vector<1x16xf32>,
    }
    %scan3A_62 = arith.constant 128 : i32
    %mul3A_63 = arith.constant 625 : i32
    %mul3A_64 = arith.muli %arg1, %mul3A_63 : i32
    %add3A_65 = arith.constant 0 : i32
    %add3A_66 = arith.addi %mul3A_64, %add3A_65 : i32
    "tpu.region"() ({
      %run_scoped3A_164 = tpu.sem_alloc : memref<!tpu.dma_semaphore, #tpu.memory_space<semaphore_mem>>
      %dma_start3A_165 = arith.constant 0 : i32
      %dma_start3A_166 = tpu.memref_slice %arg12[%add3A_66, %dma_start3A_165] : memref<10000x64xf32, #tpu.memory_space<vmem_shared>> -> memref<128x64xf32, #tpu.memory_space<vmem_shared>>
      %dma_start3A_167 = arith.constant 0 : i32
      %dma_start3A_168 = tpu.memref_slice %arg12[%add3A_66, %dma_start3A_167] : memref<10000x64xf32, #tpu.memory_space<vmem_shared>> -> memref<128x64xf32, #tpu.memory_space<vmem_shared>>
      tpu.enqueue_dma source(%arg10 : memref<128x64xf32, #tpu.memory_space<vmem>>) target(%dma_start3A_168 : memref<128x64xf32, #tpu.memory_space<vmem_shared>>) target_semaphore(%run_scoped3A_164 : memref<!tpu.dma_semaphore, #tpu.memory_space<semaphore_mem>>)
      %dma_wait3A_169 = arith.constant 0 : i32
      %dma_wait3A_170 = tpu.memref_slice %arg12[%add3A_66, %dma_wait3A_169] : memref<10000x64xf32, #tpu.memory_space<vmem_shared>> -> memref<128x64xf32, #tpu.memory_space<vmem_shared>>
      %dma_wait3A_171 = arith.constant 0 : i32
      %dma_wait3A_172 = tpu.memref_slice %arg12[%add3A_66, %dma_wait3A_171] : memref<10000x64xf32, #tpu.memory_space<vmem_shared>> -> memref<128x64xf32, #tpu.memory_space<vmem_shared>>
      tpu.wait_dma2 semaphore(%run_scoped3A_164 : memref<!tpu.dma_semaphore, #tpu.memory_space<semaphore_mem>>) src(%arg10 : memref<128x64xf32, #tpu.memory_space<vmem>>) dst(%dma_wait3A_172 : memref<128x64xf32, #tpu.memory_space<vmem_shared>>)
      tpu.yield
    }) : () -> ()
    %add3A_67 = arith.constant 128 : i32
    %add3A_68 = arith.addi %mul3A_64, %add3A_67 : i32
    "tpu.region"() ({
      %run_scoped3A_164 = tpu.sem_alloc : memref<!tpu.dma_semaphore, #tpu.memory_space<semaphore_mem>>
      %dma_start3A_165 = arith.constant 0 : i32
      %dma_start3A_166 = tpu.memref_slice %arg12[%add3A_68, %dma_start3A_165] : memref<10000x64xf32, #tpu.memory_space<vmem_shared>> -> memref<128x64xf32, #tpu.memory_space<vmem_shared>>
      %dma_start3A_167 = arith.constant 0 : i32
      %dma_start3A_168 = tpu.memref_slice %arg12[%add3A_68, %dma_start3A_167] : memref<10000x64xf32, #tpu.memory_space<vmem_shared>> -> memref<128x64xf32, #tpu.memory_space<vmem_shared>>
      tpu.enqueue_dma source(%arg10 : memref<128x64xf32, #tpu.memory_space<vmem>>) target(%dma_start3A_168 : memref<128x64xf32, #tpu.memory_space<vmem_shared>>) target_semaphore(%run_scoped3A_164 : memref<!tpu.dma_semaphore, #tpu.memory_space<semaphore_mem>>)
      %dma_wait3A_169 = arith.constant 0 : i32
      %dma_wait3A_170 = tpu.memref_slice %arg12[%add3A_68, %dma_wait3A_169] : memref<10000x64xf32, #tpu.memory_space<vmem_shared>> -> memref<128x64xf32, #tpu.memory_space<vmem_shared>>
      %dma_wait3A_171 = arith.constant 0 : i32
      %dma_wait3A_172 = tpu.memref_slice %arg12[%add3A_68, %dma_wait3A_171] : memref<10000x64xf32, #tpu.memory_space<vmem_shared>> -> memref<128x64xf32, #tpu.memory_space<vmem_shared>>
      tpu.wait_dma2 semaphore(%run_scoped3A_164 : memref<!tpu.dma_semaphore, #tpu.memory_space<semaphore_mem>>) src(%arg10 : memref<128x64xf32, #tpu.memory_space<vmem>>) dst(%dma_wait3A_172 : memref<128x64xf32, #tpu.memory_space<vmem_shared>>)
      tpu.yield
    }) : () -> ()
    %add3A_69 = arith.constant 256 : i32
    %add3A_70 = arith.addi %mul3A_64, %add3A_69 : i32
    "tpu.region"() ({
      %run_scoped3A_164 = tpu.sem_alloc : memref<!tpu.dma_semaphore, #tpu.memory_space<semaphore_mem>>
      %dma_start3A_165 = arith.constant 0 : i32
      %dma_start3A_166 = tpu.memref_slice %arg12[%add3A_70, %dma_start3A_165] : memref<10000x64xf32, #tpu.memory_space<vmem_shared>> -> memref<128x64xf32, #tpu.memory_space<vmem_shared>>
      %dma_start3A_167 = arith.constant 0 : i32
      %dma_start3A_168 = tpu.memref_slice %arg12[%add3A_70, %dma_start3A_167] : memref<10000x64xf32, #tpu.memory_space<vmem_shared>> -> memref<128x64xf32, #tpu.memory_space<vmem_shared>>
      tpu.enqueue_dma source(%arg10 : memref<128x64xf32, #tpu.memory_space<vmem>>) target(%dma_start3A_168 : memref<128x64xf32, #tpu.memory_space<vmem_shared>>) target_semaphore(%run_scoped3A_164 : memref<!tpu.dma_semaphore, #tpu.memory_space<semaphore_mem>>)
      %dma_wait3A_169 = arith.constant 0 : i32
      %dma_wait3A_170 = tpu.memref_slice %arg12[%add3A_70, %dma_wait3A_169] : memref<10000x64xf32, #tpu.memory_space<vmem_shared>> -> memref<128x64xf32, #tpu.memory_space<vmem_shared>>
      %dma_wait3A_171 = arith.constant 0 : i32
      %dma_wait3A_172 = tpu.memref_slice %arg12[%add3A_70, %dma_wait3A_171] : memref<10000x64xf32, #tpu.memory_space<vmem_shared>> -> memref<128x64xf32, #tpu.memory_space<vmem_shared>>
      tpu.wait_dma2 semaphore(%run_scoped3A_164 : memref<!tpu.dma_semaphore, #tpu.memory_space<semaphore_mem>>) src(%arg10 : memref<128x64xf32, #tpu.memory_space<vmem>>) dst(%dma_wait3A_172 : memref<128x64xf32, #tpu.memory_space<vmem_shared>>)
      tpu.yield
    }) : () -> ()
    %add3A_71 = arith.constant 384 : i32
    %add3A_72 = arith.addi %mul3A_64, %add3A_71 : i32
    "tpu.region"() ({
      %run_scoped3A_164 = tpu.sem_alloc : memref<!tpu.dma_semaphore, #tpu.memory_space<semaphore_mem>>
      %dma_start3A_165 = arith.constant 0 : i32
      %dma_start3A_166 = tpu.memref_slice %arg12[%add3A_72, %dma_start3A_165] : memref<10000x64xf32, #tpu.memory_space<vmem_shared>> -> memref<128x64xf32, #tpu.memory_space<vmem_shared>>
      %dma_start3A_167 = arith.constant 0 : i32
      %dma_start3A_168 = tpu.memref_slice %arg12[%add3A_72, %dma_start3A_167] : memref<10000x64xf32, #tpu.memory_space<vmem_shared>> -> memref<128x64xf32, #tpu.memory_space<vmem_shared>>
      tpu.enqueue_dma source(%arg10 : memref<128x64xf32, #tpu.memory_space<vmem>>) target(%dma_start3A_168 : memref<128x64xf32, #tpu.memory_space<vmem_shared>>) target_semaphore(%run_scoped3A_164 : memref<!tpu.dma_semaphore, #tpu.memory_space<semaphore_mem>>)
      %dma_wait3A_169 = arith.constant 0 : i32
      %dma_wait3A_170 = tpu.memref_slice %arg12[%add3A_72, %dma_wait3A_169] : memref<10000x64xf32, #tpu.memory_space<vmem_shared>> -> memref<128x64xf32, #tpu.memory_space<vmem_shared>>
      %dma_wait3A_171 = arith.constant 0 : i32
      %dma_wait3A_172 = tpu.memref_slice %arg12[%add3A_72, %dma_wait3A_171] : memref<10000x64xf32, #tpu.memory_space<vmem_shared>> -> memref<128x64xf32, #tpu.memory_space<vmem_shared>>
      tpu.wait_dma2 semaphore(%run_scoped3A_164 : memref<!tpu.dma_semaphore, #tpu.memory_space<semaphore_mem>>) src(%arg10 : memref<128x64xf32, #tpu.memory_space<vmem>>) dst(%dma_wait3A_172 : memref<128x64xf32, #tpu.memory_space<vmem_shared>>)
      tpu.yield
    }) : () -> ()
    %add3A_73 = arith.constant 512 : i32
    %add3A_74 = arith.addi %mul3A_64, %add3A_73 : i32
    "tpu.region"() ({
      %run_scoped3A_164 = tpu.sem_alloc : memref<!tpu.dma_semaphore, #tpu.memory_space<semaphore_mem>>
      %dma_start3A_165 = arith.constant 0 : i32
      %dma_start3A_166 = arith.constant 0 : i32
      %dma_start3A_167 = tpu.memref_slice %arg10[%dma_start3A_165, %dma_start3A_166] : memref<128x64xf32, #tpu.memory_space<vmem>> -> memref<113x64xf32, #tpu.memory_space<vmem>>
      %dma_start3A_168 = arith.constant 0 : i32
      %dma_start3A_169 = tpu.memref_slice %arg12[%add3A_74, %dma_start3A_168] : memref<10000x64xf32, #tpu.memory_space<vmem_shared>> -> memref<113x64xf32, #tpu.memory_space<vmem_shared>>
      %dma_start3A_170 = arith.constant 0 : i32
      %dma_start3A_171 = tpu.memref_slice %arg12[%add3A_74, %dma_start3A_170] : memref<10000x64xf32, #tpu.memory_space<vmem_shared>> -> memref<113x64xf32, #tpu.memory_space<vmem_shared>>
      %dma_start3A_172 = arith.constant 0 : i32
      %dma_start3A_173 = arith.constant 0 : i32
      %dma_start3A_174 = tpu.memref_slice %arg10[%dma_start3A_172, %dma_start3A_173] : memref<128x64xf32, #tpu.memory_space<vmem>> -> memref<113x64xf32, #tpu.memory_space<vmem>>
      tpu.enqueue_dma source(%dma_start3A_174 : memref<113x64xf32, #tpu.memory_space<vmem>>) target(%dma_start3A_171 : memref<113x64xf32, #tpu.memory_space<vmem_shared>>) target_semaphore(%run_scoped3A_164 : memref<!tpu.dma_semaphore, #tpu.memory_space<semaphore_mem>>)
      %dma_wait3A_175 = arith.constant 0 : i32
      %dma_wait3A_176 = arith.constant 0 : i32
      %dma_wait3A_177 = tpu.memref_slice %arg10[%dma_wait3A_175, %dma_wait3A_176] : memref<128x64xf32, #tpu.memory_space<vmem>> -> memref<113x64xf32, #tpu.memory_space<vmem>>
      %dma_wait3A_178 = arith.constant 0 : i32
      %dma_wait3A_179 = tpu.memref_slice %arg12[%add3A_74, %dma_wait3A_178] : memref<10000x64xf32, #tpu.memory_space<vmem_shared>> -> memref<113x64xf32, #tpu.memory_space<vmem_shared>>
      %dma_wait3A_180 = arith.constant 0 : i32
      %dma_wait3A_181 = tpu.memref_slice %arg12[%add3A_74, %dma_wait3A_180] : memref<10000x64xf32, #tpu.memory_space<vmem_shared>> -> memref<113x64xf32, #tpu.memory_space<vmem_shared>>
      %dma_wait3A_182 = arith.constant 0 : i32
      %dma_wait3A_183 = arith.constant 0 : i32
      %dma_wait3A_184 = tpu.memref_slice %arg10[%dma_wait3A_182, %dma_wait3A_183] : memref<128x64xf32, #tpu.memory_space<vmem>> -> memref<113x64xf32, #tpu.memory_space<vmem>>
      tpu.wait_dma2 semaphore(%run_scoped3A_164 : memref<!tpu.dma_semaphore, #tpu.memory_space<semaphore_mem>>) src(%dma_wait3A_184 : memref<113x64xf32, #tpu.memory_space<vmem>>) dst(%dma_wait3A_181 : memref<113x64xf32, #tpu.memory_space<vmem_shared>>)
      tpu.yield
    }) : () -> ()
    %barrier3A = arith.constant 0 : index
    tpu.barrier barrier_id(%barrier3A)
    %scan3A_75 = arith.constant 0 : i32
    %scan3A_76 = arith.constant 0 : i32
    %scan3A_77 = arith.constant 13 : i32
    %scan3A_78 = arith.addi %scan3A_76, %scan3A_77 : i32
    %scan3A_79 = arith.constant 1 : i32
    scf.for %scan3A_164 = %scan3A_76 to %scan3A_78 step %scan3A_79  : i32 {
      %mul3A_165 = arith.constant 6 : i32
      %mul3A_166 = arith.muli %scan3A_164, %mul3A_165 : i32
      %add3A_167 = arith.constant 0 : i32
      %add3A_168 = arith.addi %mul3A_166, %add3A_167 : i32
      %dma_wait3A_169 = arith.constant 0 : i32
      %dma_wait3A_170 = arith.constant 0 : i32
      %dma_wait3A_171 = arith.constant 0 : i32
      %dma_wait3A_172 = tpu.memref_slice %arg9[%dma_wait3A_169, %dma_wait3A_170, %dma_wait3A_171] : memref<6x128x64xf32, #tpu.memory_space<vmem>> -> memref<1x128x64xf32, #tpu.memory_space<vmem>>
      %dma_wait3A_173 = tpu.memref_squeeze %dma_wait3A_172 : memref<1x128x64xf32, #tpu.memory_space<vmem>> -> memref<128x64xf32, #tpu.memory_space<vmem>>
      %dma_wait3A_174 = arith.constant 0 : i32
      %dma_wait3A_175 = tpu.memref_slice %arg5[%add3A_168, %dma_wait3A_174] : memref<78x128xi32, #tpu.memory_space<vmem>> -> memref<1x128xi32, #tpu.memory_space<vmem>>
      %dma_wait3A_176 = tpu.memref_squeeze %dma_wait3A_175 : memref<1x128xi32, #tpu.memory_space<vmem>> -> memref<128xi32, #tpu.memory_space<vmem>>
      %dma_wait3A_177 = arith.constant 0 : i32
      %dma_wait3A_178 = arith.constant 0 : i32
      %dma_wait3A_179 = tpu.memref_slice %arg2[%dma_wait3A_177, %dma_wait3A_178] : memref<10000x64xf32, #tpu.memory_space<hbm>> -> memref<10000x64xf32, #tpu.memory_space<hbm>>
      tpu.wait_indirect_dma semaphore(%arg13 : memref<!tpu.dma_semaphore, #tpu.memory_space<semaphore_mem>>) src(%dma_wait3A_179 : memref<10000x64xf32, #tpu.memory_space<hbm>>) dst(%dma_wait3A_173 : memref<128x64xf32, #tpu.memory_space<vmem>>)
      %dma_start3A_180 = arith.constant 0 : i32
      %dma_start3A_181 = arith.constant 0 : i32
      %dma_start3A_182 = arith.constant 0 : i32
      %dma_start3A_183 = tpu.memref_slice %arg9[%dma_start3A_180, %dma_start3A_181, %dma_start3A_182] : memref<6x128x64xf32, #tpu.memory_space<vmem>> -> memref<1x128x64xf32, #tpu.memory_space<vmem>>
      %dma_start3A_184 = tpu.memref_squeeze %dma_start3A_183 : memref<1x128x64xf32, #tpu.memory_space<vmem>> -> memref<128x64xf32, #tpu.memory_space<vmem>>
      %dma_start3A_185 = arith.constant 0 : i32
      %dma_start3A_186 = tpu.memref_slice %arg6[%add3A_168, %dma_start3A_185] : memref<78x128xi32, #tpu.memory_space<vmem>> -> memref<1x128xi32, #tpu.memory_space<vmem>>
      %dma_start3A_187 = tpu.memref_squeeze %dma_start3A_186 : memref<1x128xi32, #tpu.memory_space<vmem>> -> memref<128xi32, #tpu.memory_space<vmem>>
      %dma_start3A_188 = arith.constant 0 : i32
      %dma_start3A_189 = arith.constant 0 : i32
      %dma_start3A_190 = tpu.memref_slice %arg12[%dma_start3A_188, %dma_start3A_189] : memref<10000x64xf32, #tpu.memory_space<vmem_shared>> -> memref<10000x64xf32, #tpu.memory_space<vmem_shared>>
      tpu.enqueue_indirect_dma source(%dma_start3A_184 : memref<128x64xf32, #tpu.memory_space<vmem>>) target(%dma_start3A_190 : memref<10000x64xf32, #tpu.memory_space<vmem_shared>>) offsets(%dma_start3A_187 : memref<128xi32, #tpu.memory_space<vmem>>) semaphore(%arg19 : memref<!tpu.dma_semaphore, #tpu.memory_space<semaphore_mem>>) {add = true}
      %add3A_191 = arith.constant 4 : i32
      %add3A_192 = arith.addi %add3A_168, %add3A_191 : i32
      %lt3A_193 = arith.constant 78 : i32
      %lt3A_194 = arith.cmpi slt, %add3A_192, %lt3A_193 : i32
      %convert_element_type3A_195 = arith.extui %lt3A_194 : i1 to i32
      %cond3A_196 = arith.constant 0 : i32
      %cond3A_197 = arith.cmpi ne, %convert_element_type3A_195, %cond3A_196 : i32
      scf.if %cond3A_197 {
        %ge3A = arith.constant 2 : i32
        %ge3A_363 = arith.cmpi sge, %add3A_168, %ge3A : i32
        %convert_element_type3A_364 = arith.extui %ge3A_363 : i1 to i32
        %cond3A_365 = arith.constant 0 : i32
        %cond3A_366 = arith.cmpi ne, %convert_element_type3A_364, %cond3A_365 : i32
        scf.if %cond3A_366 {
          %sub3A = arith.constant 2 : i32
          %sub3A_378 = arith.subi %add3A_168, %sub3A : i32
          %dma_wait3A_379 = arith.constant 4 : i32
          %dma_wait3A_380 = arith.constant 0 : i32
          %dma_wait3A_381 = arith.constant 0 : i32
          %dma_wait3A_382 = tpu.memref_slice %arg9[%dma_wait3A_379, %dma_wait3A_380, %dma_wait3A_381] : memref<6x128x64xf32, #tpu.memory_space<vmem>> -> memref<1x128x64xf32, #tpu.memory_space<vmem>>
          %dma_wait3A_383 = tpu.memref_squeeze %dma_wait3A_382 : memref<1x128x64xf32, #tpu.memory_space<vmem>> -> memref<128x64xf32, #tpu.memory_space<vmem>>
          %dma_wait3A_384 = arith.constant 0 : i32
          %dma_wait3A_385 = tpu.memref_slice %arg6[%sub3A_378, %dma_wait3A_384] : memref<78x128xi32, #tpu.memory_space<vmem>> -> memref<1x128xi32, #tpu.memory_space<vmem>>
          %dma_wait3A_386 = tpu.memref_squeeze %dma_wait3A_385 : memref<1x128xi32, #tpu.memory_space<vmem>> -> memref<128xi32, #tpu.memory_space<vmem>>
          %dma_wait3A_387 = arith.constant 0 : i32
          %dma_wait3A_388 = arith.constant 0 : i32
          %dma_wait3A_389 = tpu.memref_slice %arg12[%dma_wait3A_387, %dma_wait3A_388] : memref<10000x64xf32, #tpu.memory_space<vmem_shared>> -> memref<10000x64xf32, #tpu.memory_space<vmem_shared>>
          tpu.wait_indirect_dma semaphore(%arg23 : memref<!tpu.dma_semaphore, #tpu.memory_space<semaphore_mem>>) src(%dma_wait3A_383 : memref<128x64xf32, #tpu.memory_space<vmem>>) dst(%dma_wait3A_389 : memref<10000x64xf32, #tpu.memory_space<vmem_shared>>)
        } else {
        }
        %dma_start3A_367 = arith.constant 4 : i32
        %dma_start3A_368 = arith.constant 0 : i32
        %dma_start3A_369 = arith.constant 0 : i32
        %dma_start3A_370 = tpu.memref_slice %arg9[%dma_start3A_367, %dma_start3A_368, %dma_start3A_369] : memref<6x128x64xf32, #tpu.memory_space<vmem>> -> memref<1x128x64xf32, #tpu.memory_space<vmem>>
        %dma_start3A_371 = tpu.memref_squeeze %dma_start3A_370 : memref<1x128x64xf32, #tpu.memory_space<vmem>> -> memref<128x64xf32, #tpu.memory_space<vmem>>
        %dma_start3A_372 = arith.constant 0 : i32
        %dma_start3A_373 = tpu.memref_slice %arg5[%add3A_192, %dma_start3A_372] : memref<78x128xi32, #tpu.memory_space<vmem>> -> memref<1x128xi32, #tpu.memory_space<vmem>>
        %dma_start3A_374 = tpu.memref_squeeze %dma_start3A_373 : memref<1x128xi32, #tpu.memory_space<vmem>> -> memref<128xi32, #tpu.memory_space<vmem>>
        %dma_start3A_375 = arith.constant 0 : i32
        %dma_start3A_376 = arith.constant 0 : i32
        %dma_start3A_377 = tpu.memref_slice %arg2[%dma_start3A_375, %dma_start3A_376] : memref<10000x64xf32, #tpu.memory_space<hbm>> -> memref<10000x64xf32, #tpu.memory_space<hbm>>
        tpu.enqueue_indirect_dma source(%dma_start3A_377 : memref<10000x64xf32, #tpu.memory_space<hbm>>) target(%dma_start3A_371 : memref<128x64xf32, #tpu.memory_space<vmem>>) offsets(%dma_start3A_374 : memref<128xi32, #tpu.memory_space<vmem>>) semaphore(%arg17 : memref<!tpu.dma_semaphore, #tpu.memory_space<semaphore_mem>>)
      } else {
      }
      %mul3A_198 = arith.constant 6 : i32
      %mul3A_199 = arith.muli %scan3A_164, %mul3A_198 : i32
      %add3A_200 = arith.constant 1 : i32
      %add3A_201 = arith.addi %mul3A_199, %add3A_200 : i32
      %dma_wait3A_202 = arith.constant 1 : i32
      %dma_wait3A_203 = arith.constant 0 : i32
      %dma_wait3A_204 = arith.constant 0 : i32
      %dma_wait3A_205 = tpu.memref_slice %arg9[%dma_wait3A_202, %dma_wait3A_203, %dma_wait3A_204] : memref<6x128x64xf32, #tpu.memory_space<vmem>> -> memref<1x128x64xf32, #tpu.memory_space<vmem>>
      %dma_wait3A_206 = tpu.memref_squeeze %dma_wait3A_205 : memref<1x128x64xf32, #tpu.memory_space<vmem>> -> memref<128x64xf32, #tpu.memory_space<vmem>>
      %dma_wait3A_207 = arith.constant 0 : i32
      %dma_wait3A_208 = tpu.memref_slice %arg5[%add3A_201, %dma_wait3A_207] : memref<78x128xi32, #tpu.memory_space<vmem>> -> memref<1x128xi32, #tpu.memory_space<vmem>>
      %dma_wait3A_209 = tpu.memref_squeeze %dma_wait3A_208 : memref<1x128xi32, #tpu.memory_space<vmem>> -> memref<128xi32, #tpu.memory_space<vmem>>
      %dma_wait3A_210 = arith.constant 0 : i32
      %dma_wait3A_211 = arith.constant 0 : i32
      %dma_wait3A_212 = tpu.memref_slice %arg2[%dma_wait3A_210, %dma_wait3A_211] : memref<10000x64xf32, #tpu.memory_space<hbm>> -> memref<10000x64xf32, #tpu.memory_space<hbm>>
      tpu.wait_indirect_dma semaphore(%arg14 : memref<!tpu.dma_semaphore, #tpu.memory_space<semaphore_mem>>) src(%dma_wait3A_212 : memref<10000x64xf32, #tpu.memory_space<hbm>>) dst(%dma_wait3A_206 : memref<128x64xf32, #tpu.memory_space<vmem>>)
      %dma_start3A_213 = arith.constant 1 : i32
      %dma_start3A_214 = arith.constant 0 : i32
      %dma_start3A_215 = arith.constant 0 : i32
      %dma_start3A_216 = tpu.memref_slice %arg9[%dma_start3A_213, %dma_start3A_214, %dma_start3A_215] : memref<6x128x64xf32, #tpu.memory_space<vmem>> -> memref<1x128x64xf32, #tpu.memory_space<vmem>>
      %dma_start3A_217 = tpu.memref_squeeze %dma_start3A_216 : memref<1x128x64xf32, #tpu.memory_space<vmem>> -> memref<128x64xf32, #tpu.memory_space<vmem>>
      %dma_start3A_218 = arith.constant 0 : i32
      %dma_start3A_219 = tpu.memref_slice %arg6[%add3A_201, %dma_start3A_218] : memref<78x128xi32, #tpu.memory_space<vmem>> -> memref<1x128xi32, #tpu.memory_space<vmem>>
      %dma_start3A_220 = tpu.memref_squeeze %dma_start3A_219 : memref<1x128xi32, #tpu.memory_space<vmem>> -> memref<128xi32, #tpu.memory_space<vmem>>
      %dma_start3A_221 = arith.constant 0 : i32
      %dma_start3A_222 = arith.constant 0 : i32
      %dma_start3A_223 = tpu.memref_slice %arg12[%dma_start3A_221, %dma_start3A_222] : memref<10000x64xf32, #tpu.memory_space<vmem_shared>> -> memref<10000x64xf32, #tpu.memory_space<vmem_shared>>
      tpu.enqueue_indirect_dma source(%dma_start3A_217 : memref<128x64xf32, #tpu.memory_space<vmem>>) target(%dma_start3A_223 : memref<10000x64xf32, #tpu.memory_space<vmem_shared>>) offsets(%dma_start3A_220 : memref<128xi32, #tpu.memory_space<vmem>>) semaphore(%arg20 : memref<!tpu.dma_semaphore, #tpu.memory_space<semaphore_mem>>) {add = true}
      %add3A_224 = arith.constant 4 : i32
      %add3A_225 = arith.addi %add3A_201, %add3A_224 : i32
      %lt3A_226 = arith.constant 78 : i32
      %lt3A_227 = arith.cmpi slt, %add3A_225, %lt3A_226 : i32
      %convert_element_type3A_228 = arith.extui %lt3A_227 : i1 to i32
      %cond3A_229 = arith.constant 0 : i32
      %cond3A_230 = arith.cmpi ne, %convert_element_type3A_228, %cond3A_229 : i32
      scf.if %cond3A_230 {
        %ge3A = arith.constant 2 : i32
        %ge3A_363 = arith.cmpi sge, %add3A_201, %ge3A : i32
        %convert_element_type3A_364 = arith.extui %ge3A_363 : i1 to i32
        %cond3A_365 = arith.constant 0 : i32
        %cond3A_366 = arith.cmpi ne, %convert_element_type3A_364, %cond3A_365 : i32
        scf.if %cond3A_366 {
          %sub3A = arith.constant 2 : i32
          %sub3A_378 = arith.subi %add3A_201, %sub3A : i32
          %dma_wait3A_379 = arith.constant 5 : i32
          %dma_wait3A_380 = arith.constant 0 : i32
          %dma_wait3A_381 = arith.constant 0 : i32
          %dma_wait3A_382 = tpu.memref_slice %arg9[%dma_wait3A_379, %dma_wait3A_380, %dma_wait3A_381] : memref<6x128x64xf32, #tpu.memory_space<vmem>> -> memref<1x128x64xf32, #tpu.memory_space<vmem>>
          %dma_wait3A_383 = tpu.memref_squeeze %dma_wait3A_382 : memref<1x128x64xf32, #tpu.memory_space<vmem>> -> memref<128x64xf32, #tpu.memory_space<vmem>>
          %dma_wait3A_384 = arith.constant 0 : i32
          %dma_wait3A_385 = tpu.memref_slice %arg6[%sub3A_378, %dma_wait3A_384] : memref<78x128xi32, #tpu.memory_space<vmem>> -> memref<1x128xi32, #tpu.memory_space<vmem>>
          %dma_wait3A_386 = tpu.memref_squeeze %dma_wait3A_385 : memref<1x128xi32, #tpu.memory_space<vmem>> -> memref<128xi32, #tpu.memory_space<vmem>>
          %dma_wait3A_387 = arith.constant 0 : i32
          %dma_wait3A_388 = arith.constant 0 : i32
          %dma_wait3A_389 = tpu.memref_slice %arg12[%dma_wait3A_387, %dma_wait3A_388] : memref<10000x64xf32, #tpu.memory_space<vmem_shared>> -> memref<10000x64xf32, #tpu.memory_space<vmem_shared>>
          tpu.wait_indirect_dma semaphore(%arg24 : memref<!tpu.dma_semaphore, #tpu.memory_space<semaphore_mem>>) src(%dma_wait3A_383 : memref<128x64xf32, #tpu.memory_space<vmem>>) dst(%dma_wait3A_389 : memref<10000x64xf32, #tpu.memory_space<vmem_shared>>)
        } else {
        }
        %dma_start3A_367 = arith.constant 5 : i32
        %dma_start3A_368 = arith.constant 0 : i32
        %dma_start3A_369 = arith.constant 0 : i32
        %dma_start3A_370 = tpu.memref_slice %arg9[%dma_start3A_367, %dma_start3A_368, %dma_start3A_369] : memref<6x128x64xf32, #tpu.memory_space<vmem>> -> memref<1x128x64xf32, #tpu.memory_space<vmem>>
        %dma_start3A_371 = tpu.memref_squeeze %dma_start3A_370 : memref<1x128x64xf32, #tpu.memory_space<vmem>> -> memref<128x64xf32, #tpu.memory_space<vmem>>
        %dma_start3A_372 = arith.constant 0 : i32
        %dma_start3A_373 = tpu.memref_slice %arg5[%add3A_225, %dma_start3A_372] : memref<78x128xi32, #tpu.memory_space<vmem>> -> memref<1x128xi32, #tpu.memory_space<vmem>>
        %dma_start3A_374 = tpu.memref_squeeze %dma_start3A_373 : memref<1x128xi32, #tpu.memory_space<vmem>> -> memref<128xi32, #tpu.memory_space<vmem>>
        %dma_start3A_375 = arith.constant 0 : i32
        %dma_start3A_376 = arith.constant 0 : i32
        %dma_start3A_377 = tpu.memref_slice %arg2[%dma_start3A_375, %dma_start3A_376] : memref<10000x64xf32, #tpu.memory_space<hbm>> -> memref<10000x64xf32, #tpu.memory_space<hbm>>
        tpu.enqueue_indirect_dma source(%dma_start3A_377 : memref<10000x64xf32, #tpu.memory_space<hbm>>) target(%dma_start3A_371 : memref<128x64xf32, #tpu.memory_space<vmem>>) offsets(%dma_start3A_374 : memref<128xi32, #tpu.memory_space<vmem>>) semaphore(%arg18 : memref<!tpu.dma_semaphore, #tpu.memory_space<semaphore_mem>>)
      } else {
      }
      %mul3A_231 = arith.constant 6 : i32
      %mul3A_232 = arith.muli %scan3A_164, %mul3A_231 : i32
      %add3A_233 = arith.constant 2 : i32
      %add3A_234 = arith.addi %mul3A_232, %add3A_233 : i32
      %dma_wait3A_235 = arith.constant 2 : i32
      %dma_wait3A_236 = arith.constant 0 : i32
      %dma_wait3A_237 = arith.constant 0 : i32
      %dma_wait3A_238 = tpu.memref_slice %arg9[%dma_wait3A_235, %dma_wait3A_236, %dma_wait3A_237] : memref<6x128x64xf32, #tpu.memory_space<vmem>> -> memref<1x128x64xf32, #tpu.memory_space<vmem>>
      %dma_wait3A_239 = tpu.memref_squeeze %dma_wait3A_238 : memref<1x128x64xf32, #tpu.memory_space<vmem>> -> memref<128x64xf32, #tpu.memory_space<vmem>>
      %dma_wait3A_240 = arith.constant 0 : i32
      %dma_wait3A_241 = tpu.memref_slice %arg5[%add3A_234, %dma_wait3A_240] : memref<78x128xi32, #tpu.memory_space<vmem>> -> memref<1x128xi32, #tpu.memory_space<vmem>>
      %dma_wait3A_242 = tpu.memref_squeeze %dma_wait3A_241 : memref<1x128xi32, #tpu.memory_space<vmem>> -> memref<128xi32, #tpu.memory_space<vmem>>
      %dma_wait3A_243 = arith.constant 0 : i32
      %dma_wait3A_244 = arith.constant 0 : i32
      %dma_wait3A_245 = tpu.memref_slice %arg2[%dma_wait3A_243, %dma_wait3A_244] : memref<10000x64xf32, #tpu.memory_space<hbm>> -> memref<10000x64xf32, #tpu.memory_space<hbm>>
      tpu.wait_indirect_dma semaphore(%arg15 : memref<!tpu.dma_semaphore, #tpu.memory_space<semaphore_mem>>) src(%dma_wait3A_245 : memref<10000x64xf32, #tpu.memory_space<hbm>>) dst(%dma_wait3A_239 : memref<128x64xf32, #tpu.memory_space<vmem>>)
      %dma_start3A_246 = arith.constant 2 : i32
      %dma_start3A_247 = arith.constant 0 : i32
      %dma_start3A_248 = arith.constant 0 : i32
      %dma_start3A_249 = tpu.memref_slice %arg9[%dma_start3A_246, %dma_start3A_247, %dma_start3A_248] : memref<6x128x64xf32, #tpu.memory_space<vmem>> -> memref<1x128x64xf32, #tpu.memory_space<vmem>>
      %dma_start3A_250 = tpu.memref_squeeze %dma_start3A_249 : memref<1x128x64xf32, #tpu.memory_space<vmem>> -> memref<128x64xf32, #tpu.memory_space<vmem>>
      %dma_start3A_251 = arith.constant 0 : i32
      %dma_start3A_252 = tpu.memref_slice %arg6[%add3A_234, %dma_start3A_251] : memref<78x128xi32, #tpu.memory_space<vmem>> -> memref<1x128xi32, #tpu.memory_space<vmem>>
      %dma_start3A_253 = tpu.memref_squeeze %dma_start3A_252 : memref<1x128xi32, #tpu.memory_space<vmem>> -> memref<128xi32, #tpu.memory_space<vmem>>
      %dma_start3A_254 = arith.constant 0 : i32
      %dma_start3A_255 = arith.constant 0 : i32
      %dma_start3A_256 = tpu.memref_slice %arg12[%dma_start3A_254, %dma_start3A_255] : memref<10000x64xf32, #tpu.memory_space<vmem_shared>> -> memref<10000x64xf32, #tpu.memory_space<vmem_shared>>
      tpu.enqueue_indirect_dma source(%dma_start3A_250 : memref<128x64xf32, #tpu.memory_space<vmem>>) target(%dma_start3A_256 : memref<10000x64xf32, #tpu.memory_space<vmem_shared>>) offsets(%dma_start3A_253 : memref<128xi32, #tpu.memory_space<vmem>>) semaphore(%arg21 : memref<!tpu.dma_semaphore, #tpu.memory_space<semaphore_mem>>) {add = true}
      %add3A_257 = arith.constant 4 : i32
      %add3A_258 = arith.addi %add3A_234, %add3A_257 : i32
      %lt3A_259 = arith.constant 78 : i32
      %lt3A_260 = arith.cmpi slt, %add3A_258, %lt3A_259 : i32
      %convert_element_type3A_261 = arith.extui %lt3A_260 : i1 to i32
      %cond3A_262 = arith.constant 0 : i32
      %cond3A_263 = arith.cmpi ne, %convert_element_type3A_261, %cond3A_262 : i32
      scf.if %cond3A_263 {
        %ge3A = arith.constant 2 : i32
        %ge3A_363 = arith.cmpi sge, %add3A_234, %ge3A : i32
        %convert_element_type3A_364 = arith.extui %ge3A_363 : i1 to i32
        %cond3A_365 = arith.constant 0 : i32
        %cond3A_366 = arith.cmpi ne, %convert_element_type3A_364, %cond3A_365 : i32
        scf.if %cond3A_366 {
          %sub3A = arith.constant 2 : i32
          %sub3A_378 = arith.subi %add3A_234, %sub3A : i32
          %dma_wait3A_379 = arith.constant 0 : i32
          %dma_wait3A_380 = arith.constant 0 : i32
          %dma_wait3A_381 = arith.constant 0 : i32
          %dma_wait3A_382 = tpu.memref_slice %arg9[%dma_wait3A_379, %dma_wait3A_380, %dma_wait3A_381] : memref<6x128x64xf32, #tpu.memory_space<vmem>> -> memref<1x128x64xf32, #tpu.memory_space<vmem>>
          %dma_wait3A_383 = tpu.memref_squeeze %dma_wait3A_382 : memref<1x128x64xf32, #tpu.memory_space<vmem>> -> memref<128x64xf32, #tpu.memory_space<vmem>>
          %dma_wait3A_384 = arith.constant 0 : i32
          %dma_wait3A_385 = tpu.memref_slice %arg6[%sub3A_378, %dma_wait3A_384] : memref<78x128xi32, #tpu.memory_space<vmem>> -> memref<1x128xi32, #tpu.memory_space<vmem>>
          %dma_wait3A_386 = tpu.memref_squeeze %dma_wait3A_385 : memref<1x128xi32, #tpu.memory_space<vmem>> -> memref<128xi32, #tpu.memory_space<vmem>>
          %dma_wait3A_387 = arith.constant 0 : i32
          %dma_wait3A_388 = arith.constant 0 : i32
          %dma_wait3A_389 = tpu.memref_slice %arg12[%dma_wait3A_387, %dma_wait3A_388] : memref<10000x64xf32, #tpu.memory_space<vmem_shared>> -> memref<10000x64xf32, #tpu.memory_space<vmem_shared>>
          tpu.wait_indirect_dma semaphore(%arg19 : memref<!tpu.dma_semaphore, #tpu.memory_space<semaphore_mem>>) src(%dma_wait3A_383 : memref<128x64xf32, #tpu.memory_space<vmem>>) dst(%dma_wait3A_389 : memref<10000x64xf32, #tpu.memory_space<vmem_shared>>)
        } else {
        }
        %dma_start3A_367 = arith.constant 0 : i32
        %dma_start3A_368 = arith.constant 0 : i32
        %dma_start3A_369 = arith.constant 0 : i32
        %dma_start3A_370 = tpu.memref_slice %arg9[%dma_start3A_367, %dma_start3A_368, %dma_start3A_369] : memref<6x128x64xf32, #tpu.memory_space<vmem>> -> memref<1x128x64xf32, #tpu.memory_space<vmem>>
        %dma_start3A_371 = tpu.memref_squeeze %dma_start3A_370 : memref<1x128x64xf32, #tpu.memory_space<vmem>> -> memref<128x64xf32, #tpu.memory_space<vmem>>
        %dma_start3A_372 = arith.constant 0 : i32
        %dma_start3A_373 = tpu.memref_slice %arg5[%add3A_258, %dma_start3A_372] : memref<78x128xi32, #tpu.memory_space<vmem>> -> memref<1x128xi32, #tpu.memory_space<vmem>>
        %dma_start3A_374 = tpu.memref_squeeze %dma_start3A_373 : memref<1x128xi32, #tpu.memory_space<vmem>> -> memref<128xi32, #tpu.memory_space<vmem>>
        %dma_start3A_375 = arith.constant 0 : i32
        %dma_start3A_376 = arith.constant 0 : i32
        %dma_start3A_377 = tpu.memref_slice %arg2[%dma_start3A_375, %dma_start3A_376] : memref<10000x64xf32, #tpu.memory_space<hbm>> -> memref<10000x64xf32, #tpu.memory_space<hbm>>
        tpu.enqueue_indirect_dma source(%dma_start3A_377 : memref<10000x64xf32, #tpu.memory_space<hbm>>) target(%dma_start3A_371 : memref<128x64xf32, #tpu.memory_space<vmem>>) offsets(%dma_start3A_374 : memref<128xi32, #tpu.memory_space<vmem>>) semaphore(%arg13 : memref<!tpu.dma_semaphore, #tpu.memory_space<semaphore_mem>>)
      } else {
      }
      %mul3A_264 = arith.constant 6 : i32
      %mul3A_265 = arith.muli %scan3A_164, %mul3A_264 : i32
      %add3A_266 = arith.constant 3 : i32
      %add3A_267 = arith.addi %mul3A_265, %add3A_266 : i32
      %dma_wait3A_268 = arith.constant 3 : i32
      %dma_wait3A_269 = arith.constant 0 : i32
      %dma_wait3A_270 = arith.constant 0 : i32
      %dma_wait3A_271 = tpu.memref_slice %arg9[%dma_wait3A_268, %dma_wait3A_269, %dma_wait3A_270] : memref<6x128x64xf32, #tpu.memory_space<vmem>> -> memref<1x128x64xf32, #tpu.memory_space<vmem>>
      %dma_wait3A_272 = tpu.memref_squeeze %dma_wait3A_271 : memref<1x128x64xf32, #tpu.memory_space<vmem>> -> memref<128x64xf32, #tpu.memory_space<vmem>>
      %dma_wait3A_273 = arith.constant 0 : i32
      %dma_wait3A_274 = tpu.memref_slice %arg5[%add3A_267, %dma_wait3A_273] : memref<78x128xi32, #tpu.memory_space<vmem>> -> memref<1x128xi32, #tpu.memory_space<vmem>>
      %dma_wait3A_275 = tpu.memref_squeeze %dma_wait3A_274 : memref<1x128xi32, #tpu.memory_space<vmem>> -> memref<128xi32, #tpu.memory_space<vmem>>
      %dma_wait3A_276 = arith.constant 0 : i32
      %dma_wait3A_277 = arith.constant 0 : i32
      %dma_wait3A_278 = tpu.memref_slice %arg2[%dma_wait3A_276, %dma_wait3A_277] : memref<10000x64xf32, #tpu.memory_space<hbm>> -> memref<10000x64xf32, #tpu.memory_space<hbm>>
      tpu.wait_indirect_dma semaphore(%arg16 : memref<!tpu.dma_semaphore, #tpu.memory_space<semaphore_mem>>) src(%dma_wait3A_278 : memref<10000x64xf32, #tpu.memory_space<hbm>>) dst(%dma_wait3A_272 : memref<128x64xf32, #tpu.memory_space<vmem>>)
      %dma_start3A_279 = arith.constant 3 : i32
      %dma_start3A_280 = arith.constant 0 : i32
      %dma_start3A_281 = arith.constant 0 : i32
      %dma_start3A_282 = tpu.memref_slice %arg9[%dma_start3A_279, %dma_start3A_280, %dma_start3A_281] : memref<6x128x64xf32, #tpu.memory_space<vmem>> -> memref<1x128x64xf32, #tpu.memory_space<vmem>>
      %dma_start3A_283 = tpu.memref_squeeze %dma_start3A_282 : memref<1x128x64xf32, #tpu.memory_space<vmem>> -> memref<128x64xf32, #tpu.memory_space<vmem>>
      %dma_start3A_284 = arith.constant 0 : i32
      %dma_start3A_285 = tpu.memref_slice %arg6[%add3A_267, %dma_start3A_284] : memref<78x128xi32, #tpu.memory_space<vmem>> -> memref<1x128xi32, #tpu.memory_space<vmem>>
      %dma_start3A_286 = tpu.memref_squeeze %dma_start3A_285 : memref<1x128xi32, #tpu.memory_space<vmem>> -> memref<128xi32, #tpu.memory_space<vmem>>
      %dma_start3A_287 = arith.constant 0 : i32
      %dma_start3A_288 = arith.constant 0 : i32
      %dma_start3A_289 = tpu.memref_slice %arg12[%dma_start3A_287, %dma_start3A_288] : memref<10000x64xf32, #tpu.memory_space<vmem_shared>> -> memref<10000x64xf32, #tpu.memory_space<vmem_shared>>
      tpu.enqueue_indirect_dma source(%dma_start3A_283 : memref<128x64xf32, #tpu.memory_space<vmem>>) target(%dma_start3A_289 : memref<10000x64xf32, #tpu.memory_space<vmem_shared>>) offsets(%dma_start3A_286 : memref<128xi32, #tpu.memory_space<vmem>>) semaphore(%arg22 : memref<!tpu.dma_semaphore, #tpu.memory_space<semaphore_mem>>) {add = true}
      %add3A_290 = arith.constant 4 : i32
      %add3A_291 = arith.addi %add3A_267, %add3A_290 : i32
      %lt3A_292 = arith.constant 78 : i32
      %lt3A_293 = arith.cmpi slt, %add3A_291, %lt3A_292 : i32
      %convert_element_type3A_294 = arith.extui %lt3A_293 : i1 to i32
      %cond3A_295 = arith.constant 0 : i32
      %cond3A_296 = arith.cmpi ne, %convert_element_type3A_294, %cond3A_295 : i32
      scf.if %cond3A_296 {
        %ge3A = arith.constant 2 : i32
        %ge3A_363 = arith.cmpi sge, %add3A_267, %ge3A : i32
        %convert_element_type3A_364 = arith.extui %ge3A_363 : i1 to i32
        %cond3A_365 = arith.constant 0 : i32
        %cond3A_366 = arith.cmpi ne, %convert_element_type3A_364, %cond3A_365 : i32
        scf.if %cond3A_366 {
          %sub3A = arith.constant 2 : i32
          %sub3A_378 = arith.subi %add3A_267, %sub3A : i32
          %dma_wait3A_379 = arith.constant 1 : i32
          %dma_wait3A_380 = arith.constant 0 : i32
          %dma_wait3A_381 = arith.constant 0 : i32
          %dma_wait3A_382 = tpu.memref_slice %arg9[%dma_wait3A_379, %dma_wait3A_380, %dma_wait3A_381] : memref<6x128x64xf32, #tpu.memory_space<vmem>> -> memref<1x128x64xf32, #tpu.memory_space<vmem>>
          %dma_wait3A_383 = tpu.memref_squeeze %dma_wait3A_382 : memref<1x128x64xf32, #tpu.memory_space<vmem>> -> memref<128x64xf32, #tpu.memory_space<vmem>>
          %dma_wait3A_384 = arith.constant 0 : i32
          %dma_wait3A_385 = tpu.memref_slice %arg6[%sub3A_378, %dma_wait3A_384] : memref<78x128xi32, #tpu.memory_space<vmem>> -> memref<1x128xi32, #tpu.memory_space<vmem>>
          %dma_wait3A_386 = tpu.memref_squeeze %dma_wait3A_385 : memref<1x128xi32, #tpu.memory_space<vmem>> -> memref<128xi32, #tpu.memory_space<vmem>>
          %dma_wait3A_387 = arith.constant 0 : i32
          %dma_wait3A_388 = arith.constant 0 : i32
          %dma_wait3A_389 = tpu.memref_slice %arg12[%dma_wait3A_387, %dma_wait3A_388] : memref<10000x64xf32, #tpu.memory_space<vmem_shared>> -> memref<10000x64xf32, #tpu.memory_space<vmem_shared>>
          tpu.wait_indirect_dma semaphore(%arg20 : memref<!tpu.dma_semaphore, #tpu.memory_space<semaphore_mem>>) src(%dma_wait3A_383 : memref<128x64xf32, #tpu.memory_space<vmem>>) dst(%dma_wait3A_389 : memref<10000x64xf32, #tpu.memory_space<vmem_shared>>)
        } else {
        }
        %dma_start3A_367 = arith.constant 1 : i32
        %dma_start3A_368 = arith.constant 0 : i32
        %dma_start3A_369 = arith.constant 0 : i32
        %dma_start3A_370 = tpu.memref_slice %arg9[%dma_start3A_367, %dma_start3A_368, %dma_start3A_369] : memref<6x128x64xf32, #tpu.memory_space<vmem>> -> memref<1x128x64xf32, #tpu.memory_space<vmem>>
        %dma_start3A_371 = tpu.memref_squeeze %dma_start3A_370 : memref<1x128x64xf32, #tpu.memory_space<vmem>> -> memref<128x64xf32, #tpu.memory_space<vmem>>
        %dma_start3A_372 = arith.constant 0 : i32
        %dma_start3A_373 = tpu.memref_slice %arg5[%add3A_291, %dma_start3A_372] : memref<78x128xi32, #tpu.memory_space<vmem>> -> memref<1x128xi32, #tpu.memory_space<vmem>>
        %dma_start3A_374 = tpu.memref_squeeze %dma_start3A_373 : memref<1x128xi32, #tpu.memory_space<vmem>> -> memref<128xi32, #tpu.memory_space<vmem>>
        %dma_start3A_375 = arith.constant 0 : i32
        %dma_start3A_376 = arith.constant 0 : i32
        %dma_start3A_377 = tpu.memref_slice %arg2[%dma_start3A_375, %dma_start3A_376] : memref<10000x64xf32, #tpu.memory_space<hbm>> -> memref<10000x64xf32, #tpu.memory_space<hbm>>
        tpu.enqueue_indirect_dma source(%dma_start3A_377 : memref<10000x64xf32, #tpu.memory_space<hbm>>) target(%dma_start3A_371 : memref<128x64xf32, #tpu.memory_space<vmem>>) offsets(%dma_start3A_374 : memref<128xi32, #tpu.memory_space<vmem>>) semaphore(%arg14 : memref<!tpu.dma_semaphore, #tpu.memory_space<semaphore_mem>>)
      } else {
      }
      %mul3A_297 = arith.constant 6 : i32
      %mul3A_298 = arith.muli %scan3A_164, %mul3A_297 : i32
      %add3A_299 = arith.constant 4 : i32
      %add3A_300 = arith.addi %mul3A_298, %add3A_299 : i32
      %dma_wait3A_301 = arith.constant 4 : i32
      %dma_wait3A_302 = arith.constant 0 : i32
      %dma_wait3A_303 = arith.constant 0 : i32
      %dma_wait3A_304 = tpu.memref_slice %arg9[%dma_wait3A_301, %dma_wait3A_302, %dma_wait3A_303] : memref<6x128x64xf32, #tpu.memory_space<vmem>> -> memref<1x128x64xf32, #tpu.memory_space<vmem>>
      %dma_wait3A_305 = tpu.memref_squeeze %dma_wait3A_304 : memref<1x128x64xf32, #tpu.memory_space<vmem>> -> memref<128x64xf32, #tpu.memory_space<vmem>>
      %dma_wait3A_306 = arith.constant 0 : i32
      %dma_wait3A_307 = tpu.memref_slice %arg5[%add3A_300, %dma_wait3A_306] : memref<78x128xi32, #tpu.memory_space<vmem>> -> memref<1x128xi32, #tpu.memory_space<vmem>>
      %dma_wait3A_308 = tpu.memref_squeeze %dma_wait3A_307 : memref<1x128xi32, #tpu.memory_space<vmem>> -> memref<128xi32, #tpu.memory_space<vmem>>
      %dma_wait3A_309 = arith.constant 0 : i32
      %dma_wait3A_310 = arith.constant 0 : i32
      %dma_wait3A_311 = tpu.memref_slice %arg2[%dma_wait3A_309, %dma_wait3A_310] : memref<10000x64xf32, #tpu.memory_space<hbm>> -> memref<10000x64xf32, #tpu.memory_space<hbm>>
      tpu.wait_indirect_dma semaphore(%arg17 : memref<!tpu.dma_semaphore, #tpu.memory_space<semaphore_mem>>) src(%dma_wait3A_311 : memref<10000x64xf32, #tpu.memory_space<hbm>>) dst(%dma_wait3A_305 : memref<128x64xf32, #tpu.memory_space<vmem>>)
      %dma_start3A_312 = arith.constant 4 : i32
      %dma_start3A_313 = arith.constant 0 : i32
      %dma_start3A_314 = arith.constant 0 : i32
      %dma_start3A_315 = tpu.memref_slice %arg9[%dma_start3A_312, %dma_start3A_313, %dma_start3A_314] : memref<6x128x64xf32, #tpu.memory_space<vmem>> -> memref<1x128x64xf32, #tpu.memory_space<vmem>>
      %dma_start3A_316 = tpu.memref_squeeze %dma_start3A_315 : memref<1x128x64xf32, #tpu.memory_space<vmem>> -> memref<128x64xf32, #tpu.memory_space<vmem>>
      %dma_start3A_317 = arith.constant 0 : i32
      %dma_start3A_318 = tpu.memref_slice %arg6[%add3A_300, %dma_start3A_317] : memref<78x128xi32, #tpu.memory_space<vmem>> -> memref<1x128xi32, #tpu.memory_space<vmem>>
      %dma_start3A_319 = tpu.memref_squeeze %dma_start3A_318 : memref<1x128xi32, #tpu.memory_space<vmem>> -> memref<128xi32, #tpu.memory_space<vmem>>
      %dma_start3A_320 = arith.constant 0 : i32
      %dma_start3A_321 = arith.constant 0 : i32
      %dma_start3A_322 = tpu.memref_slice %arg12[%dma_start3A_320, %dma_start3A_321] : memref<10000x64xf32, #tpu.memory_space<vmem_shared>> -> memref<10000x64xf32, #tpu.memory_space<vmem_shared>>
      tpu.enqueue_indirect_dma source(%dma_start3A_316 : memref<128x64xf32, #tpu.memory_space<vmem>>) target(%dma_start3A_322 : memref<10000x64xf32, #tpu.memory_space<vmem_shared>>) offsets(%dma_start3A_319 : memref<128xi32, #tpu.memory_space<vmem>>) semaphore(%arg23 : memref<!tpu.dma_semaphore, #tpu.memory_space<semaphore_mem>>) {add = true}
      %add3A_323 = arith.constant 4 : i32
      %add3A_324 = arith.addi %add3A_300, %add3A_323 : i32
      %lt3A_325 = arith.constant 78 : i32
      %lt3A_326 = arith.cmpi slt, %add3A_324, %lt3A_325 : i32
      %convert_element_type3A_327 = arith.extui %lt3A_326 : i1 to i32
      %cond3A_328 = arith.constant 0 : i32
      %cond3A_329 = arith.cmpi ne, %convert_element_type3A_327, %cond3A_328 : i32
      scf.if %cond3A_329 {
        %ge3A = arith.constant 2 : i32
        %ge3A_363 = arith.cmpi sge, %add3A_300, %ge3A : i32
        %convert_element_type3A_364 = arith.extui %ge3A_363 : i1 to i32
        %cond3A_365 = arith.constant 0 : i32
        %cond3A_366 = arith.cmpi ne, %convert_element_type3A_364, %cond3A_365 : i32
        scf.if %cond3A_366 {
          %sub3A = arith.constant 2 : i32
          %sub3A_378 = arith.subi %add3A_300, %sub3A : i32
          %dma_wait3A_379 = arith.constant 2 : i32
          %dma_wait3A_380 = arith.constant 0 : i32
          %dma_wait3A_381 = arith.constant 0 : i32
          %dma_wait3A_382 = tpu.memref_slice %arg9[%dma_wait3A_379, %dma_wait3A_380, %dma_wait3A_381] : memref<6x128x64xf32, #tpu.memory_space<vmem>> -> memref<1x128x64xf32, #tpu.memory_space<vmem>>
          %dma_wait3A_383 = tpu.memref_squeeze %dma_wait3A_382 : memref<1x128x64xf32, #tpu.memory_space<vmem>> -> memref<128x64xf32, #tpu.memory_space<vmem>>
          %dma_wait3A_384 = arith.constant 0 : i32
          %dma_wait3A_385 = tpu.memref_slice %arg6[%sub3A_378, %dma_wait3A_384] : memref<78x128xi32, #tpu.memory_space<vmem>> -> memref<1x128xi32, #tpu.memory_space<vmem>>
          %dma_wait3A_386 = tpu.memref_squeeze %dma_wait3A_385 : memref<1x128xi32, #tpu.memory_space<vmem>> -> memref<128xi32, #tpu.memory_space<vmem>>
          %dma_wait3A_387 = arith.constant 0 : i32
          %dma_wait3A_388 = arith.constant 0 : i32
          %dma_wait3A_389 = tpu.memref_slice %arg12[%dma_wait3A_387, %dma_wait3A_388] : memref<10000x64xf32, #tpu.memory_space<vmem_shared>> -> memref<10000x64xf32, #tpu.memory_space<vmem_shared>>
          tpu.wait_indirect_dma semaphore(%arg21 : memref<!tpu.dma_semaphore, #tpu.memory_space<semaphore_mem>>) src(%dma_wait3A_383 : memref<128x64xf32, #tpu.memory_space<vmem>>) dst(%dma_wait3A_389 : memref<10000x64xf32, #tpu.memory_space<vmem_shared>>)
        } else {
        }
        %dma_start3A_367 = arith.constant 2 : i32
        %dma_start3A_368 = arith.constant 0 : i32
        %dma_start3A_369 = arith.constant 0 : i32
        %dma_start3A_370 = tpu.memref_slice %arg9[%dma_start3A_367, %dma_start3A_368, %dma_start3A_369] : memref<6x128x64xf32, #tpu.memory_space<vmem>> -> memref<1x128x64xf32, #tpu.memory_space<vmem>>
        %dma_start3A_371 = tpu.memref_squeeze %dma_start3A_370 : memref<1x128x64xf32, #tpu.memory_space<vmem>> -> memref<128x64xf32, #tpu.memory_space<vmem>>
        %dma_start3A_372 = arith.constant 0 : i32
        %dma_start3A_373 = tpu.memref_slice %arg5[%add3A_324, %dma_start3A_372] : memref<78x128xi32, #tpu.memory_space<vmem>> -> memref<1x128xi32, #tpu.memory_space<vmem>>
        %dma_start3A_374 = tpu.memref_squeeze %dma_start3A_373 : memref<1x128xi32, #tpu.memory_space<vmem>> -> memref<128xi32, #tpu.memory_space<vmem>>
        %dma_start3A_375 = arith.constant 0 : i32
        %dma_start3A_376 = arith.constant 0 : i32
        %dma_start3A_377 = tpu.memref_slice %arg2[%dma_start3A_375, %dma_start3A_376] : memref<10000x64xf32, #tpu.memory_space<hbm>> -> memref<10000x64xf32, #tpu.memory_space<hbm>>
        tpu.enqueue_indirect_dma source(%dma_start3A_377 : memref<10000x64xf32, #tpu.memory_space<hbm>>) target(%dma_start3A_371 : memref<128x64xf32, #tpu.memory_space<vmem>>) offsets(%dma_start3A_374 : memref<128xi32, #tpu.memory_space<vmem>>) semaphore(%arg15 : memref<!tpu.dma_semaphore, #tpu.memory_space<semaphore_mem>>)
      } else {
      }
      %mul3A_330 = arith.constant 6 : i32
      %mul3A_331 = arith.muli %scan3A_164, %mul3A_330 : i32
      %add3A_332 = arith.constant 5 : i32
      %add3A_333 = arith.addi %mul3A_331, %add3A_332 : i32
      %dma_wait3A_334 = arith.constant 5 : i32
      %dma_wait3A_335 = arith.constant 0 : i32
      %dma_wait3A_336 = arith.constant 0 : i32
      %dma_wait3A_337 = tpu.memref_slice %arg9[%dma_wait3A_334, %dma_wait3A_335, %dma_wait3A_336] : memref<6x128x64xf32, #tpu.memory_space<vmem>> -> memref<1x128x64xf32, #tpu.memory_space<vmem>>
      %dma_wait3A_338 = tpu.memref_squeeze %dma_wait3A_337 : memref<1x128x64xf32, #tpu.memory_space<vmem>> -> memref<128x64xf32, #tpu.memory_space<vmem>>
      %dma_wait3A_339 = arith.constant 0 : i32
      %dma_wait3A_340 = tpu.memref_slice %arg5[%add3A_333, %dma_wait3A_339] : memref<78x128xi32, #tpu.memory_space<vmem>> -> memref<1x128xi32, #tpu.memory_space<vmem>>
      %dma_wait3A_341 = tpu.memref_squeeze %dma_wait3A_340 : memref<1x128xi32, #tpu.memory_space<vmem>> -> memref<128xi32, #tpu.memory_space<vmem>>
      %dma_wait3A_342 = arith.constant 0 : i32
      %dma_wait3A_343 = arith.constant 0 : i32
      %dma_wait3A_344 = tpu.memref_slice %arg2[%dma_wait3A_342, %dma_wait3A_343] : memref<10000x64xf32, #tpu.memory_space<hbm>> -> memref<10000x64xf32, #tpu.memory_space<hbm>>
      tpu.wait_indirect_dma semaphore(%arg18 : memref<!tpu.dma_semaphore, #tpu.memory_space<semaphore_mem>>) src(%dma_wait3A_344 : memref<10000x64xf32, #tpu.memory_space<hbm>>) dst(%dma_wait3A_338 : memref<128x64xf32, #tpu.memory_space<vmem>>)
      %dma_start3A_345 = arith.constant 5 : i32
      %dma_start3A_346 = arith.constant 0 : i32
      %dma_start3A_347 = arith.constant 0 : i32
      %dma_start3A_348 = tpu.memref_slice %arg9[%dma_start3A_345, %dma_start3A_346, %dma_start3A_347] : memref<6x128x64xf32, #tpu.memory_space<vmem>> -> memref<1x128x64xf32, #tpu.memory_space<vmem>>
      %dma_start3A_349 = tpu.memref_squeeze %dma_start3A_348 : memref<1x128x64xf32, #tpu.memory_space<vmem>> -> memref<128x64xf32, #tpu.memory_space<vmem>>
      %dma_start3A_350 = arith.constant 0 : i32
      %dma_start3A_351 = tpu.memref_slice %arg6[%add3A_333, %dma_start3A_350] : memref<78x128xi32, #tpu.memory_space<vmem>> -> memref<1x128xi32, #tpu.memory_space<vmem>>
      %dma_start3A_352 = tpu.memref_squeeze %dma_start3A_351 : memref<1x128xi32, #tpu.memory_space<vmem>> -> memref<128xi32, #tpu.memory_space<vmem>>
      %dma_start3A_353 = arith.constant 0 : i32
      %dma_start3A_354 = arith.constant 0 : i32
      %dma_start3A_355 = tpu.memref_slice %arg12[%dma_start3A_353, %dma_start3A_354] : memref<10000x64xf32, #tpu.memory_space<vmem_shared>> -> memref<10000x64xf32, #tpu.memory_space<vmem_shared>>
      tpu.enqueue_indirect_dma source(%dma_start3A_349 : memref<128x64xf32, #tpu.memory_space<vmem>>) target(%dma_start3A_355 : memref<10000x64xf32, #tpu.memory_space<vmem_shared>>) offsets(%dma_start3A_352 : memref<128xi32, #tpu.memory_space<vmem>>) semaphore(%arg24 : memref<!tpu.dma_semaphore, #tpu.memory_space<semaphore_mem>>) {add = true}
      %add3A_356 = arith.constant 4 : i32
      %add3A_357 = arith.addi %add3A_333, %add3A_356 : i32
      %lt3A_358 = arith.constant 78 : i32
      %lt3A_359 = arith.cmpi slt, %add3A_357, %lt3A_358 : i32
      %convert_element_type3A_360 = arith.extui %lt3A_359 : i1 to i32
      %cond3A_361 = arith.constant 0 : i32
      %cond3A_362 = arith.cmpi ne, %convert_element_type3A_360, %cond3A_361 : i32
      scf.if %cond3A_362 {
        %ge3A = arith.constant 2 : i32
        %ge3A_363 = arith.cmpi sge, %add3A_333, %ge3A : i32
        %convert_element_type3A_364 = arith.extui %ge3A_363 : i1 to i32
        %cond3A_365 = arith.constant 0 : i32
        %cond3A_366 = arith.cmpi ne, %convert_element_type3A_364, %cond3A_365 : i32
        scf.if %cond3A_366 {
          %sub3A = arith.constant 2 : i32
          %sub3A_378 = arith.subi %add3A_333, %sub3A : i32
          %dma_wait3A_379 = arith.constant 3 : i32
          %dma_wait3A_380 = arith.constant 0 : i32
          %dma_wait3A_381 = arith.constant 0 : i32
          %dma_wait3A_382 = tpu.memref_slice %arg9[%dma_wait3A_379, %dma_wait3A_380, %dma_wait3A_381] : memref<6x128x64xf32, #tpu.memory_space<vmem>> -> memref<1x128x64xf32, #tpu.memory_space<vmem>>
          %dma_wait3A_383 = tpu.memref_squeeze %dma_wait3A_382 : memref<1x128x64xf32, #tpu.memory_space<vmem>> -> memref<128x64xf32, #tpu.memory_space<vmem>>
          %dma_wait3A_384 = arith.constant 0 : i32
          %dma_wait3A_385 = tpu.memref_slice %arg6[%sub3A_378, %dma_wait3A_384] : memref<78x128xi32, #tpu.memory_space<vmem>> -> memref<1x128xi32, #tpu.memory_space<vmem>>
          %dma_wait3A_386 = tpu.memref_squeeze %dma_wait3A_385 : memref<1x128xi32, #tpu.memory_space<vmem>> -> memref<128xi32, #tpu.memory_space<vmem>>
          %dma_wait3A_387 = arith.constant 0 : i32
          %dma_wait3A_388 = arith.constant 0 : i32
          %dma_wait3A_389 = tpu.memref_slice %arg12[%dma_wait3A_387, %dma_wait3A_388] : memref<10000x64xf32, #tpu.memory_space<vmem_shared>> -> memref<10000x64xf32, #tpu.memory_space<vmem_shared>>
          tpu.wait_indirect_dma semaphore(%arg22 : memref<!tpu.dma_semaphore, #tpu.memory_space<semaphore_mem>>) src(%dma_wait3A_383 : memref<128x64xf32, #tpu.memory_space<vmem>>) dst(%dma_wait3A_389 : memref<10000x64xf32, #tpu.memory_space<vmem_shared>>)
        } else {
        }
        %dma_start3A_367 = arith.constant 3 : i32
        %dma_start3A_368 = arith.constant 0 : i32
        %dma_start3A_369 = arith.constant 0 : i32
        %dma_start3A_370 = tpu.memref_slice %arg9[%dma_start3A_367, %dma_start3A_368, %dma_start3A_369] : memref<6x128x64xf32, #tpu.memory_space<vmem>> -> memref<1x128x64xf32, #tpu.memory_space<vmem>>
        %dma_start3A_371 = tpu.memref_squeeze %dma_start3A_370 : memref<1x128x64xf32, #tpu.memory_space<vmem>> -> memref<128x64xf32, #tpu.memory_space<vmem>>
        %dma_start3A_372 = arith.constant 0 : i32
        %dma_start3A_373 = tpu.memref_slice %arg5[%add3A_357, %dma_start3A_372] : memref<78x128xi32, #tpu.memory_space<vmem>> -> memref<1x128xi32, #tpu.memory_space<vmem>>
        %dma_start3A_374 = tpu.memref_squeeze %dma_start3A_373 : memref<1x128xi32, #tpu.memory_space<vmem>> -> memref<128xi32, #tpu.memory_space<vmem>>
        %dma_start3A_375 = arith.constant 0 : i32
        %dma_start3A_376 = arith.constant 0 : i32
        %dma_start3A_377 = tpu.memref_slice %arg2[%dma_start3A_375, %dma_start3A_376] : memref<10000x64xf32, #tpu.memory_space<hbm>> -> memref<10000x64xf32, #tpu.memory_space<hbm>>
        tpu.enqueue_indirect_dma source(%dma_start3A_377 : memref<10000x64xf32, #tpu.memory_space<hbm>>) target(%dma_start3A_371 : memref<128x64xf32, #tpu.memory_space<vmem>>) offsets(%dma_start3A_374 : memref<128xi32, #tpu.memory_space<vmem>>) semaphore(%arg16 : memref<!tpu.dma_semaphore, #tpu.memory_space<semaphore_mem>>)
      } else {
      }
    }
    %scan3A_80 = arith.constant 13 : i32
    %dma_wait3A = arith.constant 0 : i32
    %dma_wait3A_81 = arith.constant 72 : i32
    %dma_wait3A_82 = arith.constant 0 : i32
    %dma_wait3A_83 = arith.constant 0 : i32
    %dma_wait3A_84 = tpu.memref_slice %arg9[%dma_wait3A, %dma_wait3A_82, %dma_wait3A_83] : memref<6x128x64xf32, #tpu.memory_space<vmem>> -> memref<1x128x64xf32, #tpu.memory_space<vmem>>
    %dma_wait3A_85 = tpu.memref_squeeze %dma_wait3A_84 : memref<1x128x64xf32, #tpu.memory_space<vmem>> -> memref<128x64xf32, #tpu.memory_space<vmem>>
    %dma_wait3A_86 = arith.constant 0 : i32
    %dma_wait3A_87 = tpu.memref_slice %arg6[%dma_wait3A_81, %dma_wait3A_86] : memref<78x128xi32, #tpu.memory_space<vmem>> -> memref<1x128xi32, #tpu.memory_space<vmem>>
    %dma_wait3A_88 = tpu.memref_squeeze %dma_wait3A_87 : memref<1x128xi32, #tpu.memory_space<vmem>> -> memref<128xi32, #tpu.memory_space<vmem>>
    %dma_wait3A_89 = arith.constant 0 : i32
    %dma_wait3A_90 = arith.constant 0 : i32
    %dma_wait3A_91 = tpu.memref_slice %arg12[%dma_wait3A_89, %dma_wait3A_90] : memref<10000x64xf32, #tpu.memory_space<vmem_shared>> -> memref<10000x64xf32, #tpu.memory_space<vmem_shared>>
    tpu.wait_indirect_dma semaphore(%arg19 : memref<!tpu.dma_semaphore, #tpu.memory_space<semaphore_mem>>) src(%dma_wait3A_85 : memref<128x64xf32, #tpu.memory_space<vmem>>) dst(%dma_wait3A_91 : memref<10000x64xf32, #tpu.memory_space<vmem_shared>>)
    %dma_wait3A_92 = arith.constant 1 : i32
    %dma_wait3A_93 = arith.constant 73 : i32
    %dma_wait3A_94 = arith.constant 0 : i32
    %dma_wait3A_95 = arith.constant 0 : i32
    %dma_wait3A_96 = tpu.memref_slice %arg9[%dma_wait3A_92, %dma_wait3A_94, %dma_wait3A_95] : memref<6x128x64xf32, #tpu.memory_space<vmem>> -> memref<1x128x64xf32, #tpu.memory_space<vmem>>
    %dma_wait3A_97 = tpu.memref_squeeze %dma_wait3A_96 : memref<1x128x64xf32, #tpu.memory_space<vmem>> -> memref<128x64xf32, #tpu.memory_space<vmem>>
    %dma_wait3A_98 = arith.constant 0 : i32
    %dma_wait3A_99 = tpu.memref_slice %arg6[%dma_wait3A_93, %dma_wait3A_98] : memref<78x128xi32, #tpu.memory_space<vmem>> -> memref<1x128xi32, #tpu.memory_space<vmem>>
    %dma_wait3A_100 = tpu.memref_squeeze %dma_wait3A_99 : memref<1x128xi32, #tpu.memory_space<vmem>> -> memref<128xi32, #tpu.memory_space<vmem>>
    %dma_wait3A_101 = arith.constant 0 : i32
    %dma_wait3A_102 = arith.constant 0 : i32
    %dma_wait3A_103 = tpu.memref_slice %arg12[%dma_wait3A_101, %dma_wait3A_102] : memref<10000x64xf32, #tpu.memory_space<vmem_shared>> -> memref<10000x64xf32, #tpu.memory_space<vmem_shared>>
    tpu.wait_indirect_dma semaphore(%arg20 : memref<!tpu.dma_semaphore, #tpu.memory_space<semaphore_mem>>) src(%dma_wait3A_97 : memref<128x64xf32, #tpu.memory_space<vmem>>) dst(%dma_wait3A_103 : memref<10000x64xf32, #tpu.memory_space<vmem_shared>>)
    %dma_wait3A_104 = arith.constant 2 : i32
    %dma_wait3A_105 = arith.constant 74 : i32
    %dma_wait3A_106 = arith.constant 0 : i32
    %dma_wait3A_107 = arith.constant 0 : i32
    %dma_wait3A_108 = tpu.memref_slice %arg9[%dma_wait3A_104, %dma_wait3A_106, %dma_wait3A_107] : memref<6x128x64xf32, #tpu.memory_space<vmem>> -> memref<1x128x64xf32, #tpu.memory_space<vmem>>
    %dma_wait3A_109 = tpu.memref_squeeze %dma_wait3A_108 : memref<1x128x64xf32, #tpu.memory_space<vmem>> -> memref<128x64xf32, #tpu.memory_space<vmem>>
    %dma_wait3A_110 = arith.constant 0 : i32
    %dma_wait3A_111 = tpu.memref_slice %arg6[%dma_wait3A_105, %dma_wait3A_110] : memref<78x128xi32, #tpu.memory_space<vmem>> -> memref<1x128xi32, #tpu.memory_space<vmem>>
    %dma_wait3A_112 = tpu.memref_squeeze %dma_wait3A_111 : memref<1x128xi32, #tpu.memory_space<vmem>> -> memref<128xi32, #tpu.memory_space<vmem>>
    %dma_wait3A_113 = arith.constant 0 : i32
    %dma_wait3A_114 = arith.constant 0 : i32
    %dma_wait3A_115 = tpu.memref_slice %arg12[%dma_wait3A_113, %dma_wait3A_114] : memref<10000x64xf32, #tpu.memory_space<vmem_shared>> -> memref<10000x64xf32, #tpu.memory_space<vmem_shared>>
    tpu.wait_indirect_dma semaphore(%arg21 : memref<!tpu.dma_semaphore, #tpu.memory_space<semaphore_mem>>) src(%dma_wait3A_109 : memref<128x64xf32, #tpu.memory_space<vmem>>) dst(%dma_wait3A_115 : memref<10000x64xf32, #tpu.memory_space<vmem_shared>>)
    %dma_wait3A_116 = arith.constant 3 : i32
    %dma_wait3A_117 = arith.constant 75 : i32
    %dma_wait3A_118 = arith.constant 0 : i32
    %dma_wait3A_119 = arith.constant 0 : i32
    %dma_wait3A_120 = tpu.memref_slice %arg9[%dma_wait3A_116, %dma_wait3A_118, %dma_wait3A_119] : memref<6x128x64xf32, #tpu.memory_space<vmem>> -> memref<1x128x64xf32, #tpu.memory_space<vmem>>
    %dma_wait3A_121 = tpu.memref_squeeze %dma_wait3A_120 : memref<1x128x64xf32, #tpu.memory_space<vmem>> -> memref<128x64xf32, #tpu.memory_space<vmem>>
    %dma_wait3A_122 = arith.constant 0 : i32
    %dma_wait3A_123 = tpu.memref_slice %arg6[%dma_wait3A_117, %dma_wait3A_122] : memref<78x128xi32, #tpu.memory_space<vmem>> -> memref<1x128xi32, #tpu.memory_space<vmem>>
    %dma_wait3A_124 = tpu.memref_squeeze %dma_wait3A_123 : memref<1x128xi32, #tpu.memory_space<vmem>> -> memref<128xi32, #tpu.memory_space<vmem>>
    %dma_wait3A_125 = arith.constant 0 : i32
    %dma_wait3A_126 = arith.constant 0 : i32
    %dma_wait3A_127 = tpu.memref_slice %arg12[%dma_wait3A_125, %dma_wait3A_126] : memref<10000x64xf32, #tpu.memory_space<vmem_shared>> -> memref<10000x64xf32, #tpu.memory_space<vmem_shared>>
    tpu.wait_indirect_dma semaphore(%arg22 : memref<!tpu.dma_semaphore, #tpu.memory_space<semaphore_mem>>) src(%dma_wait3A_121 : memref<128x64xf32, #tpu.memory_space<vmem>>) dst(%dma_wait3A_127 : memref<10000x64xf32, #tpu.memory_space<vmem_shared>>)
    %dma_wait3A_128 = arith.constant 4 : i32
    %dma_wait3A_129 = arith.constant 76 : i32
    %dma_wait3A_130 = arith.constant 0 : i32
    %dma_wait3A_131 = arith.constant 0 : i32
    %dma_wait3A_132 = tpu.memref_slice %arg9[%dma_wait3A_128, %dma_wait3A_130, %dma_wait3A_131] : memref<6x128x64xf32, #tpu.memory_space<vmem>> -> memref<1x128x64xf32, #tpu.memory_space<vmem>>
    %dma_wait3A_133 = tpu.memref_squeeze %dma_wait3A_132 : memref<1x128x64xf32, #tpu.memory_space<vmem>> -> memref<128x64xf32, #tpu.memory_space<vmem>>
    %dma_wait3A_134 = arith.constant 0 : i32
    %dma_wait3A_135 = tpu.memref_slice %arg6[%dma_wait3A_129, %dma_wait3A_134] : memref<78x128xi32, #tpu.memory_space<vmem>> -> memref<1x128xi32, #tpu.memory_space<vmem>>
    %dma_wait3A_136 = tpu.memref_squeeze %dma_wait3A_135 : memref<1x128xi32, #tpu.memory_space<vmem>> -> memref<128xi32, #tpu.memory_space<vmem>>
    %dma_wait3A_137 = arith.constant 0 : i32
    %dma_wait3A_138 = arith.constant 0 : i32
    %dma_wait3A_139 = tpu.memref_slice %arg12[%dma_wait3A_137, %dma_wait3A_138] : memref<10000x64xf32, #tpu.memory_space<vmem_shared>> -> memref<10000x64xf32, #tpu.memory_space<vmem_shared>>
    tpu.wait_indirect_dma semaphore(%arg23 : memref<!tpu.dma_semaphore, #tpu.memory_space<semaphore_mem>>) src(%dma_wait3A_133 : memref<128x64xf32, #tpu.memory_space<vmem>>) dst(%dma_wait3A_139 : memref<10000x64xf32, #tpu.memory_space<vmem_shared>>)
    %dma_wait3A_140 = arith.constant 5 : i32
    %dma_wait3A_141 = arith.constant 77 : i32
    %dma_wait3A_142 = arith.constant 0 : i32
    %dma_wait3A_143 = arith.constant 0 : i32
    %dma_wait3A_144 = tpu.memref_slice %arg9[%dma_wait3A_140, %dma_wait3A_142, %dma_wait3A_143] : memref<6x128x64xf32, #tpu.memory_space<vmem>> -> memref<1x128x64xf32, #tpu.memory_space<vmem>>
    %dma_wait3A_145 = tpu.memref_squeeze %dma_wait3A_144 : memref<1x128x64xf32, #tpu.memory_space<vmem>> -> memref<128x64xf32, #tpu.memory_space<vmem>>
    %dma_wait3A_146 = arith.constant 0 : i32
    %dma_wait3A_147 = tpu.memref_slice %arg6[%dma_wait3A_141, %dma_wait3A_146] : memref<78x128xi32, #tpu.memory_space<vmem>> -> memref<1x128xi32, #tpu.memory_space<vmem>>
    %dma_wait3A_148 = tpu.memref_squeeze %dma_wait3A_147 : memref<1x128xi32, #tpu.memory_space<vmem>> -> memref<128xi32, #tpu.memory_space<vmem>>
    %dma_wait3A_149 = arith.constant 0 : i32
    %dma_wait3A_150 = arith.constant 0 : i32
    %dma_wait3A_151 = tpu.memref_slice %arg12[%dma_wait3A_149, %dma_wait3A_150] : memref<10000x64xf32, #tpu.memory_space<vmem_shared>> -> memref<10000x64xf32, #tpu.memory_space<vmem_shared>>
    tpu.wait_indirect_dma semaphore(%arg24 : memref<!tpu.dma_semaphore, #tpu.memory_space<semaphore_mem>>) src(%dma_wait3A_145 : memref<128x64xf32, #tpu.memory_space<vmem>>) dst(%dma_wait3A_151 : memref<10000x64xf32, #tpu.memory_space<vmem_shared>>)
    %lt3A_152 = arith.constant 4 : i32
    %lt3A_153 = arith.cmpi slt, %add3A, %lt3A_152 : i32
    %convert_element_type3A_154 = arith.extui %lt3A_153 : i1 to i32
    %cond3A_155 = arith.constant 0 : i32
    %cond3A_156 = arith.cmpi ne, %convert_element_type3A_154, %cond3A_155 : i32
    scf.if %cond3A_156 {
      %dma_wait3A_164 = arith.constant 0 : i32
      %dma_wait3A_165 = arith.constant 0 : i32
      %dma_wait3A_166 = tpu.memref_slice %arg7[%dma_wait3A_164, %dma_wait3A_165] : memref<1x128xi32, #tpu.memory_space<vmem>> -> memref<1x128xi32, #tpu.memory_space<vmem>>
      %dma_wait3A_167 = tpu.memref_squeeze %dma_wait3A_166 : memref<1x128xi32, #tpu.memory_space<vmem>> -> memref<128xi32, #tpu.memory_space<vmem>>
      %dma_wait3A_168 = arith.constant 0 : i32
      %dma_wait3A_169 = arith.constant 0 : i32
      %dma_wait3A_170 = tpu.memref_slice %arg2[%dma_wait3A_168, %dma_wait3A_169] : memref<10000x64xf32, #tpu.memory_space<hbm>> -> memref<10000x64xf32, #tpu.memory_space<hbm>>
      tpu.wait_indirect_dma semaphore(%arg25 : memref<!tpu.dma_semaphore, #tpu.memory_space<semaphore_mem>>) src(%dma_wait3A_170 : memref<10000x64xf32, #tpu.memory_space<hbm>>) dst(%arg11 : memref<128x64xf32, #tpu.memory_space<vmem>>)
      %run_scoped3A_171 = arith.constant 0 : i32
      "tpu.region"() ({
        %run_scoped3A_172 = tpu.sem_alloc : memref<!tpu.dma_semaphore, #tpu.memory_space<semaphore_mem>>
        %dma_start3A_173 = arith.constant 0 : i32
        %dma_start3A_174 = tpu.memref_slice %arg8[%run_scoped3A_171, %dma_start3A_173] : memref<1x128xi32, #tpu.memory_space<vmem>> -> memref<1x128xi32, #tpu.memory_space<vmem>>
        %dma_start3A_175 = tpu.memref_squeeze %dma_start3A_174 : memref<1x128xi32, #tpu.memory_space<vmem>> -> memref<128xi32, #tpu.memory_space<vmem>>
        %dma_start3A_176 = arith.constant 0 : i32
        %dma_start3A_177 = arith.constant 0 : i32
        %dma_start3A_178 = tpu.memref_slice %arg12[%dma_start3A_176, %dma_start3A_177] : memref<10000x64xf32, #tpu.memory_space<vmem_shared>> -> memref<10000x64xf32, #tpu.memory_space<vmem_shared>>
        tpu.enqueue_indirect_dma source(%arg11 : memref<128x64xf32, #tpu.memory_space<vmem>>) target(%dma_start3A_178 : memref<10000x64xf32, #tpu.memory_space<vmem_shared>>) offsets(%dma_start3A_175 : memref<128xi32, #tpu.memory_space<vmem>>) semaphore(%run_scoped3A_172 : memref<!tpu.dma_semaphore, #tpu.memory_space<semaphore_mem>>) {add = true}
        %dma_wait3A_179 = arith.constant 0 : i32
        %dma_wait3A_180 = tpu.memref_slice %arg8[%run_scoped3A_171, %dma_wait3A_179] : memref<1x128xi32, #tpu.memory_space<vmem>> -> memref<1x128xi32, #tpu.memory_space<vmem>>
        %dma_wait3A_181 = tpu.memref_squeeze %dma_wait3A_180 : memref<1x128xi32, #tpu.memory_space<vmem>> -> memref<128xi32, #tpu.memory_space<vmem>>
        %dma_wait3A_182 = arith.constant 0 : i32
        %dma_wait3A_183 = arith.constant 0 : i32
        %dma_wait3A_184 = tpu.memref_slice %arg12[%dma_wait3A_182, %dma_wait3A_183] : memref<10000x64xf32, #tpu.memory_space<vmem_shared>> -> memref<10000x64xf32, #tpu.memory_space<vmem_shared>>
        tpu.wait_indirect_dma semaphore(%run_scoped3A_172 : memref<!tpu.dma_semaphore, #tpu.memory_space<semaphore_mem>>) src(%arg11 : memref<128x64xf32, #tpu.memory_space<vmem>>) dst(%dma_wait3A_184 : memref<10000x64xf32, #tpu.memory_space<vmem_shared>>)
        tpu.yield
      }) : () -> ()
    } else {
    }
    %barrier3A_157 = arith.constant 0 : index
    tpu.barrier barrier_id(%barrier3A_157)
    %mul3A_158 = arith.constant 624 : i32
    %mul3A_159 = arith.muli %arg1, %mul3A_158 : i32
    "tpu.region"() ({
      %run_scoped3A_164 = tpu.sem_alloc : memref<!tpu.dma_semaphore, #tpu.memory_space<semaphore_mem>>
      %dma_start3A_165 = arith.constant 0 : i32
      %dma_start3A_166 = tpu.memref_slice %arg4[%arg0, %mul3A_159, %dma_start3A_165] : memref<2x10000x64xf32, #tpu.memory_space<hbm>> -> memref<1x624x64xf32, #tpu.memory_space<hbm>>
      %dma_start3A_167 = tpu.memref_squeeze %dma_start3A_166 : memref<1x624x64xf32, #tpu.memory_space<hbm>> -> memref<624x64xf32, #tpu.memory_space<hbm>>
      %dma_start3A_168 = arith.constant 0 : i32
      %dma_start3A_169 = tpu.memref_slice %arg12[%mul3A_159, %dma_start3A_168] : memref<10000x64xf32, #tpu.memory_space<vmem_shared>> -> memref<624x64xf32, #tpu.memory_space<vmem_shared>>
      tpu.enqueue_dma source(%dma_start3A_169 : memref<624x64xf32, #tpu.memory_space<vmem_shared>>) target(%dma_start3A_167 : memref<624x64xf32, #tpu.memory_space<hbm>>) target_semaphore(%run_scoped3A_164 : memref<!tpu.dma_semaphore, #tpu.memory_space<semaphore_mem>>)
      %dma_wait3A_170 = arith.constant 0 : i32
      %dma_wait3A_171 = tpu.memref_slice %arg4[%arg0, %mul3A_159, %dma_wait3A_170] : memref<2x10000x64xf32, #tpu.memory_space<hbm>> -> memref<1x624x64xf32, #tpu.memory_space<hbm>>
      %dma_wait3A_172 = tpu.memref_squeeze %dma_wait3A_171 : memref<1x624x64xf32, #tpu.memory_space<hbm>> -> memref<624x64xf32, #tpu.memory_space<hbm>>
      %dma_wait3A_173 = arith.constant 0 : i32
      %dma_wait3A_174 = tpu.memref_slice %arg12[%mul3A_159, %dma_wait3A_173] : memref<10000x64xf32, #tpu.memory_space<vmem_shared>> -> memref<624x64xf32, #tpu.memory_space<vmem_shared>>
      tpu.wait_dma2 semaphore(%run_scoped3A_164 : memref<!tpu.dma_semaphore, #tpu.memory_space<semaphore_mem>>) src(%dma_wait3A_174 : memref<624x64xf32, #tpu.memory_space<vmem_shared>>) dst(%dma_wait3A_172 : memref<624x64xf32, #tpu.memory_space<hbm>>)
      tpu.yield
    }) : () -> ()
    %eq3A = arith.constant 15 : i32
    %eq3A_160 = arith.cmpi eq, %arg1, %eq3A : i32
    %convert_element_type3A_161 = arith.extui %eq3A_160 : i1 to i32
    %cond3A_162 = arith.constant 0 : i32
    %cond3A_163 = arith.cmpi ne, %convert_element_type3A_161, %cond3A_162 : i32
    scf.if %cond3A_163 {
      "tpu.region"() ({
        %run_scoped3A_164 = tpu.sem_alloc : memref<!tpu.dma_semaphore, #tpu.memory_space<semaphore_mem>>
        %dma_start3A_165 = arith.constant 9984 : i32
        %dma_start3A_166 = arith.constant 0 : i32
        %dma_start3A_167 = tpu.memref_slice %arg4[%arg0, %dma_start3A_165, %dma_start3A_166] : memref<2x10000x64xf32, #tpu.memory_space<hbm>> -> memref<1x16x64xf32, #tpu.memory_space<hbm>>
        %dma_start3A_168 = tpu.memref_squeeze %dma_start3A_167 : memref<1x16x64xf32, #tpu.memory_space<hbm>> -> memref<16x64xf32, #tpu.memory_space<hbm>>
        %dma_start3A_169 = arith.constant 9984 : i32
        %dma_start3A_170 = arith.constant 0 : i32
        %dma_start3A_171 = tpu.memref_slice %arg12[%dma_start3A_169, %dma_start3A_170] : memref<10000x64xf32, #tpu.memory_space<vmem_shared>> -> memref<16x64xf32, #tpu.memory_space<vmem_shared>>
        tpu.enqueue_dma source(%dma_start3A_171 : memref<16x64xf32, #tpu.memory_space<vmem_shared>>) target(%dma_start3A_168 : memref<16x64xf32, #tpu.memory_space<hbm>>) target_semaphore(%run_scoped3A_164 : memref<!tpu.dma_semaphore, #tpu.memory_space<semaphore_mem>>)
        %dma_wait3A_172 = arith.constant 9984 : i32
        %dma_wait3A_173 = arith.constant 0 : i32
        %dma_wait3A_174 = tpu.memref_slice %arg4[%arg0, %dma_wait3A_172, %dma_wait3A_173] : memref<2x10000x64xf32, #tpu.memory_space<hbm>> -> memref<1x16x64xf32, #tpu.memory_space<hbm>>
        %dma_wait3A_175 = tpu.memref_squeeze %dma_wait3A_174 : memref<1x16x64xf32, #tpu.memory_space<hbm>> -> memref<16x64xf32, #tpu.memory_space<hbm>>
        %dma_wait3A_176 = arith.constant 9984 : i32
        %dma_wait3A_177 = arith.constant 0 : i32
        %dma_wait3A_178 = tpu.memref_slice %arg12[%dma_wait3A_176, %dma_wait3A_177] : memref<10000x64xf32, #tpu.memory_space<vmem_shared>> -> memref<16x64xf32, #tpu.memory_space<vmem_shared>>
        tpu.wait_dma2 semaphore(%run_scoped3A_164 : memref<!tpu.dma_semaphore, #tpu.memory_space<semaphore_mem>>) src(%dma_wait3A_178 : memref<16x64xf32, #tpu.memory_space<vmem_shared>>) dst(%dma_wait3A_175 : memref<16x64xf32, #tpu.memory_space<hbm>>)
        tpu.yield
      }) : () -> ()
    } else {
    }
    return
  }
}

module attributes {stable_mosaic.version = 14 : i64} {
  func.func @_mm_body(%arg0: i32, %arg1: memref<1000x256xf32, #tpu.memory_space<vmem>>, %arg2: memref<256x128xf32, #tpu.memory_space<vmem>>, %arg3: memref<1000x128xf32, #tpu.memory_space<vmem>>) attributes {dimension_semantics = [#tpu.dimension_semantics<arbitrary>], iteration_bounds = array<i64: 5>, scalar_prefetch = 0 : i64, scratch_operands = 0 : i64, tpu.core_type = #tpu.core_type<tc>, window_params = [{transform_indices = @transform_0, window_bounds = array<i64: 1000, 256>}, {pipeline_mode = #tpu.pipeline_mode<synchronous>, transform_indices = @transform_1, window_bounds = array<i64: 256, 128>}, {transform_indices = @transform_2, window_bounds = array<i64: 1000, 128>}]} {
    %get3A = arith.constant 0 : index
    %get3A_0 = arith.constant 0 : index
    %get3A_1 = vector.load %arg1[%get3A, %get3A_0] : memref<1000x256xf32, #tpu.memory_space<vmem>>, vector<1000x256xf32>
    %get3A_2 = arith.constant 0 : index
    %get3A_3 = arith.constant 0 : index
    %get3A_4 = vector.load %arg2[%get3A_2, %get3A_3] : memref<256x128xf32, #tpu.memory_space<vmem>>, vector<256x128xf32>
    %dot_general3A = arith.constant dense<0.000000e+00> : vector<1000x128xf32>
    %dot_general3A_5 = tpu.matmul %get3A_1, %get3A_4, %dot_general3A {dimension_numbers = #tpu.dot_dimension_numbers<[1], [0], [0], [1], [0, 0, 1, 1], [], []>, transpose_lhs_hint = false} : vector<1000x256xf32>, vector<256x128xf32>, vector<1000x128xf32> -> vector<1000x128xf32>
    %swap3A = arith.constant 0 : index
    %swap3A_6 = arith.constant 0 : index
    %swap3A_7 = vector.load %arg3[%swap3A, %swap3A_6] : memref<1000x128xf32, #tpu.memory_space<vmem>>, vector<1000x128xf32>
    tpu.vector_store %arg3[%swap3A, %swap3A_6], %dot_general3A_5 {strides = array<i32>} : memref<1000x128xf32, #tpu.memory_space<vmem>>, vector<1000x128xf32>,
    return
  }
  func.func @transform_0(%arg0: i32) -> (i32, i32) {
    %c0_i32 = arith.constant 0 : i32
    %c0_i32_0 = arith.constant 0 : i32
    return %arg0, %c0_i32 : i32, i32
  }
  func.func @transform_1(%arg0: i32) -> (i32, i32) {
    %c0_i32 = arith.constant 0 : i32
    %c0_i32_0 = arith.constant 0 : i32
    %c0_i32_1 = arith.constant 0 : i32
    return %c0_i32, %c0_i32_0 : i32, i32
  }
  func.func @transform_2(%arg0: i32) -> (i32, i32) {
    %c0_i32 = arith.constant 0 : i32
    %c0_i32_0 = arith.constant 0 : i32
    return %arg0, %c0_i32 : i32, i32
  }
}

module attributes {stable_mosaic.version = 14 : i64} {
  func.func @_fuse_body(%arg0: i32, %arg1: memref<1000x128xf32, #tpu.memory_space<vmem>>, %arg2: memref<2x1000x128xf32, #tpu.memory_space<vmem>>, %arg3: memref<1x128xf32, #tpu.memory_space<vmem>>, %arg4: memref<128x128xf32, #tpu.memory_space<vmem>>, %arg5: memref<1x128xf32, #tpu.memory_space<vmem>>, %arg6: memref<128x128xf32, #tpu.memory_space<vmem>>, %arg7: memref<1000x128xf32, #tpu.memory_space<vmem>>) attributes {dimension_semantics = [#tpu.dimension_semantics<arbitrary>], iteration_bounds = array<i64: 5>, scalar_prefetch = 0 : i64, scratch_operands = 0 : i64, tpu.core_type = #tpu.core_type<tc>, window_params = [{transform_indices = @transform_0, window_bounds = array<i64: 1000, 128>}, {transform_indices = @transform_1, window_bounds = array<i64: 2, 1000, 128>}, {pipeline_mode = #tpu.pipeline_mode<synchronous>, transform_indices = @transform_2, window_bounds = array<i64: 1, 128>}, {pipeline_mode = #tpu.pipeline_mode<synchronous>, transform_indices = @transform_3, window_bounds = array<i64: 128, 128>}, {pipeline_mode = #tpu.pipeline_mode<synchronous>, transform_indices = @transform_4, window_bounds = array<i64: 1, 128>}, {pipeline_mode = #tpu.pipeline_mode<synchronous>, transform_indices = @transform_5, window_bounds = array<i64: 128, 128>}, {transform_indices = @transform_6, window_bounds = array<i64: 1000, 128>}]} {
    %get3A = arith.constant 0 : index
    %get3A_0 = arith.constant 0 : index
    %get3A_1 = vector.load %arg1[%get3A, %get3A_0] : memref<1000x128xf32, #tpu.memory_space<vmem>>, vector<1000x128xf32>
    %get3A_2 = arith.constant 0 : index
    %get3A_3 = arith.constant 0 : index
    %get3A_4 = arith.constant 0 : index
    %get3A_5 = vector.load %arg2[%get3A_2, %get3A_3, %get3A_4] : memref<2x1000x128xf32, #tpu.memory_space<vmem>>, vector<1x1000x128xf32>
    %get3A_6 = vector.shape_cast %get3A_5 : vector<1x1000x128xf32> to vector<1000x128xf32>
    %add3A = arith.addf %get3A_1, %get3A_6 : vector<1000x128xf32>
    %get3A_7 = arith.constant 1 : index
    %get3A_8 = arith.constant 0 : index
    %get3A_9 = arith.constant 0 : index
    %get3A_10 = vector.load %arg2[%get3A_7, %get3A_8, %get3A_9] : memref<2x1000x128xf32, #tpu.memory_space<vmem>>, vector<1x1000x128xf32>
    %get3A_11 = vector.shape_cast %get3A_10 : vector<1x1000x128xf32> to vector<1000x128xf32>
    %add3A_12 = arith.addf %add3A, %get3A_11 : vector<1000x128xf32>
    %get3A_13 = arith.constant 0 : index
    %get3A_14 = arith.constant 0 : index
    %get3A_15 = vector.load %arg3[%get3A_13, %get3A_14] : memref<1x128xf32, #tpu.memory_space<vmem>>, vector<1x128xf32>
    %add3A_16 = vector.broadcast %get3A_15 : vector<1x128xf32> to vector<1000x128xf32>
    %add3A_17 = arith.addf %add3A_12, %add3A_16 : vector<1000x128xf32>
    %max3A = arith.constant 0.000000e+00 : f32
    %max3A_18 = vector.broadcast %max3A : f32 to vector<1000x128xf32>
    %max3A_19 = arith.maximumf %add3A_17, %max3A_18 : vector<1000x128xf32>
    %get3A_20 = arith.constant 0 : index
    %get3A_21 = arith.constant 0 : index
    %get3A_22 = vector.load %arg4[%get3A_20, %get3A_21] : memref<128x128xf32, #tpu.memory_space<vmem>>, vector<128x128xf32>
    %dot_general3A = arith.constant dense<0.000000e+00> : vector<1000x128xf32>
    %dot_general3A_23 = tpu.matmul %max3A_19, %get3A_22, %dot_general3A {dimension_numbers = #tpu.dot_dimension_numbers<[1], [0], [0], [1], [0, 0, 1, 1], [], []>, transpose_lhs_hint = false} : vector<1000x128xf32>, vector<128x128xf32>, vector<1000x128xf32> -> vector<1000x128xf32>
    %get3A_24 = arith.constant 0 : index
    %get3A_25 = arith.constant 0 : index
    %get3A_26 = vector.load %arg5[%get3A_24, %get3A_25] : memref<1x128xf32, #tpu.memory_space<vmem>>, vector<1x128xf32>
    %add3A_27 = vector.broadcast %get3A_26 : vector<1x128xf32> to vector<1000x128xf32>
    %add3A_28 = arith.addf %dot_general3A_23, %add3A_27 : vector<1000x128xf32>
    %max3A_29 = arith.constant 0.000000e+00 : f32
    %max3A_30 = vector.broadcast %max3A_29 : f32 to vector<1000x128xf32>
    %max3A_31 = arith.maximumf %add3A_28, %max3A_30 : vector<1000x128xf32>
    %get3A_32 = arith.constant 0 : index
    %get3A_33 = arith.constant 0 : index
    %get3A_34 = vector.load %arg6[%get3A_32, %get3A_33] : memref<128x128xf32, #tpu.memory_space<vmem>>, vector<128x128xf32>
    %dot_general3A_35 = arith.constant dense<0.000000e+00> : vector<1000x128xf32>
    %dot_general3A_36 = tpu.matmul %max3A_31, %get3A_34, %dot_general3A_35 {dimension_numbers = #tpu.dot_dimension_numbers<[1], [0], [0], [1], [0, 0, 1, 1], [], []>, transpose_lhs_hint = false} : vector<1000x128xf32>, vector<128x128xf32>, vector<1000x128xf32> -> vector<1000x128xf32>
    %swap3A = arith.constant 0 : index
    %swap3A_37 = arith.constant 0 : index
    %swap3A_38 = vector.load %arg7[%swap3A, %swap3A_37] : memref<1000x128xf32, #tpu.memory_space<vmem>>, vector<1000x128xf32>
    tpu.vector_store %arg7[%swap3A, %swap3A_37], %dot_general3A_36 {strides = array<i32>} : memref<1000x128xf32, #tpu.memory_space<vmem>>, vector<1000x128xf32>,
    return
  }
  func.func @transform_0(%arg0: i32) -> (i32, i32) {
    %c0_i32 = arith.constant 0 : i32
    %c0_i32_0 = arith.constant 0 : i32
    return %arg0, %c0_i32 : i32, i32
  }
  func.func @transform_1(%arg0: i32) -> (i32, i32, i32) {
    %c0_i32 = arith.constant 0 : i32
    %c0_i32_0 = arith.constant 0 : i32
    %c0_i32_1 = arith.constant 0 : i32
    return %c0_i32, %arg0, %c0_i32_0 : i32, i32, i32
  }
  func.func @transform_2(%arg0: i32) -> (i32, i32) {
    %c0_i32 = arith.constant 0 : i32
    %c0_i32_0 = arith.constant 0 : i32
    %c0_i32_1 = arith.constant 0 : i32
    return %c0_i32, %c0_i32_0 : i32, i32
  }
  func.func @transform_3(%arg0: i32) -> (i32, i32) {
    %c0_i32 = arith.constant 0 : i32
    %c0_i32_0 = arith.constant 0 : i32
    %c0_i32_1 = arith.constant 0 : i32
    return %c0_i32, %c0_i32_0 : i32, i32
  }
  func.func @transform_4(%arg0: i32) -> (i32, i32) {
    %c0_i32 = arith.constant 0 : i32
    %c0_i32_0 = arith.constant 0 : i32
    %c0_i32_1 = arith.constant 0 : i32
    return %c0_i32, %c0_i32_0 : i32, i32
  }
  func.func @transform_5(%arg0: i32) -> (i32, i32) {
    %c0_i32 = arith.constant 0 : i32
    %c0_i32_0 = arith.constant 0 : i32
    %c0_i32_1 = arith.constant 0 : i32
    return %c0_i32, %c0_i32_0 : i32, i32
  }
  func.func @transform_6(%arg0: i32) -> (i32, i32) {
    %c0_i32 = arith.constant 0 : i32
    %c0_i32_0 = arith.constant 0 : i32
    return %arg0, %c0_i32 : i32, i32
  }
}

module attributes {stable_mosaic.version = 14 : i64} {
  func.func @_final_body(%arg0: i32, %arg1: memref<1000x128xf32, #tpu.memory_space<vmem>>, %arg2: memref<2x1000x128xf32, #tpu.memory_space<vmem>>, %arg3: memref<1x128xf32, #tpu.memory_space<vmem>>, %arg4: memref<128x128xf32, #tpu.memory_space<vmem>>, %arg5: memref<1x128xf32, #tpu.memory_space<vmem>>, %arg6: memref<2x1x1x1000xi32, #tpu.memory_space<vmem>>, %arg7: memref<64x128xf32, #tpu.memory_space<vmem>>, %arg8: memref<1x128xf32, #tpu.memory_space<vmem>>, %arg9: memref<64x128xf32, #tpu.memory_space<vmem>>, %arg10: memref<64x64xf32, #tpu.memory_space<vmem>>) attributes {dimension_semantics = [#tpu.dimension_semantics<arbitrary>], iteration_bounds = array<i64: 5>, scalar_prefetch = 0 : i64, scratch_operands = 1 : i64, tpu.core_type = #tpu.core_type<tc>, window_params = [{transform_indices = @transform_0, window_bounds = array<i64: 1000, 128>}, {transform_indices = @transform_1, window_bounds = array<i64: 2, 1000, 128>}, {pipeline_mode = #tpu.pipeline_mode<synchronous>, transform_indices = @transform_2, window_bounds = array<i64: 1, 128>}, {pipeline_mode = #tpu.pipeline_mode<synchronous>, transform_indices = @transform_3, window_bounds = array<i64: 128, 128>}, {pipeline_mode = #tpu.pipeline_mode<synchronous>, transform_indices = @transform_4, window_bounds = array<i64: 1, 128>}, {transform_indices = @transform_5, window_bounds = array<i64: 2, 1, 1, 1000>}, {pipeline_mode = #tpu.pipeline_mode<synchronous>, transform_indices = @transform_6, window_bounds = array<i64: 64, 128>}, {pipeline_mode = #tpu.pipeline_mode<synchronous>, transform_indices = @transform_7, window_bounds = array<i64: 1, 128>}, {pipeline_mode = #tpu.pipeline_mode<synchronous>, transform_indices = @transform_8, window_bounds = array<i64: 64, 128>}]} {
    %eq3A = arith.constant 0 : i32
    %eq3A_0 = arith.cmpi eq, %arg0, %eq3A : i32
    %convert_element_type3A = arith.extui %eq3A_0 : i1 to i32
    %cond3A = arith.constant 0 : i32
    %cond3A_1 = arith.cmpi ne, %convert_element_type3A, %cond3A : i32
    scf.if %cond3A_1 {
      %broadcast_in_dim3A = arith.constant 0.000000e+00 : f32
      %broadcast_in_dim3A_71 = vector.broadcast %broadcast_in_dim3A : f32 to vector<64x64xf32>
      %swap3A_72 = arith.constant 0 : index
      %swap3A_73 = arith.constant 0 : index
      %swap3A_74 = vector.load %arg10[%swap3A_72, %swap3A_73] : memref<64x64xf32, #tpu.memory_space<vmem>>, vector<64x64xf32>
      tpu.vector_store %arg10[%swap3A_72, %swap3A_73], %broadcast_in_dim3A_71 {strides = array<i32>} : memref<64x64xf32, #tpu.memory_space<vmem>>, vector<64x64xf32>,
    } else {
    }
    %get3A = arith.constant 0 : index
    %get3A_2 = arith.constant 0 : index
    %get3A_3 = vector.load %arg1[%get3A, %get3A_2] : memref<1000x128xf32, #tpu.memory_space<vmem>>, vector<1000x128xf32>
    %get3A_4 = arith.constant 0 : index
    %get3A_5 = arith.constant 0 : index
    %get3A_6 = arith.constant 0 : index
    %get3A_7 = vector.load %arg2[%get3A_4, %get3A_5, %get3A_6] : memref<2x1000x128xf32, #tpu.memory_space<vmem>>, vector<1x1000x128xf32>
    %get3A_8 = vector.shape_cast %get3A_7 : vector<1x1000x128xf32> to vector<1000x128xf32>
    %add3A = arith.addf %get3A_3, %get3A_8 : vector<1000x128xf32>
    %get3A_9 = arith.constant 1 : index
    %get3A_10 = arith.constant 0 : index
    %get3A_11 = arith.constant 0 : index
    %get3A_12 = vector.load %arg2[%get3A_9, %get3A_10, %get3A_11] : memref<2x1000x128xf32, #tpu.memory_space<vmem>>, vector<1x1000x128xf32>
    %get3A_13 = vector.shape_cast %get3A_12 : vector<1x1000x128xf32> to vector<1000x128xf32>
    %add3A_14 = arith.addf %add3A, %get3A_13 : vector<1000x128xf32>
    %get3A_15 = arith.constant 0 : index
    %get3A_16 = arith.constant 0 : index
    %get3A_17 = vector.load %arg3[%get3A_15, %get3A_16] : memref<1x128xf32, #tpu.memory_space<vmem>>, vector<1x128xf32>
    %add3A_18 = vector.broadcast %get3A_17 : vector<1x128xf32> to vector<1000x128xf32>
    %add3A_19 = arith.addf %add3A_14, %add3A_18 : vector<1000x128xf32>
    %max3A = arith.constant 0.000000e+00 : f32
    %max3A_20 = vector.broadcast %max3A : f32 to vector<1000x128xf32>
    %max3A_21 = arith.maximumf %add3A_19, %max3A_20 : vector<1000x128xf32>
    %get3A_22 = arith.constant 0 : index
    %get3A_23 = arith.constant 0 : index
    %get3A_24 = vector.load %arg4[%get3A_22, %get3A_23] : memref<128x128xf32, #tpu.memory_space<vmem>>, vector<128x128xf32>
    %dot_general3A = arith.constant dense<0.000000e+00> : vector<1000x128xf32>
    %dot_general3A_25 = tpu.matmul %max3A_21, %get3A_24, %dot_general3A {dimension_numbers = #tpu.dot_dimension_numbers<[1], [0], [0], [1], [0, 0, 1, 1], [], []>, transpose_lhs_hint = false} : vector<1000x128xf32>, vector<128x128xf32>, vector<1000x128xf32> -> vector<1000x128xf32>
    %get3A_26 = arith.constant 0 : index
    %get3A_27 = arith.constant 0 : index
    %get3A_28 = vector.load %arg5[%get3A_26, %get3A_27] : memref<1x128xf32, #tpu.memory_space<vmem>>, vector<1x128xf32>
    %add3A_29 = vector.broadcast %get3A_28 : vector<1x128xf32> to vector<1000x128xf32>
    %add3A_30 = arith.addf %dot_general3A_25, %add3A_29 : vector<1000x128xf32>
    %max3A_31 = arith.constant 0.000000e+00 : f32
    %max3A_32 = vector.broadcast %max3A_31 : f32 to vector<1000x128xf32>
    %max3A_33 = arith.maximumf %add3A_30, %max3A_32 : vector<1000x128xf32>
    %get3A_34 = arith.constant 0 : index
    %get3A_35 = arith.constant 0 : index
    %get3A_36 = arith.constant 0 : index
    %get3A_37 = arith.constant 0 : index
    %get3A_38 = vector.load %arg6[%get3A_34, %get3A_35, %get3A_36, %get3A_37] : memref<2x1x1x1000xi32, #tpu.memory_space<vmem>>, vector<1x1x1x1000xi32>
    %get3A_39 = vector.shape_cast %get3A_38 : vector<1x1x1x1000xi32> to vector<1x1000xi32>
    %get3A_40 = arith.constant 1 : index
    %get3A_41 = arith.constant 0 : index
    %get3A_42 = arith.constant 0 : index
    %get3A_43 = arith.constant 0 : index
    %get3A_44 = vector.load %arg6[%get3A_40, %get3A_41, %get3A_42, %get3A_43] : memref<2x1x1x1000xi32, #tpu.memory_space<vmem>>, vector<1x1x1x1000xi32>
    %get3A_45 = vector.shape_cast %get3A_44 : vector<1x1x1x1000xi32> to vector<1x1000xi32>
    %iota3A = tpu.iota {dimensions = array<i32: 0>} : vector<64x1000xi32>
    %eq3A_46 = vector.broadcast %get3A_39 : vector<1x1000xi32> to vector<64x1000xi32>
    %eq3A_47 = arith.cmpi eq, %iota3A, %eq3A_46 : vector<64x1000xi32>
    %convert_element_type3A_48 = arith.extui %eq3A_47 : vector<64x1000xi1> to vector<64x1000xi32>
    %convert_element_type3A_49 = arith.sitofp %convert_element_type3A_48 : vector<64x1000xi32> to vector<64x1000xf32>
    %eq3A_50 = vector.broadcast %get3A_45 : vector<1x1000xi32> to vector<64x1000xi32>
    %eq3A_51 = arith.cmpi eq, %iota3A, %eq3A_50 : vector<64x1000xi32>
    %convert_element_type3A_52 = arith.extui %eq3A_51 : vector<64x1000xi1> to vector<64x1000xi32>
    %convert_element_type3A_53 = arith.sitofp %convert_element_type3A_52 : vector<64x1000xi32> to vector<64x1000xf32>
    %get3A_54 = arith.constant 0 : index
    %get3A_55 = arith.constant 0 : index
    %get3A_56 = vector.load %arg10[%get3A_54, %get3A_55] : memref<64x64xf32, #tpu.memory_space<vmem>>, vector<64x64xf32>
    %slice3A = vector.extract_strided_slice %max3A_33 {offsets = [0, 0], sizes = [1000, 64], strides = [1, 1]} : vector<1000x128xf32> to vector<1000x64xf32>
    %dot_general3A_57 = arith.constant dense<0.000000e+00> : vector<64x64xf32>
    %dot_general3A_58 = tpu.matmul %convert_element_type3A_49, %slice3A, %dot_general3A_57 {dimension_numbers = #tpu.dot_dimension_numbers<[1], [0], [0], [1], [0, 0, 1, 1], [], []>, transpose_lhs_hint = false} : vector<64x1000xf32>, vector<1000x64xf32>, vector<64x64xf32> -> vector<64x64xf32>
    %slice3A_59 = vector.extract_strided_slice %max3A_33 {offsets = [0, 64], sizes = [1000, 64], strides = [1, 1]} : vector<1000x128xf32> to vector<1000x64xf32>
    %dot_general3A_60 = arith.constant dense<0.000000e+00> : vector<64x64xf32>
    %dot_general3A_61 = tpu.matmul %convert_element_type3A_53, %slice3A_59, %dot_general3A_60 {dimension_numbers = #tpu.dot_dimension_numbers<[1], [0], [0], [1], [0, 0, 1, 1], [], []>, transpose_lhs_hint = false} : vector<64x1000xf32>, vector<1000x64xf32>, vector<64x64xf32> -> vector<64x64xf32>
    %add3A_62 = arith.addf %dot_general3A_58, %dot_general3A_61 : vector<64x64xf32>
    %add3A_63 = arith.addf %get3A_56, %add3A_62 : vector<64x64xf32>
    %swap3A = arith.constant 0 : index
    %swap3A_64 = arith.constant 0 : index
    %swap3A_65 = vector.load %arg10[%swap3A, %swap3A_64] : memref<64x64xf32, #tpu.memory_space<vmem>>, vector<64x64xf32>
    tpu.vector_store %arg10[%swap3A, %swap3A_64], %add3A_63 {strides = array<i32>} : memref<64x64xf32, #tpu.memory_space<vmem>>, vector<64x64xf32>,
    %eq3A_66 = arith.constant 4 : i32
    %eq3A_67 = arith.cmpi eq, %arg0, %eq3A_66 : i32
    %convert_element_type3A_68 = arith.extui %eq3A_67 : i1 to i32
    %cond3A_69 = arith.constant 0 : i32
    %cond3A_70 = arith.cmpi ne, %convert_element_type3A_68, %cond3A_69 : i32
    scf.if %cond3A_70 {
      %get3A_71 = arith.constant 0 : index
      %get3A_72 = arith.constant 0 : index
      %get3A_73 = vector.load %arg10[%get3A_71, %get3A_72] : memref<64x64xf32, #tpu.memory_space<vmem>>, vector<64x64xf32>
      %get3A_74 = arith.constant 0 : index
      %get3A_75 = arith.constant 0 : index
      %get3A_76 = vector.load %arg7[%get3A_74, %get3A_75] : memref<64x128xf32, #tpu.memory_space<vmem>>, vector<64x128xf32>
      %dot_general3A_77 = arith.constant dense<0.000000e+00> : vector<64x128xf32>
      %dot_general3A_78 = tpu.matmul %get3A_73, %get3A_76, %dot_general3A_77 {dimension_numbers = #tpu.dot_dimension_numbers<[1], [0], [0], [1], [0, 0, 1, 1], [], []>, transpose_lhs_hint = false} : vector<64x64xf32>, vector<64x128xf32>, vector<64x128xf32> -> vector<64x128xf32>
      %get3A_79 = arith.constant 0 : index
      %get3A_80 = arith.constant 0 : index
      %get3A_81 = vector.load %arg8[%get3A_79, %get3A_80] : memref<1x128xf32, #tpu.memory_space<vmem>>, vector<1x128xf32>
      %add3A_82 = vector.broadcast %get3A_81 : vector<1x128xf32> to vector<64x128xf32>
      %add3A_83 = arith.addf %dot_general3A_78, %add3A_82 : vector<64x128xf32>
      %swap3A_84 = arith.constant 0 : index
      %swap3A_85 = arith.constant 0 : index
      %swap3A_86 = vector.load %arg9[%swap3A_84, %swap3A_85] : memref<64x128xf32, #tpu.memory_space<vmem>>, vector<64x128xf32>
      tpu.vector_store %arg9[%swap3A_84, %swap3A_85], %add3A_83 {strides = array<i32>} : memref<64x128xf32, #tpu.memory_space<vmem>>, vector<64x128xf32>,
    } else {
    }
    return
  }
  func.func @transform_0(%arg0: i32) -> (i32, i32) {
    %c0_i32 = arith.constant 0 : i32
    %c0_i32_0 = arith.constant 0 : i32
    return %arg0, %c0_i32 : i32, i32
  }
  func.func @transform_1(%arg0: i32) -> (i32, i32, i32) {
    %c0_i32 = arith.constant 0 : i32
    %c0_i32_0 = arith.constant 0 : i32
    %c0_i32_1 = arith.constant 0 : i32
    return %c0_i32, %arg0, %c0_i32_0 : i32, i32, i32
  }
  func.func @transform_2(%arg0: i32) -> (i32, i32) {
    %c0_i32 = arith.constant 0 : i32
    %c0_i32_0 = arith.constant 0 : i32
    %c0_i32_1 = arith.constant 0 : i32
    return %c0_i32, %c0_i32_0 : i32, i32
  }
  func.func @transform_3(%arg0: i32) -> (i32, i32) {
    %c0_i32 = arith.constant 0 : i32
    %c0_i32_0 = arith.constant 0 : i32
    %c0_i32_1 = arith.constant 0 : i32
    return %c0_i32, %c0_i32_0 : i32, i32
  }
  func.func @transform_4(%arg0: i32) -> (i32, i32) {
    %c0_i32 = arith.constant 0 : i32
    %c0_i32_0 = arith.constant 0 : i32
    %c0_i32_1 = arith.constant 0 : i32
    return %c0_i32, %c0_i32_0 : i32, i32
  }
  func.func @transform_5(%arg0: i32) -> (i32, i32, i32, i32) {
    %c0_i32 = arith.constant 0 : i32
    %c0_i32_0 = arith.constant 0 : i32
    %c0_i32_1 = arith.constant 0 : i32
    %c0_i32_2 = arith.constant 0 : i32
    return %c0_i32, %arg0, %c0_i32_0, %c0_i32_1 : i32, i32, i32, i32
  }
  func.func @transform_6(%arg0: i32) -> (i32, i32) {
    %c0_i32 = arith.constant 0 : i32
    %c0_i32_0 = arith.constant 0 : i32
    %c0_i32_1 = arith.constant 0 : i32
    return %c0_i32, %c0_i32_0 : i32, i32
  }
  func.func @transform_7(%arg0: i32) -> (i32, i32) {
    %c0_i32 = arith.constant 0 : i32
    %c0_i32_0 = arith.constant 0 : i32
    %c0_i32_1 = arith.constant 0 : i32
    return %c0_i32, %c0_i32_0 : i32, i32
  }
  func.func @transform_8(%arg0: i32) -> (i32, i32) {
    %c0_i32 = arith.constant 0 : i32
    %c0_i32_0 = arith.constant 0 : i32
    %c0_i32_1 = arith.constant 0 : i32
    return %c0_i32, %c0_i32_0 : i32, i32
  }
}

</mosaic_0001>

<sc_bundles>
// kernel: kernel.12.cloned.1.call-start
scs
__scs_entry_jumppad:
0x0: {  	(pc) =	sbr.rel $0x88, $3  }
0x1: {  	(tag) =	ssettag $0x0;
	lr =	simm.s32 $0x1  }
0x2: {  	[smem:$0x3F90] =	sst lr;
	_ =	strace $0xD0000000  }
0x3: {  	_ = 	snop  }
0x4: {  	_ = 	snop  }
0x5: {  	_ = 	snop  }
0x6: {  	_ = 	snop  }
0x7: {  	_ = 	snop  }
__scs_overlays_trampoline_lowered:
0x8: {  	[smem:$0x3F9F] =	sst s0  }
0x9: {  	[smem:$0x3FA0] =	sst s1  }
0xa: {  	[smem:$0x3FA1] =	sst s2  }
0xb: {  	[smem:$0x3FA2] =	sst s3  }
0xc: {  	[smem:$0x3FA3] =	sst s4  }
0xd: {  	[smem:$0x3FA4] =	sst s5  }
0xe: {  	[smem:$0x3FA5] =	sst s6  }
0xf: {  	[smem:$0x3FA6] =	sst s7  }
0x10: {  	[smem:$0x3FA7] =	sst s8  }
0x11: {  	[smem:$0x3FA8] =	sst s9;
	s0 =	simm.s32 @!p0 $0x0  }
0x12: {  	s1 =	sld [smem:$0x3F8E];
	s0 =	simm.s32 @p0 $0x1  }
0x13: {  	[smem:$0x3FA9] =	sst s0;
	s0 =	simm.s32 @!p1 $0x0  }
0x14: {  	s2 =	sld [smem:$0x3F8D];
	s0 =	simm.s32 @p1 $0x1  }
0x15: {  	[smem:$0x3FAA] =	sst s0;
	s0 =	simm.s32 @!p2 $0x0  }
0x16: {  	s3 =	sld [smem:$0x3FDB];
	s0 =	simm.s32 @p2 $0x1  }
0x17: {  	s4 =	simm.s32 $0x1BF5;
	[smem:$0x3FAC] =	sst s0  }
0x18: {  	s0 =	sld [smem:$0x3F8F];
	_ =	swait.ge [sflag:s4], $0x0  }
0x19: {  	s7 =	sld [smem:$0x3F90]  }
0x1a: {  	s8 =	sadd.s32 $0xFFFFE003, lr  }
0x1b: {  	s9 =	sadd.s32 $0xFFFFFEF7, lr;
	s5 =	simm.s32 $0xFFFFFFFF;
	p2 =	slt.u32 s8, $0xFFFFF086  }
0x1c: {  	p1 =	slt.u32 s9, $0xF7A;
	s5 =	simm.s32 @!p2 $0x0  }
0x1d: {  	s5 =	simm.s32 @p1 $0x1;
	p0 =	seq.s32 s7, s2  }
0x1e: {  	s7 =	smul.u32 @!p0 $0xF7A, s2;
	p2 =	seq.s32 @!p0 s5, $0x0  }
0x1f: {  	s9 =	smul.u32 $0xF7A, s1;
	s8 =	simm.s32 @!p0 $0x1BF5;
	p2 =	por !p2, p0  }
0x20: {  	[sflag:s8] =	ssyncset.s32 @!p0 $0xFFFFF086;
	s6 =	sadd.s32 @!p0 s3, s7;
	s7 =	simm.s32 @!p0 $0x108  }
0x21: {  	s3 =	sadd.s32 s3, s9;
	s6 =	sadd.s32 @!p0 $0x88, s6;
	s7 =	simm.s32 @p2 $0x1082  }
0x22: {  	[simem:s7], [sflag:s8] =	dma.local @!p0 [hbm:s6], $0xF7A  }
0x23: {  	s9 =	sor.u32 $0xD0000000, s2;
	s6 =	simm.s32 $0x108;
	_ =	swait.ge @!p0 [sflag:s8], $0x0  }
0x24: {  	s3 =	sadd.s32 $0x88, s3;
	s6 =	simm.s32 @!p1 $0x1082;
	[sflag:s4] =	ssyncset.s32 $0xFFFFF086  }
0x25: {  	[simem:s6], [sflag:s4] =	dma.local [hbm:s3], $0xF7A  }
0x26: {  	[smem:$0x3F90] =	sst s1;
	(tag) =	ssettag s2;
	_ =	strace s9  }
0x27: {  	s1 =	sld [smem:$0x3FA0]  }
0x28: {  	s2 =	sld [smem:$0x3FA1]  }
0x29: {  	s4 =	sld [smem:$0x3FA3]  }
0x2a: {  	p0 =	seq.s32 s5, $0x0;
	s5 =	sld [smem:$0x3FA4]  }
0x2b: {  	s6 =	sld [smem:$0x3FA5]  }
0x2c: {  	s7 =	sld [smem:$0x3FA6]  }
0x2d: {  	s3 =	simm.s32 $0x108;
	s8 =	sld [smem:$0x3FA7]  }
0x2e: {  	s3 =	simm.s32 @!p0 $0x1082;
	s9 =	sld [smem:$0x3FA8]  }
0x2f: {  	lr =	sadd.s32 s0, s3;
	s0 =	sld [smem:$0x3F9F]  }
0x30: {  	s3 =	sld [smem:$0x3FA2]  }
0x31: {  	[smem:$0x3FAB] =	sst s10  }
0x32: {  	s10 =	sld [smem:$0x3FA9];
	_ =	sdelay $0x3  }
0x33: {  	p0 =	seq.s32 s10, $0x1;
	s10 =	sld [smem:$0x3FAB];
	_ =	sdelay $0x3  }
0x34: {  	[smem:$0x3FAB] =	sst s10  }
0x35: {  	s10 =	sld [smem:$0x3FAA];
	_ =	sdelay $0x3  }
0x36: {  	p1 =	seq.s32 s10, $0x1;
	s10 =	sld [smem:$0x3FAB];
	_ =	sdelay $0x3  }
0x37: {  	[smem:$0x3FAB] =	sst s10  }
0x38: {  	s10 =	sld [smem:$0x3FAC]  }
0x39: {  	_ = 	snop;
	(pc) =	sbr.ind lr, $3  }
0x3a: {  	_ = 	snop  }
0x3b: {  	_ = 	snop  }
0x3c: {  	p2 =	seq.s32 s10, $0x1;
	s10 =	sld [smem:$0x3FAB]  }
0x3d: {  	_ =	shalt  }
0x3e: {  	_ =	shalt  }
0x3f: {  	_ =	shalt  }
0x40: {  	_ =	shalt  }
0x41: {  	_ =	shalt  }
0x42: {  	_ =	shalt  }
0x43: {  	_ =	shalt  }
0x44: {  	_ =	shalt  }
0x45: {  	_ =	shalt  }
0x46: {  	_ =	shalt  }
0x47: {  	_ =	shalt  }
0x48: {  	_ =	shalt  }
0x49: {  	_ =	shalt  }
0x4a: {  	_ =	shalt  }
0x4b: {  	_ =	shalt  }
0x4c: {  	_ =	shalt  }
0x4d: {  	_ =	shalt  }
0x4e: {  	_ =	shalt  }
0x4f: {  	_ =	shalt  }
0x50: {  	_ =	shalt  }
0x51: {  	_ =	shalt  }
0x52: {  	_ =	shalt  }
0x53: {  	_ =	shalt  }
0x54: {  	_ =	shalt  }
0x55: {  	_ =	shalt  }
0x56: {  	_ =	shalt  }
0x57: {  	_ =	shalt  }
0x58: {  	_ =	shalt  }
0x59: {  	_ =	shalt  }
0x5a: {  	_ =	shalt  }
0x5b: {  	_ =	shalt  }
0x5c: {  	_ =	shalt  }
0x5d: {  	_ =	shalt  }
0x5e: {  	_ =	shalt  }
0x5f: {  	_ =	shalt  }
0x60: {  	_ =	shalt  }
0x61: {  	_ =	shalt  }
0x62: {  	_ =	shalt  }
0x63: {  	_ =	shalt  }
0x64: {  	_ =	shalt  }
0x65: {  	_ =	shalt  }
0x66: {  	_ =	shalt  }
0x67: {  	_ =	shalt  }
0x68: {  	_ =	shalt  }
0x69: {  	_ =	shalt  }
0x6a: {  	_ =	shalt  }
0x6b: {  	_ =	shalt  }
0x6c: {  	_ =	shalt  }
0x6d: {  	_ =	shalt  }
0x6e: {  	_ =	shalt  }
0x6f: {  	_ =	shalt  }
0x70: {  	_ =	shalt  }
0x71: {  	_ =	shalt  }
0x72: {  	_ =	shalt  }
0x73: {  	_ =	shalt  }
0x74: {  	_ =	shalt  }
0x75: {  	_ =	shalt  }
0x76: {  	_ =	shalt  }
0x77: {  	_ =	shalt  }
0x78: {  	_ =	shalt  }
0x79: {  	_ =	shalt  }
0x7a: {  	_ =	shalt  }
0x7b: {  	_ =	shalt  }
0x7c: {  	_ =	shalt  }
0x7d: {  	_ =	shalt  }
0x7e: {  	_ =	shalt  }
0x7f: {  	_ =	shalt  }
0x80: {  	_ =	shalt  }
0x81: {  	_ =	shalt  }
0x82: {  	_ =	shalt  }
0x83: {  	_ =	shalt  }
0x84: {  	_ =	shalt  }
0x85: {  	_ =	shalt  }
0x86: {  	_ =	shalt  }
0x87: {  	_ =	shalt  }
.Lfunc_end0:
.L_simem_size_0:
called_computation.1_lowered:
.L_overlay_start_0:
0x88: {  	s2 =	sld [smem:$0x3FD9]  }
0x89: {  	s3 =	sld [smem:$0x3FFE];
	_ =	sdelay $0x1  }
0x8a: {  	s1 =	srdreg.scid  }
0x8b: {  	s0 =	sand.u32 $0x1, s1  }
0x8c: {  	s16 =	sshll.u32 s0, $0xA;
	s2 =	sadd.s32 s3, s2  }
0x8d: {  	s2 =	sadd.s32 s2, s16  }
0x8e: {  	[smem:$0x3FB7] =	sst s2  }
0x8f: {  	_ = 	snop  }
0x90: {  	(tm) =	ssettm $0x1  }
0x91: {  	s17 =	sld [smem:$0x3FFB];
	_ =	sdelay $0x3  }
0x92: {  	_ =	strace s17  }
0x93: {  	s2 =	sld [smem:$0x3FFC];
	_ =	sdelay $0x3  }
0x94: {  	_ =	strace s2  }
0x95: {  	s2 =	sld [smem:$0x3FFD];
	_ =	sdelay $0x3  }
0x96: {  	_ =	strace s2  }
0x97: {  	_ =	strace $0x8FFFFFFF  }
0x98: {  	s18 =	sld [smem:$0x3FDB];
	_ =	sdelay $0x1  }
0x99: {  	s19 =	simm.s32 $_scs_section_size  }
0x9a: {  	s4 =	simm.s32 $_size__tile_overlayer_lowered;
	s5 =	simm.s32 $_tile_overlayer_lowered  }
0x9b: {  	s22 =	simm.s32 $0x1BFF;
	s21 =	sshll.u32 s5, $0x1;
	s2 =	sadd.s32 s19, s18  }
0x9c: {  	s6 =	simm.s32 $0x0;
	s20 =	sshll.u32 s4, $0x1;
	s4 =	sadd.s32 s21, s2  }
0x9d: {  	[timem:s6], [sflag:s22] =	dma.local [hbm:s4], s20  }
0x9e: {  	_ =	swait.ge [sflag:s22], s20  }
0x9f: {  	s3 =	ssub.s32 $0x0, s20;
	[sflag:s22] =	ssyncset.done $0x0  }
0xa0: {  	[sflag:s22] =	ssyncadd.s32 s3;
	_ =	sdelay $0x1  }
0xa1: {  	s23 =	simm.s32 $0x1B8B  }
0xa2: {  	_ =	swait.ge [sflag:s23], $0x1  }
0xa3: {  	[sflag:s23] =	ssyncset.done $0x0  }
0xa4: {  	s25 =	simm.s32 $0x1B8E;
	s24 =	sld [smem:$0x3FFE];
	[sflag:s23] =	ssyncadd.s32 $0xFFFFFFFF  }
0xa5: {  	s26 =	simm.s32 $execute0_lowered;
	[smem:$0x3FD2] =	sst s25  }
0xa6: {  	s4 =	sshll.u32 s26, $0x1;
	_ =	strace $0x80000049;
	[dreg:$0x1] =	wrdreg $0xFFFFFFFF  }
0xa7: {  	s28 =	simm.s32 $_size_execute0_lowered;
	s2 =	sadd.s32 s2, s4;
	[dreg:$0x0] =	wrdreg $0x0  }
0xa8: {  	s4 =	sshll.u32 s28, $0x1;
	[dreg:$0x2] =	wrdreg s2  }
0xa9: {  	[dreg:$0x3] =	wrdreg s4  }
0xaa: {  	[dreg:$0x4] =	wrdreg $0xC0  }
0xab: {  	_ =	task [dreg:s6], $0x5FFFF  }
0xac: {  	[dreg:$0x1] =	wrdreg $0xFFFFFFFF  }
0xad: {  	[dreg:$0x0] =	wrdreg $0x60  }
0xae: {  	[dreg:$0x2] =	wrdreg s24  }
0xaf: {  	[dreg:$0x3] =	wrdreg $0x14F000  }
0xb0: {  	[dreg:$0x4] =	wrdreg $0x9  }
0xb1: {  	_ =	task.clear_ibuf [dreg:s6], $0x5FFFF;
	_ =	strace $0x90000049  }
0xb2: {  	s29 =	simm.s32 $0x9;
	_ =	strace $0x8000004B  }
0xb3: {  	_ =	swait.ge [sflag:s29], $0x1  }
0xb4: {  	[sflag:s29] =	ssyncadd.s32 $0xFFFFFFFF  }
0xb5: {  	_ =	strace $0x9000004B  }
0xb6: {  	_ =	sfence  }
0xb7: {  	s30 =	sld [smem:$0x0];
	_ =	sdelay $0x2  }
0xb8: {  	s31 =	sshll.u32 s1, $0xD;
	s1 =	sshrl.u32 s1, $0x2  }
0xb9: {  	s3 =	sand.u32 $0x4000, s31;
	s1 =	sadd.s32 s1, s30  }
0xba: {  	s0 =	sor.u32 s3, s0;
	s1 =	sshll.u32 s1, $0x11  }
0xbb: {  	s0 =	sor.u32 s1, s0  }
0xbc: {  	s0 =	sadd.s32 $0x8F2B, s0  }
0xbd: {  	[sflag:s0] =	ssyncadd.remote.s32 $0x1  }
0xbe: {  	_ =	sfence.sel $0xFFFF  }
0xbf: {  	[dreg:$0x0] =	wrdreg $0xFFFFFFFF;
	(pc) =	sbr.abs _section_cstart, $3  }
0xc0: {  	[dreg:$0x1] =	wrdreg $0xFFFFFFFF  }
0xc1: {  	_ =	task.clear_ibuf [dreg:s6], $0x2FFFF;
	_ =	strace $0x9FFFFFFF  }
0xc2: {  	(tm) =	ssettm $0x7FFFFFFF  }
0xc3: {  	_ =	shalt  }
tec
execute0_lowered:
.L_overlay_start_1:
0x0: {  	(tag) =	ssettag $0x1  }
0x1: {  	s0 =	rddreg [dreg:$0x0]  }
0x2: {  	s2 =	rddreg [dreg:$0x1]  }
0x3: {  	s1 =	srdreg.scid;
	s10 =	stileid.u32;
	s4 =	simm.s32 $0x0  }
0x4: {  	s25 =	simm.s32 $0x2700;
	s28 =	simm.s32 $0x2;
	s30 =	simm.s32 $0x6F00  }
0x5: {  	s31 =	simm.s32 $0x7;
	s29 =	simm.s32 $0x4;
	s11 =	simm.s32 $0xB  }
0x6: {  	s12 =	simm.s32 $0xC;
	s13 =	simm.s32 $0x0;
	s1 =	sand.u32 $0x1, s1  }
0x7: {  	s3 =	sshll.u32 s10, $0x1;
	[smem:$0x7FF] =	sst s4;
	s4 =	sadd.s32 $0x18200, s0  }
0x8: {  	s6 =	sadd.s32 $0x4800, s0;
	s0 =	sadd.s32 $0x2BC00, s0;
	s17 =	smul.u32 $0x27100, s10  }
0x9: {  	s18 =	smul.u32 $0x9C00, s10;
	p0 =	sgt.u32 s10, $0x1;
	p1 =	sne.s32 s10, $0xF  }
0xa: {  	s3 =	sor.u32 s1, s3;
	s7 =	ssub.s32 $0x2, s1;
	s1 =	smul.u32 $0x9C400, s1  }
0xb: {  	s10 =	simm.s32 $0xA;
	_ =	strace $0x8000004A;
	s5 =	smul.u32 $0x2700, s3  }
0xc: {  	s8 =	sshrl.u32 s7, $0x1;
	s3 =	sshll.u32 s3, $0x4;
	s24 =	sadd.s32 s18, s2  }
0xd: {  	s7 =	ssub.s32 s7, s8;
	s3 =	sadd.s32 s3, s6;
	s22 =	sadd.s32 s18, s1  }
0xe: {  	s1 =	sshrl.u32 s1, $0x3;
	s5 =	sshrl.u32 s5, $0x3;
	s19 =	sadd.s32 $0x9C00, s3  }
0xf: {  	s3 =	sadd.s32 $0x13840, s3;
	s26 =	smax.u32 s7, $0x1;
	[dreg:$0x5] =	wrdreg s19  }
0x10: {  	s7 =	simm.s32 $0x5;
	s16 =	sadd.s32 s6, s5;
	[dreg:$0x6] =	wrdreg s3  }
0x11: {  	s5 =	sshrl.u32 s17, $0x2;
	s3 =	sshrl.u32 s22, $0x3;
	[dreg:$0xd] =	wrdreg s26  }
0x12: {  	s17 =	simm.s32 $0xE;
	s19 =	simm.s32 $0x10F00;
	s22 =	simm.s32 $0x4F00  }
0x13: {  	s26 =	simm.s32 $0xCF00;
	[dreg:$0x3] =	wrdreg s16;
	s8 =	sadd.s32 $0x9C40, s16  }
0x14: {  	s9 =	sadd.s32 s5, s2;
	s3 =	sadd.s32 s0, s3;
	[dreg:$0x4] =	wrdreg s8  }
0x15: {  	s0 =	sadd.s32 s0, s1;
	s1 =	sshrl.u32 s24, $0x3;
	[dreg:$0xb] =	wrdreg s3  }
0x16: {  	s6 =	simm.s32 $0x8;
	s20 =	sadd.s32 $0x2000, s9;
	[dreg:$0xe] =	wrdreg s1  }
0x17: {  	s21 =	sadd.s32 $0x4000, s9;
	s5 =	sadd.s32 $0x6000, s9;
	[dreg:$0x7] =	wrdreg s20  }
0x18: {  	s23 =	sadd.s32 $0x8000, s9;
	s0 =	sadd.s32 $0x13800, s0;
	[dreg:$0x8] =	wrdreg s21  }
.Ltmp0:
0x19: {  	s1 =	simm.s32 $0x8F00;
	[dreg:$0x9] =	wrdreg s5;
	(pc) =	sbr.rel .LBB2_1-.Ltmp0, $4  }
0x1a: {  	s3 =	simm.s32 $0xAF00;
	s8 =	simm.s32 $0x9;
	[dreg:$0xa] =	wrdreg s23  }
0x1b: {  	[dreg:$0xc] =	wrdreg s0;
	s0 =	sadd.s32 $0x9C000, s2;
	s20 =	simm.s32 $0x1  }
0x1c: {  	s21 =	simm.s32 $0x80;
	s23 =	simm.s32 $0x3;
	s0 =	sshrl.u32 @!p1 s0, $0x3  }
0x1d: {  	v0 =	vimm.f32 $0.0e+00;
	s5 =	simm.s32 $0x6;
	[dreg:$0xf] =	wrdreg s0;
	s0 =	simm.s32 $0xEF00  }
.LBB2_6:
0x1e: {  	_ =	swait.ge [sflag:s5], $0x2000  }
0x1f: {  	[sflag:s5] =	ssyncset.done $0x0  }
0x20: {  	[sflag:s5] =	ssyncadd.s32 $0xFFFFE000  }
0x21: {  	[spmem:s2] =	stream.indirect.scatter.add.f32 [tilespmem:s0], [sflag:$0xC], $0x40, s15, s21, $0xb8;
	[tilespmem:$0x1EB40] =	vst v63  }
0x22: {  	_ =	swait.ge [sflag:s31], $0x2000  }
0x23: {  	[sflag:s31] =	ssyncset.done $0x0  }
0x24: {  	[sflag:s31] =	ssyncadd.s32 $0xFFFFE000  }
0x25: {  	_ =	swait.ge [sflag:s6], $0x2000  }
0x26: {  	[sflag:s6] =	ssyncset.done $0x0  }
0x27: {  	[sflag:s6] =	ssyncadd.s32 $0xFFFFE000  }
0x28: {  	_ =	swait.ge [sflag:s8], $0x2000  }
0x29: {  	[sflag:s8] =	ssyncset.done $0x0  }
0x2a: {  	[sflag:s8] =	ssyncadd.s32 $0xFFFFE000  }
0x2b: {  	_ =	swait.ge [sflag:s10], $0x2000  }
0x2c: {  	[sflag:s10] =	ssyncset.done $0x0  }
0x2d: {  	[sflag:s10] =	ssyncadd.s32 $0xFFFFE000  }
0x2e: {  	_ =	swait.ge [sflag:s11], $0x2000  }
0x2f: {  	[sflag:s11] =	ssyncset.done $0x0  }
0x30: {  	[sflag:s11] =	ssyncadd.s32 $0xFFFFE000  }
0x31: {  	_ =	swait.ge [sflag:s12], $0x2000  }
0x32: {  	[sflag:s12] =	ssyncset.done $0x0  }
0x33: {  	s14 =	simm.s32 @!p0 $0xD;
	[sflag:s12] =	ssyncadd.s32 $0xFFFFE000  }
0x34: {  	_ =	swait.ge @!p0 [sflag:s14], $0x2000  }
0x35: {  	s16 =	simm.s32 @!p0 $0x12F00;
	[sflag:s14] =	ssyncset.done @!p0 $0x0  }
0x36: {  	s15 =	simm.s32 @!p0 $0x4E80;
	[sflag:s14] =	ssyncadd.s32 @!p0 $0xFFFFE000;
	s14 =	simm.s32 @!p0 $0x80  }
0x37: {  	[spmem:s2] =	stream.indirect.scatter.add.f32 @!p0 [tilespmem:s16], [sflag:$0xE], $0x40, s15, s14, $0xb8;
	[tilespmem:$0x1EB40] =	vst v63  }
0x38: {  	s14 =	simm.s32 @!p0 $0xE  }
0x39: {  	_ =	swait.ge @!p0 [sflag:s14], $0x2000  }
0x3a: {  	[sflag:s14] =	ssyncset.done @!p0 $0x0  }
0x3b: {  	[sflag:s14] =	ssyncadd.s32 @!p0 $0xFFFFE000  }
0x3c: {  	s16 =	stileid.u32;
	[bflag:$0x0] =	sbarrier.arrive $0xFFFF  }
0x3d: {  	s14 =	sshll.u32 s16, $0x6;
	s18 =	rddreg [dreg:$0xb]  }
0x3e: {  	s14 =	sor.u32 $0x1C0E, s14;
	s24 =	rddreg [dreg:$0xe]  }
0x3f: {  	[hbm:s18], [sflag:s14] =	dma.local [spmem:s24], $0x1380  }
0x40: {  	_ =	swait.ge [sflag:s17], $0x1380  }
0x41: {  	[sflag:s17] =	ssyncset.done $0x0;
	s15 =	rddreg [dreg:$0xc]  }
0x42: {  	s16 =	rddreg [dreg:$0xf];
	[sflag:s17] =	ssyncadd.s32 $0xFFFFEC80  }
0x43: {  	[hbm:s15], [sflag:s14] =	dma.local @!p1 [spmem:s16], $0x80  }
0x44: {  	s14 =	simm.s32 @!p1 $0xE  }
0x45: {  	_ =	swait.ge @!p1 [sflag:s14], $0x80  }
0x46: {  	s13 =	sadd.s32 $0x1, s13;
	s25 =	rddreg [dreg:$0xd]  }
0x47: {  	p2 =	sne.s32 s13, s25  }
.Ltmp1:
0x48: {  	_ = 	snop;
	(pc) =	sbr.rel @!p2 .LBB2_7-.Ltmp1, $3  }
0x49: {  	_ =	sdelay $0x1  }
0x4a: {  	[sflag:s14] =	ssyncset.done @!p1 $0x0  }
0x4b: {  	[sflag:s14] =	ssyncadd.s32 @!p1 $0xFFFFFF80;
	s25 =	simm.s32 $0x2700  }
.LBB2_1:
0x4c: {  	s14 =	simm.s32 $0x0;
	s15 =	rddreg [dreg:$0x3]  }
0x4d: {  	[tilespmem:s14], [sflag:$0xE] =	stream.linear.gather [hbm4b:s15+s14], $0x2700, $0x38;
	[tilespmem:$0x1EB40] =	vst v63  }
0x4e: {  	_ =	swait.ge [sflag:s17], $0x2700  }
0x4f: {  	[sflag:s17] =	ssyncset.done $0x0  }
0x50: {  	s24 =	rddreg [dreg:$0x4];
	[sflag:s17] =	ssyncadd.s32 $0xFFFFD900  }
0x51: {  	[tilespmem:s25], [sflag:$0xE] =	stream.linear.gather [hbm4b:s24+s14], $0x2700, $0x38;
	[tilespmem:$0x1EB40] =	vst v63  }
0x52: {  	_ =	swait.ge [sflag:s17], $0x2700  }
0x53: {  	s18 =	simm.s32 @p0 $0x4F00;
	[sflag:s17] =	ssyncset.done $0x0  }
0x54: {  	s15 =	simm.s32 @p0 $0x0;
	s14 =	simm.s32 @p0 $0x80;
	[sflag:s17] =	ssyncadd.s32 $0xFFFFD900  }
0x55: {  	[tilespmem:s18], [sflag:$0x1] =	stream.indirect.gather @p0 [hbm4b:s4+s14], $0x40, s15, s14, $0xb8;
	[tilespmem:$0x1EB40] =	vst v63  }
0x56: {  	s15 =	simm.s32 @p0 $0x6F00  }
0x57: {  	[tilespmem:s15], [sflag:$0x2] =	stream.indirect.gather @p0 [hbm4b:s4+s14], $0x40, s14, s14, $0xb8;
	[tilespmem:$0x1EB40] =	vst v63  }
0x58: {  	s18 =	simm.s32 @p0 $0x8F00;
	s15 =	simm.s32 @p0 $0x100  }
0x59: {  	[tilespmem:s18], [sflag:$0x3] =	stream.indirect.gather @p0 [hbm4b:s4+s14], $0x40, s15, s14, $0xb8;
	[tilespmem:$0x1EB40] =	vst v63  }
0x5a: {  	s16 =	rddreg [dreg:$0x5];
	s15 =	simm.s32 @p0 $0x180;
	s18 =	simm.s32 @p0 $0xAF00  }
0x5b: {  	[tilespmem:s18], [sflag:$0x4] =	stream.indirect.gather @p0 [hbm4b:s4+s14], $0x40, s15, s14, $0xb8;
	[tilespmem:$0x1EB40] =	vst v63  }
0x5c: {  	s14 =	simm.s32 @!p0 $0x0;
	s15 =	simm.s32 @!p0 $0x4E00;
	s18 =	simm.s32 @!p0 $0xE  }
0x5d: {  	[tilespmem:s15], [sflag:$0xE] =	stream.linear.gather @!p0 [hbm4b:s16+s14], $0x80, $0x38;
	[tilespmem:$0x1EB40] =	vst v63  }
0x5e: {  	_ =	swait.ge @!p0 [sflag:s18], $0x80  }
0x5f: {  	[sflag:s18] =	ssyncset.done @!p0 $0x0  }
0x60: {  	s16 =	simm.s32 @!p0 $0x4E80;
	s24 =	rddreg [dreg:$0x6];
	[sflag:s18] =	ssyncadd.s32 @!p0 $0xFFFFFF80  }
0x61: {  	[tilespmem:s16], [sflag:$0xE] =	stream.linear.gather @!p0 [hbm4b:s24+s14], $0x80, $0x38;
	[tilespmem:$0x1EB40] =	vst v63  }
0x62: {  	_ =	swait.ge @!p0 [sflag:s18], $0x80  }
0x63: {  	[sflag:s18] =	ssyncset.done @!p0 $0x0  }
0x64: {  	s16 =	simm.s32 @!p0 $0x80;
	[sflag:s18] =	ssyncadd.s32 @!p0 $0xFFFFFF80;
	s18 =	simm.s32 @!p0 $0x4F00  }
0x65: {  	[tilespmem:s18], [sflag:$0x1] =	stream.indirect.gather @!p0 [hbm4b:s4+s16], $0x40, s14, s16, $0xb8;
	[tilespmem:$0x1EB40] =	vst v63  }
0x66: {  	s14 =	simm.s32 @!p0 $0x6F00  }
0x67: {  	[tilespmem:s14], [sflag:$0x2] =	stream.indirect.gather @!p0 [hbm4b:s4+s16], $0x40, s16, s16, $0xb8;
	[tilespmem:$0x1EB40] =	vst v63  }
0x68: {  	s18 =	simm.s32 @!p0 $0x8F00;
	s14 =	simm.s32 @!p0 $0x100  }
0x69: {  	[tilespmem:s18], [sflag:$0x3] =	stream.indirect.gather @!p0 [hbm4b:s4+s16], $0x40, s14, s16, $0xb8;
	[tilespmem:$0x1EB40] =	vst v63  }
0x6a: {  	s14 =	simm.s32 @!p0 $0x180;
	s18 =	simm.s32 @!p0 $0xAF00  }
0x6b: {  	[tilespmem:s18], [sflag:$0x4] =	stream.indirect.gather @!p0 [hbm4b:s4+s16], $0x40, s14, s16, $0xb8;
	[tilespmem:$0x1EB40] =	vst v63  }
0x6c: {  	s14 =	simm.s32 @!p0 $0x12F00  }
0x6d: {  	[tilespmem:s14], [sflag:$0xD] =	stream.indirect.gather @!p0 [hbm4b:s4+s16], $0x40, s15, s16, $0xb8;
	[tilespmem:$0x1EB40] =	vst v63  }
0x6e: {  	s18 =	simm.s32 $0x100;
	s14 =	simm.s32 $0x0  }
.LBB2_2:
0x6f: {  	p2 =	sne.s32 s18, $0x7F00;
	[tilespmem:s14+$0x10F30] =	vst v0;
	s15 =	smov.u32 s18;
	s18 =	sadd.s32 $0x100, s18  }
.Ltmp2:
0x70: {  	[tilespmem:s14+$0x10F20] =	vst v0;
	(pc) =	sbr.rel @p2 .LBB2_2-.Ltmp2, $3  }
0x71: {  	[tilespmem:s14+$0x10F00] =	vst v0  }
0x72: {  	[tilespmem:s14+$0x10F10] =	vst v0;
	_ =	sdelay $0x1  }
0x73: {  	s14 =	sshra.s32 s15, $0x2  }
0x74: {  	[tilespmem:s14+$0x10F30] =	vst v0  }
0x75: {  	[tilespmem:s14+$0x10F20] =	vst v0  }
0x76: {  	[tilespmem:s14+$0x10F00] =	vst v0  }
0x77: {  	[tilespmem:s14+$0x10F10] =	vst v0  }
0x78: {  	[spmem:s9] =	stream.linear.scatter [tilespmem:s19], [sflag:$0xE], $0x2000, $0x38;
	[tilespmem:$0x1EB40] =	vst v63  }
0x79: {  	_ =	swait.ge [sflag:s17], $0x2000  }
0x7a: {  	[sflag:s17] =	ssyncset.done $0x0  }
0x7b: {  	s15 =	rddreg [dreg:$0x7];
	[sflag:s17] =	ssyncadd.s32 $0xFFFFE000  }
0x7c: {  	[spmem:s15] =	stream.linear.scatter [tilespmem:s19], [sflag:$0xE], $0x2000, $0x38;
	[tilespmem:$0x1EB40] =	vst v63  }
0x7d: {  	_ =	swait.ge [sflag:s17], $0x2000  }
0x7e: {  	[sflag:s17] =	ssyncset.done $0x0  }
0x7f: {  	s16 =	rddreg [dreg:$0x8];
	[sflag:s17] =	ssyncadd.s32 $0xFFFFE000  }
0x80: {  	[spmem:s16] =	stream.linear.scatter [tilespmem:s19], [sflag:$0xE], $0x2000, $0x38;
	[tilespmem:$0x1EB40] =	vst v63  }
0x81: {  	_ =	swait.ge [sflag:s17], $0x2000  }
0x82: {  	[sflag:s17] =	ssyncset.done $0x0  }
0x83: {  	s18 =	rddreg [dreg:$0x9];
	[sflag:s17] =	ssyncadd.s32 $0xFFFFE000  }
0x84: {  	[spmem:s18] =	stream.linear.scatter [tilespmem:s19], [sflag:$0xE], $0x2000, $0x38;
	[tilespmem:$0x1EB40] =	vst v63  }
0x85: {  	_ =	swait.ge [sflag:s17], $0x2000  }
0x86: {  	[sflag:s17] =	ssyncset.done $0x0  }
0x87: {  	s24 =	rddreg [dreg:$0xa];
	[sflag:s17] =	ssyncadd.s32 $0xFFFFE000  }
0x88: {  	[spmem:s24] =	stream.linear.scatter [tilespmem:s19], [sflag:$0xE], $0x1C40, $0x38;
	[tilespmem:$0x1EB40] =	vst v63  }
0x89: {  	_ =	swait.ge [sflag:s17], $0x1C40  }
0x8a: {  	[sflag:s17] =	ssyncset.done $0x0  }
0x8b: {  	[sflag:s17] =	ssyncadd.s32 $0xFFFFE3C0  }
0x8c: {  	[bflag:$0x0] =	sbarrier.arrive $0xFFFF  }
0x8d: {  	_ =	swait.ge [sflag:s20], $0x2000  }
0x8e: {  	[sflag:s20] =	ssyncset.done $0x0  }
0x8f: {  	[sflag:s20] =	ssyncadd.s32 $0xFFFFE000  }
0x90: {  	[spmem:s2] =	stream.indirect.scatter.add.f32 [tilespmem:s22], [sflag:$0x7], $0x40, s25, s21, $0xb8;
	[tilespmem:$0x1EB40] =	vst v63  }
0x91: {  	s25 =	simm.s32 $0x200  }
0x92: {  	[tilespmem:s26], [sflag:$0x5] =	stream.indirect.gather [hbm4b:s4+s21], $0x40, s25, s21, $0xb8;
	[tilespmem:$0x1EB40] =	vst v63  }
0x93: {  	_ =	swait.ge [sflag:s28], $0x2000  }
0x94: {  	[sflag:s28] =	ssyncset.done $0x0  }
0x95: {  	s15 =	simm.s32 $0x2780;
	[sflag:s28] =	ssyncadd.s32 $0xFFFFE000  }
0x96: {  	[spmem:s2] =	stream.indirect.scatter.add.f32 [tilespmem:s30], [sflag:$0x8], $0x40, s15, s21, $0xb8;
	[tilespmem:$0x1EB40] =	vst v63  }
0x97: {  	s16 =	simm.s32 $0x280  }
0x98: {  	[tilespmem:s0], [sflag:$0x6] =	stream.indirect.gather [hbm4b:s4+s21], $0x40, s16, s21, $0xb8;
	[tilespmem:$0x1EB40] =	vst v63  }
0x99: {  	_ =	swait.ge [sflag:s23], $0x2000  }
0x9a: {  	[sflag:s23] =	ssyncset.done $0x0  }
0x9b: {  	s18 =	simm.s32 $0x2800;
	[sflag:s23] =	ssyncadd.s32 $0xFFFFE000  }
0x9c: {  	[spmem:s2] =	stream.indirect.scatter.add.f32 [tilespmem:s1], [sflag:$0x9], $0x40, s18, s21, $0xb8;
	[tilespmem:$0x1EB40] =	vst v63  }
0x9d: {  	_ =	swait.ge [sflag:s31], $0x2000  }
0x9e: {  	[sflag:s31] =	ssyncset.done $0x0  }
0x9f: {  	s24 =	simm.s32 $0x300;
	[sflag:s31] =	ssyncadd.s32 $0xFFFFE000  }
0xa0: {  	[tilespmem:s22], [sflag:$0x1] =	stream.indirect.gather [hbm4b:s4+s21], $0x40, s24, s21, $0xb8;
	[tilespmem:$0x1EB40] =	vst v63  }
0xa1: {  	_ =	swait.ge [sflag:s29], $0x2000  }
0xa2: {  	[sflag:s29] =	ssyncset.done $0x0  }
0xa3: {  	s25 =	simm.s32 $0x2880;
	[sflag:s29] =	ssyncadd.s32 $0xFFFFE000  }
0xa4: {  	[spmem:s2] =	stream.indirect.scatter.add.f32 [tilespmem:s3], [sflag:$0xA], $0x40, s25, s21, $0xb8;
	[tilespmem:$0x1EB40] =	vst v63  }
0xa5: {  	_ =	swait.ge [sflag:s6], $0x2000  }
0xa6: {  	[sflag:s6] =	ssyncset.done $0x0  }
0xa7: {  	s15 =	simm.s32 $0x380;
	[sflag:s6] =	ssyncadd.s32 $0xFFFFE000  }
0xa8: {  	[tilespmem:s30], [sflag:$0x2] =	stream.indirect.gather [hbm4b:s4+s21], $0x40, s15, s21, $0xb8;
	[tilespmem:$0x1EB40] =	vst v63  }
0xa9: {  	_ =	swait.ge [sflag:s7], $0x2000  }
0xaa: {  	[sflag:s7] =	ssyncset.done $0x0  }
0xab: {  	s16 =	simm.s32 $0x2900;
	[sflag:s7] =	ssyncadd.s32 $0xFFFFE000  }
0xac: {  	[spmem:s2] =	stream.indirect.scatter.add.f32 [tilespmem:s26], [sflag:$0xB], $0x40, s16, s21, $0xb8;
	[tilespmem:$0x1EB40] =	vst v63  }
0xad: {  	_ =	swait.ge [sflag:s8], $0x2000  }
0xae: {  	[sflag:s8] =	ssyncset.done $0x0  }
0xaf: {  	s18 =	simm.s32 $0x400;
	[sflag:s8] =	ssyncadd.s32 $0xFFFFE000  }
0xb0: {  	[tilespmem:s1], [sflag:$0x3] =	stream.indirect.gather [hbm4b:s4+s21], $0x40, s18, s21, $0xb8;
	[tilespmem:$0x1EB40] =	vst v63  }
0xb1: {  	_ =	swait.ge [sflag:s5], $0x2000  }
0xb2: {  	[sflag:s5] =	ssyncset.done $0x0  }
0xb3: {  	s24 =	simm.s32 $0x2980;
	[sflag:s5] =	ssyncadd.s32 $0xFFFFE000  }
0xb4: {  	[spmem:s2] =	stream.indirect.scatter.add.f32 [tilespmem:s0], [sflag:$0xC], $0x40, s24, s21, $0xb8;
	[tilespmem:$0x1EB40] =	vst v63  }
0xb5: {  	_ =	swait.ge [sflag:s10], $0x2000  }
0xb6: {  	[sflag:s10] =	ssyncset.done $0x0  }
0xb7: {  	s14 =	simm.s32 $0x0;
	s25 =	simm.s32 $0x480;
	[sflag:s10] =	ssyncadd.s32 $0xFFFFE000  }
0xb8: {  	[tilespmem:s3], [sflag:$0x4] =	stream.indirect.gather [hbm4b:s4+s21], $0x40, s25, s21, $0xb8;
	[tilespmem:$0x1EB40] =	vst v63  }
.LBB2_4:
0xb9: {  	_ =	swait.ge [sflag:s20], $0x2000  }
0xba: {  	s18 =	sshra.s32 s14, $0x2;
	[sflag:s20] =	ssyncset.done $0x0  }
0xbb: {  	s15 =	sadd.s32 $0x2A00, s18;
	[sflag:s20] =	ssyncadd.s32 $0xFFFFE000  }
0xbc: {  	[spmem:s2] =	stream.indirect.scatter.add.f32 [tilespmem:s22], [sflag:$0x7], $0x40, s15, s21, $0xb8;
	[tilespmem:$0x1EB40] =	vst v63  }
0xbd: {  	_ =	swait.ge [sflag:s11], $0x2000  }
0xbe: {  	[sflag:s11] =	ssyncset.done $0x0  }
0xbf: {  	s24 =	sadd.s32 $0x500, s18;
	[sflag:s11] =	ssyncadd.s32 $0xFFFFE000  }
0xc0: {  	[tilespmem:s26], [sflag:$0x5] =	stream.indirect.gather [hbm4b:s4+s21], $0x40, s24, s21, $0xb8;
	[tilespmem:$0x1EB40] =	vst v63  }
0xc1: {  	_ =	swait.ge [sflag:s28], $0x2000  }
0xc2: {  	[sflag:s28] =	ssyncset.done $0x0  }
0xc3: {  	s25 =	sadd.s32 $0x2A80, s18;
	[sflag:s28] =	ssyncadd.s32 $0xFFFFE000  }
0xc4: {  	[spmem:s2] =	stream.indirect.scatter.add.f32 [tilespmem:s30], [sflag:$0x8], $0x40, s25, s21, $0xb8;
	[tilespmem:$0x1EB40] =	vst v63  }
0xc5: {  	_ =	swait.ge [sflag:s12], $0x2000  }
0xc6: {  	[sflag:s12] =	ssyncset.done $0x0  }
0xc7: {  	s16 =	sadd.s32 $0x580, s18;
	[sflag:s12] =	ssyncadd.s32 $0xFFFFE000  }
0xc8: {  	[tilespmem:s0], [sflag:$0x6] =	stream.indirect.gather [hbm4b:s4+s21], $0x40, s16, s21, $0xb8;
	[tilespmem:$0x1EB40] =	vst v63  }
0xc9: {  	_ =	swait.ge [sflag:s23], $0x2000  }
0xca: {  	p2 =	seq.s32 s14, $0x8400;
	[sflag:s23] =	ssyncset.done $0x0  }
0xcb: {  	s15 =	simm.s32 @p2 $0x4;
	s24 =	sadd.s32 $0x2B00, s18;
	[sflag:s23] =	ssyncadd.s32 $0xFFFFE000  }
0xcc: {  	[spmem:s2] =	stream.indirect.scatter.add.f32 [tilespmem:s1], [sflag:$0x9], $0x40, s24, s21, $0xb8;
	[tilespmem:$0x1EB40] =	vst v63  }
0xcd: {  	_ =	swait.ge @p2 [sflag:s15], $0x2000  }
0xce: {  	[sflag:s15] =	ssyncset.done @p2 $0x0  }
0xcf: {  	[sflag:s15] =	ssyncadd.s32 @p2 $0xFFFFE000;
	s15 =	sshra.s32 @p2 s14, $0x2  }
0xd0: {  	s16 =	simm.s32 @p2 $0x80;
	s24 =	simm.s32 @p2 $0xAF00;
	s15 =	sadd.s32 @p2 $0x2B80, s15  }
0xd1: {  	[spmem:s2] =	stream.indirect.scatter.add.f32 @p2 [tilespmem:s24], [sflag:$0xA], $0x40, s15, s16, $0xb8;
	[tilespmem:$0x1EB40] =	vst v63  }
0xd2: {  	s15 =	simm.s32 @!p2 $0x7  }
0xd3: {  	_ =	swait.ge @!p2 [sflag:s15], $0x2000  }
0xd4: {  	[sflag:s15] =	ssyncset.done @!p2 $0x0  }
0xd5: {  	[sflag:s15] =	ssyncadd.s32 @!p2 $0xFFFFE000;
	s15 =	sshra.s32 @!p2 s14, $0x2  }
0xd6: {  	s25 =	simm.s32 @!p2 $0x4F00;
	s24 =	simm.s32 @!p2 $0x80;
	s16 =	sadd.s32 @!p2 $0x600, s15  }
0xd7: {  	[tilespmem:s25], [sflag:$0x1] =	stream.indirect.gather @!p2 [hbm4b:s4+s24], $0x40, s16, s24, $0xb8;
	[tilespmem:$0x1EB40] =	vst v63  }
0xd8: {  	s16 =	simm.s32 @!p2 $0x4  }
0xd9: {  	_ =	swait.ge @!p2 [sflag:s16], $0x2000  }
0xda: {  	[sflag:s16] =	ssyncset.done @!p2 $0x0  }
0xdb: {  	s25 =	simm.s32 @!p2 $0xAF00;
	[sflag:s16] =	ssyncadd.s32 @!p2 $0xFFFFE000;
	s16 =	sadd.s32 @!p2 $0x2B80, s15  }
0xdc: {  	[spmem:s2] =	stream.indirect.scatter.add.f32 @!p2 [tilespmem:s25], [sflag:$0xA], $0x40, s16, s24, $0xb8;
	[tilespmem:$0x1EB40] =	vst v63  }
0xdd: {  	s16 =	simm.s32 @!p2 $0x8  }
0xde: {  	_ =	swait.ge @!p2 [sflag:s16], $0x2000  }
0xdf: {  	[sflag:s16] =	ssyncset.done @!p2 $0x0  }
0xe0: {  	s15 =	sadd.s32 @!p2 $0x680, s15;
	[sflag:s16] =	ssyncadd.s32 @!p2 $0xFFFFE000;
	s16 =	simm.s32 @!p2 $0x6F00  }
0xe1: {  	[tilespmem:s16], [sflag:$0x2] =	stream.indirect.gather @!p2 [hbm4b:s4+s24], $0x40, s15, s24, $0xb8;
	[tilespmem:$0x1EB40] =	vst v63  }
.Ltmp3:
0xe2: {  	_ = 	snop;
	(pc) =	sbr.rel @p2 .LBB2_6-.Ltmp3, $4  }
0xe3: {  	_ =	swait.ge [sflag:s7], $0x2000  }
0xe4: {  	[sflag:s7] =	ssyncset.done $0x0  }
0xe5: {  	s25 =	sadd.s32 $0x2C00, s18;
	s15 =	sadd.s32 $0x2C80, s18;
	[sflag:s7] =	ssyncadd.s32 $0xFFFFE000  }
0xe6: {  	[spmem:s2] =	stream.indirect.scatter.add.f32 [tilespmem:s26], [sflag:$0xB], $0x40, s25, s21, $0xb8;
	[tilespmem:$0x1EB40] =	vst v63  }
0xe7: {  	_ =	swait.ge [sflag:s8], $0x2000  }
0xe8: {  	[sflag:s8] =	ssyncset.done $0x0  }
0xe9: {  	s16 =	sadd.s32 $0x700, s18;
	[sflag:s8] =	ssyncadd.s32 $0xFFFFE000  }
0xea: {  	[tilespmem:s1], [sflag:$0x3] =	stream.indirect.gather [hbm4b:s4+s21], $0x40, s16, s21, $0xb8;
	[tilespmem:$0x1EB40] =	vst v63  }
0xeb: {  	_ =	swait.ge [sflag:s5], $0x2000  }
0xec: {  	[sflag:s5] =	ssyncset.done $0x0  }
0xed: {  	[sflag:s5] =	ssyncadd.s32 $0xFFFFE000  }
0xee: {  	[spmem:s2] =	stream.indirect.scatter.add.f32 [tilespmem:s0], [sflag:$0xC], $0x40, s15, s21, $0xb8;
	[tilespmem:$0x1EB40] =	vst v63  }
.Ltmp4:
0xef: {  	_ = 	snop;
	(pc) =	sbr.rel .LBB2_4-.Ltmp4, $4  }
0xf0: {  	_ =	swait.ge [sflag:s10], $0x2000  }
0xf1: {  	[sflag:s10] =	ssyncset.done $0x0  }
0xf2: {  	s25 =	sadd.s32 $0x780, s18;
	s14 =	sadd.s32 $0xC00, s14;
	[sflag:s10] =	ssyncadd.s32 $0xFFFFE000  }
0xf3: {  	[tilespmem:s3], [sflag:$0x4] =	stream.indirect.gather [hbm4b:s4+s21], $0x40, s25, s21, $0xb8;
	[tilespmem:$0x1EB40] =	vst v63  }
.LBB2_7:
0xf4: {  	_ =	sfence.sel $0x180000  }
0xf5: {  	[bflag:$0x0] =	sbarrier.arrive $0xFFFF  }
0xf6: {  	_ =	strace $0x9000004A  }
0xf7: {  	s0 =	stileid.u32;
	[bflag:$0x2] =	sbarrier.arrive $0xFFFF  }
0xf8: {  	p0 =	sne.s32 s0, $0x0;
	s0 =	rddreg [dreg:$0x2]  }
0xf9: {  	s0 =	sadd.s32 @!p0 $0x100000, s0  }
0xfa: {  	[sflag:s0] =	ssyncadd.tile.s32 @!p0 $0x1;
	_ =	shalt  }
.Lfunc_end2:
_tile_overlayer_lowered:
.L_overlay_start_2:
0xfb: {  	(tag) =	ssettag $0x2  }
0xfc: {  	s0 =	rddreg [dreg:$0x0];
	s2 =	stileid.u32  }
0xfd: {  	s1 =	rddreg [dreg:$0x1];
	p0 =	sne.s32 s2, $0x0  }
0xfe: {  	s3 =	rddreg [dreg:$0x2];
	[bflag:$0x3] =	sbarrier.arrive $0xFFFF;
	s2 =	simm.s32 @!p0 $0x1C0E  }
0xff: {  	[timem:s3], [sflag:s2] =	dma.local @!p0 [hbm:s0], s1  }
0x100: {  	s0 =	simm.s32 @!p0 $0xE  }
0x101: {  	_ =	swait.ge @!p0 [sflag:s0], s1  }
0x102: {  	s1 =	ssub.s32 @!p0 $0x0, s1;
	[sflag:s0] =	ssyncset.done @!p0 $0x0  }
0x103: {  	[sflag:s0] =	ssyncadd.s32 @!p0 s1  }
0x104: {  	[bflag:$0x3] =	sbarrier.arrive $0xFFFF  }
0x105: {  	_ =	shalt  }

// kernel: kernel.15.cloned.1.call-start
scs
__scs_entry_jumppad:
0x0: {  	(pc) =	sbr.rel $0x88, $3  }
0x1: {  	(tag) =	ssettag $0x0;
	lr =	simm.s32 $0x1  }
0x2: {  	[smem:$0x3F90] =	sst lr;
	_ =	strace $0xD0000000  }
0x3: {  	_ = 	snop  }
0x4: {  	_ = 	snop  }
0x5: {  	_ = 	snop  }
0x6: {  	_ = 	snop  }
0x7: {  	_ = 	snop  }
__scs_overlays_trampoline_lowered:
0x8: {  	[smem:$0x3F9F] =	sst s0  }
0x9: {  	[smem:$0x3FA0] =	sst s1  }
0xa: {  	[smem:$0x3FA1] =	sst s2  }
0xb: {  	[smem:$0x3FA2] =	sst s3  }
0xc: {  	[smem:$0x3FA3] =	sst s4  }
0xd: {  	[smem:$0x3FA4] =	sst s5  }
0xe: {  	[smem:$0x3FA5] =	sst s6  }
0xf: {  	[smem:$0x3FA6] =	sst s7  }
0x10: {  	[smem:$0x3FA7] =	sst s8  }
0x11: {  	[smem:$0x3FA8] =	sst s9;
	s0 =	simm.s32 @!p0 $0x0  }
0x12: {  	s1 =	sld [smem:$0x3F8E];
	s0 =	simm.s32 @p0 $0x1  }
0x13: {  	[smem:$0x3FA9] =	sst s0;
	s0 =	simm.s32 @!p1 $0x0  }
0x14: {  	s2 =	sld [smem:$0x3F8D];
	s0 =	simm.s32 @p1 $0x1  }
0x15: {  	[smem:$0x3FAA] =	sst s0;
	s0 =	simm.s32 @!p2 $0x0  }
0x16: {  	s3 =	sld [smem:$0x3FDB];
	s0 =	simm.s32 @p2 $0x1  }
0x17: {  	s4 =	simm.s32 $0x1BF5;
	[smem:$0x3FAC] =	sst s0  }
0x18: {  	s0 =	sld [smem:$0x3F8F];
	_ =	swait.ge [sflag:s4], $0x0  }
0x19: {  	s7 =	sld [smem:$0x3F90]  }
0x1a: {  	s8 =	sadd.s32 $0xFFFFE003, lr  }
0x1b: {  	s9 =	sadd.s32 $0xFFFFFEF7, lr;
	s5 =	simm.s32 $0xFFFFFFFF;
	p2 =	slt.u32 s8, $0xFFFFF086  }
0x1c: {  	p1 =	slt.u32 s9, $0xF7A;
	s5 =	simm.s32 @!p2 $0x0  }
0x1d: {  	s5 =	simm.s32 @p1 $0x1;
	p0 =	seq.s32 s7, s2  }
0x1e: {  	s7 =	smul.u32 @!p0 $0xF7A, s2;
	p2 =	seq.s32 @!p0 s5, $0x0  }
0x1f: {  	s9 =	smul.u32 $0xF7A, s1;
	s8 =	simm.s32 @!p0 $0x1BF5;
	p2 =	por !p2, p0  }
0x20: {  	[sflag:s8] =	ssyncset.s32 @!p0 $0xFFFFF086;
	s6 =	sadd.s32 @!p0 s3, s7;
	s7 =	simm.s32 @!p0 $0x108  }
0x21: {  	s3 =	sadd.s32 s3, s9;
	s6 =	sadd.s32 @!p0 $0x88, s6;
	s7 =	simm.s32 @p2 $0x1082  }
0x22: {  	[simem:s7], [sflag:s8] =	dma.local @!p0 [hbm:s6], $0xF7A  }
0x23: {  	s9 =	sor.u32 $0xD0000000, s2;
	s6 =	simm.s32 $0x108;
	_ =	swait.ge @!p0 [sflag:s8], $0x0  }
0x24: {  	s3 =	sadd.s32 $0x88, s3;
	s6 =	simm.s32 @!p1 $0x1082;
	[sflag:s4] =	ssyncset.s32 $0xFFFFF086  }
0x25: {  	[simem:s6], [sflag:s4] =	dma.local [hbm:s3], $0xF7A  }
0x26: {  	[smem:$0x3F90] =	sst s1;
	(tag) =	ssettag s2;
	_ =	strace s9  }
0x27: {  	s1 =	sld [smem:$0x3FA0]  }
0x28: {  	s2 =	sld [smem:$0x3FA1]  }
0x29: {  	s4 =	sld [smem:$0x3FA3]  }
0x2a: {  	p0 =	seq.s32 s5, $0x0;
	s5 =	sld [smem:$0x3FA4]  }
0x2b: {  	s6 =	sld [smem:$0x3FA5]  }
0x2c: {  	s7 =	sld [smem:$0x3FA6]  }
0x2d: {  	s3 =	simm.s32 $0x108;
	s8 =	sld [smem:$0x3FA7]  }
0x2e: {  	s3 =	simm.s32 @!p0 $0x1082;
	s9 =	sld [smem:$0x3FA8]  }
0x2f: {  	lr =	sadd.s32 s0, s3;
	s0 =	sld [smem:$0x3F9F]  }
0x30: {  	s3 =	sld [smem:$0x3FA2]  }
0x31: {  	[smem:$0x3FAB] =	sst s10  }
0x32: {  	s10 =	sld [smem:$0x3FA9];
	_ =	sdelay $0x3  }
0x33: {  	p0 =	seq.s32 s10, $0x1;
	s10 =	sld [smem:$0x3FAB];
	_ =	sdelay $0x3  }
0x34: {  	[smem:$0x3FAB] =	sst s10  }
0x35: {  	s10 =	sld [smem:$0x3FAA];
	_ =	sdelay $0x3  }
0x36: {  	p1 =	seq.s32 s10, $0x1;
	s10 =	sld [smem:$0x3FAB];
	_ =	sdelay $0x3  }
0x37: {  	[smem:$0x3FAB] =	sst s10  }
0x38: {  	s10 =	sld [smem:$0x3FAC]  }
0x39: {  	_ = 	snop;
	(pc) =	sbr.ind lr, $3  }
0x3a: {  	_ = 	snop  }
0x3b: {  	_ = 	snop  }
0x3c: {  	p2 =	seq.s32 s10, $0x1;
	s10 =	sld [smem:$0x3FAB]  }
0x3d: {  	_ =	shalt  }
0x3e: {  	_ =	shalt  }
0x3f: {  	_ =	shalt  }
0x40: {  	_ =	shalt  }
0x41: {  	_ =	shalt  }
0x42: {  	_ =	shalt  }
0x43: {  	_ =	shalt  }
0x44: {  	_ =	shalt  }
0x45: {  	_ =	shalt  }
0x46: {  	_ =	shalt  }
0x47: {  	_ =	shalt  }
0x48: {  	_ =	shalt  }
0x49: {  	_ =	shalt  }
0x4a: {  	_ =	shalt  }
0x4b: {  	_ =	shalt  }
0x4c: {  	_ =	shalt  }
0x4d: {  	_ =	shalt  }
0x4e: {  	_ =	shalt  }
0x4f: {  	_ =	shalt  }
0x50: {  	_ =	shalt  }
0x51: {  	_ =	shalt  }
0x52: {  	_ =	shalt  }
0x53: {  	_ =	shalt  }
0x54: {  	_ =	shalt  }
0x55: {  	_ =	shalt  }
0x56: {  	_ =	shalt  }
0x57: {  	_ =	shalt  }
0x58: {  	_ =	shalt  }
0x59: {  	_ =	shalt  }
0x5a: {  	_ =	shalt  }
0x5b: {  	_ =	shalt  }
0x5c: {  	_ =	shalt  }
0x5d: {  	_ =	shalt  }
0x5e: {  	_ =	shalt  }
0x5f: {  	_ =	shalt  }
0x60: {  	_ =	shalt  }
0x61: {  	_ =	shalt  }
0x62: {  	_ =	shalt  }
0x63: {  	_ =	shalt  }
0x64: {  	_ =	shalt  }
0x65: {  	_ =	shalt  }
0x66: {  	_ =	shalt  }
0x67: {  	_ =	shalt  }
0x68: {  	_ =	shalt  }
0x69: {  	_ =	shalt  }
0x6a: {  	_ =	shalt  }
0x6b: {  	_ =	shalt  }
0x6c: {  	_ =	shalt  }
0x6d: {  	_ =	shalt  }
0x6e: {  	_ =	shalt  }
0x6f: {  	_ =	shalt  }
0x70: {  	_ =	shalt  }
0x71: {  	_ =	shalt  }
0x72: {  	_ =	shalt  }
0x73: {  	_ =	shalt  }
0x74: {  	_ =	shalt  }
0x75: {  	_ =	shalt  }
0x76: {  	_ =	shalt  }
0x77: {  	_ =	shalt  }
0x78: {  	_ =	shalt  }
0x79: {  	_ =	shalt  }
0x7a: {  	_ =	shalt  }
0x7b: {  	_ =	shalt  }
0x7c: {  	_ =	shalt  }
0x7d: {  	_ =	shalt  }
0x7e: {  	_ =	shalt  }
0x7f: {  	_ =	shalt  }
0x80: {  	_ =	shalt  }
0x81: {  	_ =	shalt  }
0x82: {  	_ =	shalt  }
0x83: {  	_ =	shalt  }
0x84: {  	_ =	shalt  }
0x85: {  	_ =	shalt  }
0x86: {  	_ =	shalt  }
0x87: {  	_ =	shalt  }
.Lfunc_end0:
.L_simem_size_0:
called_computation.2_lowered:
.L_overlay_start_0:
0x88: {  	s2 =	sld [smem:$0x3FD9]  }
0x89: {  	s3 =	sld [smem:$0x3FFE];
	_ =	sdelay $0x1  }
0x8a: {  	s1 =	srdreg.scid  }
0x8b: {  	s0 =	sand.u32 $0x1, s1  }
0x8c: {  	s16 =	sshll.u32 s0, $0xA;
	s2 =	sadd.s32 s3, s2  }
0x8d: {  	s2 =	sadd.s32 s2, s16  }
0x8e: {  	[smem:$0x3FB7] =	sst s2  }
0x8f: {  	_ = 	snop  }
0x90: {  	(tm) =	ssettm $0x1  }
0x91: {  	s17 =	sld [smem:$0x3FFB];
	_ =	sdelay $0x3  }
0x92: {  	_ =	strace s17  }
0x93: {  	s2 =	sld [smem:$0x3FFC];
	_ =	sdelay $0x3  }
0x94: {  	_ =	strace s2  }
0x95: {  	s2 =	sld [smem:$0x3FFD];
	_ =	sdelay $0x3  }
0x96: {  	_ =	strace s2  }
0x97: {  	_ =	strace $0x8FFFFFFF  }
0x98: {  	s18 =	sld [smem:$0x3FDB];
	_ =	sdelay $0x1  }
0x99: {  	s19 =	simm.s32 $_scs_section_size  }
0x9a: {  	s4 =	simm.s32 $_size__tile_overlayer_lowered;
	s5 =	simm.s32 $_tile_overlayer_lowered  }
0x9b: {  	s22 =	simm.s32 $0x1BFF;
	s21 =	sshll.u32 s5, $0x1;
	s2 =	sadd.s32 s19, s18  }
0x9c: {  	s6 =	simm.s32 $0x0;
	s20 =	sshll.u32 s4, $0x1;
	s4 =	sadd.s32 s21, s2  }
0x9d: {  	[timem:s6], [sflag:s22] =	dma.local [hbm:s4], s20  }
0x9e: {  	_ =	swait.ge [sflag:s22], s20  }
0x9f: {  	s3 =	ssub.s32 $0x0, s20;
	[sflag:s22] =	ssyncset.done $0x0  }
0xa0: {  	[sflag:s22] =	ssyncadd.s32 s3;
	_ =	sdelay $0x1  }
0xa1: {  	s23 =	simm.s32 $0x1B8B  }
0xa2: {  	_ =	swait.ge [sflag:s23], $0x1  }
0xa3: {  	[sflag:s23] =	ssyncset.done $0x0  }
0xa4: {  	s25 =	simm.s32 $0x1B8E;
	s24 =	sld [smem:$0x3FFE];
	[sflag:s23] =	ssyncadd.s32 $0xFFFFFFFF  }
0xa5: {  	s26 =	simm.s32 $execute0_lowered;
	[smem:$0x3FD2] =	sst s25  }
0xa6: {  	s4 =	sshll.u32 s26, $0x1;
	_ =	strace $0x8000004C;
	[dreg:$0x1] =	wrdreg $0xFFFFFFFF  }
0xa7: {  	s28 =	simm.s32 $_size_execute0_lowered;
	s2 =	sadd.s32 s2, s4;
	[dreg:$0x0] =	wrdreg $0x0  }
0xa8: {  	s4 =	sshll.u32 s28, $0x1;
	[dreg:$0x2] =	wrdreg s2  }
0xa9: {  	[dreg:$0x3] =	wrdreg s4  }
0xaa: {  	[dreg:$0x4] =	wrdreg $0xC0  }
0xab: {  	_ =	task [dreg:s6], $0x5FFFF  }
0xac: {  	[dreg:$0x1] =	wrdreg $0xFFFFFFFF  }
0xad: {  	[dreg:$0x0] =	wrdreg $0x60  }
0xae: {  	[dreg:$0x2] =	wrdreg s24  }
0xaf: {  	[dreg:$0x3] =	wrdreg $0x14F000  }
0xb0: {  	[dreg:$0x4] =	wrdreg $0x9  }
0xb1: {  	_ =	task.clear_ibuf [dreg:s6], $0x5FFFF;
	_ =	strace $0x9000004C  }
0xb2: {  	s29 =	simm.s32 $0x9;
	_ =	strace $0x8000004E  }
0xb3: {  	_ =	swait.ge [sflag:s29], $0x1  }
0xb4: {  	[sflag:s29] =	ssyncadd.s32 $0xFFFFFFFF  }
0xb5: {  	_ =	strace $0x9000004E  }
0xb6: {  	_ =	sfence  }
0xb7: {  	s30 =	sld [smem:$0x0];
	_ =	sdelay $0x2  }
0xb8: {  	s31 =	sshll.u32 s1, $0xD;
	s1 =	sshrl.u32 s1, $0x2  }
0xb9: {  	s3 =	sand.u32 $0x4000, s31;
	s1 =	sadd.s32 s1, s30  }
0xba: {  	s0 =	sor.u32 s3, s0;
	s1 =	sshll.u32 s1, $0x11  }
0xbb: {  	s0 =	sor.u32 s1, s0  }
0xbc: {  	s0 =	sadd.s32 $0x8F2B, s0  }
0xbd: {  	[sflag:s0] =	ssyncadd.remote.s32 $0x1  }
0xbe: {  	_ =	sfence.sel $0xFFFF  }
0xbf: {  	[dreg:$0x0] =	wrdreg $0xFFFFFFFF;
	(pc) =	sbr.abs _section_cstart, $3  }
0xc0: {  	[dreg:$0x1] =	wrdreg $0xFFFFFFFF  }
0xc1: {  	_ =	task.clear_ibuf [dreg:s6], $0x2FFFF;
	_ =	strace $0x9FFFFFFF  }
0xc2: {  	(tm) =	ssettm $0x7FFFFFFF  }
0xc3: {  	_ =	shalt  }
tec
execute0_lowered:
.L_overlay_start_1:
0x0: {  	(tag) =	ssettag $0x1  }
0x1: {  	s0 =	rddreg [dreg:$0x0]  }
0x2: {  	s2 =	rddreg [dreg:$0x1]  }
0x3: {  	s1 =	srdreg.scid;
	s10 =	stileid.u32;
	s4 =	simm.s32 $0x0  }
0x4: {  	s25 =	simm.s32 $0x2700;
	s28 =	simm.s32 $0x2;
	s30 =	simm.s32 $0x6F00  }
0x5: {  	s31 =	simm.s32 $0x7;
	s29 =	simm.s32 $0x4;
	s11 =	simm.s32 $0xB  }
0x6: {  	s12 =	simm.s32 $0xC;
	s13 =	simm.s32 $0x0;
	s1 =	sand.u32 $0x1, s1  }
0x7: {  	s3 =	sshll.u32 s10, $0x1;
	[smem:$0x7FF] =	sst s4;
	s4 =	sadd.s32 $0x18200, s0  }
0x8: {  	s6 =	sadd.s32 $0x4800, s0;
	s0 =	sadd.s32 $0x2BC00, s0;
	s17 =	smul.u32 $0x27100, s10  }
0x9: {  	s18 =	smul.u32 $0x9C00, s10;
	p0 =	sgt.u32 s10, $0x1;
	p1 =	sne.s32 s10, $0xF  }
0xa: {  	s3 =	sor.u32 s1, s3;
	s7 =	ssub.s32 $0x2, s1;
	s1 =	smul.u32 $0x9C400, s1  }
0xb: {  	s10 =	simm.s32 $0xA;
	_ =	strace $0x8000004D;
	s5 =	smul.u32 $0x2700, s3  }
0xc: {  	s8 =	sshrl.u32 s7, $0x1;
	s3 =	sshll.u32 s3, $0x4;
	s24 =	sadd.s32 s18, s2  }
0xd: {  	s7 =	ssub.s32 s7, s8;
	s3 =	sadd.s32 s3, s6;
	s22 =	sadd.s32 s18, s1  }
0xe: {  	s1 =	sshrl.u32 s1, $0x3;
	s5 =	sshrl.u32 s5, $0x3;
	s19 =	sadd.s32 $0x9C00, s3  }
0xf: {  	s3 =	sadd.s32 $0x13840, s3;
	s26 =	smax.u32 s7, $0x1;
	[dreg:$0x5] =	wrdreg s19  }
0x10: {  	s7 =	simm.s32 $0x5;
	s16 =	sadd.s32 s6, s5;
	[dreg:$0x6] =	wrdreg s3  }
0x11: {  	s5 =	sshrl.u32 s17, $0x2;
	s3 =	sshrl.u32 s22, $0x3;
	[dreg:$0xd] =	wrdreg s26  }
0x12: {  	s17 =	simm.s32 $0xE;
	s19 =	simm.s32 $0x10F00;
	s22 =	simm.s32 $0x4F00  }
0x13: {  	s26 =	simm.s32 $0xCF00;
	[dreg:$0x3] =	wrdreg s16;
	s8 =	sadd.s32 $0x9C40, s16  }
0x14: {  	s9 =	sadd.s32 s5, s2;
	s3 =	sadd.s32 s0, s3;
	[dreg:$0x4] =	wrdreg s8  }
0x15: {  	s0 =	sadd.s32 s0, s1;
	s1 =	sshrl.u32 s24, $0x3;
	[dreg:$0xb] =	wrdreg s3  }
0x16: {  	s6 =	simm.s32 $0x8;
	s20 =	sadd.s32 $0x2000, s9;
	[dreg:$0xe] =	wrdreg s1  }
0x17: {  	s21 =	sadd.s32 $0x4000, s9;
	s5 =	sadd.s32 $0x6000, s9;
	[dreg:$0x7] =	wrdreg s20  }
0x18: {  	s23 =	sadd.s32 $0x8000, s9;
	s0 =	sadd.s32 $0x13800, s0;
	[dreg:$0x8] =	wrdreg s21  }
.Ltmp0:
0x19: {  	s1 =	simm.s32 $0x8F00;
	[dreg:$0x9] =	wrdreg s5;
	(pc) =	sbr.rel .LBB2_1-.Ltmp0, $4  }
0x1a: {  	s3 =	simm.s32 $0xAF00;
	s8 =	simm.s32 $0x9;
	[dreg:$0xa] =	wrdreg s23  }
0x1b: {  	[dreg:$0xc] =	wrdreg s0;
	s0 =	sadd.s32 $0x9C000, s2;
	s20 =	simm.s32 $0x1  }
0x1c: {  	s21 =	simm.s32 $0x80;
	s23 =	simm.s32 $0x3;
	s0 =	sshrl.u32 @!p1 s0, $0x3  }
0x1d: {  	v0 =	vimm.f32 $0.0e+00;
	s5 =	simm.s32 $0x6;
	[dreg:$0xf] =	wrdreg s0;
	s0 =	simm.s32 $0xEF00  }
.LBB2_6:
0x1e: {  	_ =	swait.ge [sflag:s5], $0x2000  }
0x1f: {  	[sflag:s5] =	ssyncset.done $0x0  }
0x20: {  	[sflag:s5] =	ssyncadd.s32 $0xFFFFE000  }
0x21: {  	[spmem:s2] =	stream.indirect.scatter.add.f32 [tilespmem:s0], [sflag:$0xC], $0x40, s15, s21, $0xb8;
	[tilespmem:$0x1EB40] =	vst v63  }
0x22: {  	_ =	swait.ge [sflag:s31], $0x2000  }
0x23: {  	[sflag:s31] =	ssyncset.done $0x0  }
0x24: {  	[sflag:s31] =	ssyncadd.s32 $0xFFFFE000  }
0x25: {  	_ =	swait.ge [sflag:s6], $0x2000  }
0x26: {  	[sflag:s6] =	ssyncset.done $0x0  }
0x27: {  	[sflag:s6] =	ssyncadd.s32 $0xFFFFE000  }
0x28: {  	_ =	swait.ge [sflag:s8], $0x2000  }
0x29: {  	[sflag:s8] =	ssyncset.done $0x0  }
0x2a: {  	[sflag:s8] =	ssyncadd.s32 $0xFFFFE000  }
0x2b: {  	_ =	swait.ge [sflag:s10], $0x2000  }
0x2c: {  	[sflag:s10] =	ssyncset.done $0x0  }
0x2d: {  	[sflag:s10] =	ssyncadd.s32 $0xFFFFE000  }
0x2e: {  	_ =	swait.ge [sflag:s11], $0x2000  }
0x2f: {  	[sflag:s11] =	ssyncset.done $0x0  }
0x30: {  	[sflag:s11] =	ssyncadd.s32 $0xFFFFE000  }
0x31: {  	_ =	swait.ge [sflag:s12], $0x2000  }
0x32: {  	[sflag:s12] =	ssyncset.done $0x0  }
0x33: {  	s14 =	simm.s32 @!p0 $0xD;
	[sflag:s12] =	ssyncadd.s32 $0xFFFFE000  }
0x34: {  	_ =	swait.ge @!p0 [sflag:s14], $0x2000  }
0x35: {  	s16 =	simm.s32 @!p0 $0x12F00;
	[sflag:s14] =	ssyncset.done @!p0 $0x0  }
0x36: {  	s15 =	simm.s32 @!p0 $0x4E80;
	[sflag:s14] =	ssyncadd.s32 @!p0 $0xFFFFE000;
	s14 =	simm.s32 @!p0 $0x80  }
0x37: {  	[spmem:s2] =	stream.indirect.scatter.add.f32 @!p0 [tilespmem:s16], [sflag:$0xE], $0x40, s15, s14, $0xb8;
	[tilespmem:$0x1EB40] =	vst v63  }
0x38: {  	s14 =	simm.s32 @!p0 $0xE  }
0x39: {  	_ =	swait.ge @!p0 [sflag:s14], $0x2000  }
0x3a: {  	[sflag:s14] =	ssyncset.done @!p0 $0x0  }
0x3b: {  	[sflag:s14] =	ssyncadd.s32 @!p0 $0xFFFFE000  }
0x3c: {  	s16 =	stileid.u32;
	[bflag:$0x0] =	sbarrier.arrive $0xFFFF  }
0x3d: {  	s14 =	sshll.u32 s16, $0x6;
	s18 =	rddreg [dreg:$0xb]  }
0x3e: {  	s14 =	sor.u32 $0x1C0E, s14;
	s24 =	rddreg [dreg:$0xe]  }
0x3f: {  	[hbm:s18], [sflag:s14] =	dma.local [spmem:s24], $0x1380  }
0x40: {  	_ =	swait.ge [sflag:s17], $0x1380  }
0x41: {  	[sflag:s17] =	ssyncset.done $0x0;
	s15 =	rddreg [dreg:$0xc]  }
0x42: {  	s16 =	rddreg [dreg:$0xf];
	[sflag:s17] =	ssyncadd.s32 $0xFFFFEC80  }
0x43: {  	[hbm:s15], [sflag:s14] =	dma.local @!p1 [spmem:s16], $0x80  }
0x44: {  	s14 =	simm.s32 @!p1 $0xE  }
0x45: {  	_ =	swait.ge @!p1 [sflag:s14], $0x80  }
0x46: {  	s13 =	sadd.s32 $0x1, s13;
	s25 =	rddreg [dreg:$0xd]  }
0x47: {  	p2 =	sne.s32 s13, s25  }
.Ltmp1:
0x48: {  	_ = 	snop;
	(pc) =	sbr.rel @!p2 .LBB2_7-.Ltmp1, $3  }
0x49: {  	_ =	sdelay $0x1  }
0x4a: {  	[sflag:s14] =	ssyncset.done @!p1 $0x0  }
0x4b: {  	[sflag:s14] =	ssyncadd.s32 @!p1 $0xFFFFFF80;
	s25 =	simm.s32 $0x2700  }
.LBB2_1:
0x4c: {  	s14 =	simm.s32 $0x0;
	s15 =	rddreg [dreg:$0x3]  }
0x4d: {  	[tilespmem:s14], [sflag:$0xE] =	stream.linear.gather [hbm4b:s15+s14], $0x2700, $0x38;
	[tilespmem:$0x1EB40] =	vst v63  }
0x4e: {  	_ =	swait.ge [sflag:s17], $0x2700  }
0x4f: {  	[sflag:s17] =	ssyncset.done $0x0  }
0x50: {  	s24 =	rddreg [dreg:$0x4];
	[sflag:s17] =	ssyncadd.s32 $0xFFFFD900  }
0x51: {  	[tilespmem:s25], [sflag:$0xE] =	stream.linear.gather [hbm4b:s24+s14], $0x2700, $0x38;
	[tilespmem:$0x1EB40] =	vst v63  }
0x52: {  	_ =	swait.ge [sflag:s17], $0x2700  }
0x53: {  	s18 =	simm.s32 @p0 $0x4F00;
	[sflag:s17] =	ssyncset.done $0x0  }
0x54: {  	s15 =	simm.s32 @p0 $0x0;
	s14 =	simm.s32 @p0 $0x80;
	[sflag:s17] =	ssyncadd.s32 $0xFFFFD900  }
0x55: {  	[tilespmem:s18], [sflag:$0x1] =	stream.indirect.gather @p0 [hbm4b:s4+s14], $0x40, s15, s14, $0xb8;
	[tilespmem:$0x1EB40] =	vst v63  }
0x56: {  	s15 =	simm.s32 @p0 $0x6F00  }
0x57: {  	[tilespmem:s15], [sflag:$0x2] =	stream.indirect.gather @p0 [hbm4b:s4+s14], $0x40, s14, s14, $0xb8;
	[tilespmem:$0x1EB40] =	vst v63  }
0x58: {  	s18 =	simm.s32 @p0 $0x8F00;
	s15 =	simm.s32 @p0 $0x100  }
0x59: {  	[tilespmem:s18], [sflag:$0x3] =	stream.indirect.gather @p0 [hbm4b:s4+s14], $0x40, s15, s14, $0xb8;
	[tilespmem:$0x1EB40] =	vst v63  }
0x5a: {  	s16 =	rddreg [dreg:$0x5];
	s15 =	simm.s32 @p0 $0x180;
	s18 =	simm.s32 @p0 $0xAF00  }
0x5b: {  	[tilespmem:s18], [sflag:$0x4] =	stream.indirect.gather @p0 [hbm4b:s4+s14], $0x40, s15, s14, $0xb8;
	[tilespmem:$0x1EB40] =	vst v63  }
0x5c: {  	s14 =	simm.s32 @!p0 $0x0;
	s15 =	simm.s32 @!p0 $0x4E00;
	s18 =	simm.s32 @!p0 $0xE  }
0x5d: {  	[tilespmem:s15], [sflag:$0xE] =	stream.linear.gather @!p0 [hbm4b:s16+s14], $0x80, $0x38;
	[tilespmem:$0x1EB40] =	vst v63  }
0x5e: {  	_ =	swait.ge @!p0 [sflag:s18], $0x80  }
0x5f: {  	[sflag:s18] =	ssyncset.done @!p0 $0x0  }
0x60: {  	s16 =	simm.s32 @!p0 $0x4E80;
	s24 =	rddreg [dreg:$0x6];
	[sflag:s18] =	ssyncadd.s32 @!p0 $0xFFFFFF80  }
0x61: {  	[tilespmem:s16], [sflag:$0xE] =	stream.linear.gather @!p0 [hbm4b:s24+s14], $0x80, $0x38;
	[tilespmem:$0x1EB40] =	vst v63  }
0x62: {  	_ =	swait.ge @!p0 [sflag:s18], $0x80  }
0x63: {  	[sflag:s18] =	ssyncset.done @!p0 $0x0  }
0x64: {  	s16 =	simm.s32 @!p0 $0x80;
	[sflag:s18] =	ssyncadd.s32 @!p0 $0xFFFFFF80;
	s18 =	simm.s32 @!p0 $0x4F00  }
0x65: {  	[tilespmem:s18], [sflag:$0x1] =	stream.indirect.gather @!p0 [hbm4b:s4+s16], $0x40, s14, s16, $0xb8;
	[tilespmem:$0x1EB40] =	vst v63  }
0x66: {  	s14 =	simm.s32 @!p0 $0x6F00  }
0x67: {  	[tilespmem:s14], [sflag:$0x2] =	stream.indirect.gather @!p0 [hbm4b:s4+s16], $0x40, s16, s16, $0xb8;
	[tilespmem:$0x1EB40] =	vst v63  }
0x68: {  	s18 =	simm.s32 @!p0 $0x8F00;
	s14 =	simm.s32 @!p0 $0x100  }
0x69: {  	[tilespmem:s18], [sflag:$0x3] =	stream.indirect.gather @!p0 [hbm4b:s4+s16], $0x40, s14, s16, $0xb8;
	[tilespmem:$0x1EB40] =	vst v63  }
0x6a: {  	s14 =	simm.s32 @!p0 $0x180;
	s18 =	simm.s32 @!p0 $0xAF00  }
0x6b: {  	[tilespmem:s18], [sflag:$0x4] =	stream.indirect.gather @!p0 [hbm4b:s4+s16], $0x40, s14, s16, $0xb8;
	[tilespmem:$0x1EB40] =	vst v63  }
0x6c: {  	s14 =	simm.s32 @!p0 $0x12F00  }
0x6d: {  	[tilespmem:s14], [sflag:$0xD] =	stream.indirect.gather @!p0 [hbm4b:s4+s16], $0x40, s15, s16, $0xb8;
	[tilespmem:$0x1EB40] =	vst v63  }
0x6e: {  	s18 =	simm.s32 $0x100;
	s14 =	simm.s32 $0x0  }
.LBB2_2:
0x6f: {  	p2 =	sne.s32 s18, $0x7F00;
	[tilespmem:s14+$0x10F30] =	vst v0;
	s15 =	smov.u32 s18;
	s18 =	sadd.s32 $0x100, s18  }
.Ltmp2:
0x70: {  	[tilespmem:s14+$0x10F20] =	vst v0;
	(pc) =	sbr.rel @p2 .LBB2_2-.Ltmp2, $3  }
0x71: {  	[tilespmem:s14+$0x10F00] =	vst v0  }
0x72: {  	[tilespmem:s14+$0x10F10] =	vst v0;
	_ =	sdelay $0x1  }
0x73: {  	s14 =	sshra.s32 s15, $0x2  }
0x74: {  	[tilespmem:s14+$0x10F30] =	vst v0  }
0x75: {  	[tilespmem:s14+$0x10F20] =	vst v0  }
0x76: {  	[tilespmem:s14+$0x10F00] =	vst v0  }
0x77: {  	[tilespmem:s14+$0x10F10] =	vst v0  }
0x78: {  	[spmem:s9] =	stream.linear.scatter [tilespmem:s19], [sflag:$0xE], $0x2000, $0x38;
	[tilespmem:$0x1EB40] =	vst v63  }
0x79: {  	_ =	swait.ge [sflag:s17], $0x2000  }
0x7a: {  	[sflag:s17] =	ssyncset.done $0x0  }
0x7b: {  	s15 =	rddreg [dreg:$0x7];
	[sflag:s17] =	ssyncadd.s32 $0xFFFFE000  }
0x7c: {  	[spmem:s15] =	stream.linear.scatter [tilespmem:s19], [sflag:$0xE], $0x2000, $0x38;
	[tilespmem:$0x1EB40] =	vst v63  }
0x7d: {  	_ =	swait.ge [sflag:s17], $0x2000  }
0x7e: {  	[sflag:s17] =	ssyncset.done $0x0  }
0x7f: {  	s16 =	rddreg [dreg:$0x8];
	[sflag:s17] =	ssyncadd.s32 $0xFFFFE000  }
0x80: {  	[spmem:s16] =	stream.linear.scatter [tilespmem:s19], [sflag:$0xE], $0x2000, $0x38;
	[tilespmem:$0x1EB40] =	vst v63  }
0x81: {  	_ =	swait.ge [sflag:s17], $0x2000  }
0x82: {  	[sflag:s17] =	ssyncset.done $0x0  }
0x83: {  	s18 =	rddreg [dreg:$0x9];
	[sflag:s17] =	ssyncadd.s32 $0xFFFFE000  }
0x84: {  	[spmem:s18] =	stream.linear.scatter [tilespmem:s19], [sflag:$0xE], $0x2000, $0x38;
	[tilespmem:$0x1EB40] =	vst v63  }
0x85: {  	_ =	swait.ge [sflag:s17], $0x2000  }
0x86: {  	[sflag:s17] =	ssyncset.done $0x0  }
0x87: {  	s24 =	rddreg [dreg:$0xa];
	[sflag:s17] =	ssyncadd.s32 $0xFFFFE000  }
0x88: {  	[spmem:s24] =	stream.linear.scatter [tilespmem:s19], [sflag:$0xE], $0x1C40, $0x38;
	[tilespmem:$0x1EB40] =	vst v63  }
0x89: {  	_ =	swait.ge [sflag:s17], $0x1C40  }
0x8a: {  	[sflag:s17] =	ssyncset.done $0x0  }
0x8b: {  	[sflag:s17] =	ssyncadd.s32 $0xFFFFE3C0  }
0x8c: {  	[bflag:$0x0] =	sbarrier.arrive $0xFFFF  }
0x8d: {  	_ =	swait.ge [sflag:s20], $0x2000  }
0x8e: {  	[sflag:s20] =	ssyncset.done $0x0  }
0x8f: {  	[sflag:s20] =	ssyncadd.s32 $0xFFFFE000  }
0x90: {  	[spmem:s2] =	stream.indirect.scatter.add.f32 [tilespmem:s22], [sflag:$0x7], $0x40, s25, s21, $0xb8;
	[tilespmem:$0x1EB40] =	vst v63  }
0x91: {  	s25 =	simm.s32 $0x200  }
0x92: {  	[tilespmem:s26], [sflag:$0x5] =	stream.indirect.gather [hbm4b:s4+s21], $0x40, s25, s21, $0xb8;
	[tilespmem:$0x1EB40] =	vst v63  }
0x93: {  	_ =	swait.ge [sflag:s28], $0x2000  }
0x94: {  	[sflag:s28] =	ssyncset.done $0x0  }
0x95: {  	s15 =	simm.s32 $0x2780;
	[sflag:s28] =	ssyncadd.s32 $0xFFFFE000  }
0x96: {  	[spmem:s2] =	stream.indirect.scatter.add.f32 [tilespmem:s30], [sflag:$0x8], $0x40, s15, s21, $0xb8;
	[tilespmem:$0x1EB40] =	vst v63  }
0x97: {  	s16 =	simm.s32 $0x280  }
0x98: {  	[tilespmem:s0], [sflag:$0x6] =	stream.indirect.gather [hbm4b:s4+s21], $0x40, s16, s21, $0xb8;
	[tilespmem:$0x1EB40] =	vst v63  }
0x99: {  	_ =	swait.ge [sflag:s23], $0x2000  }
0x9a: {  	[sflag:s23] =	ssyncset.done $0x0  }
0x9b: {  	s18 =	simm.s32 $0x2800;
	[sflag:s23] =	ssyncadd.s32 $0xFFFFE000  }
0x9c: {  	[spmem:s2] =	stream.indirect.scatter.add.f32 [tilespmem:s1], [sflag:$0x9], $0x40, s18, s21, $0xb8;
	[tilespmem:$0x1EB40] =	vst v63  }
0x9d: {  	_ =	swait.ge [sflag:s31], $0x2000  }
0x9e: {  	[sflag:s31] =	ssyncset.done $0x0  }
0x9f: {  	s24 =	simm.s32 $0x300;
	[sflag:s31] =	ssyncadd.s32 $0xFFFFE000  }
0xa0: {  	[tilespmem:s22], [sflag:$0x1] =	stream.indirect.gather [hbm4b:s4+s21], $0x40, s24, s21, $0xb8;
	[tilespmem:$0x1EB40] =	vst v63  }
0xa1: {  	_ =	swait.ge [sflag:s29], $0x2000  }
0xa2: {  	[sflag:s29] =	ssyncset.done $0x0  }
0xa3: {  	s25 =	simm.s32 $0x2880;
	[sflag:s29] =	ssyncadd.s32 $0xFFFFE000  }
0xa4: {  	[spmem:s2] =	stream.indirect.scatter.add.f32 [tilespmem:s3], [sflag:$0xA], $0x40, s25, s21, $0xb8;
	[tilespmem:$0x1EB40] =	vst v63  }
0xa5: {  	_ =	swait.ge [sflag:s6], $0x2000  }
0xa6: {  	[sflag:s6] =	ssyncset.done $0x0  }
0xa7: {  	s15 =	simm.s32 $0x380;
	[sflag:s6] =	ssyncadd.s32 $0xFFFFE000  }
0xa8: {  	[tilespmem:s30], [sflag:$0x2] =	stream.indirect.gather [hbm4b:s4+s21], $0x40, s15, s21, $0xb8;
	[tilespmem:$0x1EB40] =	vst v63  }
0xa9: {  	_ =	swait.ge [sflag:s7], $0x2000  }
0xaa: {  	[sflag:s7] =	ssyncset.done $0x0  }
0xab: {  	s16 =	simm.s32 $0x2900;
	[sflag:s7] =	ssyncadd.s32 $0xFFFFE000  }
0xac: {  	[spmem:s2] =	stream.indirect.scatter.add.f32 [tilespmem:s26], [sflag:$0xB], $0x40, s16, s21, $0xb8;
	[tilespmem:$0x1EB40] =	vst v63  }
0xad: {  	_ =	swait.ge [sflag:s8], $0x2000  }
0xae: {  	[sflag:s8] =	ssyncset.done $0x0  }
0xaf: {  	s18 =	simm.s32 $0x400;
	[sflag:s8] =	ssyncadd.s32 $0xFFFFE000  }
0xb0: {  	[tilespmem:s1], [sflag:$0x3] =	stream.indirect.gather [hbm4b:s4+s21], $0x40, s18, s21, $0xb8;
	[tilespmem:$0x1EB40] =	vst v63  }
0xb1: {  	_ =	swait.ge [sflag:s5], $0x2000  }
0xb2: {  	[sflag:s5] =	ssyncset.done $0x0  }
0xb3: {  	s24 =	simm.s32 $0x2980;
	[sflag:s5] =	ssyncadd.s32 $0xFFFFE000  }
0xb4: {  	[spmem:s2] =	stream.indirect.scatter.add.f32 [tilespmem:s0], [sflag:$0xC], $0x40, s24, s21, $0xb8;
	[tilespmem:$0x1EB40] =	vst v63  }
0xb5: {  	_ =	swait.ge [sflag:s10], $0x2000  }
0xb6: {  	[sflag:s10] =	ssyncset.done $0x0  }
0xb7: {  	s14 =	simm.s32 $0x0;
	s25 =	simm.s32 $0x480;
	[sflag:s10] =	ssyncadd.s32 $0xFFFFE000  }
0xb8: {  	[tilespmem:s3], [sflag:$0x4] =	stream.indirect.gather [hbm4b:s4+s21], $0x40, s25, s21, $0xb8;
	[tilespmem:$0x1EB40] =	vst v63  }
.LBB2_4:
0xb9: {  	_ =	swait.ge [sflag:s20], $0x2000  }
0xba: {  	s18 =	sshra.s32 s14, $0x2;
	[sflag:s20] =	ssyncset.done $0x0  }
0xbb: {  	s15 =	sadd.s32 $0x2A00, s18;
	[sflag:s20] =	ssyncadd.s32 $0xFFFFE000  }
0xbc: {  	[spmem:s2] =	stream.indirect.scatter.add.f32 [tilespmem:s22], [sflag:$0x7], $0x40, s15, s21, $0xb8;
	[tilespmem:$0x1EB40] =	vst v63  }
0xbd: {  	_ =	swait.ge [sflag:s11], $0x2000  }
0xbe: {  	[sflag:s11] =	ssyncset.done $0x0  }
0xbf: {  	s24 =	sadd.s32 $0x500, s18;
	[sflag:s11] =	ssyncadd.s32 $0xFFFFE000  }
0xc0: {  	[tilespmem:s26], [sflag:$0x5] =	stream.indirect.gather [hbm4b:s4+s21], $0x40, s24, s21, $0xb8;
	[tilespmem:$0x1EB40] =	vst v63  }
0xc1: {  	_ =	swait.ge [sflag:s28], $0x2000  }
0xc2: {  	[sflag:s28] =	ssyncset.done $0x0  }
0xc3: {  	s25 =	sadd.s32 $0x2A80, s18;
	[sflag:s28] =	ssyncadd.s32 $0xFFFFE000  }
0xc4: {  	[spmem:s2] =	stream.indirect.scatter.add.f32 [tilespmem:s30], [sflag:$0x8], $0x40, s25, s21, $0xb8;
	[tilespmem:$0x1EB40] =	vst v63  }
0xc5: {  	_ =	swait.ge [sflag:s12], $0x2000  }
0xc6: {  	[sflag:s12] =	ssyncset.done $0x0  }
0xc7: {  	s16 =	sadd.s32 $0x580, s18;
	[sflag:s12] =	ssyncadd.s32 $0xFFFFE000  }
0xc8: {  	[tilespmem:s0], [sflag:$0x6] =	stream.indirect.gather [hbm4b:s4+s21], $0x40, s16, s21, $0xb8;
	[tilespmem:$0x1EB40] =	vst v63  }
0xc9: {  	_ =	swait.ge [sflag:s23], $0x2000  }
0xca: {  	p2 =	seq.s32 s14, $0x8400;
	[sflag:s23] =	ssyncset.done $0x0  }
0xcb: {  	s15 =	simm.s32 @p2 $0x4;
	s24 =	sadd.s32 $0x2B00, s18;
	[sflag:s23] =	ssyncadd.s32 $0xFFFFE000  }
0xcc: {  	[spmem:s2] =	stream.indirect.scatter.add.f32 [tilespmem:s1], [sflag:$0x9], $0x40, s24, s21, $0xb8;
	[tilespmem:$0x1EB40] =	vst v63  }
0xcd: {  	_ =	swait.ge @p2 [sflag:s15], $0x2000  }
0xce: {  	[sflag:s15] =	ssyncset.done @p2 $0x0  }
0xcf: {  	[sflag:s15] =	ssyncadd.s32 @p2 $0xFFFFE000;
	s15 =	sshra.s32 @p2 s14, $0x2  }
0xd0: {  	s16 =	simm.s32 @p2 $0x80;
	s24 =	simm.s32 @p2 $0xAF00;
	s15 =	sadd.s32 @p2 $0x2B80, s15  }
0xd1: {  	[spmem:s2] =	stream.indirect.scatter.add.f32 @p2 [tilespmem:s24], [sflag:$0xA], $0x40, s15, s16, $0xb8;
	[tilespmem:$0x1EB40] =	vst v63  }
0xd2: {  	s15 =	simm.s32 @!p2 $0x7  }
0xd3: {  	_ =	swait.ge @!p2 [sflag:s15], $0x2000  }
0xd4: {  	[sflag:s15] =	ssyncset.done @!p2 $0x0  }
0xd5: {  	[sflag:s15] =	ssyncadd.s32 @!p2 $0xFFFFE000;
	s15 =	sshra.s32 @!p2 s14, $0x2  }
0xd6: {  	s25 =	simm.s32 @!p2 $0x4F00;
	s24 =	simm.s32 @!p2 $0x80;
	s16 =	sadd.s32 @!p2 $0x600, s15  }
0xd7: {  	[tilespmem:s25], [sflag:$0x1] =	stream.indirect.gather @!p2 [hbm4b:s4+s24], $0x40, s16, s24, $0xb8;
	[tilespmem:$0x1EB40] =	vst v63  }
0xd8: {  	s16 =	simm.s32 @!p2 $0x4  }
0xd9: {  	_ =	swait.ge @!p2 [sflag:s16], $0x2000  }
0xda: {  	[sflag:s16] =	ssyncset.done @!p2 $0x0  }
0xdb: {  	s25 =	simm.s32 @!p2 $0xAF00;
	[sflag:s16] =	ssyncadd.s32 @!p2 $0xFFFFE000;
	s16 =	sadd.s32 @!p2 $0x2B80, s15  }
0xdc: {  	[spmem:s2] =	stream.indirect.scatter.add.f32 @!p2 [tilespmem:s25], [sflag:$0xA], $0x40, s16, s24, $0xb8;
	[tilespmem:$0x1EB40] =	vst v63  }
0xdd: {  	s16 =	simm.s32 @!p2 $0x8  }
0xde: {  	_ =	swait.ge @!p2 [sflag:s16], $0x2000  }
0xdf: {  	[sflag:s16] =	ssyncset.done @!p2 $0x0  }
0xe0: {  	s15 =	sadd.s32 @!p2 $0x680, s15;
	[sflag:s16] =	ssyncadd.s32 @!p2 $0xFFFFE000;
	s16 =	simm.s32 @!p2 $0x6F00  }
0xe1: {  	[tilespmem:s16], [sflag:$0x2] =	stream.indirect.gather @!p2 [hbm4b:s4+s24], $0x40, s15, s24, $0xb8;
	[tilespmem:$0x1EB40] =	vst v63  }
.Ltmp3:
0xe2: {  	_ = 	snop;
	(pc) =	sbr.rel @p2 .LBB2_6-.Ltmp3, $4  }
0xe3: {  	_ =	swait.ge [sflag:s7], $0x2000  }
0xe4: {  	[sflag:s7] =	ssyncset.done $0x0  }
0xe5: {  	s25 =	sadd.s32 $0x2C00, s18;
	s15 =	sadd.s32 $0x2C80, s18;
	[sflag:s7] =	ssyncadd.s32 $0xFFFFE000  }
0xe6: {  	[spmem:s2] =	stream.indirect.scatter.add.f32 [tilespmem:s26], [sflag:$0xB], $0x40, s25, s21, $0xb8;
	[tilespmem:$0x1EB40] =	vst v63  }
0xe7: {  	_ =	swait.ge [sflag:s8], $0x2000  }
0xe8: {  	[sflag:s8] =	ssyncset.done $0x0  }
0xe9: {  	s16 =	sadd.s32 $0x700, s18;
	[sflag:s8] =	ssyncadd.s32 $0xFFFFE000  }
0xea: {  	[tilespmem:s1], [sflag:$0x3] =	stream.indirect.gather [hbm4b:s4+s21], $0x40, s16, s21, $0xb8;
	[tilespmem:$0x1EB40] =	vst v63  }
0xeb: {  	_ =	swait.ge [sflag:s5], $0x2000  }
0xec: {  	[sflag:s5] =	ssyncset.done $0x0  }
0xed: {  	[sflag:s5] =	ssyncadd.s32 $0xFFFFE000  }
0xee: {  	[spmem:s2] =	stream.indirect.scatter.add.f32 [tilespmem:s0], [sflag:$0xC], $0x40, s15, s21, $0xb8;
	[tilespmem:$0x1EB40] =	vst v63  }
.Ltmp4:
0xef: {  	_ = 	snop;
	(pc) =	sbr.rel .LBB2_4-.Ltmp4, $4  }
0xf0: {  	_ =	swait.ge [sflag:s10], $0x2000  }
0xf1: {  	[sflag:s10] =	ssyncset.done $0x0  }
0xf2: {  	s25 =	sadd.s32 $0x780, s18;
	s14 =	sadd.s32 $0xC00, s14;
	[sflag:s10] =	ssyncadd.s32 $0xFFFFE000  }
0xf3: {  	[tilespmem:s3], [sflag:$0x4] =	stream.indirect.gather [hbm4b:s4+s21], $0x40, s25, s21, $0xb8;
	[tilespmem:$0x1EB40] =	vst v63  }
.LBB2_7:
0xf4: {  	_ =	sfence.sel $0x180000  }
0xf5: {  	[bflag:$0x0] =	sbarrier.arrive $0xFFFF  }
0xf6: {  	_ =	strace $0x9000004D  }
0xf7: {  	s0 =	stileid.u32;
	[bflag:$0x2] =	sbarrier.arrive $0xFFFF  }
0xf8: {  	p0 =	sne.s32 s0, $0x0;
	s0 =	rddreg [dreg:$0x2]  }
0xf9: {  	s0 =	sadd.s32 @!p0 $0x100000, s0  }
0xfa: {  	[sflag:s0] =	ssyncadd.tile.s32 @!p0 $0x1;
	_ =	shalt  }
.Lfunc_end2:
_tile_overlayer_lowered:
.L_overlay_start_2:
0xfb: {  	(tag) =	ssettag $0x2  }
0xfc: {  	s0 =	rddreg [dreg:$0x0];
	s2 =	stileid.u32  }
0xfd: {  	s1 =	rddreg [dreg:$0x1];
	p0 =	sne.s32 s2, $0x0  }
0xfe: {  	s3 =	rddreg [dreg:$0x2];
	[bflag:$0x3] =	sbarrier.arrive $0xFFFF;
	s2 =	simm.s32 @!p0 $0x1C0E  }
0xff: {  	[timem:s3], [sflag:s2] =	dma.local @!p0 [hbm:s0], s1  }
0x100: {  	s0 =	simm.s32 @!p0 $0xE  }
0x101: {  	_ =	swait.ge @!p0 [sflag:s0], s1  }
0x102: {  	s1 =	ssub.s32 @!p0 $0x0, s1;
	[sflag:s0] =	ssyncset.done @!p0 $0x0  }
0x103: {  	[sflag:s0] =	ssyncadd.s32 @!p0 s1  }
0x104: {  	[bflag:$0x3] =	sbarrier.arrive $0xFFFF  }
0x105: {  	_ =	shalt  }

// kernel: kernel.9.cloned.1.call-start
scs
__scs_entry_jumppad:
0x0: {  	(pc) =	sbr.rel $0x88, $3  }
0x1: {  	(tag) =	ssettag $0x0;
	lr =	simm.s32 $0x1  }
0x2: {  	[smem:$0x3F90] =	sst lr;
	_ =	strace $0xD0000000  }
0x3: {  	_ = 	snop  }
0x4: {  	_ = 	snop  }
0x5: {  	_ = 	snop  }
0x6: {  	_ = 	snop  }
0x7: {  	_ = 	snop  }
__scs_overlays_trampoline_lowered:
0x8: {  	[smem:$0x3F9F] =	sst s0  }
0x9: {  	[smem:$0x3FA0] =	sst s1  }
0xa: {  	[smem:$0x3FA1] =	sst s2  }
0xb: {  	[smem:$0x3FA2] =	sst s3  }
0xc: {  	[smem:$0x3FA3] =	sst s4  }
0xd: {  	[smem:$0x3FA4] =	sst s5  }
0xe: {  	[smem:$0x3FA5] =	sst s6  }
0xf: {  	[smem:$0x3FA6] =	sst s7  }
0x10: {  	[smem:$0x3FA7] =	sst s8  }
0x11: {  	[smem:$0x3FA8] =	sst s9;
	s0 =	simm.s32 @!p0 $0x0  }
0x12: {  	s1 =	sld [smem:$0x3F8E];
	s0 =	simm.s32 @p0 $0x1  }
0x13: {  	[smem:$0x3FA9] =	sst s0;
	s0 =	simm.s32 @!p1 $0x0  }
0x14: {  	s2 =	sld [smem:$0x3F8D];
	s0 =	simm.s32 @p1 $0x1  }
0x15: {  	[smem:$0x3FAA] =	sst s0;
	s0 =	simm.s32 @!p2 $0x0  }
0x16: {  	s3 =	sld [smem:$0x3FDB];
	s0 =	simm.s32 @p2 $0x1  }
0x17: {  	s4 =	simm.s32 $0x1BF5;
	[smem:$0x3FAC] =	sst s0  }
0x18: {  	s0 =	sld [smem:$0x3F8F];
	_ =	swait.ge [sflag:s4], $0x0  }
0x19: {  	s7 =	sld [smem:$0x3F90]  }
0x1a: {  	s8 =	sadd.s32 $0xFFFFE003, lr  }
0x1b: {  	s9 =	sadd.s32 $0xFFFFFEF7, lr;
	s5 =	simm.s32 $0xFFFFFFFF;
	p2 =	slt.u32 s8, $0xFFFFF086  }
0x1c: {  	p1 =	slt.u32 s9, $0xF7A;
	s5 =	simm.s32 @!p2 $0x0  }
0x1d: {  	s5 =	simm.s32 @p1 $0x1;
	p0 =	seq.s32 s7, s2  }
0x1e: {  	s7 =	smul.u32 @!p0 $0xF7A, s2;
	p2 =	seq.s32 @!p0 s5, $0x0  }
0x1f: {  	s9 =	smul.u32 $0xF7A, s1;
	s8 =	simm.s32 @!p0 $0x1BF5;
	p2 =	por !p2, p0  }
0x20: {  	[sflag:s8] =	ssyncset.s32 @!p0 $0xFFFFF086;
	s6 =	sadd.s32 @!p0 s3, s7;
	s7 =	simm.s32 @!p0 $0x108  }
0x21: {  	s3 =	sadd.s32 s3, s9;
	s6 =	sadd.s32 @!p0 $0x88, s6;
	s7 =	simm.s32 @p2 $0x1082  }
0x22: {  	[simem:s7], [sflag:s8] =	dma.local @!p0 [hbm:s6], $0xF7A  }
0x23: {  	s9 =	sor.u32 $0xD0000000, s2;
	s6 =	simm.s32 $0x108;
	_ =	swait.ge @!p0 [sflag:s8], $0x0  }
0x24: {  	s3 =	sadd.s32 $0x88, s3;
	s6 =	simm.s32 @!p1 $0x1082;
	[sflag:s4] =	ssyncset.s32 $0xFFFFF086  }
0x25: {  	[simem:s6], [sflag:s4] =	dma.local [hbm:s3], $0xF7A  }
0x26: {  	[smem:$0x3F90] =	sst s1;
	(tag) =	ssettag s2;
	_ =	strace s9  }
0x27: {  	s1 =	sld [smem:$0x3FA0]  }
0x28: {  	s2 =	sld [smem:$0x3FA1]  }
0x29: {  	s4 =	sld [smem:$0x3FA3]  }
0x2a: {  	p0 =	seq.s32 s5, $0x0;
	s5 =	sld [smem:$0x3FA4]  }
0x2b: {  	s6 =	sld [smem:$0x3FA5]  }
0x2c: {  	s7 =	sld [smem:$0x3FA6]  }
0x2d: {  	s3 =	simm.s32 $0x108;
	s8 =	sld [smem:$0x3FA7]  }
0x2e: {  	s3 =	simm.s32 @!p0 $0x1082;
	s9 =	sld [smem:$0x3FA8]  }
0x2f: {  	lr =	sadd.s32 s0, s3;
	s0 =	sld [smem:$0x3F9F]  }
0x30: {  	s3 =	sld [smem:$0x3FA2]  }
0x31: {  	[smem:$0x3FAB] =	sst s10  }
0x32: {  	s10 =	sld [smem:$0x3FA9];
	_ =	sdelay $0x3  }
0x33: {  	p0 =	seq.s32 s10, $0x1;
	s10 =	sld [smem:$0x3FAB];
	_ =	sdelay $0x3  }
0x34: {  	[smem:$0x3FAB] =	sst s10  }
0x35: {  	s10 =	sld [smem:$0x3FAA];
	_ =	sdelay $0x3  }
0x36: {  	p1 =	seq.s32 s10, $0x1;
	s10 =	sld [smem:$0x3FAB];
	_ =	sdelay $0x3  }
0x37: {  	[smem:$0x3FAB] =	sst s10  }
0x38: {  	s10 =	sld [smem:$0x3FAC]  }
0x39: {  	_ = 	snop;
	(pc) =	sbr.ind lr, $3  }
0x3a: {  	_ = 	snop  }
0x3b: {  	_ = 	snop  }
0x3c: {  	p2 =	seq.s32 s10, $0x1;
	s10 =	sld [smem:$0x3FAB]  }
0x3d: {  	_ =	shalt  }
0x3e: {  	_ =	shalt  }
0x3f: {  	_ =	shalt  }
0x40: {  	_ =	shalt  }
0x41: {  	_ =	shalt  }
0x42: {  	_ =	shalt  }
0x43: {  	_ =	shalt  }
0x44: {  	_ =	shalt  }
0x45: {  	_ =	shalt  }
0x46: {  	_ =	shalt  }
0x47: {  	_ =	shalt  }
0x48: {  	_ =	shalt  }
0x49: {  	_ =	shalt  }
0x4a: {  	_ =	shalt  }
0x4b: {  	_ =	shalt  }
0x4c: {  	_ =	shalt  }
0x4d: {  	_ =	shalt  }
0x4e: {  	_ =	shalt  }
0x4f: {  	_ =	shalt  }
0x50: {  	_ =	shalt  }
0x51: {  	_ =	shalt  }
0x52: {  	_ =	shalt  }
0x53: {  	_ =	shalt  }
0x54: {  	_ =	shalt  }
0x55: {  	_ =	shalt  }
0x56: {  	_ =	shalt  }
0x57: {  	_ =	shalt  }
0x58: {  	_ =	shalt  }
0x59: {  	_ =	shalt  }
0x5a: {  	_ =	shalt  }
0x5b: {  	_ =	shalt  }
0x5c: {  	_ =	shalt  }
0x5d: {  	_ =	shalt  }
0x5e: {  	_ =	shalt  }
0x5f: {  	_ =	shalt  }
0x60: {  	_ =	shalt  }
0x61: {  	_ =	shalt  }
0x62: {  	_ =	shalt  }
0x63: {  	_ =	shalt  }
0x64: {  	_ =	shalt  }
0x65: {  	_ =	shalt  }
0x66: {  	_ =	shalt  }
0x67: {  	_ =	shalt  }
0x68: {  	_ =	shalt  }
0x69: {  	_ =	shalt  }
0x6a: {  	_ =	shalt  }
0x6b: {  	_ =	shalt  }
0x6c: {  	_ =	shalt  }
0x6d: {  	_ =	shalt  }
0x6e: {  	_ =	shalt  }
0x6f: {  	_ =	shalt  }
0x70: {  	_ =	shalt  }
0x71: {  	_ =	shalt  }
0x72: {  	_ =	shalt  }
0x73: {  	_ =	shalt  }
0x74: {  	_ =	shalt  }
0x75: {  	_ =	shalt  }
0x76: {  	_ =	shalt  }
0x77: {  	_ =	shalt  }
0x78: {  	_ =	shalt  }
0x79: {  	_ =	shalt  }
0x7a: {  	_ =	shalt  }
0x7b: {  	_ =	shalt  }
0x7c: {  	_ =	shalt  }
0x7d: {  	_ =	shalt  }
0x7e: {  	_ =	shalt  }
0x7f: {  	_ =	shalt  }
0x80: {  	_ =	shalt  }
0x81: {  	_ =	shalt  }
0x82: {  	_ =	shalt  }
0x83: {  	_ =	shalt  }
0x84: {  	_ =	shalt  }
0x85: {  	_ =	shalt  }
0x86: {  	_ =	shalt  }
0x87: {  	_ =	shalt  }
.Lfunc_end0:
.L_simem_size_0:
called_computation_lowered:
.L_overlay_start_0:
0x88: {  	s2 =	sld [smem:$0x3FD9]  }
0x89: {  	s3 =	sld [smem:$0x3FFE];
	_ =	sdelay $0x1  }
0x8a: {  	s1 =	srdreg.scid  }
0x8b: {  	s0 =	sand.u32 $0x1, s1  }
0x8c: {  	s16 =	sshll.u32 s0, $0xA;
	s2 =	sadd.s32 s3, s2  }
0x8d: {  	s2 =	sadd.s32 s2, s16  }
0x8e: {  	[smem:$0x3FB7] =	sst s2  }
0x8f: {  	_ = 	snop  }
0x90: {  	(tm) =	ssettm $0x1  }
0x91: {  	s17 =	sld [smem:$0x3FFB];
	_ =	sdelay $0x3  }
0x92: {  	_ =	strace s17  }
0x93: {  	s2 =	sld [smem:$0x3FFC];
	_ =	sdelay $0x3  }
0x94: {  	_ =	strace s2  }
0x95: {  	s2 =	sld [smem:$0x3FFD];
	_ =	sdelay $0x3  }
0x96: {  	_ =	strace s2  }
0x97: {  	_ =	strace $0x8FFFFFFF  }
0x98: {  	s18 =	sld [smem:$0x3FDB];
	_ =	sdelay $0x1  }
0x99: {  	s19 =	simm.s32 $_scs_section_size  }
0x9a: {  	s4 =	simm.s32 $_size__tile_overlayer_lowered;
	s5 =	simm.s32 $_tile_overlayer_lowered  }
0x9b: {  	s22 =	simm.s32 $0x1BFF;
	s21 =	sshll.u32 s5, $0x1;
	s2 =	sadd.s32 s19, s18  }
0x9c: {  	s6 =	simm.s32 $0x0;
	s20 =	sshll.u32 s4, $0x1;
	s4 =	sadd.s32 s21, s2  }
0x9d: {  	[timem:s6], [sflag:s22] =	dma.local [hbm:s4], s20  }
0x9e: {  	_ =	swait.ge [sflag:s22], s20  }
0x9f: {  	s3 =	ssub.s32 $0x0, s20;
	[sflag:s22] =	ssyncset.done $0x0  }
0xa0: {  	[sflag:s22] =	ssyncadd.s32 s3;
	_ =	sdelay $0x1  }
0xa1: {  	s23 =	simm.s32 $0x1B8B  }
0xa2: {  	_ =	swait.ge [sflag:s23], $0x1  }
0xa3: {  	[sflag:s23] =	ssyncset.done $0x0  }
0xa4: {  	s25 =	simm.s32 $0x1B8E;
	s24 =	sld [smem:$0x3FFE];
	[sflag:s23] =	ssyncadd.s32 $0xFFFFFFFF  }
0xa5: {  	s26 =	simm.s32 $execute0_lowered;
	[smem:$0x3FD2] =	sst s25  }
0xa6: {  	s4 =	sshll.u32 s26, $0x1;
	_ =	strace $0x80000046;
	[dreg:$0x1] =	wrdreg $0xFFFFFFFF  }
0xa7: {  	s28 =	simm.s32 $_size_execute0_lowered;
	s2 =	sadd.s32 s2, s4;
	[dreg:$0x0] =	wrdreg $0x0  }
0xa8: {  	s4 =	sshll.u32 s28, $0x1;
	[dreg:$0x2] =	wrdreg s2  }
0xa9: {  	[dreg:$0x3] =	wrdreg s4  }
0xaa: {  	[dreg:$0x4] =	wrdreg $0xC0  }
0xab: {  	_ =	task [dreg:s6], $0x5FFFF  }
0xac: {  	[dreg:$0x1] =	wrdreg $0xFFFFFFFF  }
0xad: {  	[dreg:$0x0] =	wrdreg $0x60  }
0xae: {  	[dreg:$0x2] =	wrdreg s24  }
0xaf: {  	[dreg:$0x3] =	wrdreg $0x14F000  }
0xb0: {  	[dreg:$0x4] =	wrdreg $0x9  }
0xb1: {  	_ =	task.clear_ibuf [dreg:s6], $0x5FFFF;
	_ =	strace $0x90000046  }
0xb2: {  	s29 =	simm.s32 $0x9;
	_ =	strace $0x80000048  }
0xb3: {  	_ =	swait.ge [sflag:s29], $0x1  }
0xb4: {  	[sflag:s29] =	ssyncadd.s32 $0xFFFFFFFF  }
0xb5: {  	_ =	strace $0x90000048  }
0xb6: {  	_ =	sfence  }
0xb7: {  	s30 =	sld [smem:$0x0];
	_ =	sdelay $0x2  }
0xb8: {  	s31 =	sshll.u32 s1, $0xD;
	s1 =	sshrl.u32 s1, $0x2  }
0xb9: {  	s3 =	sand.u32 $0x4000, s31;
	s1 =	sadd.s32 s1, s30  }
0xba: {  	s0 =	sor.u32 s3, s0;
	s1 =	sshll.u32 s1, $0x11  }
0xbb: {  	s0 =	sor.u32 s1, s0  }
0xbc: {  	s0 =	sadd.s32 $0x8F2B, s0  }
0xbd: {  	[sflag:s0] =	ssyncadd.remote.s32 $0x1  }
0xbe: {  	_ =	sfence.sel $0xFFFF  }
0xbf: {  	[dreg:$0x0] =	wrdreg $0xFFFFFFFF;
	(pc) =	sbr.abs _section_cstart, $3  }
0xc0: {  	[dreg:$0x1] =	wrdreg $0xFFFFFFFF  }
0xc1: {  	_ =	task.clear_ibuf [dreg:s6], $0x2FFFF;
	_ =	strace $0x9FFFFFFF  }
0xc2: {  	(tm) =	ssettm $0x7FFFFFFF  }
0xc3: {  	_ =	shalt  }
tec
execute0_lowered:
.L_overlay_start_1:
0x0: {  	(tag) =	ssettag $0x1  }
0x1: {  	s0 =	rddreg [dreg:$0x0]  }
0x2: {  	s2 =	rddreg [dreg:$0x1]  }
0x3: {  	s1 =	srdreg.scid;
	s10 =	stileid.u32;
	s4 =	simm.s32 $0x0  }
0x4: {  	s25 =	simm.s32 $0x2700;
	s28 =	simm.s32 $0x2;
	s30 =	simm.s32 $0x6F00  }
0x5: {  	s31 =	simm.s32 $0x7;
	s29 =	simm.s32 $0x4;
	s11 =	simm.s32 $0xB  }
0x6: {  	s12 =	simm.s32 $0xC;
	s13 =	simm.s32 $0x0;
	s1 =	sand.u32 $0x1, s1  }
0x7: {  	s3 =	sshll.u32 s10, $0x1;
	[smem:$0x7FF] =	sst s4;
	s4 =	sadd.s32 $0x18200, s0  }
0x8: {  	s6 =	sadd.s32 $0x4800, s0;
	s0 =	sadd.s32 $0x2BC00, s0;
	s17 =	smul.u32 $0x27100, s10  }
0x9: {  	s18 =	smul.u32 $0x9C00, s10;
	p0 =	sgt.u32 s10, $0x1;
	p1 =	sne.s32 s10, $0xF  }
0xa: {  	s3 =	sor.u32 s1, s3;
	s7 =	ssub.s32 $0x2, s1;
	s1 =	smul.u32 $0x9C400, s1  }
0xb: {  	s10 =	simm.s32 $0xA;
	_ =	strace $0x80000047;
	s5 =	smul.u32 $0x2700, s3  }
0xc: {  	s8 =	sshrl.u32 s7, $0x1;
	s3 =	sshll.u32 s3, $0x4;
	s24 =	sadd.s32 s18, s2  }
0xd: {  	s7 =	ssub.s32 s7, s8;
	s3 =	sadd.s32 s3, s6;
	s22 =	sadd.s32 s18, s1  }
0xe: {  	s1 =	sshrl.u32 s1, $0x3;
	s5 =	sshrl.u32 s5, $0x3;
	s19 =	sadd.s32 $0x9C00, s3  }
0xf: {  	s3 =	sadd.s32 $0x13840, s3;
	s26 =	smax.u32 s7, $0x1;
	[dreg:$0x5] =	wrdreg s19  }
0x10: {  	s7 =	simm.s32 $0x5;
	s16 =	sadd.s32 s6, s5;
	[dreg:$0x6] =	wrdreg s3  }
0x11: {  	s5 =	sshrl.u32 s17, $0x2;
	s3 =	sshrl.u32 s22, $0x3;
	[dreg:$0xd] =	wrdreg s26  }
0x12: {  	s17 =	simm.s32 $0xE;
	s19 =	simm.s32 $0x10F00;
	s22 =	simm.s32 $0x4F00  }
0x13: {  	s26 =	simm.s32 $0xCF00;
	[dreg:$0x3] =	wrdreg s16;
	s8 =	sadd.s32 $0x9C40, s16  }
0x14: {  	s9 =	sadd.s32 s5, s2;
	s3 =	sadd.s32 s0, s3;
	[dreg:$0x4] =	wrdreg s8  }
0x15: {  	s0 =	sadd.s32 s0, s1;
	s1 =	sshrl.u32 s24, $0x3;
	[dreg:$0xb] =	wrdreg s3  }
0x16: {  	s6 =	simm.s32 $0x8;
	s20 =	sadd.s32 $0x2000, s9;
	[dreg:$0xe] =	wrdreg s1  }
0x17: {  	s21 =	sadd.s32 $0x4000, s9;
	s5 =	sadd.s32 $0x6000, s9;
	[dreg:$0x7] =	wrdreg s20  }
0x18: {  	s23 =	sadd.s32 $0x8000, s9;
	s0 =	sadd.s32 $0x13800, s0;
	[dreg:$0x8] =	wrdreg s21  }
.Ltmp0:
0x19: {  	s1 =	simm.s32 $0x8F00;
	[dreg:$0x9] =	wrdreg s5;
	(pc) =	sbr.rel .LBB2_1-.Ltmp0, $4  }
0x1a: {  	s3 =	simm.s32 $0xAF00;
	s8 =	simm.s32 $0x9;
	[dreg:$0xa] =	wrdreg s23  }
0x1b: {  	[dreg:$0xc] =	wrdreg s0;
	s0 =	sadd.s32 $0x9C000, s2;
	s20 =	simm.s32 $0x1  }
0x1c: {  	s21 =	simm.s32 $0x80;
	s23 =	simm.s32 $0x3;
	s0 =	sshrl.u32 @!p1 s0, $0x3  }
0x1d: {  	v0 =	vimm.f32 $0.0e+00;
	s5 =	simm.s32 $0x6;
	[dreg:$0xf] =	wrdreg s0;
	s0 =	simm.s32 $0xEF00  }
.LBB2_6:
0x1e: {  	_ =	swait.ge [sflag:s5], $0x2000  }
0x1f: {  	[sflag:s5] =	ssyncset.done $0x0  }
0x20: {  	[sflag:s5] =	ssyncadd.s32 $0xFFFFE000  }
0x21: {  	[spmem:s2] =	stream.indirect.scatter.add.f32 [tilespmem:s0], [sflag:$0xC], $0x40, s15, s21, $0xb8;
	[tilespmem:$0x1EB40] =	vst v63  }
0x22: {  	_ =	swait.ge [sflag:s31], $0x2000  }
0x23: {  	[sflag:s31] =	ssyncset.done $0x0  }
0x24: {  	[sflag:s31] =	ssyncadd.s32 $0xFFFFE000  }
0x25: {  	_ =	swait.ge [sflag:s6], $0x2000  }
0x26: {  	[sflag:s6] =	ssyncset.done $0x0  }
0x27: {  	[sflag:s6] =	ssyncadd.s32 $0xFFFFE000  }
0x28: {  	_ =	swait.ge [sflag:s8], $0x2000  }
0x29: {  	[sflag:s8] =	ssyncset.done $0x0  }
0x2a: {  	[sflag:s8] =	ssyncadd.s32 $0xFFFFE000  }
0x2b: {  	_ =	swait.ge [sflag:s10], $0x2000  }
0x2c: {  	[sflag:s10] =	ssyncset.done $0x0  }
0x2d: {  	[sflag:s10] =	ssyncadd.s32 $0xFFFFE000  }
0x2e: {  	_ =	swait.ge [sflag:s11], $0x2000  }
0x2f: {  	[sflag:s11] =	ssyncset.done $0x0  }
0x30: {  	[sflag:s11] =	ssyncadd.s32 $0xFFFFE000  }
0x31: {  	_ =	swait.ge [sflag:s12], $0x2000  }
0x32: {  	[sflag:s12] =	ssyncset.done $0x0  }
0x33: {  	s14 =	simm.s32 @!p0 $0xD;
	[sflag:s12] =	ssyncadd.s32 $0xFFFFE000  }
0x34: {  	_ =	swait.ge @!p0 [sflag:s14], $0x2000  }
0x35: {  	s16 =	simm.s32 @!p0 $0x12F00;
	[sflag:s14] =	ssyncset.done @!p0 $0x0  }
0x36: {  	s15 =	simm.s32 @!p0 $0x4E80;
	[sflag:s14] =	ssyncadd.s32 @!p0 $0xFFFFE000;
	s14 =	simm.s32 @!p0 $0x80  }
0x37: {  	[spmem:s2] =	stream.indirect.scatter.add.f32 @!p0 [tilespmem:s16], [sflag:$0xE], $0x40, s15, s14, $0xb8;
	[tilespmem:$0x1EB40] =	vst v63  }
0x38: {  	s14 =	simm.s32 @!p0 $0xE  }
0x39: {  	_ =	swait.ge @!p0 [sflag:s14], $0x2000  }
0x3a: {  	[sflag:s14] =	ssyncset.done @!p0 $0x0  }
0x3b: {  	[sflag:s14] =	ssyncadd.s32 @!p0 $0xFFFFE000  }
0x3c: {  	s16 =	stileid.u32;
	[bflag:$0x0] =	sbarrier.arrive $0xFFFF  }
0x3d: {  	s14 =	sshll.u32 s16, $0x6;
	s18 =	rddreg [dreg:$0xb]  }
0x3e: {  	s14 =	sor.u32 $0x1C0E, s14;
	s24 =	rddreg [dreg:$0xe]  }
0x3f: {  	[hbm:s18], [sflag:s14] =	dma.local [spmem:s24], $0x1380  }
0x40: {  	_ =	swait.ge [sflag:s17], $0x1380  }
0x41: {  	[sflag:s17] =	ssyncset.done $0x0;
	s15 =	rddreg [dreg:$0xc]  }
0x42: {  	s16 =	rddreg [dreg:$0xf];
	[sflag:s17] =	ssyncadd.s32 $0xFFFFEC80  }
0x43: {  	[hbm:s15], [sflag:s14] =	dma.local @!p1 [spmem:s16], $0x80  }
0x44: {  	s14 =	simm.s32 @!p1 $0xE  }
0x45: {  	_ =	swait.ge @!p1 [sflag:s14], $0x80  }
0x46: {  	s13 =	sadd.s32 $0x1, s13;
	s25 =	rddreg [dreg:$0xd]  }
0x47: {  	p2 =	sne.s32 s13, s25  }
.Ltmp1:
0x48: {  	_ = 	snop;
	(pc) =	sbr.rel @!p2 .LBB2_7-.Ltmp1, $3  }
0x49: {  	_ =	sdelay $0x1  }
0x4a: {  	[sflag:s14] =	ssyncset.done @!p1 $0x0  }
0x4b: {  	[sflag:s14] =	ssyncadd.s32 @!p1 $0xFFFFFF80;
	s25 =	simm.s32 $0x2700  }
.LBB2_1:
0x4c: {  	s14 =	simm.s32 $0x0;
	s15 =	rddreg [dreg:$0x3]  }
0x4d: {  	[tilespmem:s14], [sflag:$0xE] =	stream.linear.gather [hbm4b:s15+s14], $0x2700, $0x38;
	[tilespmem:$0x1EB40] =	vst v63  }
0x4e: {  	_ =	swait.ge [sflag:s17], $0x2700  }
0x4f: {  	[sflag:s17] =	ssyncset.done $0x0  }
0x50: {  	s24 =	rddreg [dreg:$0x4];
	[sflag:s17] =	ssyncadd.s32 $0xFFFFD900  }
0x51: {  	[tilespmem:s25], [sflag:$0xE] =	stream.linear.gather [hbm4b:s24+s14], $0x2700, $0x38;
	[tilespmem:$0x1EB40] =	vst v63  }
0x52: {  	_ =	swait.ge [sflag:s17], $0x2700  }
0x53: {  	s18 =	simm.s32 @p0 $0x4F00;
	[sflag:s17] =	ssyncset.done $0x0  }
0x54: {  	s15 =	simm.s32 @p0 $0x0;
	s14 =	simm.s32 @p0 $0x80;
	[sflag:s17] =	ssyncadd.s32 $0xFFFFD900  }
0x55: {  	[tilespmem:s18], [sflag:$0x1] =	stream.indirect.gather @p0 [hbm4b:s4+s14], $0x40, s15, s14, $0xb8;
	[tilespmem:$0x1EB40] =	vst v63  }
0x56: {  	s15 =	simm.s32 @p0 $0x6F00  }
0x57: {  	[tilespmem:s15], [sflag:$0x2] =	stream.indirect.gather @p0 [hbm4b:s4+s14], $0x40, s14, s14, $0xb8;
	[tilespmem:$0x1EB40] =	vst v63  }
0x58: {  	s18 =	simm.s32 @p0 $0x8F00;
	s15 =	simm.s32 @p0 $0x100  }
0x59: {  	[tilespmem:s18], [sflag:$0x3] =	stream.indirect.gather @p0 [hbm4b:s4+s14], $0x40, s15, s14, $0xb8;
	[tilespmem:$0x1EB40] =	vst v63  }
0x5a: {  	s16 =	rddreg [dreg:$0x5];
	s15 =	simm.s32 @p0 $0x180;
	s18 =	simm.s32 @p0 $0xAF00  }
0x5b: {  	[tilespmem:s18], [sflag:$0x4] =	stream.indirect.gather @p0 [hbm4b:s4+s14], $0x40, s15, s14, $0xb8;
	[tilespmem:$0x1EB40] =	vst v63  }
0x5c: {  	s14 =	simm.s32 @!p0 $0x0;
	s15 =	simm.s32 @!p0 $0x4E00;
	s18 =	simm.s32 @!p0 $0xE  }
0x5d: {  	[tilespmem:s15], [sflag:$0xE] =	stream.linear.gather @!p0 [hbm4b:s16+s14], $0x80, $0x38;
	[tilespmem:$0x1EB40] =	vst v63  }
0x5e: {  	_ =	swait.ge @!p0 [sflag:s18], $0x80  }
0x5f: {  	[sflag:s18] =	ssyncset.done @!p0 $0x0  }
0x60: {  	s16 =	simm.s32 @!p0 $0x4E80;
	s24 =	rddreg [dreg:$0x6];
	[sflag:s18] =	ssyncadd.s32 @!p0 $0xFFFFFF80  }
0x61: {  	[tilespmem:s16], [sflag:$0xE] =	stream.linear.gather @!p0 [hbm4b:s24+s14], $0x80, $0x38;
	[tilespmem:$0x1EB40] =	vst v63  }
0x62: {  	_ =	swait.ge @!p0 [sflag:s18], $0x80  }
0x63: {  	[sflag:s18] =	ssyncset.done @!p0 $0x0  }
0x64: {  	s16 =	simm.s32 @!p0 $0x80;
	[sflag:s18] =	ssyncadd.s32 @!p0 $0xFFFFFF80;
	s18 =	simm.s32 @!p0 $0x4F00  }
0x65: {  	[tilespmem:s18], [sflag:$0x1] =	stream.indirect.gather @!p0 [hbm4b:s4+s16], $0x40, s14, s16, $0xb8;
	[tilespmem:$0x1EB40] =	vst v63  }
0x66: {  	s14 =	simm.s32 @!p0 $0x6F00  }
0x67: {  	[tilespmem:s14], [sflag:$0x2] =	stream.indirect.gather @!p0 [hbm4b:s4+s16], $0x40, s16, s16, $0xb8;
	[tilespmem:$0x1EB40] =	vst v63  }
0x68: {  	s18 =	simm.s32 @!p0 $0x8F00;
	s14 =	simm.s32 @!p0 $0x100  }
0x69: {  	[tilespmem:s18], [sflag:$0x3] =	stream.indirect.gather @!p0 [hbm4b:s4+s16], $0x40, s14, s16, $0xb8;
	[tilespmem:$0x1EB40] =	vst v63  }
0x6a: {  	s14 =	simm.s32 @!p0 $0x180;
	s18 =	simm.s32 @!p0 $0xAF00  }
0x6b: {  	[tilespmem:s18], [sflag:$0x4] =	stream.indirect.gather @!p0 [hbm4b:s4+s16], $0x40, s14, s16, $0xb8;
	[tilespmem:$0x1EB40] =	vst v63  }
0x6c: {  	s14 =	simm.s32 @!p0 $0x12F00  }
0x6d: {  	[tilespmem:s14], [sflag:$0xD] =	stream.indirect.gather @!p0 [hbm4b:s4+s16], $0x40, s15, s16, $0xb8;
	[tilespmem:$0x1EB40] =	vst v63  }
0x6e: {  	s18 =	simm.s32 $0x100;
	s14 =	simm.s32 $0x0  }
.LBB2_2:
0x6f: {  	p2 =	sne.s32 s18, $0x7F00;
	[tilespmem:s14+$0x10F30] =	vst v0;
	s15 =	smov.u32 s18;
	s18 =	sadd.s32 $0x100, s18  }
.Ltmp2:
0x70: {  	[tilespmem:s14+$0x10F20] =	vst v0;
	(pc) =	sbr.rel @p2 .LBB2_2-.Ltmp2, $3  }
0x71: {  	[tilespmem:s14+$0x10F00] =	vst v0  }
0x72: {  	[tilespmem:s14+$0x10F10] =	vst v0;
	_ =	sdelay $0x1  }
0x73: {  	s14 =	sshra.s32 s15, $0x2  }
0x74: {  	[tilespmem:s14+$0x10F30] =	vst v0  }
0x75: {  	[tilespmem:s14+$0x10F20] =	vst v0  }
0x76: {  	[tilespmem:s14+$0x10F00] =	vst v0  }
0x77: {  	[tilespmem:s14+$0x10F10] =	vst v0  }
0x78: {  	[spmem:s9] =	stream.linear.scatter [tilespmem:s19], [sflag:$0xE], $0x2000, $0x38;
	[tilespmem:$0x1EB40] =	vst v63  }
0x79: {  	_ =	swait.ge [sflag:s17], $0x2000  }
0x7a: {  	[sflag:s17] =	ssyncset.done $0x0  }
0x7b: {  	s15 =	rddreg [dreg:$0x7];
	[sflag:s17] =	ssyncadd.s32 $0xFFFFE000  }
0x7c: {  	[spmem:s15] =	stream.linear.scatter [tilespmem:s19], [sflag:$0xE], $0x2000, $0x38;
	[tilespmem:$0x1EB40] =	vst v63  }
0x7d: {  	_ =	swait.ge [sflag:s17], $0x2000  }
0x7e: {  	[sflag:s17] =	ssyncset.done $0x0  }
0x7f: {  	s16 =	rddreg [dreg:$0x8];
	[sflag:s17] =	ssyncadd.s32 $0xFFFFE000  }
0x80: {  	[spmem:s16] =	stream.linear.scatter [tilespmem:s19], [sflag:$0xE], $0x2000, $0x38;
	[tilespmem:$0x1EB40] =	vst v63  }
0x81: {  	_ =	swait.ge [sflag:s17], $0x2000  }
0x82: {  	[sflag:s17] =	ssyncset.done $0x0  }
0x83: {  	s18 =	rddreg [dreg:$0x9];
	[sflag:s17] =	ssyncadd.s32 $0xFFFFE000  }
0x84: {  	[spmem:s18] =	stream.linear.scatter [tilespmem:s19], [sflag:$0xE], $0x2000, $0x38;
	[tilespmem:$0x1EB40] =	vst v63  }
0x85: {  	_ =	swait.ge [sflag:s17], $0x2000  }
0x86: {  	[sflag:s17] =	ssyncset.done $0x0  }
0x87: {  	s24 =	rddreg [dreg:$0xa];
	[sflag:s17] =	ssyncadd.s32 $0xFFFFE000  }
0x88: {  	[spmem:s24] =	stream.linear.scatter [tilespmem:s19], [sflag:$0xE], $0x1C40, $0x38;
	[tilespmem:$0x1EB40] =	vst v63  }
0x89: {  	_ =	swait.ge [sflag:s17], $0x1C40  }
0x8a: {  	[sflag:s17] =	ssyncset.done $0x0  }
0x8b: {  	[sflag:s17] =	ssyncadd.s32 $0xFFFFE3C0  }
0x8c: {  	[bflag:$0x0] =	sbarrier.arrive $0xFFFF  }
0x8d: {  	_ =	swait.ge [sflag:s20], $0x2000  }
0x8e: {  	[sflag:s20] =	ssyncset.done $0x0  }
0x8f: {  	[sflag:s20] =	ssyncadd.s32 $0xFFFFE000  }
0x90: {  	[spmem:s2] =	stream.indirect.scatter.add.f32 [tilespmem:s22], [sflag:$0x7], $0x40, s25, s21, $0xb8;
	[tilespmem:$0x1EB40] =	vst v63  }
0x91: {  	s25 =	simm.s32 $0x200  }
0x92: {  	[tilespmem:s26], [sflag:$0x5] =	stream.indirect.gather [hbm4b:s4+s21], $0x40, s25, s21, $0xb8;
	[tilespmem:$0x1EB40] =	vst v63  }
0x93: {  	_ =	swait.ge [sflag:s28], $0x2000  }
0x94: {  	[sflag:s28] =	ssyncset.done $0x0  }
0x95: {  	s15 =	simm.s32 $0x2780;
	[sflag:s28] =	ssyncadd.s32 $0xFFFFE000  }
0x96: {  	[spmem:s2] =	stream.indirect.scatter.add.f32 [tilespmem:s30], [sflag:$0x8], $0x40, s15, s21, $0xb8;
	[tilespmem:$0x1EB40] =	vst v63  }
0x97: {  	s16 =	simm.s32 $0x280  }
0x98: {  	[tilespmem:s0], [sflag:$0x6] =	stream.indirect.gather [hbm4b:s4+s21], $0x40, s16, s21, $0xb8;
	[tilespmem:$0x1EB40] =	vst v63  }
0x99: {  	_ =	swait.ge [sflag:s23], $0x2000  }
0x9a: {  	[sflag:s23] =	ssyncset.done $0x0  }
0x9b: {  	s18 =	simm.s32 $0x2800;
	[sflag:s23] =	ssyncadd.s32 $0xFFFFE000  }
0x9c: {  	[spmem:s2] =	stream.indirect.scatter.add.f32 [tilespmem:s1], [sflag:$0x9], $0x40, s18, s21, $0xb8;
	[tilespmem:$0x1EB40] =	vst v63  }
0x9d: {  	_ =	swait.ge [sflag:s31], $0x2000  }
0x9e: {  	[sflag:s31] =	ssyncset.done $0x0  }
0x9f: {  	s24 =	simm.s32 $0x300;
	[sflag:s31] =	ssyncadd.s32 $0xFFFFE000  }
0xa0: {  	[tilespmem:s22], [sflag:$0x1] =	stream.indirect.gather [hbm4b:s4+s21], $0x40, s24, s21, $0xb8;
	[tilespmem:$0x1EB40] =	vst v63  }
0xa1: {  	_ =	swait.ge [sflag:s29], $0x2000  }
0xa2: {  	[sflag:s29] =	ssyncset.done $0x0  }
0xa3: {  	s25 =	simm.s32 $0x2880;
	[sflag:s29] =	ssyncadd.s32 $0xFFFFE000  }
0xa4: {  	[spmem:s2] =	stream.indirect.scatter.add.f32 [tilespmem:s3], [sflag:$0xA], $0x40, s25, s21, $0xb8;
	[tilespmem:$0x1EB40] =	vst v63  }
0xa5: {  	_ =	swait.ge [sflag:s6], $0x2000  }
0xa6: {  	[sflag:s6] =	ssyncset.done $0x0  }
0xa7: {  	s15 =	simm.s32 $0x380;
	[sflag:s6] =	ssyncadd.s32 $0xFFFFE000  }
0xa8: {  	[tilespmem:s30], [sflag:$0x2] =	stream.indirect.gather [hbm4b:s4+s21], $0x40, s15, s21, $0xb8;
	[tilespmem:$0x1EB40] =	vst v63  }
0xa9: {  	_ =	swait.ge [sflag:s7], $0x2000  }
0xaa: {  	[sflag:s7] =	ssyncset.done $0x0  }
0xab: {  	s16 =	simm.s32 $0x2900;
	[sflag:s7] =	ssyncadd.s32 $0xFFFFE000  }
0xac: {  	[spmem:s2] =	stream.indirect.scatter.add.f32 [tilespmem:s26], [sflag:$0xB], $0x40, s16, s21, $0xb8;
	[tilespmem:$0x1EB40] =	vst v63  }
0xad: {  	_ =	swait.ge [sflag:s8], $0x2000  }
0xae: {  	[sflag:s8] =	ssyncset.done $0x0  }
0xaf: {  	s18 =	simm.s32 $0x400;
	[sflag:s8] =	ssyncadd.s32 $0xFFFFE000  }
0xb0: {  	[tilespmem:s1], [sflag:$0x3] =	stream.indirect.gather [hbm4b:s4+s21], $0x40, s18, s21, $0xb8;
	[tilespmem:$0x1EB40] =	vst v63  }
0xb1: {  	_ =	swait.ge [sflag:s5], $0x2000  }
0xb2: {  	[sflag:s5] =	ssyncset.done $0x0  }
0xb3: {  	s24 =	simm.s32 $0x2980;
	[sflag:s5] =	ssyncadd.s32 $0xFFFFE000  }
0xb4: {  	[spmem:s2] =	stream.indirect.scatter.add.f32 [tilespmem:s0], [sflag:$0xC], $0x40, s24, s21, $0xb8;
	[tilespmem:$0x1EB40] =	vst v63  }
0xb5: {  	_ =	swait.ge [sflag:s10], $0x2000  }
0xb6: {  	[sflag:s10] =	ssyncset.done $0x0  }
0xb7: {  	s14 =	simm.s32 $0x0;
	s25 =	simm.s32 $0x480;
	[sflag:s10] =	ssyncadd.s32 $0xFFFFE000  }
0xb8: {  	[tilespmem:s3], [sflag:$0x4] =	stream.indirect.gather [hbm4b:s4+s21], $0x40, s25, s21, $0xb8;
	[tilespmem:$0x1EB40] =	vst v63  }
.LBB2_4:
0xb9: {  	_ =	swait.ge [sflag:s20], $0x2000  }
0xba: {  	s18 =	sshra.s32 s14, $0x2;
	[sflag:s20] =	ssyncset.done $0x0  }
0xbb: {  	s15 =	sadd.s32 $0x2A00, s18;
	[sflag:s20] =	ssyncadd.s32 $0xFFFFE000  }
0xbc: {  	[spmem:s2] =	stream.indirect.scatter.add.f32 [tilespmem:s22], [sflag:$0x7], $0x40, s15, s21, $0xb8;
	[tilespmem:$0x1EB40] =	vst v63  }
0xbd: {  	_ =	swait.ge [sflag:s11], $0x2000  }
0xbe: {  	[sflag:s11] =	ssyncset.done $0x0  }
0xbf: {  	s24 =	sadd.s32 $0x500, s18;
	[sflag:s11] =	ssyncadd.s32 $0xFFFFE000  }
0xc0: {  	[tilespmem:s26], [sflag:$0x5] =	stream.indirect.gather [hbm4b:s4+s21], $0x40, s24, s21, $0xb8;
	[tilespmem:$0x1EB40] =	vst v63  }
0xc1: {  	_ =	swait.ge [sflag:s28], $0x2000  }
0xc2: {  	[sflag:s28] =	ssyncset.done $0x0  }
0xc3: {  	s25 =	sadd.s32 $0x2A80, s18;
	[sflag:s28] =	ssyncadd.s32 $0xFFFFE000  }
0xc4: {  	[spmem:s2] =	stream.indirect.scatter.add.f32 [tilespmem:s30], [sflag:$0x8], $0x40, s25, s21, $0xb8;
	[tilespmem:$0x1EB40] =	vst v63  }
0xc5: {  	_ =	swait.ge [sflag:s12], $0x2000  }
0xc6: {  	[sflag:s12] =	ssyncset.done $0x0  }
0xc7: {  	s16 =	sadd.s32 $0x580, s18;
	[sflag:s12] =	ssyncadd.s32 $0xFFFFE000  }
0xc8: {  	[tilespmem:s0], [sflag:$0x6] =	stream.indirect.gather [hbm4b:s4+s21], $0x40, s16, s21, $0xb8;
	[tilespmem:$0x1EB40] =	vst v63  }
0xc9: {  	_ =	swait.ge [sflag:s23], $0x2000  }
0xca: {  	p2 =	seq.s32 s14, $0x8400;
	[sflag:s23] =	ssyncset.done $0x0  }
0xcb: {  	s15 =	simm.s32 @p2 $0x4;
	s24 =	sadd.s32 $0x2B00, s18;
	[sflag:s23] =	ssyncadd.s32 $0xFFFFE000  }
0xcc: {  	[spmem:s2] =	stream.indirect.scatter.add.f32 [tilespmem:s1], [sflag:$0x9], $0x40, s24, s21, $0xb8;
	[tilespmem:$0x1EB40] =	vst v63  }
0xcd: {  	_ =	swait.ge @p2 [sflag:s15], $0x2000  }
0xce: {  	[sflag:s15] =	ssyncset.done @p2 $0x0  }
0xcf: {  	[sflag:s15] =	ssyncadd.s32 @p2 $0xFFFFE000;
	s15 =	sshra.s32 @p2 s14, $0x2  }
0xd0: {  	s16 =	simm.s32 @p2 $0x80;
	s24 =	simm.s32 @p2 $0xAF00;
	s15 =	sadd.s32 @p2 $0x2B80, s15  }
0xd1: {  	[spmem:s2] =	stream.indirect.scatter.add.f32 @p2 [tilespmem:s24], [sflag:$0xA], $0x40, s15, s16, $0xb8;
	[tilespmem:$0x1EB40] =	vst v63  }
0xd2: {  	s15 =	simm.s32 @!p2 $0x7  }
0xd3: {  	_ =	swait.ge @!p2 [sflag:s15], $0x2000  }
0xd4: {  	[sflag:s15] =	ssyncset.done @!p2 $0x0  }
0xd5: {  	[sflag:s15] =	ssyncadd.s32 @!p2 $0xFFFFE000;
	s15 =	sshra.s32 @!p2 s14, $0x2  }
0xd6: {  	s25 =	simm.s32 @!p2 $0x4F00;
	s24 =	simm.s32 @!p2 $0x80;
	s16 =	sadd.s32 @!p2 $0x600, s15  }
0xd7: {  	[tilespmem:s25], [sflag:$0x1] =	stream.indirect.gather @!p2 [hbm4b:s4+s24], $0x40, s16, s24, $0xb8;
	[tilespmem:$0x1EB40] =	vst v63  }
0xd8: {  	s16 =	simm.s32 @!p2 $0x4  }
0xd9: {  	_ =	swait.ge @!p2 [sflag:s16], $0x2000  }
0xda: {  	[sflag:s16] =	ssyncset.done @!p2 $0x0  }
0xdb: {  	s25 =	simm.s32 @!p2 $0xAF00;
	[sflag:s16] =	ssyncadd.s32 @!p2 $0xFFFFE000;
	s16 =	sadd.s32 @!p2 $0x2B80, s15  }
0xdc: {  	[spmem:s2] =	stream.indirect.scatter.add.f32 @!p2 [tilespmem:s25], [sflag:$0xA], $0x40, s16, s24, $0xb8;
	[tilespmem:$0x1EB40] =	vst v63  }
0xdd: {  	s16 =	simm.s32 @!p2 $0x8  }
0xde: {  	_ =	swait.ge @!p2 [sflag:s16], $0x2000  }
0xdf: {  	[sflag:s16] =	ssyncset.done @!p2 $0x0  }
0xe0: {  	s15 =	sadd.s32 @!p2 $0x680, s15;
	[sflag:s16] =	ssyncadd.s32 @!p2 $0xFFFFE000;
	s16 =	simm.s32 @!p2 $0x6F00  }
0xe1: {  	[tilespmem:s16], [sflag:$0x2] =	stream.indirect.gather @!p2 [hbm4b:s4+s24], $0x40, s15, s24, $0xb8;
	[tilespmem:$0x1EB40] =	vst v63  }
.Ltmp3:
0xe2: {  	_ = 	snop;
	(pc) =	sbr.rel @p2 .LBB2_6-.Ltmp3, $4  }
0xe3: {  	_ =	swait.ge [sflag:s7], $0x2000  }
0xe4: {  	[sflag:s7] =	ssyncset.done $0x0  }
0xe5: {  	s25 =	sadd.s32 $0x2C00, s18;
	s15 =	sadd.s32 $0x2C80, s18;
	[sflag:s7] =	ssyncadd.s32 $0xFFFFE000  }
0xe6: {  	[spmem:s2] =	stream.indirect.scatter.add.f32 [tilespmem:s26], [sflag:$0xB], $0x40, s25, s21, $0xb8;
	[tilespmem:$0x1EB40] =	vst v63  }
0xe7: {  	_ =	swait.ge [sflag:s8], $0x2000  }
0xe8: {  	[sflag:s8] =	ssyncset.done $0x0  }
0xe9: {  	s16 =	sadd.s32 $0x700, s18;
	[sflag:s8] =	ssyncadd.s32 $0xFFFFE000  }
0xea: {  	[tilespmem:s1], [sflag:$0x3] =	stream.indirect.gather [hbm4b:s4+s21], $0x40, s16, s21, $0xb8;
	[tilespmem:$0x1EB40] =	vst v63  }
0xeb: {  	_ =	swait.ge [sflag:s5], $0x2000  }
0xec: {  	[sflag:s5] =	ssyncset.done $0x0  }
0xed: {  	[sflag:s5] =	ssyncadd.s32 $0xFFFFE000  }
0xee: {  	[spmem:s2] =	stream.indirect.scatter.add.f32 [tilespmem:s0], [sflag:$0xC], $0x40, s15, s21, $0xb8;
	[tilespmem:$0x1EB40] =	vst v63  }
.Ltmp4:
0xef: {  	_ = 	snop;
	(pc) =	sbr.rel .LBB2_4-.Ltmp4, $4  }
0xf0: {  	_ =	swait.ge [sflag:s10], $0x2000  }
0xf1: {  	[sflag:s10] =	ssyncset.done $0x0  }
0xf2: {  	s25 =	sadd.s32 $0x780, s18;
	s14 =	sadd.s32 $0xC00, s14;
	[sflag:s10] =	ssyncadd.s32 $0xFFFFE000  }
0xf3: {  	[tilespmem:s3], [sflag:$0x4] =	stream.indirect.gather [hbm4b:s4+s21], $0x40, s25, s21, $0xb8;
	[tilespmem:$0x1EB40] =	vst v63  }
.LBB2_7:
0xf4: {  	_ =	sfence.sel $0x180000  }
0xf5: {  	[bflag:$0x0] =	sbarrier.arrive $0xFFFF  }
0xf6: {  	_ =	strace $0x90000047  }
0xf7: {  	s0 =	stileid.u32;
	[bflag:$0x2] =	sbarrier.arrive $0xFFFF  }
0xf8: {  	p0 =	sne.s32 s0, $0x0;
	s0 =	rddreg [dreg:$0x2]  }
0xf9: {  	s0 =	sadd.s32 @!p0 $0x100000, s0  }
0xfa: {  	[sflag:s0] =	ssyncadd.tile.s32 @!p0 $0x1;
	_ =	shalt  }
.Lfunc_end2:
_tile_overlayer_lowered:
.L_overlay_start_2:
0xfb: {  	(tag) =	ssettag $0x2  }
0xfc: {  	s0 =	rddreg [dreg:$0x0];
	s2 =	stileid.u32  }
0xfd: {  	s1 =	rddreg [dreg:$0x1];
	p0 =	sne.s32 s2, $0x0  }
0xfe: {  	s3 =	rddreg [dreg:$0x2];
	[bflag:$0x3] =	sbarrier.arrive $0xFFFF;
	s2 =	simm.s32 @!p0 $0x1C0E  }
0xff: {  	[timem:s3], [sflag:s2] =	dma.local @!p0 [hbm:s0], s1  }
0x100: {  	s0 =	simm.s32 @!p0 $0xE  }
0x101: {  	_ =	swait.ge @!p0 [sflag:s0], s1  }
0x102: {  	s1 =	ssub.s32 @!p0 $0x0, s1;
	[sflag:s0] =	ssyncset.done @!p0 $0x0  }
0x103: {  	[sflag:s0] =	ssyncadd.s32 @!p0 s1  }
0x104: {  	[bflag:$0x3] =	sbarrier.arrive $0xFFFF  }
0x105: {  	_ =	shalt  }

</sc_bundles>
